<compile_context>
chip_gen: v7x
topology: tpu7x:2x2x1
jax: 0.10.2.dev20260603
libtpu: 0.0.44.dev20260713+nightly
codegen_flags: <defaults>
</compile_context>

<pallas_src>
import functools

import jax
import jax.numpy as jnp
from jax import lax
from jax.experimental import pallas as pl
from jax.experimental.pallas import tpu as pltpu
from jax.experimental.pallas import tpu_sc as plsc

EVENT_DIM = 32
WORD_DIM = 64

NC = 2
NS = 16
NW = NC * NS

BLK = 128
NBUF = 8
LOOKAHEAD = 6


def _table_loop(tab_hbm, idx_v, rows_v, out_hbm, base, num_blocks, gsem, wsem):
    for g in range(LOOKAHEAD):
        pltpu.async_copy(
            tab_hbm.at[idx_v.at[pl.ds(g * BLK, BLK)]], rows_v.at[g], gsem.at[g]
        )

    def one_iter(g, j, do_drain, do_fire):
        pltpu.make_async_copy(
            tab_hbm.at[idx_v.at[pl.ds(g * BLK, BLK)]], rows_v.at[j], gsem.at[j]
        ).wait()
        pltpu.async_copy(
            rows_v.at[j], out_hbm.at[pl.ds(base + g * BLK, BLK)], wsem.at[j]
        )
        gf = g + LOOKAHEAD
        bf = (j + LOOKAHEAD) % NBUF
        if do_drain:
            pltpu.make_async_copy(
                rows_v.at[bf],
                out_hbm.at[pl.ds(base + (gf - NBUF) * BLK, BLK)],
                wsem.at[bf],
            ).wait()
        if do_fire:
            pltpu.async_copy(
                tab_hbm.at[idx_v.at[pl.ds(gf * BLK, BLK)]], rows_v.at[bf],
                gsem.at[bf],
            )

    num_steps = num_blocks // NBUF
    for j in range(NBUF):
        g = j
        one_iter(g, j, do_drain=g + LOOKAHEAD >= NBUF, do_fire=True)

    def step(s, _):
        for j in range(NBUF):
            one_iter(s * NBUF + j, j, do_drain=True, do_fire=True)
        return _
    lax.fori_loop(1, num_steps - 1, step, None)

    for j in range(NBUF):
        g = (num_steps - 1) * NBUF + j
        gf = g + LOOKAHEAD
        one_iter(g, j, do_drain=gf < num_blocks, do_fire=gf < num_blocks)
    for j in range(NBUF):
        g_last = num_blocks - NBUF + j
        pltpu.make_async_copy(
            rows_v.at[j], out_hbm.at[pl.ds(base + g_last * BLK, BLK)], wsem.at[j]
        ).wait()


def _emb_kernel(total, k_per_w, dim):
    mesh = plsc.VectorSubcoreMesh(core_axis_name="c", subcore_axis_name="s")

    @functools.partial(
        pl.kernel,
        out_type=jax.ShapeDtypeStruct((total, dim), jnp.float32),
        mesh=mesh,
        compiler_params=pltpu.CompilerParams(use_tc_tiling_on_sc=False),
        scratch_types=[
            pltpu.VMEM((k_per_w * BLK,), jnp.int32),
            pltpu.VMEM((NBUF, BLK, dim), jnp.float32),
            pltpu.SemaphoreType.DMA((NBUF,)),
            pltpu.SemaphoreType.DMA((NBUF,)),
        ],
    )
    def k(idx_hbm, tab, out, idx_v, rows, gsem, wsem):
        wid = lax.axis_index("s") * NC + lax.axis_index("c")
        base = wid * (k_per_w * BLK)
        pltpu.sync_copy(idx_hbm.at[pl.ds(base, k_per_w * BLK)], idx_v)
        _table_loop(tab, idx_v, rows, out, base, k_per_w, gsem, wsem)

    return k


def kernel(event_ids, word_ids, event_table, word_table):
    batch, hist = event_ids.shape
    total = batch * hist
    k_per_w = total // (NW * BLK)
    ev_idx = event_ids.T.reshape(total).astype(jnp.int32)
    wd_idx = word_ids.T.reshape(total).astype(jnp.int32)
    ev_out = _emb_kernel(total, k_per_w, EVENT_DIM)(ev_idx, event_table)
    wd_out = _emb_kernel(total, k_per_w, WORD_DIM)(wd_idx, word_table)
    return (
        jnp.swapaxes(ev_out.reshape(hist, batch, EVENT_DIM), 0, 1),
        jnp.swapaxes(wd_out.reshape(hist, batch, WORD_DIM), 0, 1),
    )

# --- scband reference (transcript-rebuilt; emitter-appended) ---
"""Pipeline reference for scband-arg-compatible-model-5884105196253 (READ-ONLY COPY).

The authoritative reference and input builder live on the scoring server;
editing this copy changes nothing except your own understanding.
"""

import jax, jax.numpy as jnp
import numpy as np

EVENT_VOCAB = 100000
EVENT_DIM = 32
WORD_VOCAB = 1000000
WORD_DIM = 64
BATCH = 16384
HIST = 50


def setup_inputs(seed: int = 0) -> dict:
    key = jax.random.key(seed)
    k1, k2, k3, k4 = jax.random.split(key, 4)
    # Embedding tables with an extra padding row at index == vocab_size (zeroed, matching padding_idx).
    event_table = jax.random.normal(k1, (EVENT_VOCAB + 1, EVENT_DIM), dtype=jnp.float32) * 0.02
    event_table = event_table.at[EVENT_VOCAB].set(0.0)
    word_table = jax.random.normal(k2, (WORD_VOCAB + 1, WORD_DIM), dtype=jnp.float32) * 0.02
    word_table = word_table.at[WORD_VOCAB].set(0.0)
    event_ids = jax.random.randint(k3, (BATCH, HIST), 0, EVENT_VOCAB, dtype=jnp.int64 if jax.config.jax_enable_x64 else jnp.int32)
    word_ids = jax.random.randint(k4, (BATCH, HIST), 0, WORD_VOCAB, dtype=jnp.int64 if jax.config.jax_enable_x64 else jnp.int32)
    return {
        "event_ids": event_ids,
        "word_ids": word_ids,
        "event_table": event_table,
        "word_table": word_table,
    }


def reference(event_ids, word_ids, event_table, word_table):
    # Faithful translation: two independent embedding lookups (nn.Embedding forward).
    event_emb = jnp.take(event_table, event_ids, axis=0)
    word_emb = jnp.take(word_table, word_ids, axis=0)
    return (event_emb, word_emb)

if __name__ == "__main__":
    import jax
    _d = setup_inputs()
    print(jax.jit(kernel)(*tuple(_d.values())))

</pallas_src>

<mosaic_0001>
#map = affine_map<(d0, d1) -> (0)>
#map1 = affine_map<(d0, d1) -> (0, 0)>
module attributes {stable_mosaic.version = 14 : i64} {
  func.func @k(%arg0: i32, %arg1: i32, %arg2: memref<819200xi32, #tpu.memory_space<hbm>>, %arg3: memref<1000001x64xf32, #tpu.memory_space<hbm>>, %arg4: memref<819200x64xf32, #tpu.memory_space<hbm>>, %arg5: memref<25600xi32, #tpu.memory_space<vmem>>, %arg6: memref<8x128x64xf32, #tpu.memory_space<vmem>>, %arg7: memref<8x!tpu.dma_semaphore, #tpu.memory_space<semaphore_mem>>, %arg8: memref<8x!tpu.dma_semaphore, #tpu.memory_space<semaphore_mem>>) attributes {dimension_semantics = [#tpu.dimension_semantics<core_parallel>, #tpu.dimension_semantics<subcore_parallel>], iteration_bounds = array<i64: 2, 16>, scalar_prefetch = 0 : i64, scratch_operands = 4 : i64, tpu.core_type = #tpu.core_type<sc_vector_subcore>, window_params = [{transform_indices = #map}, {transform_indices = #map1}, {transform_indices = #map1}]} {
    %mul3A = arith.constant 2 : i32
    %mul3A_0 = arith.muli %arg1, %mul3A : i32
    %add3A = arith.addi %mul3A_0, %arg0 : i32
    %mul3A_1 = arith.constant 25600 : i32
    %mul3A_2 = arith.muli %add3A, %mul3A_1 : i32
    "tpu.region"() ({
      %run_scoped3A = tpu.sem_alloc : memref<!tpu.dma_semaphore, #tpu.memory_space<semaphore_mem>>
      %dma_start3A_997 = tpu.memref_slice %arg2[%mul3A_2] : memref<819200xi32, #tpu.memory_space<hbm>> -> memref<25600xi32, #tpu.memory_space<hbm>>
      %dma_start3A_998 = tpu.memref_slice %arg2[%mul3A_2] : memref<819200xi32, #tpu.memory_space<hbm>> -> memref<25600xi32, #tpu.memory_space<hbm>>
      tpu.enqueue_dma source(%dma_start3A_998 : memref<25600xi32, #tpu.memory_space<hbm>>) target(%arg5 : memref<25600xi32, #tpu.memory_space<vmem>>) target_semaphore(%run_scoped3A : memref<!tpu.dma_semaphore, #tpu.memory_space<semaphore_mem>>)
      %dma_wait3A_999 = tpu.memref_slice %arg2[%mul3A_2] : memref<819200xi32, #tpu.memory_space<hbm>> -> memref<25600xi32, #tpu.memory_space<hbm>>
      %dma_wait3A_1000 = tpu.memref_slice %arg2[%mul3A_2] : memref<819200xi32, #tpu.memory_space<hbm>> -> memref<25600xi32, #tpu.memory_space<hbm>>
      tpu.wait_dma2 semaphore(%run_scoped3A : memref<!tpu.dma_semaphore, #tpu.memory_space<semaphore_mem>>) src(%dma_wait3A_1000 : memref<25600xi32, #tpu.memory_space<hbm>>) dst(%arg5 : memref<25600xi32, #tpu.memory_space<vmem>>)
      tpu.yield
    }) : () -> ()
    %dma_start3A = arith.constant 0 : i32
    %dma_start3A_3 = arith.constant 0 : i32
    %dma_start3A_4 = arith.constant 0 : i32
    %dma_start3A_5 = arith.constant 0 : i32
    %dma_start3A_6 = tpu.memref_slice %arg6[%dma_start3A, %dma_start3A_4, %dma_start3A_5] : memref<8x128x64xf32, #tpu.memory_space<vmem>> -> memref<1x128x64xf32, #tpu.memory_space<vmem>>
    %dma_start3A_7 = tpu.memref_squeeze %dma_start3A_6 : memref<1x128x64xf32, #tpu.memory_space<vmem>> -> memref<128x64xf32, #tpu.memory_space<vmem>>
    %dma_start3A_8 = arith.constant 0 : i32
    %dma_start3A_9 = tpu.memref_slice %arg5[%dma_start3A_8] : memref<25600xi32, #tpu.memory_space<vmem>> -> memref<128xi32, #tpu.memory_space<vmem>>
    %dma_start3A_10 = arith.constant 0 : i32
    %dma_start3A_11 = arith.constant 0 : i32
    %dma_start3A_12 = tpu.memref_slice %arg3[%dma_start3A_10, %dma_start3A_11] : memref<1000001x64xf32, #tpu.memory_space<hbm>> -> memref<1000001x64xf32, #tpu.memory_space<hbm>>
    %dma_start3A_13 = tpu.memref_slice %arg7[%dma_start3A_3] : memref<8x!tpu.dma_semaphore, #tpu.memory_space<semaphore_mem>> -> memref<1x!tpu.dma_semaphore, #tpu.memory_space<semaphore_mem>>
    %dma_start3A_14 = tpu.memref_squeeze %dma_start3A_13 : memref<1x!tpu.dma_semaphore, #tpu.memory_space<semaphore_mem>> -> memref<!tpu.dma_semaphore, #tpu.memory_space<semaphore_mem>>
    tpu.enqueue_indirect_dma source(%dma_start3A_12 : memref<1000001x64xf32, #tpu.memory_space<hbm>>) target(%dma_start3A_7 : memref<128x64xf32, #tpu.memory_space<vmem>>) offsets(%dma_start3A_9 : memref<128xi32, #tpu.memory_space<vmem>>) semaphore(%dma_start3A_14 : memref<!tpu.dma_semaphore, #tpu.memory_space<semaphore_mem>>)
    %dma_start3A_15 = arith.constant 1 : i32
    %dma_start3A_16 = arith.constant 1 : i32
    %dma_start3A_17 = arith.constant 0 : i32
    %dma_start3A_18 = arith.constant 0 : i32
    %dma_start3A_19 = tpu.memref_slice %arg6[%dma_start3A_15, %dma_start3A_17, %dma_start3A_18] : memref<8x128x64xf32, #tpu.memory_space<vmem>> -> memref<1x128x64xf32, #tpu.memory_space<vmem>>
    %dma_start3A_20 = tpu.memref_squeeze %dma_start3A_19 : memref<1x128x64xf32, #tpu.memory_space<vmem>> -> memref<128x64xf32, #tpu.memory_space<vmem>>
    %dma_start3A_21 = arith.constant 128 : i32
    %dma_start3A_22 = tpu.memref_slice %arg5[%dma_start3A_21] : memref<25600xi32, #tpu.memory_space<vmem>> -> memref<128xi32, #tpu.memory_space<vmem>>
    %dma_start3A_23 = arith.constant 0 : i32
    %dma_start3A_24 = arith.constant 0 : i32
    %dma_start3A_25 = tpu.memref_slice %arg3[%dma_start3A_23, %dma_start3A_24] : memref<1000001x64xf32, #tpu.memory_space<hbm>> -> memref<1000001x64xf32, #tpu.memory_space<hbm>>
    %dma_start3A_26 = tpu.memref_slice %arg7[%dma_start3A_16] : memref<8x!tpu.dma_semaphore, #tpu.memory_space<semaphore_mem>> -> memref<1x!tpu.dma_semaphore, #tpu.memory_space<semaphore_mem>>
    %dma_start3A_27 = tpu.memref_squeeze %dma_start3A_26 : memref<1x!tpu.dma_semaphore, #tpu.memory_space<semaphore_mem>> -> memref<!tpu.dma_semaphore, #tpu.memory_space<semaphore_mem>>
    tpu.enqueue_indirect_dma source(%dma_start3A_25 : memref<1000001x64xf32, #tpu.memory_space<hbm>>) target(%dma_start3A_20 : memref<128x64xf32, #tpu.memory_space<vmem>>) offsets(%dma_start3A_22 : memref<128xi32, #tpu.memory_space<vmem>>) semaphore(%dma_start3A_27 : memref<!tpu.dma_semaphore, #tpu.memory_space<semaphore_mem>>)
    %dma_start3A_28 = arith.constant 2 : i32
    %dma_start3A_29 = arith.constant 2 : i32
    %dma_start3A_30 = arith.constant 0 : i32
    %dma_start3A_31 = arith.constant 0 : i32
    %dma_start3A_32 = tpu.memref_slice %arg6[%dma_start3A_28, %dma_start3A_30, %dma_start3A_31] : memref<8x128x64xf32, #tpu.memory_space<vmem>> -> memref<1x128x64xf32, #tpu.memory_space<vmem>>
    %dma_start3A_33 = tpu.memref_squeeze %dma_start3A_32 : memref<1x128x64xf32, #tpu.memory_space<vmem>> -> memref<128x64xf32, #tpu.memory_space<vmem>>
    %dma_start3A_34 = arith.constant 256 : i32
    %dma_start3A_35 = tpu.memref_slice %arg5[%dma_start3A_34] : memref<25600xi32, #tpu.memory_space<vmem>> -> memref<128xi32, #tpu.memory_space<vmem>>
    %dma_start3A_36 = arith.constant 0 : i32
    %dma_start3A_37 = arith.constant 0 : i32
    %dma_start3A_38 = tpu.memref_slice %arg3[%dma_start3A_36, %dma_start3A_37] : memref<1000001x64xf32, #tpu.memory_space<hbm>> -> memref<1000001x64xf32, #tpu.memory_space<hbm>>
    %dma_start3A_39 = tpu.memref_slice %arg7[%dma_start3A_29] : memref<8x!tpu.dma_semaphore, #tpu.memory_space<semaphore_mem>> -> memref<1x!tpu.dma_semaphore, #tpu.memory_space<semaphore_mem>>
    %dma_start3A_40 = tpu.memref_squeeze %dma_start3A_39 : memref<1x!tpu.dma_semaphore, #tpu.memory_space<semaphore_mem>> -> memref<!tpu.dma_semaphore, #tpu.memory_space<semaphore_mem>>
    tpu.enqueue_indirect_dma source(%dma_start3A_38 : memref<1000001x64xf32, #tpu.memory_space<hbm>>) target(%dma_start3A_33 : memref<128x64xf32, #tpu.memory_space<vmem>>) offsets(%dma_start3A_35 : memref<128xi32, #tpu.memory_space<vmem>>) semaphore(%dma_start3A_40 : memref<!tpu.dma_semaphore, #tpu.memory_space<semaphore_mem>>)
    %dma_start3A_41 = arith.constant 3 : i32
    %dma_start3A_42 = arith.constant 3 : i32
    %dma_start3A_43 = arith.constant 0 : i32
    %dma_start3A_44 = arith.constant 0 : i32
    %dma_start3A_45 = tpu.memref_slice %arg6[%dma_start3A_41, %dma_start3A_43, %dma_start3A_44] : memref<8x128x64xf32, #tpu.memory_space<vmem>> -> memref<1x128x64xf32, #tpu.memory_space<vmem>>
    %dma_start3A_46 = tpu.memref_squeeze %dma_start3A_45 : memref<1x128x64xf32, #tpu.memory_space<vmem>> -> memref<128x64xf32, #tpu.memory_space<vmem>>
    %dma_start3A_47 = arith.constant 384 : i32
    %dma_start3A_48 = tpu.memref_slice %arg5[%dma_start3A_47] : memref<25600xi32, #tpu.memory_space<vmem>> -> memref<128xi32, #tpu.memory_space<vmem>>
    %dma_start3A_49 = arith.constant 0 : i32
    %dma_start3A_50 = arith.constant 0 : i32
    %dma_start3A_51 = tpu.memref_slice %arg3[%dma_start3A_49, %dma_start3A_50] : memref<1000001x64xf32, #tpu.memory_space<hbm>> -> memref<1000001x64xf32, #tpu.memory_space<hbm>>
    %dma_start3A_52 = tpu.memref_slice %arg7[%dma_start3A_42] : memref<8x!tpu.dma_semaphore, #tpu.memory_space<semaphore_mem>> -> memref<1x!tpu.dma_semaphore, #tpu.memory_space<semaphore_mem>>
    %dma_start3A_53 = tpu.memref_squeeze %dma_start3A_52 : memref<1x!tpu.dma_semaphore, #tpu.memory_space<semaphore_mem>> -> memref<!tpu.dma_semaphore, #tpu.memory_space<semaphore_mem>>
    tpu.enqueue_indirect_dma source(%dma_start3A_51 : memref<1000001x64xf32, #tpu.memory_space<hbm>>) target(%dma_start3A_46 : memref<128x64xf32, #tpu.memory_space<vmem>>) offsets(%dma_start3A_48 : memref<128xi32, #tpu.memory_space<vmem>>) semaphore(%dma_start3A_53 : memref<!tpu.dma_semaphore, #tpu.memory_space<semaphore_mem>>)
    %dma_start3A_54 = arith.constant 4 : i32
    %dma_start3A_55 = arith.constant 4 : i32
    %dma_start3A_56 = arith.constant 0 : i32
    %dma_start3A_57 = arith.constant 0 : i32
    %dma_start3A_58 = tpu.memref_slice %arg6[%dma_start3A_54, %dma_start3A_56, %dma_start3A_57] : memref<8x128x64xf32, #tpu.memory_space<vmem>> -> memref<1x128x64xf32, #tpu.memory_space<vmem>>
    %dma_start3A_59 = tpu.memref_squeeze %dma_start3A_58 : memref<1x128x64xf32, #tpu.memory_space<vmem>> -> memref<128x64xf32, #tpu.memory_space<vmem>>
    %dma_start3A_60 = arith.constant 512 : i32
    %dma_start3A_61 = tpu.memref_slice %arg5[%dma_start3A_60] : memref<25600xi32, #tpu.memory_space<vmem>> -> memref<128xi32, #tpu.memory_space<vmem>>
    %dma_start3A_62 = arith.constant 0 : i32
    %dma_start3A_63 = arith.constant 0 : i32
    %dma_start3A_64 = tpu.memref_slice %arg3[%dma_start3A_62, %dma_start3A_63] : memref<1000001x64xf32, #tpu.memory_space<hbm>> -> memref<1000001x64xf32, #tpu.memory_space<hbm>>
    %dma_start3A_65 = tpu.memref_slice %arg7[%dma_start3A_55] : memref<8x!tpu.dma_semaphore, #tpu.memory_space<semaphore_mem>> -> memref<1x!tpu.dma_semaphore, #tpu.memory_space<semaphore_mem>>
    %dma_start3A_66 = tpu.memref_squeeze %dma_start3A_65 : memref<1x!tpu.dma_semaphore, #tpu.memory_space<semaphore_mem>> -> memref<!tpu.dma_semaphore, #tpu.memory_space<semaphore_mem>>
    tpu.enqueue_indirect_dma source(%dma_start3A_64 : memref<1000001x64xf32, #tpu.memory_space<hbm>>) target(%dma_start3A_59 : memref<128x64xf32, #tpu.memory_space<vmem>>) offsets(%dma_start3A_61 : memref<128xi32, #tpu.memory_space<vmem>>) semaphore(%dma_start3A_66 : memref<!tpu.dma_semaphore, #tpu.memory_space<semaphore_mem>>)
    %dma_start3A_67 = arith.constant 5 : i32
    %dma_start3A_68 = arith.constant 5 : i32
    %dma_start3A_69 = arith.constant 0 : i32
    %dma_start3A_70 = arith.constant 0 : i32
    %dma_start3A_71 = tpu.memref_slice %arg6[%dma_start3A_67, %dma_start3A_69, %dma_start3A_70] : memref<8x128x64xf32, #tpu.memory_space<vmem>> -> memref<1x128x64xf32, #tpu.memory_space<vmem>>
    %dma_start3A_72 = tpu.memref_squeeze %dma_start3A_71 : memref<1x128x64xf32, #tpu.memory_space<vmem>> -> memref<128x64xf32, #tpu.memory_space<vmem>>
    %dma_start3A_73 = arith.constant 640 : i32
    %dma_start3A_74 = tpu.memref_slice %arg5[%dma_start3A_73] : memref<25600xi32, #tpu.memory_space<vmem>> -> memref<128xi32, #tpu.memory_space<vmem>>
    %dma_start3A_75 = arith.constant 0 : i32
    %dma_start3A_76 = arith.constant 0 : i32
    %dma_start3A_77 = tpu.memref_slice %arg3[%dma_start3A_75, %dma_start3A_76] : memref<1000001x64xf32, #tpu.memory_space<hbm>> -> memref<1000001x64xf32, #tpu.memory_space<hbm>>
    %dma_start3A_78 = tpu.memref_slice %arg7[%dma_start3A_68] : memref<8x!tpu.dma_semaphore, #tpu.memory_space<semaphore_mem>> -> memref<1x!tpu.dma_semaphore, #tpu.memory_space<semaphore_mem>>
    %dma_start3A_79 = tpu.memref_squeeze %dma_start3A_78 : memref<1x!tpu.dma_semaphore, #tpu.memory_space<semaphore_mem>> -> memref<!tpu.dma_semaphore, #tpu.memory_space<semaphore_mem>>
    tpu.enqueue_indirect_dma source(%dma_start3A_77 : memref<1000001x64xf32, #tpu.memory_space<hbm>>) target(%dma_start3A_72 : memref<128x64xf32, #tpu.memory_space<vmem>>) offsets(%dma_start3A_74 : memref<128xi32, #tpu.memory_space<vmem>>) semaphore(%dma_start3A_79 : memref<!tpu.dma_semaphore, #tpu.memory_space<semaphore_mem>>)
    %dma_wait3A = arith.constant 0 : i32
    %dma_wait3A_80 = arith.constant 0 : i32
    %dma_wait3A_81 = arith.constant 0 : i32
    %dma_wait3A_82 = arith.constant 0 : i32
    %dma_wait3A_83 = tpu.memref_slice %arg6[%dma_wait3A, %dma_wait3A_81, %dma_wait3A_82] : memref<8x128x64xf32, #tpu.memory_space<vmem>> -> memref<1x128x64xf32, #tpu.memory_space<vmem>>
    %dma_wait3A_84 = tpu.memref_squeeze %dma_wait3A_83 : memref<1x128x64xf32, #tpu.memory_space<vmem>> -> memref<128x64xf32, #tpu.memory_space<vmem>>
    %dma_wait3A_85 = arith.constant 0 : i32
    %dma_wait3A_86 = tpu.memref_slice %arg5[%dma_wait3A_85] : memref<25600xi32, #tpu.memory_space<vmem>> -> memref<128xi32, #tpu.memory_space<vmem>>
    %dma_wait3A_87 = arith.constant 0 : i32
    %dma_wait3A_88 = arith.constant 0 : i32
    %dma_wait3A_89 = tpu.memref_slice %arg3[%dma_wait3A_87, %dma_wait3A_88] : memref<1000001x64xf32, #tpu.memory_space<hbm>> -> memref<1000001x64xf32, #tpu.memory_space<hbm>>
    %dma_wait3A_90 = tpu.memref_slice %arg7[%dma_wait3A_80] : memref<8x!tpu.dma_semaphore, #tpu.memory_space<semaphore_mem>> -> memref<1x!tpu.dma_semaphore, #tpu.memory_space<semaphore_mem>>
    %dma_wait3A_91 = tpu.memref_squeeze %dma_wait3A_90 : memref<1x!tpu.dma_semaphore, #tpu.memory_space<semaphore_mem>> -> memref<!tpu.dma_semaphore, #tpu.memory_space<semaphore_mem>>
    tpu.wait_indirect_dma semaphore(%dma_wait3A_91 : memref<!tpu.dma_semaphore, #tpu.memory_space<semaphore_mem>>) src(%dma_wait3A_89 : memref<1000001x64xf32, #tpu.memory_space<hbm>>) dst(%dma_wait3A_84 : memref<128x64xf32, #tpu.memory_space<vmem>>)
    %add3A_92 = arith.constant 0 : i32
    %add3A_93 = arith.addi %mul3A_2, %add3A_92 : i32
    %dma_start3A_94 = arith.constant 0 : i32
    %dma_start3A_95 = arith.constant 0 : i32
    %dma_start3A_96 = arith.constant 0 : i32
    %dma_start3A_97 = arith.constant 0 : i32
    %dma_start3A_98 = tpu.memref_slice %arg6[%dma_start3A_94, %dma_start3A_96, %dma_start3A_97] : memref<8x128x64xf32, #tpu.memory_space<vmem>> -> memref<1x128x64xf32, #tpu.memory_space<vmem>>
    %dma_start3A_99 = tpu.memref_squeeze %dma_start3A_98 : memref<1x128x64xf32, #tpu.memory_space<vmem>> -> memref<128x64xf32, #tpu.memory_space<vmem>>
    %dma_start3A_100 = arith.constant 0 : i32
    %dma_start3A_101 = tpu.memref_slice %arg4[%add3A_93, %dma_start3A_100] : memref<819200x64xf32, #tpu.memory_space<hbm>> -> memref<128x64xf32, #tpu.memory_space<hbm>>
    %dma_start3A_102 = tpu.memref_slice %arg8[%dma_start3A_95] : memref<8x!tpu.dma_semaphore, #tpu.memory_space<semaphore_mem>> -> memref<1x!tpu.dma_semaphore, #tpu.memory_space<semaphore_mem>>
    %dma_start3A_103 = tpu.memref_squeeze %dma_start3A_102 : memref<1x!tpu.dma_semaphore, #tpu.memory_space<semaphore_mem>> -> memref<!tpu.dma_semaphore, #tpu.memory_space<semaphore_mem>>
    %dma_start3A_104 = arith.constant 0 : i32
    %dma_start3A_105 = tpu.memref_slice %arg4[%add3A_93, %dma_start3A_104] : memref<819200x64xf32, #tpu.memory_space<hbm>> -> memref<128x64xf32, #tpu.memory_space<hbm>>
    %dma_start3A_106 = arith.constant 0 : i32
    %dma_start3A_107 = arith.constant 0 : i32
    %dma_start3A_108 = tpu.memref_slice %arg6[%dma_start3A_94, %dma_start3A_106, %dma_start3A_107] : memref<8x128x64xf32, #tpu.memory_space<vmem>> -> memref<1x128x64xf32, #tpu.memory_space<vmem>>
    %dma_start3A_109 = tpu.memref_squeeze %dma_start3A_108 : memref<1x128x64xf32, #tpu.memory_space<vmem>> -> memref<128x64xf32, #tpu.memory_space<vmem>>
    tpu.enqueue_dma source(%dma_start3A_109 : memref<128x64xf32, #tpu.memory_space<vmem>>) target(%dma_start3A_105 : memref<128x64xf32, #tpu.memory_space<hbm>>) target_semaphore(%dma_start3A_103 : memref<!tpu.dma_semaphore, #tpu.memory_space<semaphore_mem>>)
    %dma_start3A_110 = arith.constant 6 : i32
    %dma_start3A_111 = arith.constant 6 : i32
    %dma_start3A_112 = arith.constant 0 : i32
    %dma_start3A_113 = arith.constant 0 : i32
    %dma_start3A_114 = tpu.memref_slice %arg6[%dma_start3A_110, %dma_start3A_112, %dma_start3A_113] : memref<8x128x64xf32, #tpu.memory_space<vmem>> -> memref<1x128x64xf32, #tpu.memory_space<vmem>>
    %dma_start3A_115 = tpu.memref_squeeze %dma_start3A_114 : memref<1x128x64xf32, #tpu.memory_space<vmem>> -> memref<128x64xf32, #tpu.memory_space<vmem>>
    %dma_start3A_116 = arith.constant 768 : i32
    %dma_start3A_117 = tpu.memref_slice %arg5[%dma_start3A_116] : memref<25600xi32, #tpu.memory_space<vmem>> -> memref<128xi32, #tpu.memory_space<vmem>>
    %dma_start3A_118 = arith.constant 0 : i32
    %dma_start3A_119 = arith.constant 0 : i32
    %dma_start3A_120 = tpu.memref_slice %arg3[%dma_start3A_118, %dma_start3A_119] : memref<1000001x64xf32, #tpu.memory_space<hbm>> -> memref<1000001x64xf32, #tpu.memory_space<hbm>>
    %dma_start3A_121 = tpu.memref_slice %arg7[%dma_start3A_111] : memref<8x!tpu.dma_semaphore, #tpu.memory_space<semaphore_mem>> -> memref<1x!tpu.dma_semaphore, #tpu.memory_space<semaphore_mem>>
    %dma_start3A_122 = tpu.memref_squeeze %dma_start3A_121 : memref<1x!tpu.dma_semaphore, #tpu.memory_space<semaphore_mem>> -> memref<!tpu.dma_semaphore, #tpu.memory_space<semaphore_mem>>
    tpu.enqueue_indirect_dma source(%dma_start3A_120 : memref<1000001x64xf32, #tpu.memory_space<hbm>>) target(%dma_start3A_115 : memref<128x64xf32, #tpu.memory_space<vmem>>) offsets(%dma_start3A_117 : memref<128xi32, #tpu.memory_space<vmem>>) semaphore(%dma_start3A_122 : memref<!tpu.dma_semaphore, #tpu.memory_space<semaphore_mem>>)
    %dma_wait3A_123 = arith.constant 1 : i32
    %dma_wait3A_124 = arith.constant 1 : i32
    %dma_wait3A_125 = arith.constant 0 : i32
    %dma_wait3A_126 = arith.constant 0 : i32
    %dma_wait3A_127 = tpu.memref_slice %arg6[%dma_wait3A_123, %dma_wait3A_125, %dma_wait3A_126] : memref<8x128x64xf32, #tpu.memory_space<vmem>> -> memref<1x128x64xf32, #tpu.memory_space<vmem>>
    %dma_wait3A_128 = tpu.memref_squeeze %dma_wait3A_127 : memref<1x128x64xf32, #tpu.memory_space<vmem>> -> memref<128x64xf32, #tpu.memory_space<vmem>>
    %dma_wait3A_129 = arith.constant 128 : i32
    %dma_wait3A_130 = tpu.memref_slice %arg5[%dma_wait3A_129] : memref<25600xi32, #tpu.memory_space<vmem>> -> memref<128xi32, #tpu.memory_space<vmem>>
    %dma_wait3A_131 = arith.constant 0 : i32
    %dma_wait3A_132 = arith.constant 0 : i32
    %dma_wait3A_133 = tpu.memref_slice %arg3[%dma_wait3A_131, %dma_wait3A_132] : memref<1000001x64xf32, #tpu.memory_space<hbm>> -> memref<1000001x64xf32, #tpu.memory_space<hbm>>
    %dma_wait3A_134 = tpu.memref_slice %arg7[%dma_wait3A_124] : memref<8x!tpu.dma_semaphore, #tpu.memory_space<semaphore_mem>> -> memref<1x!tpu.dma_semaphore, #tpu.memory_space<semaphore_mem>>
    %dma_wait3A_135 = tpu.memref_squeeze %dma_wait3A_134 : memref<1x!tpu.dma_semaphore, #tpu.memory_space<semaphore_mem>> -> memref<!tpu.dma_semaphore, #tpu.memory_space<semaphore_mem>>
    tpu.wait_indirect_dma semaphore(%dma_wait3A_135 : memref<!tpu.dma_semaphore, #tpu.memory_space<semaphore_mem>>) src(%dma_wait3A_133 : memref<1000001x64xf32, #tpu.memory_space<hbm>>) dst(%dma_wait3A_128 : memref<128x64xf32, #tpu.memory_space<vmem>>)
    %add3A_136 = arith.constant 128 : i32
    %add3A_137 = arith.addi %mul3A_2, %add3A_136 : i32
    %dma_start3A_138 = arith.constant 1 : i32
    %dma_start3A_139 = arith.constant 1 : i32
    %dma_start3A_140 = arith.constant 0 : i32
    %dma_start3A_141 = arith.constant 0 : i32
    %dma_start3A_142 = tpu.memref_slice %arg6[%dma_start3A_138, %dma_start3A_140, %dma_start3A_141] : memref<8x128x64xf32, #tpu.memory_space<vmem>> -> memref<1x128x64xf32, #tpu.memory_space<vmem>>
    %dma_start3A_143 = tpu.memref_squeeze %dma_start3A_142 : memref<1x128x64xf32, #tpu.memory_space<vmem>> -> memref<128x64xf32, #tpu.memory_space<vmem>>
    %dma_start3A_144 = arith.constant 0 : i32
    %dma_start3A_145 = tpu.memref_slice %arg4[%add3A_137, %dma_start3A_144] : memref<819200x64xf32, #tpu.memory_space<hbm>> -> memref<128x64xf32, #tpu.memory_space<hbm>>
    %dma_start3A_146 = tpu.memref_slice %arg8[%dma_start3A_139] : memref<8x!tpu.dma_semaphore, #tpu.memory_space<semaphore_mem>> -> memref<1x!tpu.dma_semaphore, #tpu.memory_space<semaphore_mem>>
    %dma_start3A_147 = tpu.memref_squeeze %dma_start3A_146 : memref<1x!tpu.dma_semaphore, #tpu.memory_space<semaphore_mem>> -> memref<!tpu.dma_semaphore, #tpu.memory_space<semaphore_mem>>
    %dma_start3A_148 = arith.constant 0 : i32
    %dma_start3A_149 = tpu.memref_slice %arg4[%add3A_137, %dma_start3A_148] : memref<819200x64xf32, #tpu.memory_space<hbm>> -> memref<128x64xf32, #tpu.memory_space<hbm>>
    %dma_start3A_150 = arith.constant 0 : i32
    %dma_start3A_151 = arith.constant 0 : i32
    %dma_start3A_152 = tpu.memref_slice %arg6[%dma_start3A_138, %dma_start3A_150, %dma_start3A_151] : memref<8x128x64xf32, #tpu.memory_space<vmem>> -> memref<1x128x64xf32, #tpu.memory_space<vmem>>
    %dma_start3A_153 = tpu.memref_squeeze %dma_start3A_152 : memref<1x128x64xf32, #tpu.memory_space<vmem>> -> memref<128x64xf32, #tpu.memory_space<vmem>>
    tpu.enqueue_dma source(%dma_start3A_153 : memref<128x64xf32, #tpu.memory_space<vmem>>) target(%dma_start3A_149 : memref<128x64xf32, #tpu.memory_space<hbm>>) target_semaphore(%dma_start3A_147 : memref<!tpu.dma_semaphore, #tpu.memory_space<semaphore_mem>>)
    %dma_start3A_154 = arith.constant 7 : i32
    %dma_start3A_155 = arith.constant 7 : i32
    %dma_start3A_156 = arith.constant 0 : i32
    %dma_start3A_157 = arith.constant 0 : i32
    %dma_start3A_158 = tpu.memref_slice %arg6[%dma_start3A_154, %dma_start3A_156, %dma_start3A_157] : memref<8x128x64xf32, #tpu.memory_space<vmem>> -> memref<1x128x64xf32, #tpu.memory_space<vmem>>
    %dma_start3A_159 = tpu.memref_squeeze %dma_start3A_158 : memref<1x128x64xf32, #tpu.memory_space<vmem>> -> memref<128x64xf32, #tpu.memory_space<vmem>>
    %dma_start3A_160 = arith.constant 896 : i32
    %dma_start3A_161 = tpu.memref_slice %arg5[%dma_start3A_160] : memref<25600xi32, #tpu.memory_space<vmem>> -> memref<128xi32, #tpu.memory_space<vmem>>
    %dma_start3A_162 = arith.constant 0 : i32
    %dma_start3A_163 = arith.constant 0 : i32
    %dma_start3A_164 = tpu.memref_slice %arg3[%dma_start3A_162, %dma_start3A_163] : memref<1000001x64xf32, #tpu.memory_space<hbm>> -> memref<1000001x64xf32, #tpu.memory_space<hbm>>
    %dma_start3A_165 = tpu.memref_slice %arg7[%dma_start3A_155] : memref<8x!tpu.dma_semaphore, #tpu.memory_space<semaphore_mem>> -> memref<1x!tpu.dma_semaphore, #tpu.memory_space<semaphore_mem>>
    %dma_start3A_166 = tpu.memref_squeeze %dma_start3A_165 : memref<1x!tpu.dma_semaphore, #tpu.memory_space<semaphore_mem>> -> memref<!tpu.dma_semaphore, #tpu.memory_space<semaphore_mem>>
    tpu.enqueue_indirect_dma source(%dma_start3A_164 : memref<1000001x64xf32, #tpu.memory_space<hbm>>) target(%dma_start3A_159 : memref<128x64xf32, #tpu.memory_space<vmem>>) offsets(%dma_start3A_161 : memref<128xi32, #tpu.memory_space<vmem>>) semaphore(%dma_start3A_166 : memref<!tpu.dma_semaphore, #tpu.memory_space<semaphore_mem>>)
    %dma_wait3A_167 = arith.constant 2 : i32
    %dma_wait3A_168 = arith.constant 2 : i32
    %dma_wait3A_169 = arith.constant 0 : i32
    %dma_wait3A_170 = arith.constant 0 : i32
    %dma_wait3A_171 = tpu.memref_slice %arg6[%dma_wait3A_167, %dma_wait3A_169, %dma_wait3A_170] : memref<8x128x64xf32, #tpu.memory_space<vmem>> -> memref<1x128x64xf32, #tpu.memory_space<vmem>>
    %dma_wait3A_172 = tpu.memref_squeeze %dma_wait3A_171 : memref<1x128x64xf32, #tpu.memory_space<vmem>> -> memref<128x64xf32, #tpu.memory_space<vmem>>
    %dma_wait3A_173 = arith.constant 256 : i32
    %dma_wait3A_174 = tpu.memref_slice %arg5[%dma_wait3A_173] : memref<25600xi32, #tpu.memory_space<vmem>> -> memref<128xi32, #tpu.memory_space<vmem>>
    %dma_wait3A_175 = arith.constant 0 : i32
    %dma_wait3A_176 = arith.constant 0 : i32
    %dma_wait3A_177 = tpu.memref_slice %arg3[%dma_wait3A_175, %dma_wait3A_176] : memref<1000001x64xf32, #tpu.memory_space<hbm>> -> memref<1000001x64xf32, #tpu.memory_space<hbm>>
    %dma_wait3A_178 = tpu.memref_slice %arg7[%dma_wait3A_168] : memref<8x!tpu.dma_semaphore, #tpu.memory_space<semaphore_mem>> -> memref<1x!tpu.dma_semaphore, #tpu.memory_space<semaphore_mem>>
    %dma_wait3A_179 = tpu.memref_squeeze %dma_wait3A_178 : memref<1x!tpu.dma_semaphore, #tpu.memory_space<semaphore_mem>> -> memref<!tpu.dma_semaphore, #tpu.memory_space<semaphore_mem>>
    tpu.wait_indirect_dma semaphore(%dma_wait3A_179 : memref<!tpu.dma_semaphore, #tpu.memory_space<semaphore_mem>>) src(%dma_wait3A_177 : memref<1000001x64xf32, #tpu.memory_space<hbm>>) dst(%dma_wait3A_172 : memref<128x64xf32, #tpu.memory_space<vmem>>)
    %add3A_180 = arith.constant 256 : i32
    %add3A_181 = arith.addi %mul3A_2, %add3A_180 : i32
    %dma_start3A_182 = arith.constant 2 : i32
    %dma_start3A_183 = arith.constant 2 : i32
    %dma_start3A_184 = arith.constant 0 : i32
    %dma_start3A_185 = arith.constant 0 : i32
    %dma_start3A_186 = tpu.memref_slice %arg6[%dma_start3A_182, %dma_start3A_184, %dma_start3A_185] : memref<8x128x64xf32, #tpu.memory_space<vmem>> -> memref<1x128x64xf32, #tpu.memory_space<vmem>>
    %dma_start3A_187 = tpu.memref_squeeze %dma_start3A_186 : memref<1x128x64xf32, #tpu.memory_space<vmem>> -> memref<128x64xf32, #tpu.memory_space<vmem>>
    %dma_start3A_188 = arith.constant 0 : i32
    %dma_start3A_189 = tpu.memref_slice %arg4[%add3A_181, %dma_start3A_188] : memref<819200x64xf32, #tpu.memory_space<hbm>> -> memref<128x64xf32, #tpu.memory_space<hbm>>
    %dma_start3A_190 = tpu.memref_slice %arg8[%dma_start3A_183] : memref<8x!tpu.dma_semaphore, #tpu.memory_space<semaphore_mem>> -> memref<1x!tpu.dma_semaphore, #tpu.memory_space<semaphore_mem>>
    %dma_start3A_191 = tpu.memref_squeeze %dma_start3A_190 : memref<1x!tpu.dma_semaphore, #tpu.memory_space<semaphore_mem>> -> memref<!tpu.dma_semaphore, #tpu.memory_space<semaphore_mem>>
    %dma_start3A_192 = arith.constant 0 : i32
    %dma_start3A_193 = tpu.memref_slice %arg4[%add3A_181, %dma_start3A_192] : memref<819200x64xf32, #tpu.memory_space<hbm>> -> memref<128x64xf32, #tpu.memory_space<hbm>>
    %dma_start3A_194 = arith.constant 0 : i32
    %dma_start3A_195 = arith.constant 0 : i32
    %dma_start3A_196 = tpu.memref_slice %arg6[%dma_start3A_182, %dma_start3A_194, %dma_start3A_195] : memref<8x128x64xf32, #tpu.memory_space<vmem>> -> memref<1x128x64xf32, #tpu.memory_space<vmem>>
    %dma_start3A_197 = tpu.memref_squeeze %dma_start3A_196 : memref<1x128x64xf32, #tpu.memory_space<vmem>> -> memref<128x64xf32, #tpu.memory_space<vmem>>
    tpu.enqueue_dma source(%dma_start3A_197 : memref<128x64xf32, #tpu.memory_space<vmem>>) target(%dma_start3A_193 : memref<128x64xf32, #tpu.memory_space<hbm>>) target_semaphore(%dma_start3A_191 : memref<!tpu.dma_semaphore, #tpu.memory_space<semaphore_mem>>)
    %add3A_198 = arith.constant 0 : i32
    %add3A_199 = arith.addi %mul3A_2, %add3A_198 : i32
    %dma_wait3A_200 = arith.constant 0 : i32
    %dma_wait3A_201 = arith.constant 0 : i32
    %dma_wait3A_202 = arith.constant 0 : i32
    %dma_wait3A_203 = arith.constant 0 : i32
    %dma_wait3A_204 = tpu.memref_slice %arg6[%dma_wait3A_200, %dma_wait3A_202, %dma_wait3A_203] : memref<8x128x64xf32, #tpu.memory_space<vmem>> -> memref<1x128x64xf32, #tpu.memory_space<vmem>>
    %dma_wait3A_205 = tpu.memref_squeeze %dma_wait3A_204 : memref<1x128x64xf32, #tpu.memory_space<vmem>> -> memref<128x64xf32, #tpu.memory_space<vmem>>
    %dma_wait3A_206 = arith.constant 0 : i32
    %dma_wait3A_207 = tpu.memref_slice %arg4[%add3A_199, %dma_wait3A_206] : memref<819200x64xf32, #tpu.memory_space<hbm>> -> memref<128x64xf32, #tpu.memory_space<hbm>>
    %dma_wait3A_208 = tpu.memref_slice %arg8[%dma_wait3A_201] : memref<8x!tpu.dma_semaphore, #tpu.memory_space<semaphore_mem>> -> memref<1x!tpu.dma_semaphore, #tpu.memory_space<semaphore_mem>>
    %dma_wait3A_209 = tpu.memref_squeeze %dma_wait3A_208 : memref<1x!tpu.dma_semaphore, #tpu.memory_space<semaphore_mem>> -> memref<!tpu.dma_semaphore, #tpu.memory_space<semaphore_mem>>
    %dma_wait3A_210 = arith.constant 0 : i32
    %dma_wait3A_211 = tpu.memref_slice %arg4[%add3A_199, %dma_wait3A_210] : memref<819200x64xf32, #tpu.memory_space<hbm>> -> memref<128x64xf32, #tpu.memory_space<hbm>>
    %dma_wait3A_212 = arith.constant 0 : i32
    %dma_wait3A_213 = arith.constant 0 : i32
    %dma_wait3A_214 = tpu.memref_slice %arg6[%dma_wait3A_200, %dma_wait3A_212, %dma_wait3A_213] : memref<8x128x64xf32, #tpu.memory_space<vmem>> -> memref<1x128x64xf32, #tpu.memory_space<vmem>>
    %dma_wait3A_215 = tpu.memref_squeeze %dma_wait3A_214 : memref<1x128x64xf32, #tpu.memory_space<vmem>> -> memref<128x64xf32, #tpu.memory_space<vmem>>
    tpu.wait_dma2 semaphore(%dma_wait3A_209 : memref<!tpu.dma_semaphore, #tpu.memory_space<semaphore_mem>>) src(%dma_wait3A_215 : memref<128x64xf32, #tpu.memory_space<vmem>>) dst(%dma_wait3A_211 : memref<128x64xf32, #tpu.memory_space<hbm>>)
    %dma_start3A_216 = arith.constant 0 : i32
    %dma_start3A_217 = arith.constant 0 : i32
    %dma_start3A_218 = arith.constant 0 : i32
    %dma_start3A_219 = arith.constant 0 : i32
    %dma_start3A_220 = tpu.memref_slice %arg6[%dma_start3A_216, %dma_start3A_218, %dma_start3A_219] : memref<8x128x64xf32, #tpu.memory_space<vmem>> -> memref<1x128x64xf32, #tpu.memory_space<vmem>>
    %dma_start3A_221 = tpu.memref_squeeze %dma_start3A_220 : memref<1x128x64xf32, #tpu.memory_space<vmem>> -> memref<128x64xf32, #tpu.memory_space<vmem>>
    %dma_start3A_222 = arith.constant 1024 : i32
    %dma_start3A_223 = tpu.memref_slice %arg5[%dma_start3A_222] : memref<25600xi32, #tpu.memory_space<vmem>> -> memref<128xi32, #tpu.memory_space<vmem>>
    %dma_start3A_224 = arith.constant 0 : i32
    %dma_start3A_225 = arith.constant 0 : i32
    %dma_start3A_226 = tpu.memref_slice %arg3[%dma_start3A_224, %dma_start3A_225] : memref<1000001x64xf32, #tpu.memory_space<hbm>> -> memref<1000001x64xf32, #tpu.memory_space<hbm>>
    %dma_start3A_227 = tpu.memref_slice %arg7[%dma_start3A_217] : memref<8x!tpu.dma_semaphore, #tpu.memory_space<semaphore_mem>> -> memref<1x!tpu.dma_semaphore, #tpu.memory_space<semaphore_mem>>
    %dma_start3A_228 = tpu.memref_squeeze %dma_start3A_227 : memref<1x!tpu.dma_semaphore, #tpu.memory_space<semaphore_mem>> -> memref<!tpu.dma_semaphore, #tpu.memory_space<semaphore_mem>>
    tpu.enqueue_indirect_dma source(%dma_start3A_226 : memref<1000001x64xf32, #tpu.memory_space<hbm>>) target(%dma_start3A_221 : memref<128x64xf32, #tpu.memory_space<vmem>>) offsets(%dma_start3A_223 : memref<128xi32, #tpu.memory_space<vmem>>) semaphore(%dma_start3A_228 : memref<!tpu.dma_semaphore, #tpu.memory_space<semaphore_mem>>)
    %dma_wait3A_229 = arith.constant 3 : i32
    %dma_wait3A_230 = arith.constant 3 : i32
    %dma_wait3A_231 = arith.constant 0 : i32
    %dma_wait3A_232 = arith.constant 0 : i32
    %dma_wait3A_233 = tpu.memref_slice %arg6[%dma_wait3A_229, %dma_wait3A_231, %dma_wait3A_232] : memref<8x128x64xf32, #tpu.memory_space<vmem>> -> memref<1x128x64xf32, #tpu.memory_space<vmem>>
    %dma_wait3A_234 = tpu.memref_squeeze %dma_wait3A_233 : memref<1x128x64xf32, #tpu.memory_space<vmem>> -> memref<128x64xf32, #tpu.memory_space<vmem>>
    %dma_wait3A_235 = arith.constant 384 : i32
    %dma_wait3A_236 = tpu.memref_slice %arg5[%dma_wait3A_235] : memref<25600xi32, #tpu.memory_space<vmem>> -> memref<128xi32, #tpu.memory_space<vmem>>
    %dma_wait3A_237 = arith.constant 0 : i32
    %dma_wait3A_238 = arith.constant 0 : i32
    %dma_wait3A_239 = tpu.memref_slice %arg3[%dma_wait3A_237, %dma_wait3A_238] : memref<1000001x64xf32, #tpu.memory_space<hbm>> -> memref<1000001x64xf32, #tpu.memory_space<hbm>>
    %dma_wait3A_240 = tpu.memref_slice %arg7[%dma_wait3A_230] : memref<8x!tpu.dma_semaphore, #tpu.memory_space<semaphore_mem>> -> memref<1x!tpu.dma_semaphore, #tpu.memory_space<semaphore_mem>>
    %dma_wait3A_241 = tpu.memref_squeeze %dma_wait3A_240 : memref<1x!tpu.dma_semaphore, #tpu.memory_space<semaphore_mem>> -> memref<!tpu.dma_semaphore, #tpu.memory_space<semaphore_mem>>
    tpu.wait_indirect_dma semaphore(%dma_wait3A_241 : memref<!tpu.dma_semaphore, #tpu.memory_space<semaphore_mem>>) src(%dma_wait3A_239 : memref<1000001x64xf32, #tpu.memory_space<hbm>>) dst(%dma_wait3A_234 : memref<128x64xf32, #tpu.memory_space<vmem>>)
    %add3A_242 = arith.constant 384 : i32
    %add3A_243 = arith.addi %mul3A_2, %add3A_242 : i32
    %dma_start3A_244 = arith.constant 3 : i32
    %dma_start3A_245 = arith.constant 3 : i32
    %dma_start3A_246 = arith.constant 0 : i32
    %dma_start3A_247 = arith.constant 0 : i32
    %dma_start3A_248 = tpu.memref_slice %arg6[%dma_start3A_244, %dma_start3A_246, %dma_start3A_247] : memref<8x128x64xf32, #tpu.memory_space<vmem>> -> memref<1x128x64xf32, #tpu.memory_space<vmem>>
    %dma_start3A_249 = tpu.memref_squeeze %dma_start3A_248 : memref<1x128x64xf32, #tpu.memory_space<vmem>> -> memref<128x64xf32, #tpu.memory_space<vmem>>
    %dma_start3A_250 = arith.constant 0 : i32
    %dma_start3A_251 = tpu.memref_slice %arg4[%add3A_243, %dma_start3A_250] : memref<819200x64xf32, #tpu.memory_space<hbm>> -> memref<128x64xf32, #tpu.memory_space<hbm>>
    %dma_start3A_252 = tpu.memref_slice %arg8[%dma_start3A_245] : memref<8x!tpu.dma_semaphore, #tpu.memory_space<semaphore_mem>> -> memref<1x!tpu.dma_semaphore, #tpu.memory_space<semaphore_mem>>
    %dma_start3A_253 = tpu.memref_squeeze %dma_start3A_252 : memref<1x!tpu.dma_semaphore, #tpu.memory_space<semaphore_mem>> -> memref<!tpu.dma_semaphore, #tpu.memory_space<semaphore_mem>>
    %dma_start3A_254 = arith.constant 0 : i32
    %dma_start3A_255 = tpu.memref_slice %arg4[%add3A_243, %dma_start3A_254] : memref<819200x64xf32, #tpu.memory_space<hbm>> -> memref<128x64xf32, #tpu.memory_space<hbm>>
    %dma_start3A_256 = arith.constant 0 : i32
    %dma_start3A_257 = arith.constant 0 : i32
    %dma_start3A_258 = tpu.memref_slice %arg6[%dma_start3A_244, %dma_start3A_256, %dma_start3A_257] : memref<8x128x64xf32, #tpu.memory_space<vmem>> -> memref<1x128x64xf32, #tpu.memory_space<vmem>>
    %dma_start3A_259 = tpu.memref_squeeze %dma_start3A_258 : memref<1x128x64xf32, #tpu.memory_space<vmem>> -> memref<128x64xf32, #tpu.memory_space<vmem>>
    tpu.enqueue_dma source(%dma_start3A_259 : memref<128x64xf32, #tpu.memory_space<vmem>>) target(%dma_start3A_255 : memref<128x64xf32, #tpu.memory_space<hbm>>) target_semaphore(%dma_start3A_253 : memref<!tpu.dma_semaphore, #tpu.memory_space<semaphore_mem>>)
    %add3A_260 = arith.constant 128 : i32
    %add3A_261 = arith.addi %mul3A_2, %add3A_260 : i32
    %dma_wait3A_262 = arith.constant 1 : i32
    %dma_wait3A_263 = arith.constant 1 : i32
    %dma_wait3A_264 = arith.constant 0 : i32
    %dma_wait3A_265 = arith.constant 0 : i32
    %dma_wait3A_266 = tpu.memref_slice %arg6[%dma_wait3A_262, %dma_wait3A_264, %dma_wait3A_265] : memref<8x128x64xf32, #tpu.memory_space<vmem>> -> memref<1x128x64xf32, #tpu.memory_space<vmem>>
    %dma_wait3A_267 = tpu.memref_squeeze %dma_wait3A_266 : memref<1x128x64xf32, #tpu.memory_space<vmem>> -> memref<128x64xf32, #tpu.memory_space<vmem>>
    %dma_wait3A_268 = arith.constant 0 : i32
    %dma_wait3A_269 = tpu.memref_slice %arg4[%add3A_261, %dma_wait3A_268] : memref<819200x64xf32, #tpu.memory_space<hbm>> -> memref<128x64xf32, #tpu.memory_space<hbm>>
    %dma_wait3A_270 = tpu.memref_slice %arg8[%dma_wait3A_263] : memref<8x!tpu.dma_semaphore, #tpu.memory_space<semaphore_mem>> -> memref<1x!tpu.dma_semaphore, #tpu.memory_space<semaphore_mem>>
    %dma_wait3A_271 = tpu.memref_squeeze %dma_wait3A_270 : memref<1x!tpu.dma_semaphore, #tpu.memory_space<semaphore_mem>> -> memref<!tpu.dma_semaphore, #tpu.memory_space<semaphore_mem>>
    %dma_wait3A_272 = arith.constant 0 : i32
    %dma_wait3A_273 = tpu.memref_slice %arg4[%add3A_261, %dma_wait3A_272] : memref<819200x64xf32, #tpu.memory_space<hbm>> -> memref<128x64xf32, #tpu.memory_space<hbm>>
    %dma_wait3A_274 = arith.constant 0 : i32
    %dma_wait3A_275 = arith.constant 0 : i32
    %dma_wait3A_276 = tpu.memref_slice %arg6[%dma_wait3A_262, %dma_wait3A_274, %dma_wait3A_275] : memref<8x128x64xf32, #tpu.memory_space<vmem>> -> memref<1x128x64xf32, #tpu.memory_space<vmem>>
    %dma_wait3A_277 = tpu.memref_squeeze %dma_wait3A_276 : memref<1x128x64xf32, #tpu.memory_space<vmem>> -> memref<128x64xf32, #tpu.memory_space<vmem>>
    tpu.wait_dma2 semaphore(%dma_wait3A_271 : memref<!tpu.dma_semaphore, #tpu.memory_space<semaphore_mem>>) src(%dma_wait3A_277 : memref<128x64xf32, #tpu.memory_space<vmem>>) dst(%dma_wait3A_273 : memref<128x64xf32, #tpu.memory_space<hbm>>)
    %dma_start3A_278 = arith.constant 1 : i32
    %dma_start3A_279 = arith.constant 1 : i32
    %dma_start3A_280 = arith.constant 0 : i32
    %dma_start3A_281 = arith.constant 0 : i32
    %dma_start3A_282 = tpu.memref_slice %arg6[%dma_start3A_278, %dma_start3A_280, %dma_start3A_281] : memref<8x128x64xf32, #tpu.memory_space<vmem>> -> memref<1x128x64xf32, #tpu.memory_space<vmem>>
    %dma_start3A_283 = tpu.memref_squeeze %dma_start3A_282 : memref<1x128x64xf32, #tpu.memory_space<vmem>> -> memref<128x64xf32, #tpu.memory_space<vmem>>
    %dma_start3A_284 = arith.constant 1152 : i32
    %dma_start3A_285 = tpu.memref_slice %arg5[%dma_start3A_284] : memref<25600xi32, #tpu.memory_space<vmem>> -> memref<128xi32, #tpu.memory_space<vmem>>
    %dma_start3A_286 = arith.constant 0 : i32
    %dma_start3A_287 = arith.constant 0 : i32
    %dma_start3A_288 = tpu.memref_slice %arg3[%dma_start3A_286, %dma_start3A_287] : memref<1000001x64xf32, #tpu.memory_space<hbm>> -> memref<1000001x64xf32, #tpu.memory_space<hbm>>
    %dma_start3A_289 = tpu.memref_slice %arg7[%dma_start3A_279] : memref<8x!tpu.dma_semaphore, #tpu.memory_space<semaphore_mem>> -> memref<1x!tpu.dma_semaphore, #tpu.memory_space<semaphore_mem>>
    %dma_start3A_290 = tpu.memref_squeeze %dma_start3A_289 : memref<1x!tpu.dma_semaphore, #tpu.memory_space<semaphore_mem>> -> memref<!tpu.dma_semaphore, #tpu.memory_space<semaphore_mem>>
    tpu.enqueue_indirect_dma source(%dma_start3A_288 : memref<1000001x64xf32, #tpu.memory_space<hbm>>) target(%dma_start3A_283 : memref<128x64xf32, #tpu.memory_space<vmem>>) offsets(%dma_start3A_285 : memref<128xi32, #tpu.memory_space<vmem>>) semaphore(%dma_start3A_290 : memref<!tpu.dma_semaphore, #tpu.memory_space<semaphore_mem>>)
    %dma_wait3A_291 = arith.constant 4 : i32
    %dma_wait3A_292 = arith.constant 4 : i32
    %dma_wait3A_293 = arith.constant 0 : i32
    %dma_wait3A_294 = arith.constant 0 : i32
    %dma_wait3A_295 = tpu.memref_slice %arg6[%dma_wait3A_291, %dma_wait3A_293, %dma_wait3A_294] : memref<8x128x64xf32, #tpu.memory_space<vmem>> -> memref<1x128x64xf32, #tpu.memory_space<vmem>>
    %dma_wait3A_296 = tpu.memref_squeeze %dma_wait3A_295 : memref<1x128x64xf32, #tpu.memory_space<vmem>> -> memref<128x64xf32, #tpu.memory_space<vmem>>
    %dma_wait3A_297 = arith.constant 512 : i32
    %dma_wait3A_298 = tpu.memref_slice %arg5[%dma_wait3A_297] : memref<25600xi32, #tpu.memory_space<vmem>> -> memref<128xi32, #tpu.memory_space<vmem>>
    %dma_wait3A_299 = arith.constant 0 : i32
    %dma_wait3A_300 = arith.constant 0 : i32
    %dma_wait3A_301 = tpu.memref_slice %arg3[%dma_wait3A_299, %dma_wait3A_300] : memref<1000001x64xf32, #tpu.memory_space<hbm>> -> memref<1000001x64xf32, #tpu.memory_space<hbm>>
    %dma_wait3A_302 = tpu.memref_slice %arg7[%dma_wait3A_292] : memref<8x!tpu.dma_semaphore, #tpu.memory_space<semaphore_mem>> -> memref<1x!tpu.dma_semaphore, #tpu.memory_space<semaphore_mem>>
    %dma_wait3A_303 = tpu.memref_squeeze %dma_wait3A_302 : memref<1x!tpu.dma_semaphore, #tpu.memory_space<semaphore_mem>> -> memref<!tpu.dma_semaphore, #tpu.memory_space<semaphore_mem>>
    tpu.wait_indirect_dma semaphore(%dma_wait3A_303 : memref<!tpu.dma_semaphore, #tpu.memory_space<semaphore_mem>>) src(%dma_wait3A_301 : memref<1000001x64xf32, #tpu.memory_space<hbm>>) dst(%dma_wait3A_296 : memref<128x64xf32, #tpu.memory_space<vmem>>)
    %add3A_304 = arith.constant 512 : i32
    %add3A_305 = arith.addi %mul3A_2, %add3A_304 : i32
    %dma_start3A_306 = arith.constant 4 : i32
    %dma_start3A_307 = arith.constant 4 : i32
    %dma_start3A_308 = arith.constant 0 : i32
    %dma_start3A_309 = arith.constant 0 : i32
    %dma_start3A_310 = tpu.memref_slice %arg6[%dma_start3A_306, %dma_start3A_308, %dma_start3A_309] : memref<8x128x64xf32, #tpu.memory_space<vmem>> -> memref<1x128x64xf32, #tpu.memory_space<vmem>>
    %dma_start3A_311 = tpu.memref_squeeze %dma_start3A_310 : memref<1x128x64xf32, #tpu.memory_space<vmem>> -> memref<128x64xf32, #tpu.memory_space<vmem>>
    %dma_start3A_312 = arith.constant 0 : i32
    %dma_start3A_313 = tpu.memref_slice %arg4[%add3A_305, %dma_start3A_312] : memref<819200x64xf32, #tpu.memory_space<hbm>> -> memref<128x64xf32, #tpu.memory_space<hbm>>
    %dma_start3A_314 = tpu.memref_slice %arg8[%dma_start3A_307] : memref<8x!tpu.dma_semaphore, #tpu.memory_space<semaphore_mem>> -> memref<1x!tpu.dma_semaphore, #tpu.memory_space<semaphore_mem>>
    %dma_start3A_315 = tpu.memref_squeeze %dma_start3A_314 : memref<1x!tpu.dma_semaphore, #tpu.memory_space<semaphore_mem>> -> memref<!tpu.dma_semaphore, #tpu.memory_space<semaphore_mem>>
    %dma_start3A_316 = arith.constant 0 : i32
    %dma_start3A_317 = tpu.memref_slice %arg4[%add3A_305, %dma_start3A_316] : memref<819200x64xf32, #tpu.memory_space<hbm>> -> memref<128x64xf32, #tpu.memory_space<hbm>>
    %dma_start3A_318 = arith.constant 0 : i32
    %dma_start3A_319 = arith.constant 0 : i32
    %dma_start3A_320 = tpu.memref_slice %arg6[%dma_start3A_306, %dma_start3A_318, %dma_start3A_319] : memref<8x128x64xf32, #tpu.memory_space<vmem>> -> memref<1x128x64xf32, #tpu.memory_space<vmem>>
    %dma_start3A_321 = tpu.memref_squeeze %dma_start3A_320 : memref<1x128x64xf32, #tpu.memory_space<vmem>> -> memref<128x64xf32, #tpu.memory_space<vmem>>
    tpu.enqueue_dma source(%dma_start3A_321 : memref<128x64xf32, #tpu.memory_space<vmem>>) target(%dma_start3A_317 : memref<128x64xf32, #tpu.memory_space<hbm>>) target_semaphore(%dma_start3A_315 : memref<!tpu.dma_semaphore, #tpu.memory_space<semaphore_mem>>)
    %add3A_322 = arith.constant 256 : i32
    %add3A_323 = arith.addi %mul3A_2, %add3A_322 : i32
    %dma_wait3A_324 = arith.constant 2 : i32
    %dma_wait3A_325 = arith.constant 2 : i32
    %dma_wait3A_326 = arith.constant 0 : i32
    %dma_wait3A_327 = arith.constant 0 : i32
    %dma_wait3A_328 = tpu.memref_slice %arg6[%dma_wait3A_324, %dma_wait3A_326, %dma_wait3A_327] : memref<8x128x64xf32, #tpu.memory_space<vmem>> -> memref<1x128x64xf32, #tpu.memory_space<vmem>>
    %dma_wait3A_329 = tpu.memref_squeeze %dma_wait3A_328 : memref<1x128x64xf32, #tpu.memory_space<vmem>> -> memref<128x64xf32, #tpu.memory_space<vmem>>
    %dma_wait3A_330 = arith.constant 0 : i32
    %dma_wait3A_331 = tpu.memref_slice %arg4[%add3A_323, %dma_wait3A_330] : memref<819200x64xf32, #tpu.memory_space<hbm>> -> memref<128x64xf32, #tpu.memory_space<hbm>>
    %dma_wait3A_332 = tpu.memref_slice %arg8[%dma_wait3A_325] : memref<8x!tpu.dma_semaphore, #tpu.memory_space<semaphore_mem>> -> memref<1x!tpu.dma_semaphore, #tpu.memory_space<semaphore_mem>>
    %dma_wait3A_333 = tpu.memref_squeeze %dma_wait3A_332 : memref<1x!tpu.dma_semaphore, #tpu.memory_space<semaphore_mem>> -> memref<!tpu.dma_semaphore, #tpu.memory_space<semaphore_mem>>
    %dma_wait3A_334 = arith.constant 0 : i32
    %dma_wait3A_335 = tpu.memref_slice %arg4[%add3A_323, %dma_wait3A_334] : memref<819200x64xf32, #tpu.memory_space<hbm>> -> memref<128x64xf32, #tpu.memory_space<hbm>>
    %dma_wait3A_336 = arith.constant 0 : i32
    %dma_wait3A_337 = arith.constant 0 : i32
    %dma_wait3A_338 = tpu.memref_slice %arg6[%dma_wait3A_324, %dma_wait3A_336, %dma_wait3A_337] : memref<8x128x64xf32, #tpu.memory_space<vmem>> -> memref<1x128x64xf32, #tpu.memory_space<vmem>>
    %dma_wait3A_339 = tpu.memref_squeeze %dma_wait3A_338 : memref<1x128x64xf32, #tpu.memory_space<vmem>> -> memref<128x64xf32, #tpu.memory_space<vmem>>
    tpu.wait_dma2 semaphore(%dma_wait3A_333 : memref<!tpu.dma_semaphore, #tpu.memory_space<semaphore_mem>>) src(%dma_wait3A_339 : memref<128x64xf32, #tpu.memory_space<vmem>>) dst(%dma_wait3A_335 : memref<128x64xf32, #tpu.memory_space<hbm>>)
    %dma_start3A_340 = arith.constant 2 : i32
    %dma_start3A_341 = arith.constant 2 : i32
    %dma_start3A_342 = arith.constant 0 : i32
    %dma_start3A_343 = arith.constant 0 : i32
    %dma_start3A_344 = tpu.memref_slice %arg6[%dma_start3A_340, %dma_start3A_342, %dma_start3A_343] : memref<8x128x64xf32, #tpu.memory_space<vmem>> -> memref<1x128x64xf32, #tpu.memory_space<vmem>>
    %dma_start3A_345 = tpu.memref_squeeze %dma_start3A_344 : memref<1x128x64xf32, #tpu.memory_space<vmem>> -> memref<128x64xf32, #tpu.memory_space<vmem>>
    %dma_start3A_346 = arith.constant 1280 : i32
    %dma_start3A_347 = tpu.memref_slice %arg5[%dma_start3A_346] : memref<25600xi32, #tpu.memory_space<vmem>> -> memref<128xi32, #tpu.memory_space<vmem>>
    %dma_start3A_348 = arith.constant 0 : i32
    %dma_start3A_349 = arith.constant 0 : i32
    %dma_start3A_350 = tpu.memref_slice %arg3[%dma_start3A_348, %dma_start3A_349] : memref<1000001x64xf32, #tpu.memory_space<hbm>> -> memref<1000001x64xf32, #tpu.memory_space<hbm>>
    %dma_start3A_351 = tpu.memref_slice %arg7[%dma_start3A_341] : memref<8x!tpu.dma_semaphore, #tpu.memory_space<semaphore_mem>> -> memref<1x!tpu.dma_semaphore, #tpu.memory_space<semaphore_mem>>
    %dma_start3A_352 = tpu.memref_squeeze %dma_start3A_351 : memref<1x!tpu.dma_semaphore, #tpu.memory_space<semaphore_mem>> -> memref<!tpu.dma_semaphore, #tpu.memory_space<semaphore_mem>>
    tpu.enqueue_indirect_dma source(%dma_start3A_350 : memref<1000001x64xf32, #tpu.memory_space<hbm>>) target(%dma_start3A_345 : memref<128x64xf32, #tpu.memory_space<vmem>>) offsets(%dma_start3A_347 : memref<128xi32, #tpu.memory_space<vmem>>) semaphore(%dma_start3A_352 : memref<!tpu.dma_semaphore, #tpu.memory_space<semaphore_mem>>)
    %dma_wait3A_353 = arith.constant 5 : i32
    %dma_wait3A_354 = arith.constant 5 : i32
    %dma_wait3A_355 = arith.constant 0 : i32
    %dma_wait3A_356 = arith.constant 0 : i32
    %dma_wait3A_357 = tpu.memref_slice %arg6[%dma_wait3A_353, %dma_wait3A_355, %dma_wait3A_356] : memref<8x128x64xf32, #tpu.memory_space<vmem>> -> memref<1x128x64xf32, #tpu.memory_space<vmem>>
    %dma_wait3A_358 = tpu.memref_squeeze %dma_wait3A_357 : memref<1x128x64xf32, #tpu.memory_space<vmem>> -> memref<128x64xf32, #tpu.memory_space<vmem>>
    %dma_wait3A_359 = arith.constant 640 : i32
    %dma_wait3A_360 = tpu.memref_slice %arg5[%dma_wait3A_359] : memref<25600xi32, #tpu.memory_space<vmem>> -> memref<128xi32, #tpu.memory_space<vmem>>
    %dma_wait3A_361 = arith.constant 0 : i32
    %dma_wait3A_362 = arith.constant 0 : i32
    %dma_wait3A_363 = tpu.memref_slice %arg3[%dma_wait3A_361, %dma_wait3A_362] : memref<1000001x64xf32, #tpu.memory_space<hbm>> -> memref<1000001x64xf32, #tpu.memory_space<hbm>>
    %dma_wait3A_364 = tpu.memref_slice %arg7[%dma_wait3A_354] : memref<8x!tpu.dma_semaphore, #tpu.memory_space<semaphore_mem>> -> memref<1x!tpu.dma_semaphore, #tpu.memory_space<semaphore_mem>>
    %dma_wait3A_365 = tpu.memref_squeeze %dma_wait3A_364 : memref<1x!tpu.dma_semaphore, #tpu.memory_space<semaphore_mem>> -> memref<!tpu.dma_semaphore, #tpu.memory_space<semaphore_mem>>
    tpu.wait_indirect_dma semaphore(%dma_wait3A_365 : memref<!tpu.dma_semaphore, #tpu.memory_space<semaphore_mem>>) src(%dma_wait3A_363 : memref<1000001x64xf32, #tpu.memory_space<hbm>>) dst(%dma_wait3A_358 : memref<128x64xf32, #tpu.memory_space<vmem>>)
    %add3A_366 = arith.constant 640 : i32
    %add3A_367 = arith.addi %mul3A_2, %add3A_366 : i32
    %dma_start3A_368 = arith.constant 5 : i32
    %dma_start3A_369 = arith.constant 5 : i32
    %dma_start3A_370 = arith.constant 0 : i32
    %dma_start3A_371 = arith.constant 0 : i32
    %dma_start3A_372 = tpu.memref_slice %arg6[%dma_start3A_368, %dma_start3A_370, %dma_start3A_371] : memref<8x128x64xf32, #tpu.memory_space<vmem>> -> memref<1x128x64xf32, #tpu.memory_space<vmem>>
    %dma_start3A_373 = tpu.memref_squeeze %dma_start3A_372 : memref<1x128x64xf32, #tpu.memory_space<vmem>> -> memref<128x64xf32, #tpu.memory_space<vmem>>
    %dma_start3A_374 = arith.constant 0 : i32
    %dma_start3A_375 = tpu.memref_slice %arg4[%add3A_367, %dma_start3A_374] : memref<819200x64xf32, #tpu.memory_space<hbm>> -> memref<128x64xf32, #tpu.memory_space<hbm>>
    %dma_start3A_376 = tpu.memref_slice %arg8[%dma_start3A_369] : memref<8x!tpu.dma_semaphore, #tpu.memory_space<semaphore_mem>> -> memref<1x!tpu.dma_semaphore, #tpu.memory_space<semaphore_mem>>
    %dma_start3A_377 = tpu.memref_squeeze %dma_start3A_376 : memref<1x!tpu.dma_semaphore, #tpu.memory_space<semaphore_mem>> -> memref<!tpu.dma_semaphore, #tpu.memory_space<semaphore_mem>>
    %dma_start3A_378 = arith.constant 0 : i32
    %dma_start3A_379 = tpu.memref_slice %arg4[%add3A_367, %dma_start3A_378] : memref<819200x64xf32, #tpu.memory_space<hbm>> -> memref<128x64xf32, #tpu.memory_space<hbm>>
    %dma_start3A_380 = arith.constant 0 : i32
    %dma_start3A_381 = arith.constant 0 : i32
    %dma_start3A_382 = tpu.memref_slice %arg6[%dma_start3A_368, %dma_start3A_380, %dma_start3A_381] : memref<8x128x64xf32, #tpu.memory_space<vmem>> -> memref<1x128x64xf32, #tpu.memory_space<vmem>>
    %dma_start3A_383 = tpu.memref_squeeze %dma_start3A_382 : memref<1x128x64xf32, #tpu.memory_space<vmem>> -> memref<128x64xf32, #tpu.memory_space<vmem>>
    tpu.enqueue_dma source(%dma_start3A_383 : memref<128x64xf32, #tpu.memory_space<vmem>>) target(%dma_start3A_379 : memref<128x64xf32, #tpu.memory_space<hbm>>) target_semaphore(%dma_start3A_377 : memref<!tpu.dma_semaphore, #tpu.memory_space<semaphore_mem>>)
    %add3A_384 = arith.constant 384 : i32
    %add3A_385 = arith.addi %mul3A_2, %add3A_384 : i32
    %dma_wait3A_386 = arith.constant 3 : i32
    %dma_wait3A_387 = arith.constant 3 : i32
    %dma_wait3A_388 = arith.constant 0 : i32
    %dma_wait3A_389 = arith.constant 0 : i32
    %dma_wait3A_390 = tpu.memref_slice %arg6[%dma_wait3A_386, %dma_wait3A_388, %dma_wait3A_389] : memref<8x128x64xf32, #tpu.memory_space<vmem>> -> memref<1x128x64xf32, #tpu.memory_space<vmem>>
    %dma_wait3A_391 = tpu.memref_squeeze %dma_wait3A_390 : memref<1x128x64xf32, #tpu.memory_space<vmem>> -> memref<128x64xf32, #tpu.memory_space<vmem>>
    %dma_wait3A_392 = arith.constant 0 : i32
    %dma_wait3A_393 = tpu.memref_slice %arg4[%add3A_385, %dma_wait3A_392] : memref<819200x64xf32, #tpu.memory_space<hbm>> -> memref<128x64xf32, #tpu.memory_space<hbm>>
    %dma_wait3A_394 = tpu.memref_slice %arg8[%dma_wait3A_387] : memref<8x!tpu.dma_semaphore, #tpu.memory_space<semaphore_mem>> -> memref<1x!tpu.dma_semaphore, #tpu.memory_space<semaphore_mem>>
    %dma_wait3A_395 = tpu.memref_squeeze %dma_wait3A_394 : memref<1x!tpu.dma_semaphore, #tpu.memory_space<semaphore_mem>> -> memref<!tpu.dma_semaphore, #tpu.memory_space<semaphore_mem>>
    %dma_wait3A_396 = arith.constant 0 : i32
    %dma_wait3A_397 = tpu.memref_slice %arg4[%add3A_385, %dma_wait3A_396] : memref<819200x64xf32, #tpu.memory_space<hbm>> -> memref<128x64xf32, #tpu.memory_space<hbm>>
    %dma_wait3A_398 = arith.constant 0 : i32
    %dma_wait3A_399 = arith.constant 0 : i32
    %dma_wait3A_400 = tpu.memref_slice %arg6[%dma_wait3A_386, %dma_wait3A_398, %dma_wait3A_399] : memref<8x128x64xf32, #tpu.memory_space<vmem>> -> memref<1x128x64xf32, #tpu.memory_space<vmem>>
    %dma_wait3A_401 = tpu.memref_squeeze %dma_wait3A_400 : memref<1x128x64xf32, #tpu.memory_space<vmem>> -> memref<128x64xf32, #tpu.memory_space<vmem>>
    tpu.wait_dma2 semaphore(%dma_wait3A_395 : memref<!tpu.dma_semaphore, #tpu.memory_space<semaphore_mem>>) src(%dma_wait3A_401 : memref<128x64xf32, #tpu.memory_space<vmem>>) dst(%dma_wait3A_397 : memref<128x64xf32, #tpu.memory_space<hbm>>)
    %dma_start3A_402 = arith.constant 3 : i32
    %dma_start3A_403 = arith.constant 3 : i32
    %dma_start3A_404 = arith.constant 0 : i32
    %dma_start3A_405 = arith.constant 0 : i32
    %dma_start3A_406 = tpu.memref_slice %arg6[%dma_start3A_402, %dma_start3A_404, %dma_start3A_405] : memref<8x128x64xf32, #tpu.memory_space<vmem>> -> memref<1x128x64xf32, #tpu.memory_space<vmem>>
    %dma_start3A_407 = tpu.memref_squeeze %dma_start3A_406 : memref<1x128x64xf32, #tpu.memory_space<vmem>> -> memref<128x64xf32, #tpu.memory_space<vmem>>
    %dma_start3A_408 = arith.constant 1408 : i32
    %dma_start3A_409 = tpu.memref_slice %arg5[%dma_start3A_408] : memref<25600xi32, #tpu.memory_space<vmem>> -> memref<128xi32, #tpu.memory_space<vmem>>
    %dma_start3A_410 = arith.constant 0 : i32
    %dma_start3A_411 = arith.constant 0 : i32
    %dma_start3A_412 = tpu.memref_slice %arg3[%dma_start3A_410, %dma_start3A_411] : memref<1000001x64xf32, #tpu.memory_space<hbm>> -> memref<1000001x64xf32, #tpu.memory_space<hbm>>
    %dma_start3A_413 = tpu.memref_slice %arg7[%dma_start3A_403] : memref<8x!tpu.dma_semaphore, #tpu.memory_space<semaphore_mem>> -> memref<1x!tpu.dma_semaphore, #tpu.memory_space<semaphore_mem>>
    %dma_start3A_414 = tpu.memref_squeeze %dma_start3A_413 : memref<1x!tpu.dma_semaphore, #tpu.memory_space<semaphore_mem>> -> memref<!tpu.dma_semaphore, #tpu.memory_space<semaphore_mem>>
    tpu.enqueue_indirect_dma source(%dma_start3A_412 : memref<1000001x64xf32, #tpu.memory_space<hbm>>) target(%dma_start3A_407 : memref<128x64xf32, #tpu.memory_space<vmem>>) offsets(%dma_start3A_409 : memref<128xi32, #tpu.memory_space<vmem>>) semaphore(%dma_start3A_414 : memref<!tpu.dma_semaphore, #tpu.memory_space<semaphore_mem>>)
    %dma_wait3A_415 = arith.constant 6 : i32
    %dma_wait3A_416 = arith.constant 6 : i32
    %dma_wait3A_417 = arith.constant 0 : i32
    %dma_wait3A_418 = arith.constant 0 : i32
    %dma_wait3A_419 = tpu.memref_slice %arg6[%dma_wait3A_415, %dma_wait3A_417, %dma_wait3A_418] : memref<8x128x64xf32, #tpu.memory_space<vmem>> -> memref<1x128x64xf32, #tpu.memory_space<vmem>>
    %dma_wait3A_420 = tpu.memref_squeeze %dma_wait3A_419 : memref<1x128x64xf32, #tpu.memory_space<vmem>> -> memref<128x64xf32, #tpu.memory_space<vmem>>
    %dma_wait3A_421 = arith.constant 768 : i32
    %dma_wait3A_422 = tpu.memref_slice %arg5[%dma_wait3A_421] : memref<25600xi32, #tpu.memory_space<vmem>> -> memref<128xi32, #tpu.memory_space<vmem>>
    %dma_wait3A_423 = arith.constant 0 : i32
    %dma_wait3A_424 = arith.constant 0 : i32
    %dma_wait3A_425 = tpu.memref_slice %arg3[%dma_wait3A_423, %dma_wait3A_424] : memref<1000001x64xf32, #tpu.memory_space<hbm>> -> memref<1000001x64xf32, #tpu.memory_space<hbm>>
    %dma_wait3A_426 = tpu.memref_slice %arg7[%dma_wait3A_416] : memref<8x!tpu.dma_semaphore, #tpu.memory_space<semaphore_mem>> -> memref<1x!tpu.dma_semaphore, #tpu.memory_space<semaphore_mem>>
    %dma_wait3A_427 = tpu.memref_squeeze %dma_wait3A_426 : memref<1x!tpu.dma_semaphore, #tpu.memory_space<semaphore_mem>> -> memref<!tpu.dma_semaphore, #tpu.memory_space<semaphore_mem>>
    tpu.wait_indirect_dma semaphore(%dma_wait3A_427 : memref<!tpu.dma_semaphore, #tpu.memory_space<semaphore_mem>>) src(%dma_wait3A_425 : memref<1000001x64xf32, #tpu.memory_space<hbm>>) dst(%dma_wait3A_420 : memref<128x64xf32, #tpu.memory_space<vmem>>)
    %add3A_428 = arith.constant 768 : i32
    %add3A_429 = arith.addi %mul3A_2, %add3A_428 : i32
    %dma_start3A_430 = arith.constant 6 : i32
    %dma_start3A_431 = arith.constant 6 : i32
    %dma_start3A_432 = arith.constant 0 : i32
    %dma_start3A_433 = arith.constant 0 : i32
    %dma_start3A_434 = tpu.memref_slice %arg6[%dma_start3A_430, %dma_start3A_432, %dma_start3A_433] : memref<8x128x64xf32, #tpu.memory_space<vmem>> -> memref<1x128x64xf32, #tpu.memory_space<vmem>>
    %dma_start3A_435 = tpu.memref_squeeze %dma_start3A_434 : memref<1x128x64xf32, #tpu.memory_space<vmem>> -> memref<128x64xf32, #tpu.memory_space<vmem>>
    %dma_start3A_436 = arith.constant 0 : i32
    %dma_start3A_437 = tpu.memref_slice %arg4[%add3A_429, %dma_start3A_436] : memref<819200x64xf32, #tpu.memory_space<hbm>> -> memref<128x64xf32, #tpu.memory_space<hbm>>
    %dma_start3A_438 = tpu.memref_slice %arg8[%dma_start3A_431] : memref<8x!tpu.dma_semaphore, #tpu.memory_space<semaphore_mem>> -> memref<1x!tpu.dma_semaphore, #tpu.memory_space<semaphore_mem>>
    %dma_start3A_439 = tpu.memref_squeeze %dma_start3A_438 : memref<1x!tpu.dma_semaphore, #tpu.memory_space<semaphore_mem>> -> memref<!tpu.dma_semaphore, #tpu.memory_space<semaphore_mem>>
    %dma_start3A_440 = arith.constant 0 : i32
    %dma_start3A_441 = tpu.memref_slice %arg4[%add3A_429, %dma_start3A_440] : memref<819200x64xf32, #tpu.memory_space<hbm>> -> memref<128x64xf32, #tpu.memory_space<hbm>>
    %dma_start3A_442 = arith.constant 0 : i32
    %dma_start3A_443 = arith.constant 0 : i32
    %dma_start3A_444 = tpu.memref_slice %arg6[%dma_start3A_430, %dma_start3A_442, %dma_start3A_443] : memref<8x128x64xf32, #tpu.memory_space<vmem>> -> memref<1x128x64xf32, #tpu.memory_space<vmem>>
    %dma_start3A_445 = tpu.memref_squeeze %dma_start3A_444 : memref<1x128x64xf32, #tpu.memory_space<vmem>> -> memref<128x64xf32, #tpu.memory_space<vmem>>
    tpu.enqueue_dma source(%dma_start3A_445 : memref<128x64xf32, #tpu.memory_space<vmem>>) target(%dma_start3A_441 : memref<128x64xf32, #tpu.memory_space<hbm>>) target_semaphore(%dma_start3A_439 : memref<!tpu.dma_semaphore, #tpu.memory_space<semaphore_mem>>)
    %add3A_446 = arith.constant 512 : i32
    %add3A_447 = arith.addi %mul3A_2, %add3A_446 : i32
    %dma_wait3A_448 = arith.constant 4 : i32
    %dma_wait3A_449 = arith.constant 4 : i32
    %dma_wait3A_450 = arith.constant 0 : i32
    %dma_wait3A_451 = arith.constant 0 : i32
    %dma_wait3A_452 = tpu.memref_slice %arg6[%dma_wait3A_448, %dma_wait3A_450, %dma_wait3A_451] : memref<8x128x64xf32, #tpu.memory_space<vmem>> -> memref<1x128x64xf32, #tpu.memory_space<vmem>>
    %dma_wait3A_453 = tpu.memref_squeeze %dma_wait3A_452 : memref<1x128x64xf32, #tpu.memory_space<vmem>> -> memref<128x64xf32, #tpu.memory_space<vmem>>
    %dma_wait3A_454 = arith.constant 0 : i32
    %dma_wait3A_455 = tpu.memref_slice %arg4[%add3A_447, %dma_wait3A_454] : memref<819200x64xf32, #tpu.memory_space<hbm>> -> memref<128x64xf32, #tpu.memory_space<hbm>>
    %dma_wait3A_456 = tpu.memref_slice %arg8[%dma_wait3A_449] : memref<8x!tpu.dma_semaphore, #tpu.memory_space<semaphore_mem>> -> memref<1x!tpu.dma_semaphore, #tpu.memory_space<semaphore_mem>>
    %dma_wait3A_457 = tpu.memref_squeeze %dma_wait3A_456 : memref<1x!tpu.dma_semaphore, #tpu.memory_space<semaphore_mem>> -> memref<!tpu.dma_semaphore, #tpu.memory_space<semaphore_mem>>
    %dma_wait3A_458 = arith.constant 0 : i32
    %dma_wait3A_459 = tpu.memref_slice %arg4[%add3A_447, %dma_wait3A_458] : memref<819200x64xf32, #tpu.memory_space<hbm>> -> memref<128x64xf32, #tpu.memory_space<hbm>>
    %dma_wait3A_460 = arith.constant 0 : i32
    %dma_wait3A_461 = arith.constant 0 : i32
    %dma_wait3A_462 = tpu.memref_slice %arg6[%dma_wait3A_448, %dma_wait3A_460, %dma_wait3A_461] : memref<8x128x64xf32, #tpu.memory_space<vmem>> -> memref<1x128x64xf32, #tpu.memory_space<vmem>>
    %dma_wait3A_463 = tpu.memref_squeeze %dma_wait3A_462 : memref<1x128x64xf32, #tpu.memory_space<vmem>> -> memref<128x64xf32, #tpu.memory_space<vmem>>
    tpu.wait_dma2 semaphore(%dma_wait3A_457 : memref<!tpu.dma_semaphore, #tpu.memory_space<semaphore_mem>>) src(%dma_wait3A_463 : memref<128x64xf32, #tpu.memory_space<vmem>>) dst(%dma_wait3A_459 : memref<128x64xf32, #tpu.memory_space<hbm>>)
    %dma_start3A_464 = arith.constant 4 : i32
    %dma_start3A_465 = arith.constant 4 : i32
    %dma_start3A_466 = arith.constant 0 : i32
    %dma_start3A_467 = arith.constant 0 : i32
    %dma_start3A_468 = tpu.memref_slice %arg6[%dma_start3A_464, %dma_start3A_466, %dma_start3A_467] : memref<8x128x64xf32, #tpu.memory_space<vmem>> -> memref<1x128x64xf32, #tpu.memory_space<vmem>>
    %dma_start3A_469 = tpu.memref_squeeze %dma_start3A_468 : memref<1x128x64xf32, #tpu.memory_space<vmem>> -> memref<128x64xf32, #tpu.memory_space<vmem>>
    %dma_start3A_470 = arith.constant 1536 : i32
    %dma_start3A_471 = tpu.memref_slice %arg5[%dma_start3A_470] : memref<25600xi32, #tpu.memory_space<vmem>> -> memref<128xi32, #tpu.memory_space<vmem>>
    %dma_start3A_472 = arith.constant 0 : i32
    %dma_start3A_473 = arith.constant 0 : i32
    %dma_start3A_474 = tpu.memref_slice %arg3[%dma_start3A_472, %dma_start3A_473] : memref<1000001x64xf32, #tpu.memory_space<hbm>> -> memref<1000001x64xf32, #tpu.memory_space<hbm>>
    %dma_start3A_475 = tpu.memref_slice %arg7[%dma_start3A_465] : memref<8x!tpu.dma_semaphore, #tpu.memory_space<semaphore_mem>> -> memref<1x!tpu.dma_semaphore, #tpu.memory_space<semaphore_mem>>
    %dma_start3A_476 = tpu.memref_squeeze %dma_start3A_475 : memref<1x!tpu.dma_semaphore, #tpu.memory_space<semaphore_mem>> -> memref<!tpu.dma_semaphore, #tpu.memory_space<semaphore_mem>>
    tpu.enqueue_indirect_dma source(%dma_start3A_474 : memref<1000001x64xf32, #tpu.memory_space<hbm>>) target(%dma_start3A_469 : memref<128x64xf32, #tpu.memory_space<vmem>>) offsets(%dma_start3A_471 : memref<128xi32, #tpu.memory_space<vmem>>) semaphore(%dma_start3A_476 : memref<!tpu.dma_semaphore, #tpu.memory_space<semaphore_mem>>)
    %dma_wait3A_477 = arith.constant 7 : i32
    %dma_wait3A_478 = arith.constant 7 : i32
    %dma_wait3A_479 = arith.constant 0 : i32
    %dma_wait3A_480 = arith.constant 0 : i32
    %dma_wait3A_481 = tpu.memref_slice %arg6[%dma_wait3A_477, %dma_wait3A_479, %dma_wait3A_480] : memref<8x128x64xf32, #tpu.memory_space<vmem>> -> memref<1x128x64xf32, #tpu.memory_space<vmem>>
    %dma_wait3A_482 = tpu.memref_squeeze %dma_wait3A_481 : memref<1x128x64xf32, #tpu.memory_space<vmem>> -> memref<128x64xf32, #tpu.memory_space<vmem>>
    %dma_wait3A_483 = arith.constant 896 : i32
    %dma_wait3A_484 = tpu.memref_slice %arg5[%dma_wait3A_483] : memref<25600xi32, #tpu.memory_space<vmem>> -> memref<128xi32, #tpu.memory_space<vmem>>
    %dma_wait3A_485 = arith.constant 0 : i32
    %dma_wait3A_486 = arith.constant 0 : i32
    %dma_wait3A_487 = tpu.memref_slice %arg3[%dma_wait3A_485, %dma_wait3A_486] : memref<1000001x64xf32, #tpu.memory_space<hbm>> -> memref<1000001x64xf32, #tpu.memory_space<hbm>>
    %dma_wait3A_488 = tpu.memref_slice %arg7[%dma_wait3A_478] : memref<8x!tpu.dma_semaphore, #tpu.memory_space<semaphore_mem>> -> memref<1x!tpu.dma_semaphore, #tpu.memory_space<semaphore_mem>>
    %dma_wait3A_489 = tpu.memref_squeeze %dma_wait3A_488 : memref<1x!tpu.dma_semaphore, #tpu.memory_space<semaphore_mem>> -> memref<!tpu.dma_semaphore, #tpu.memory_space<semaphore_mem>>
    tpu.wait_indirect_dma semaphore(%dma_wait3A_489 : memref<!tpu.dma_semaphore, #tpu.memory_space<semaphore_mem>>) src(%dma_wait3A_487 : memref<1000001x64xf32, #tpu.memory_space<hbm>>) dst(%dma_wait3A_482 : memref<128x64xf32, #tpu.memory_space<vmem>>)
    %add3A_490 = arith.constant 896 : i32
    %add3A_491 = arith.addi %mul3A_2, %add3A_490 : i32
    %dma_start3A_492 = arith.constant 7 : i32
    %dma_start3A_493 = arith.constant 7 : i32
    %dma_start3A_494 = arith.constant 0 : i32
    %dma_start3A_495 = arith.constant 0 : i32
    %dma_start3A_496 = tpu.memref_slice %arg6[%dma_start3A_492, %dma_start3A_494, %dma_start3A_495] : memref<8x128x64xf32, #tpu.memory_space<vmem>> -> memref<1x128x64xf32, #tpu.memory_space<vmem>>
    %dma_start3A_497 = tpu.memref_squeeze %dma_start3A_496 : memref<1x128x64xf32, #tpu.memory_space<vmem>> -> memref<128x64xf32, #tpu.memory_space<vmem>>
    %dma_start3A_498 = arith.constant 0 : i32
    %dma_start3A_499 = tpu.memref_slice %arg4[%add3A_491, %dma_start3A_498] : memref<819200x64xf32, #tpu.memory_space<hbm>> -> memref<128x64xf32, #tpu.memory_space<hbm>>
    %dma_start3A_500 = tpu.memref_slice %arg8[%dma_start3A_493] : memref<8x!tpu.dma_semaphore, #tpu.memory_space<semaphore_mem>> -> memref<1x!tpu.dma_semaphore, #tpu.memory_space<semaphore_mem>>
    %dma_start3A_501 = tpu.memref_squeeze %dma_start3A_500 : memref<1x!tpu.dma_semaphore, #tpu.memory_space<semaphore_mem>> -> memref<!tpu.dma_semaphore, #tpu.memory_space<semaphore_mem>>
    %dma_start3A_502 = arith.constant 0 : i32
    %dma_start3A_503 = tpu.memref_slice %arg4[%add3A_491, %dma_start3A_502] : memref<819200x64xf32, #tpu.memory_space<hbm>> -> memref<128x64xf32, #tpu.memory_space<hbm>>
    %dma_start3A_504 = arith.constant 0 : i32
    %dma_start3A_505 = arith.constant 0 : i32
    %dma_start3A_506 = tpu.memref_slice %arg6[%dma_start3A_492, %dma_start3A_504, %dma_start3A_505] : memref<8x128x64xf32, #tpu.memory_space<vmem>> -> memref<1x128x64xf32, #tpu.memory_space<vmem>>
    %dma_start3A_507 = tpu.memref_squeeze %dma_start3A_506 : memref<1x128x64xf32, #tpu.memory_space<vmem>> -> memref<128x64xf32, #tpu.memory_space<vmem>>
    tpu.enqueue_dma source(%dma_start3A_507 : memref<128x64xf32, #tpu.memory_space<vmem>>) target(%dma_start3A_503 : memref<128x64xf32, #tpu.memory_space<hbm>>) target_semaphore(%dma_start3A_501 : memref<!tpu.dma_semaphore, #tpu.memory_space<semaphore_mem>>)
    %add3A_508 = arith.constant 640 : i32
    %add3A_509 = arith.addi %mul3A_2, %add3A_508 : i32
    %dma_wait3A_510 = arith.constant 5 : i32
    %dma_wait3A_511 = arith.constant 5 : i32
    %dma_wait3A_512 = arith.constant 0 : i32
    %dma_wait3A_513 = arith.constant 0 : i32
    %dma_wait3A_514 = tpu.memref_slice %arg6[%dma_wait3A_510, %dma_wait3A_512, %dma_wait3A_513] : memref<8x128x64xf32, #tpu.memory_space<vmem>> -> memref<1x128x64xf32, #tpu.memory_space<vmem>>
    %dma_wait3A_515 = tpu.memref_squeeze %dma_wait3A_514 : memref<1x128x64xf32, #tpu.memory_space<vmem>> -> memref<128x64xf32, #tpu.memory_space<vmem>>
    %dma_wait3A_516 = arith.constant 0 : i32
    %dma_wait3A_517 = tpu.memref_slice %arg4[%add3A_509, %dma_wait3A_516] : memref<819200x64xf32, #tpu.memory_space<hbm>> -> memref<128x64xf32, #tpu.memory_space<hbm>>
    %dma_wait3A_518 = tpu.memref_slice %arg8[%dma_wait3A_511] : memref<8x!tpu.dma_semaphore, #tpu.memory_space<semaphore_mem>> -> memref<1x!tpu.dma_semaphore, #tpu.memory_space<semaphore_mem>>
    %dma_wait3A_519 = tpu.memref_squeeze %dma_wait3A_518 : memref<1x!tpu.dma_semaphore, #tpu.memory_space<semaphore_mem>> -> memref<!tpu.dma_semaphore, #tpu.memory_space<semaphore_mem>>
    %dma_wait3A_520 = arith.constant 0 : i32
    %dma_wait3A_521 = tpu.memref_slice %arg4[%add3A_509, %dma_wait3A_520] : memref<819200x64xf32, #tpu.memory_space<hbm>> -> memref<128x64xf32, #tpu.memory_space<hbm>>
    %dma_wait3A_522 = arith.constant 0 : i32
    %dma_wait3A_523 = arith.constant 0 : i32
    %dma_wait3A_524 = tpu.memref_slice %arg6[%dma_wait3A_510, %dma_wait3A_522, %dma_wait3A_523] : memref<8x128x64xf32, #tpu.memory_space<vmem>> -> memref<1x128x64xf32, #tpu.memory_space<vmem>>
    %dma_wait3A_525 = tpu.memref_squeeze %dma_wait3A_524 : memref<1x128x64xf32, #tpu.memory_space<vmem>> -> memref<128x64xf32, #tpu.memory_space<vmem>>
    tpu.wait_dma2 semaphore(%dma_wait3A_519 : memref<!tpu.dma_semaphore, #tpu.memory_space<semaphore_mem>>) src(%dma_wait3A_525 : memref<128x64xf32, #tpu.memory_space<vmem>>) dst(%dma_wait3A_521 : memref<128x64xf32, #tpu.memory_space<hbm>>)
    %dma_start3A_526 = arith.constant 5 : i32
    %dma_start3A_527 = arith.constant 5 : i32
    %dma_start3A_528 = arith.constant 0 : i32
    %dma_start3A_529 = arith.constant 0 : i32
    %dma_start3A_530 = tpu.memref_slice %arg6[%dma_start3A_526, %dma_start3A_528, %dma_start3A_529] : memref<8x128x64xf32, #tpu.memory_space<vmem>> -> memref<1x128x64xf32, #tpu.memory_space<vmem>>
    %dma_start3A_531 = tpu.memref_squeeze %dma_start3A_530 : memref<1x128x64xf32, #tpu.memory_space<vmem>> -> memref<128x64xf32, #tpu.memory_space<vmem>>
    %dma_start3A_532 = arith.constant 1664 : i32
    %dma_start3A_533 = tpu.memref_slice %arg5[%dma_start3A_532] : memref<25600xi32, #tpu.memory_space<vmem>> -> memref<128xi32, #tpu.memory_space<vmem>>
    %dma_start3A_534 = arith.constant 0 : i32
    %dma_start3A_535 = arith.constant 0 : i32
    %dma_start3A_536 = tpu.memref_slice %arg3[%dma_start3A_534, %dma_start3A_535] : memref<1000001x64xf32, #tpu.memory_space<hbm>> -> memref<1000001x64xf32, #tpu.memory_space<hbm>>
    %dma_start3A_537 = tpu.memref_slice %arg7[%dma_start3A_527] : memref<8x!tpu.dma_semaphore, #tpu.memory_space<semaphore_mem>> -> memref<1x!tpu.dma_semaphore, #tpu.memory_space<semaphore_mem>>
    %dma_start3A_538 = tpu.memref_squeeze %dma_start3A_537 : memref<1x!tpu.dma_semaphore, #tpu.memory_space<semaphore_mem>> -> memref<!tpu.dma_semaphore, #tpu.memory_space<semaphore_mem>>
    tpu.enqueue_indirect_dma source(%dma_start3A_536 : memref<1000001x64xf32, #tpu.memory_space<hbm>>) target(%dma_start3A_531 : memref<128x64xf32, #tpu.memory_space<vmem>>) offsets(%dma_start3A_533 : memref<128xi32, #tpu.memory_space<vmem>>) semaphore(%dma_start3A_538 : memref<!tpu.dma_semaphore, #tpu.memory_space<semaphore_mem>>)
    %scan3A = arith.constant 1 : i32
    %scan3A_539 = arith.constant 23 : i32
    %scan3A_540 = arith.addi %scan3A, %scan3A_539 : i32
    %scan3A_541 = arith.constant 1 : i32
    scf.for %scan3A_997 = %scan3A to %scan3A_540 step %scan3A_541  : i32 {
      %mul3A_998 = arith.constant 8 : i32
      %mul3A_999 = arith.muli %scan3A_997, %mul3A_998 : i32
      %add3A_1000 = arith.constant 0 : i32
      %add3A_1001 = arith.addi %mul3A_999, %add3A_1000 : i32
      %mul3A_1002 = arith.constant 128 : i32
      %mul3A_1003 = arith.muli %add3A_1001, %mul3A_1002 : i32
      %dma_wait3A_1004 = arith.constant 0 : i32
      %dma_wait3A_1005 = arith.constant 0 : i32
      %dma_wait3A_1006 = arith.constant 0 : i32
      %dma_wait3A_1007 = arith.constant 0 : i32
      %dma_wait3A_1008 = tpu.memref_slice %arg6[%dma_wait3A_1004, %dma_wait3A_1006, %dma_wait3A_1007] : memref<8x128x64xf32, #tpu.memory_space<vmem>> -> memref<1x128x64xf32, #tpu.memory_space<vmem>>
      %dma_wait3A_1009 = tpu.memref_squeeze %dma_wait3A_1008 : memref<1x128x64xf32, #tpu.memory_space<vmem>> -> memref<128x64xf32, #tpu.memory_space<vmem>>
      %dma_wait3A_1010 = tpu.memref_slice %arg5[%mul3A_1003] : memref<25600xi32, #tpu.memory_space<vmem>> -> memref<128xi32, #tpu.memory_space<vmem>>
      %dma_wait3A_1011 = arith.constant 0 : i32
      %dma_wait3A_1012 = arith.constant 0 : i32
      %dma_wait3A_1013 = tpu.memref_slice %arg3[%dma_wait3A_1011, %dma_wait3A_1012] : memref<1000001x64xf32, #tpu.memory_space<hbm>> -> memref<1000001x64xf32, #tpu.memory_space<hbm>>
      %dma_wait3A_1014 = tpu.memref_slice %arg7[%dma_wait3A_1005] : memref<8x!tpu.dma_semaphore, #tpu.memory_space<semaphore_mem>> -> memref<1x!tpu.dma_semaphore, #tpu.memory_space<semaphore_mem>>
      %dma_wait3A_1015 = tpu.memref_squeeze %dma_wait3A_1014 : memref<1x!tpu.dma_semaphore, #tpu.memory_space<semaphore_mem>> -> memref<!tpu.dma_semaphore, #tpu.memory_space<semaphore_mem>>
      tpu.wait_indirect_dma semaphore(%dma_wait3A_1015 : memref<!tpu.dma_semaphore, #tpu.memory_space<semaphore_mem>>) src(%dma_wait3A_1013 : memref<1000001x64xf32, #tpu.memory_space<hbm>>) dst(%dma_wait3A_1009 : memref<128x64xf32, #tpu.memory_space<vmem>>)
      %mul3A_1016 = arith.constant 128 : i32
      %mul3A_1017 = arith.muli %add3A_1001, %mul3A_1016 : i32
      %add3A_1018 = arith.addi %mul3A_2, %mul3A_1017 : i32
      %dma_start3A_1019 = arith.constant 0 : i32
      %dma_start3A_1020 = arith.constant 0 : i32
      %dma_start3A_1021 = arith.constant 0 : i32
      %dma_start3A_1022 = arith.constant 0 : i32
      %dma_start3A_1023 = tpu.memref_slice %arg6[%dma_start3A_1019, %dma_start3A_1021, %dma_start3A_1022] : memref<8x128x64xf32, #tpu.memory_space<vmem>> -> memref<1x128x64xf32, #tpu.memory_space<vmem>>
      %dma_start3A_1024 = tpu.memref_squeeze %dma_start3A_1023 : memref<1x128x64xf32, #tpu.memory_space<vmem>> -> memref<128x64xf32, #tpu.memory_space<vmem>>
      %dma_start3A_1025 = arith.constant 0 : i32
      %dma_start3A_1026 = tpu.memref_slice %arg4[%add3A_1018, %dma_start3A_1025] : memref<819200x64xf32, #tpu.memory_space<hbm>> -> memref<128x64xf32, #tpu.memory_space<hbm>>
      %dma_start3A_1027 = tpu.memref_slice %arg8[%dma_start3A_1020] : memref<8x!tpu.dma_semaphore, #tpu.memory_space<semaphore_mem>> -> memref<1x!tpu.dma_semaphore, #tpu.memory_space<semaphore_mem>>
      %dma_start3A_1028 = tpu.memref_squeeze %dma_start3A_1027 : memref<1x!tpu.dma_semaphore, #tpu.memory_space<semaphore_mem>> -> memref<!tpu.dma_semaphore, #tpu.memory_space<semaphore_mem>>
      %dma_start3A_1029 = arith.constant 0 : i32
      %dma_start3A_1030 = tpu.memref_slice %arg4[%add3A_1018, %dma_start3A_1029] : memref<819200x64xf32, #tpu.memory_space<hbm>> -> memref<128x64xf32, #tpu.memory_space<hbm>>
      %dma_start3A_1031 = arith.constant 0 : i32
      %dma_start3A_1032 = arith.constant 0 : i32
      %dma_start3A_1033 = tpu.memref_slice %arg6[%dma_start3A_1019, %dma_start3A_1031, %dma_start3A_1032] : memref<8x128x64xf32, #tpu.memory_space<vmem>> -> memref<1x128x64xf32, #tpu.memory_space<vmem>>
      %dma_start3A_1034 = tpu.memref_squeeze %dma_start3A_1033 : memref<1x128x64xf32, #tpu.memory_space<vmem>> -> memref<128x64xf32, #tpu.memory_space<vmem>>
      tpu.enqueue_dma source(%dma_start3A_1034 : memref<128x64xf32, #tpu.memory_space<vmem>>) target(%dma_start3A_1030 : memref<128x64xf32, #tpu.memory_space<hbm>>) target_semaphore(%dma_start3A_1028 : memref<!tpu.dma_semaphore, #tpu.memory_space<semaphore_mem>>)
      %add3A_1035 = arith.constant 6 : i32
      %add3A_1036 = arith.addi %add3A_1001, %add3A_1035 : i32
      %sub3A = arith.constant 8 : i32
      %sub3A_1037 = arith.subi %add3A_1036, %sub3A : i32
      %mul3A_1038 = arith.constant 128 : i32
      %mul3A_1039 = arith.muli %sub3A_1037, %mul3A_1038 : i32
      %add3A_1040 = arith.addi %mul3A_2, %mul3A_1039 : i32
      %dma_wait3A_1041 = arith.constant 6 : i32
      %dma_wait3A_1042 = arith.constant 6 : i32
      %dma_wait3A_1043 = arith.constant 0 : i32
      %dma_wait3A_1044 = arith.constant 0 : i32
      %dma_wait3A_1045 = tpu.memref_slice %arg6[%dma_wait3A_1041, %dma_wait3A_1043, %dma_wait3A_1044] : memref<8x128x64xf32, #tpu.memory_space<vmem>> -> memref<1x128x64xf32, #tpu.memory_space<vmem>>
      %dma_wait3A_1046 = tpu.memref_squeeze %dma_wait3A_1045 : memref<1x128x64xf32, #tpu.memory_space<vmem>> -> memref<128x64xf32, #tpu.memory_space<vmem>>
      %dma_wait3A_1047 = arith.constant 0 : i32
      %dma_wait3A_1048 = tpu.memref_slice %arg4[%add3A_1040, %dma_wait3A_1047] : memref<819200x64xf32, #tpu.memory_space<hbm>> -> memref<128x64xf32, #tpu.memory_space<hbm>>
      %dma_wait3A_1049 = tpu.memref_slice %arg8[%dma_wait3A_1042] : memref<8x!tpu.dma_semaphore, #tpu.memory_space<semaphore_mem>> -> memref<1x!tpu.dma_semaphore, #tpu.memory_space<semaphore_mem>>
      %dma_wait3A_1050 = tpu.memref_squeeze %dma_wait3A_1049 : memref<1x!tpu.dma_semaphore, #tpu.memory_space<semaphore_mem>> -> memref<!tpu.dma_semaphore, #tpu.memory_space<semaphore_mem>>
      %dma_wait3A_1051 = arith.constant 0 : i32
      %dma_wait3A_1052 = tpu.memref_slice %arg4[%add3A_1040, %dma_wait3A_1051] : memref<819200x64xf32, #tpu.memory_space<hbm>> -> memref<128x64xf32, #tpu.memory_space<hbm>>
      %dma_wait3A_1053 = arith.constant 0 : i32
      %dma_wait3A_1054 = arith.constant 0 : i32
      %dma_wait3A_1055 = tpu.memref_slice %arg6[%dma_wait3A_1041, %dma_wait3A_1053, %dma_wait3A_1054] : memref<8x128x64xf32, #tpu.memory_space<vmem>> -> memref<1x128x64xf32, #tpu.memory_space<vmem>>
      %dma_wait3A_1056 = tpu.memref_squeeze %dma_wait3A_1055 : memref<1x128x64xf32, #tpu.memory_space<vmem>> -> memref<128x64xf32, #tpu.memory_space<vmem>>
      tpu.wait_dma2 semaphore(%dma_wait3A_1050 : memref<!tpu.dma_semaphore, #tpu.memory_space<semaphore_mem>>) src(%dma_wait3A_1056 : memref<128x64xf32, #tpu.memory_space<vmem>>) dst(%dma_wait3A_1052 : memref<128x64xf32, #tpu.memory_space<hbm>>)
      %mul3A_1057 = arith.constant 128 : i32
      %mul3A_1058 = arith.muli %add3A_1036, %mul3A_1057 : i32
      %dma_start3A_1059 = arith.constant 6 : i32
      %dma_start3A_1060 = arith.constant 6 : i32
      %dma_start3A_1061 = arith.constant 0 : i32
      %dma_start3A_1062 = arith.constant 0 : i32
      %dma_start3A_1063 = tpu.memref_slice %arg6[%dma_start3A_1059, %dma_start3A_1061, %dma_start3A_1062] : memref<8x128x64xf32, #tpu.memory_space<vmem>> -> memref<1x128x64xf32, #tpu.memory_space<vmem>>
      %dma_start3A_1064 = tpu.memref_squeeze %dma_start3A_1063 : memref<1x128x64xf32, #tpu.memory_space<vmem>> -> memref<128x64xf32, #tpu.memory_space<vmem>>
      %dma_start3A_1065 = tpu.memref_slice %arg5[%mul3A_1058] : memref<25600xi32, #tpu.memory_space<vmem>> -> memref<128xi32, #tpu.memory_space<vmem>>
      %dma_start3A_1066 = arith.constant 0 : i32
      %dma_start3A_1067 = arith.constant 0 : i32
      %dma_start3A_1068 = tpu.memref_slice %arg3[%dma_start3A_1066, %dma_start3A_1067] : memref<1000001x64xf32, #tpu.memory_space<hbm>> -> memref<1000001x64xf32, #tpu.memory_space<hbm>>
      %dma_start3A_1069 = tpu.memref_slice %arg7[%dma_start3A_1060] : memref<8x!tpu.dma_semaphore, #tpu.memory_space<semaphore_mem>> -> memref<1x!tpu.dma_semaphore, #tpu.memory_space<semaphore_mem>>
      %dma_start3A_1070 = tpu.memref_squeeze %dma_start3A_1069 : memref<1x!tpu.dma_semaphore, #tpu.memory_space<semaphore_mem>> -> memref<!tpu.dma_semaphore, #tpu.memory_space<semaphore_mem>>
      tpu.enqueue_indirect_dma source(%dma_start3A_1068 : memref<1000001x64xf32, #tpu.memory_space<hbm>>) target(%dma_start3A_1064 : memref<128x64xf32, #tpu.memory_space<vmem>>) offsets(%dma_start3A_1065 : memref<128xi32, #tpu.memory_space<vmem>>) semaphore(%dma_start3A_1070 : memref<!tpu.dma_semaphore, #tpu.memory_space<semaphore_mem>>)
      %mul3A_1071 = arith.constant 8 : i32
      %mul3A_1072 = arith.muli %scan3A_997, %mul3A_1071 : i32
      %add3A_1073 = arith.constant 1 : i32
      %add3A_1074 = arith.addi %mul3A_1072, %add3A_1073 : i32
      %mul3A_1075 = arith.constant 128 : i32
      %mul3A_1076 = arith.muli %add3A_1074, %mul3A_1075 : i32
      %dma_wait3A_1077 = arith.constant 1 : i32
      %dma_wait3A_1078 = arith.constant 1 : i32
      %dma_wait3A_1079 = arith.constant 0 : i32
      %dma_wait3A_1080 = arith.constant 0 : i32
      %dma_wait3A_1081 = tpu.memref_slice %arg6[%dma_wait3A_1077, %dma_wait3A_1079, %dma_wait3A_1080] : memref<8x128x64xf32, #tpu.memory_space<vmem>> -> memref<1x128x64xf32, #tpu.memory_space<vmem>>
      %dma_wait3A_1082 = tpu.memref_squeeze %dma_wait3A_1081 : memref<1x128x64xf32, #tpu.memory_space<vmem>> -> memref<128x64xf32, #tpu.memory_space<vmem>>
      %dma_wait3A_1083 = tpu.memref_slice %arg5[%mul3A_1076] : memref<25600xi32, #tpu.memory_space<vmem>> -> memref<128xi32, #tpu.memory_space<vmem>>
      %dma_wait3A_1084 = arith.constant 0 : i32
      %dma_wait3A_1085 = arith.constant 0 : i32
      %dma_wait3A_1086 = tpu.memref_slice %arg3[%dma_wait3A_1084, %dma_wait3A_1085] : memref<1000001x64xf32, #tpu.memory_space<hbm>> -> memref<1000001x64xf32, #tpu.memory_space<hbm>>
      %dma_wait3A_1087 = tpu.memref_slice %arg7[%dma_wait3A_1078] : memref<8x!tpu.dma_semaphore, #tpu.memory_space<semaphore_mem>> -> memref<1x!tpu.dma_semaphore, #tpu.memory_space<semaphore_mem>>
      %dma_wait3A_1088 = tpu.memref_squeeze %dma_wait3A_1087 : memref<1x!tpu.dma_semaphore, #tpu.memory_space<semaphore_mem>> -> memref<!tpu.dma_semaphore, #tpu.memory_space<semaphore_mem>>
      tpu.wait_indirect_dma semaphore(%dma_wait3A_1088 : memref<!tpu.dma_semaphore, #tpu.memory_space<semaphore_mem>>) src(%dma_wait3A_1086 : memref<1000001x64xf32, #tpu.memory_space<hbm>>) dst(%dma_wait3A_1082 : memref<128x64xf32, #tpu.memory_space<vmem>>)
      %mul3A_1089 = arith.constant 128 : i32
      %mul3A_1090 = arith.muli %add3A_1074, %mul3A_1089 : i32
      %add3A_1091 = arith.addi %mul3A_2, %mul3A_1090 : i32
      %dma_start3A_1092 = arith.constant 1 : i32
      %dma_start3A_1093 = arith.constant 1 : i32
      %dma_start3A_1094 = arith.constant 0 : i32
      %dma_start3A_1095 = arith.constant 0 : i32
      %dma_start3A_1096 = tpu.memref_slice %arg6[%dma_start3A_1092, %dma_start3A_1094, %dma_start3A_1095] : memref<8x128x64xf32, #tpu.memory_space<vmem>> -> memref<1x128x64xf32, #tpu.memory_space<vmem>>
      %dma_start3A_1097 = tpu.memref_squeeze %dma_start3A_1096 : memref<1x128x64xf32, #tpu.memory_space<vmem>> -> memref<128x64xf32, #tpu.memory_space<vmem>>
      %dma_start3A_1098 = arith.constant 0 : i32
      %dma_start3A_1099 = tpu.memref_slice %arg4[%add3A_1091, %dma_start3A_1098] : memref<819200x64xf32, #tpu.memory_space<hbm>> -> memref<128x64xf32, #tpu.memory_space<hbm>>
      %dma_start3A_1100 = tpu.memref_slice %arg8[%dma_start3A_1093] : memref<8x!tpu.dma_semaphore, #tpu.memory_space<semaphore_mem>> -> memref<1x!tpu.dma_semaphore, #tpu.memory_space<semaphore_mem>>
      %dma_start3A_1101 = tpu.memref_squeeze %dma_start3A_1100 : memref<1x!tpu.dma_semaphore, #tpu.memory_space<semaphore_mem>> -> memref<!tpu.dma_semaphore, #tpu.memory_space<semaphore_mem>>
      %dma_start3A_1102 = arith.constant 0 : i32
      %dma_start3A_1103 = tpu.memref_slice %arg4[%add3A_1091, %dma_start3A_1102] : memref<819200x64xf32, #tpu.memory_space<hbm>> -> memref<128x64xf32, #tpu.memory_space<hbm>>
      %dma_start3A_1104 = arith.constant 0 : i32
      %dma_start3A_1105 = arith.constant 0 : i32
      %dma_start3A_1106 = tpu.memref_slice %arg6[%dma_start3A_1092, %dma_start3A_1104, %dma_start3A_1105] : memref<8x128x64xf32, #tpu.memory_space<vmem>> -> memref<1x128x64xf32, #tpu.memory_space<vmem>>
      %dma_start3A_1107 = tpu.memref_squeeze %dma_start3A_1106 : memref<1x128x64xf32, #tpu.memory_space<vmem>> -> memref<128x64xf32, #tpu.memory_space<vmem>>
      tpu.enqueue_dma source(%dma_start3A_1107 : memref<128x64xf32, #tpu.memory_space<vmem>>) target(%dma_start3A_1103 : memref<128x64xf32, #tpu.memory_space<hbm>>) target_semaphore(%dma_start3A_1101 : memref<!tpu.dma_semaphore, #tpu.memory_space<semaphore_mem>>)
      %add3A_1108 = arith.constant 6 : i32
      %add3A_1109 = arith.addi %add3A_1074, %add3A_1108 : i32
      %sub3A_1110 = arith.constant 8 : i32
      %sub3A_1111 = arith.subi %add3A_1109, %sub3A_1110 : i32
      %mul3A_1112 = arith.constant 128 : i32
      %mul3A_1113 = arith.muli %sub3A_1111, %mul3A_1112 : i32
      %add3A_1114 = arith.addi %mul3A_2, %mul3A_1113 : i32
      %dma_wait3A_1115 = arith.constant 7 : i32
      %dma_wait3A_1116 = arith.constant 7 : i32
      %dma_wait3A_1117 = arith.constant 0 : i32
      %dma_wait3A_1118 = arith.constant 0 : i32
      %dma_wait3A_1119 = tpu.memref_slice %arg6[%dma_wait3A_1115, %dma_wait3A_1117, %dma_wait3A_1118] : memref<8x128x64xf32, #tpu.memory_space<vmem>> -> memref<1x128x64xf32, #tpu.memory_space<vmem>>
      %dma_wait3A_1120 = tpu.memref_squeeze %dma_wait3A_1119 : memref<1x128x64xf32, #tpu.memory_space<vmem>> -> memref<128x64xf32, #tpu.memory_space<vmem>>
      %dma_wait3A_1121 = arith.constant 0 : i32
      %dma_wait3A_1122 = tpu.memref_slice %arg4[%add3A_1114, %dma_wait3A_1121] : memref<819200x64xf32, #tpu.memory_space<hbm>> -> memref<128x64xf32, #tpu.memory_space<hbm>>
      %dma_wait3A_1123 = tpu.memref_slice %arg8[%dma_wait3A_1116] : memref<8x!tpu.dma_semaphore, #tpu.memory_space<semaphore_mem>> -> memref<1x!tpu.dma_semaphore, #tpu.memory_space<semaphore_mem>>
      %dma_wait3A_1124 = tpu.memref_squeeze %dma_wait3A_1123 : memref<1x!tpu.dma_semaphore, #tpu.memory_space<semaphore_mem>> -> memref<!tpu.dma_semaphore, #tpu.memory_space<semaphore_mem>>
      %dma_wait3A_1125 = arith.constant 0 : i32
      %dma_wait3A_1126 = tpu.memref_slice %arg4[%add3A_1114, %dma_wait3A_1125] : memref<819200x64xf32, #tpu.memory_space<hbm>> -> memref<128x64xf32, #tpu.memory_space<hbm>>
      %dma_wait3A_1127 = arith.constant 0 : i32
      %dma_wait3A_1128 = arith.constant 0 : i32
      %dma_wait3A_1129 = tpu.memref_slice %arg6[%dma_wait3A_1115, %dma_wait3A_1127, %dma_wait3A_1128] : memref<8x128x64xf32, #tpu.memory_space<vmem>> -> memref<1x128x64xf32, #tpu.memory_space<vmem>>
      %dma_wait3A_1130 = tpu.memref_squeeze %dma_wait3A_1129 : memref<1x128x64xf32, #tpu.memory_space<vmem>> -> memref<128x64xf32, #tpu.memory_space<vmem>>
      tpu.wait_dma2 semaphore(%dma_wait3A_1124 : memref<!tpu.dma_semaphore, #tpu.memory_space<semaphore_mem>>) src(%dma_wait3A_1130 : memref<128x64xf32, #tpu.memory_space<vmem>>) dst(%dma_wait3A_1126 : memref<128x64xf32, #tpu.memory_space<hbm>>)
      %mul3A_1131 = arith.constant 128 : i32
      %mul3A_1132 = arith.muli %add3A_1109, %mul3A_1131 : i32
      %dma_start3A_1133 = arith.constant 7 : i32
      %dma_start3A_1134 = arith.constant 7 : i32
      %dma_start3A_1135 = arith.constant 0 : i32
      %dma_start3A_1136 = arith.constant 0 : i32
      %dma_start3A_1137 = tpu.memref_slice %arg6[%dma_start3A_1133, %dma_start3A_1135, %dma_start3A_1136] : memref<8x128x64xf32, #tpu.memory_space<vmem>> -> memref<1x128x64xf32, #tpu.memory_space<vmem>>
      %dma_start3A_1138 = tpu.memref_squeeze %dma_start3A_1137 : memref<1x128x64xf32, #tpu.memory_space<vmem>> -> memref<128x64xf32, #tpu.memory_space<vmem>>
      %dma_start3A_1139 = tpu.memref_slice %arg5[%mul3A_1132] : memref<25600xi32, #tpu.memory_space<vmem>> -> memref<128xi32, #tpu.memory_space<vmem>>
      %dma_start3A_1140 = arith.constant 0 : i32
      %dma_start3A_1141 = arith.constant 0 : i32
      %dma_start3A_1142 = tpu.memref_slice %arg3[%dma_start3A_1140, %dma_start3A_1141] : memref<1000001x64xf32, #tpu.memory_space<hbm>> -> memref<1000001x64xf32, #tpu.memory_space<hbm>>
      %dma_start3A_1143 = tpu.memref_slice %arg7[%dma_start3A_1134] : memref<8x!tpu.dma_semaphore, #tpu.memory_space<semaphore_mem>> -> memref<1x!tpu.dma_semaphore, #tpu.memory_space<semaphore_mem>>
      %dma_start3A_1144 = tpu.memref_squeeze %dma_start3A_1143 : memref<1x!tpu.dma_semaphore, #tpu.memory_space<semaphore_mem>> -> memref<!tpu.dma_semaphore, #tpu.memory_space<semaphore_mem>>
      tpu.enqueue_indirect_dma source(%dma_start3A_1142 : memref<1000001x64xf32, #tpu.memory_space<hbm>>) target(%dma_start3A_1138 : memref<128x64xf32, #tpu.memory_space<vmem>>) offsets(%dma_start3A_1139 : memref<128xi32, #tpu.memory_space<vmem>>) semaphore(%dma_start3A_1144 : memref<!tpu.dma_semaphore, #tpu.memory_space<semaphore_mem>>)
      %mul3A_1145 = arith.constant 8 : i32
      %mul3A_1146 = arith.muli %scan3A_997, %mul3A_1145 : i32
      %add3A_1147 = arith.constant 2 : i32
      %add3A_1148 = arith.addi %mul3A_1146, %add3A_1147 : i32
      %mul3A_1149 = arith.constant 128 : i32
      %mul3A_1150 = arith.muli %add3A_1148, %mul3A_1149 : i32
      %dma_wait3A_1151 = arith.constant 2 : i32
      %dma_wait3A_1152 = arith.constant 2 : i32
      %dma_wait3A_1153 = arith.constant 0 : i32
      %dma_wait3A_1154 = arith.constant 0 : i32
      %dma_wait3A_1155 = tpu.memref_slice %arg6[%dma_wait3A_1151, %dma_wait3A_1153, %dma_wait3A_1154] : memref<8x128x64xf32, #tpu.memory_space<vmem>> -> memref<1x128x64xf32, #tpu.memory_space<vmem>>
      %dma_wait3A_1156 = tpu.memref_squeeze %dma_wait3A_1155 : memref<1x128x64xf32, #tpu.memory_space<vmem>> -> memref<128x64xf32, #tpu.memory_space<vmem>>
      %dma_wait3A_1157 = tpu.memref_slice %arg5[%mul3A_1150] : memref<25600xi32, #tpu.memory_space<vmem>> -> memref<128xi32, #tpu.memory_space<vmem>>
      %dma_wait3A_1158 = arith.constant 0 : i32
      %dma_wait3A_1159 = arith.constant 0 : i32
      %dma_wait3A_1160 = tpu.memref_slice %arg3[%dma_wait3A_1158, %dma_wait3A_1159] : memref<1000001x64xf32, #tpu.memory_space<hbm>> -> memref<1000001x64xf32, #tpu.memory_space<hbm>>
      %dma_wait3A_1161 = tpu.memref_slice %arg7[%dma_wait3A_1152] : memref<8x!tpu.dma_semaphore, #tpu.memory_space<semaphore_mem>> -> memref<1x!tpu.dma_semaphore, #tpu.memory_space<semaphore_mem>>
      %dma_wait3A_1162 = tpu.memref_squeeze %dma_wait3A_1161 : memref<1x!tpu.dma_semaphore, #tpu.memory_space<semaphore_mem>> -> memref<!tpu.dma_semaphore, #tpu.memory_space<semaphore_mem>>
      tpu.wait_indirect_dma semaphore(%dma_wait3A_1162 : memref<!tpu.dma_semaphore, #tpu.memory_space<semaphore_mem>>) src(%dma_wait3A_1160 : memref<1000001x64xf32, #tpu.memory_space<hbm>>) dst(%dma_wait3A_1156 : memref<128x64xf32, #tpu.memory_space<vmem>>)
      %mul3A_1163 = arith.constant 128 : i32
      %mul3A_1164 = arith.muli %add3A_1148, %mul3A_1163 : i32
      %add3A_1165 = arith.addi %mul3A_2, %mul3A_1164 : i32
      %dma_start3A_1166 = arith.constant 2 : i32
      %dma_start3A_1167 = arith.constant 2 : i32
      %dma_start3A_1168 = arith.constant 0 : i32
      %dma_start3A_1169 = arith.constant 0 : i32
      %dma_start3A_1170 = tpu.memref_slice %arg6[%dma_start3A_1166, %dma_start3A_1168, %dma_start3A_1169] : memref<8x128x64xf32, #tpu.memory_space<vmem>> -> memref<1x128x64xf32, #tpu.memory_space<vmem>>
      %dma_start3A_1171 = tpu.memref_squeeze %dma_start3A_1170 : memref<1x128x64xf32, #tpu.memory_space<vmem>> -> memref<128x64xf32, #tpu.memory_space<vmem>>
      %dma_start3A_1172 = arith.constant 0 : i32
      %dma_start3A_1173 = tpu.memref_slice %arg4[%add3A_1165, %dma_start3A_1172] : memref<819200x64xf32, #tpu.memory_space<hbm>> -> memref<128x64xf32, #tpu.memory_space<hbm>>
      %dma_start3A_1174 = tpu.memref_slice %arg8[%dma_start3A_1167] : memref<8x!tpu.dma_semaphore, #tpu.memory_space<semaphore_mem>> -> memref<1x!tpu.dma_semaphore, #tpu.memory_space<semaphore_mem>>
      %dma_start3A_1175 = tpu.memref_squeeze %dma_start3A_1174 : memref<1x!tpu.dma_semaphore, #tpu.memory_space<semaphore_mem>> -> memref<!tpu.dma_semaphore, #tpu.memory_space<semaphore_mem>>
      %dma_start3A_1176 = arith.constant 0 : i32
      %dma_start3A_1177 = tpu.memref_slice %arg4[%add3A_1165, %dma_start3A_1176] : memref<819200x64xf32, #tpu.memory_space<hbm>> -> memref<128x64xf32, #tpu.memory_space<hbm>>
      %dma_start3A_1178 = arith.constant 0 : i32
      %dma_start3A_1179 = arith.constant 0 : i32
      %dma_start3A_1180 = tpu.memref_slice %arg6[%dma_start3A_1166, %dma_start3A_1178, %dma_start3A_1179] : memref<8x128x64xf32, #tpu.memory_space<vmem>> -> memref<1x128x64xf32, #tpu.memory_space<vmem>>
      %dma_start3A_1181 = tpu.memref_squeeze %dma_start3A_1180 : memref<1x128x64xf32, #tpu.memory_space<vmem>> -> memref<128x64xf32, #tpu.memory_space<vmem>>
      tpu.enqueue_dma source(%dma_start3A_1181 : memref<128x64xf32, #tpu.memory_space<vmem>>) target(%dma_start3A_1177 : memref<128x64xf32, #tpu.memory_space<hbm>>) target_semaphore(%dma_start3A_1175 : memref<!tpu.dma_semaphore, #tpu.memory_space<semaphore_mem>>)
      %add3A_1182 = arith.constant 6 : i32
      %add3A_1183 = arith.addi %add3A_1148, %add3A_1182 : i32
      %sub3A_1184 = arith.constant 8 : i32
      %sub3A_1185 = arith.subi %add3A_1183, %sub3A_1184 : i32
      %mul3A_1186 = arith.constant 128 : i32
      %mul3A_1187 = arith.muli %sub3A_1185, %mul3A_1186 : i32
      %add3A_1188 = arith.addi %mul3A_2, %mul3A_1187 : i32
      %dma_wait3A_1189 = arith.constant 0 : i32
      %dma_wait3A_1190 = arith.constant 0 : i32
      %dma_wait3A_1191 = arith.constant 0 : i32
      %dma_wait3A_1192 = arith.constant 0 : i32
      %dma_wait3A_1193 = tpu.memref_slice %arg6[%dma_wait3A_1189, %dma_wait3A_1191, %dma_wait3A_1192] : memref<8x128x64xf32, #tpu.memory_space<vmem>> -> memref<1x128x64xf32, #tpu.memory_space<vmem>>
      %dma_wait3A_1194 = tpu.memref_squeeze %dma_wait3A_1193 : memref<1x128x64xf32, #tpu.memory_space<vmem>> -> memref<128x64xf32, #tpu.memory_space<vmem>>
      %dma_wait3A_1195 = arith.constant 0 : i32
      %dma_wait3A_1196 = tpu.memref_slice %arg4[%add3A_1188, %dma_wait3A_1195] : memref<819200x64xf32, #tpu.memory_space<hbm>> -> memref<128x64xf32, #tpu.memory_space<hbm>>
      %dma_wait3A_1197 = tpu.memref_slice %arg8[%dma_wait3A_1190] : memref<8x!tpu.dma_semaphore, #tpu.memory_space<semaphore_mem>> -> memref<1x!tpu.dma_semaphore, #tpu.memory_space<semaphore_mem>>
      %dma_wait3A_1198 = tpu.memref_squeeze %dma_wait3A_1197 : memref<1x!tpu.dma_semaphore, #tpu.memory_space<semaphore_mem>> -> memref<!tpu.dma_semaphore, #tpu.memory_space<semaphore_mem>>
      %dma_wait3A_1199 = arith.constant 0 : i32
      %dma_wait3A_1200 = tpu.memref_slice %arg4[%add3A_1188, %dma_wait3A_1199] : memref<819200x64xf32, #tpu.memory_space<hbm>> -> memref<128x64xf32, #tpu.memory_space<hbm>>
      %dma_wait3A_1201 = arith.constant 0 : i32
      %dma_wait3A_1202 = arith.constant 0 : i32
      %dma_wait3A_1203 = tpu.memref_slice %arg6[%dma_wait3A_1189, %dma_wait3A_1201, %dma_wait3A_1202] : memref<8x128x64xf32, #tpu.memory_space<vmem>> -> memref<1x128x64xf32, #tpu.memory_space<vmem>>
      %dma_wait3A_1204 = tpu.memref_squeeze %dma_wait3A_1203 : memref<1x128x64xf32, #tpu.memory_space<vmem>> -> memref<128x64xf32, #tpu.memory_space<vmem>>
      tpu.wait_dma2 semaphore(%dma_wait3A_1198 : memref<!tpu.dma_semaphore, #tpu.memory_space<semaphore_mem>>) src(%dma_wait3A_1204 : memref<128x64xf32, #tpu.memory_space<vmem>>) dst(%dma_wait3A_1200 : memref<128x64xf32, #tpu.memory_space<hbm>>)
      %mul3A_1205 = arith.constant 128 : i32
      %mul3A_1206 = arith.muli %add3A_1183, %mul3A_1205 : i32
      %dma_start3A_1207 = arith.constant 0 : i32
      %dma_start3A_1208 = arith.constant 0 : i32
      %dma_start3A_1209 = arith.constant 0 : i32
      %dma_start3A_1210 = arith.constant 0 : i32
      %dma_start3A_1211 = tpu.memref_slice %arg6[%dma_start3A_1207, %dma_start3A_1209, %dma_start3A_1210] : memref<8x128x64xf32, #tpu.memory_space<vmem>> -> memref<1x128x64xf32, #tpu.memory_space<vmem>>
      %dma_start3A_1212 = tpu.memref_squeeze %dma_start3A_1211 : memref<1x128x64xf32, #tpu.memory_space<vmem>> -> memref<128x64xf32, #tpu.memory_space<vmem>>
      %dma_start3A_1213 = tpu.memref_slice %arg5[%mul3A_1206] : memref<25600xi32, #tpu.memory_space<vmem>> -> memref<128xi32, #tpu.memory_space<vmem>>
      %dma_start3A_1214 = arith.constant 0 : i32
      %dma_start3A_1215 = arith.constant 0 : i32
      %dma_start3A_1216 = tpu.memref_slice %arg3[%dma_start3A_1214, %dma_start3A_1215] : memref<1000001x64xf32, #tpu.memory_space<hbm>> -> memref<1000001x64xf32, #tpu.memory_space<hbm>>
      %dma_start3A_1217 = tpu.memref_slice %arg7[%dma_start3A_1208] : memref<8x!tpu.dma_semaphore, #tpu.memory_space<semaphore_mem>> -> memref<1x!tpu.dma_semaphore, #tpu.memory_space<semaphore_mem>>
      %dma_start3A_1218 = tpu.memref_squeeze %dma_start3A_1217 : memref<1x!tpu.dma_semaphore, #tpu.memory_space<semaphore_mem>> -> memref<!tpu.dma_semaphore, #tpu.memory_space<semaphore_mem>>
      tpu.enqueue_indirect_dma source(%dma_start3A_1216 : memref<1000001x64xf32, #tpu.memory_space<hbm>>) target(%dma_start3A_1212 : memref<128x64xf32, #tpu.memory_space<vmem>>) offsets(%dma_start3A_1213 : memref<128xi32, #tpu.memory_space<vmem>>) semaphore(%dma_start3A_1218 : memref<!tpu.dma_semaphore, #tpu.memory_space<semaphore_mem>>)
      %mul3A_1219 = arith.constant 8 : i32
      %mul3A_1220 = arith.muli %scan3A_997, %mul3A_1219 : i32
      %add3A_1221 = arith.constant 3 : i32
      %add3A_1222 = arith.addi %mul3A_1220, %add3A_1221 : i32
      %mul3A_1223 = arith.constant 128 : i32
      %mul3A_1224 = arith.muli %add3A_1222, %mul3A_1223 : i32
      %dma_wait3A_1225 = arith.constant 3 : i32
      %dma_wait3A_1226 = arith.constant 3 : i32
      %dma_wait3A_1227 = arith.constant 0 : i32
      %dma_wait3A_1228 = arith.constant 0 : i32
      %dma_wait3A_1229 = tpu.memref_slice %arg6[%dma_wait3A_1225, %dma_wait3A_1227, %dma_wait3A_1228] : memref<8x128x64xf32, #tpu.memory_space<vmem>> -> memref<1x128x64xf32, #tpu.memory_space<vmem>>
      %dma_wait3A_1230 = tpu.memref_squeeze %dma_wait3A_1229 : memref<1x128x64xf32, #tpu.memory_space<vmem>> -> memref<128x64xf32, #tpu.memory_space<vmem>>
      %dma_wait3A_1231 = tpu.memref_slice %arg5[%mul3A_1224] : memref<25600xi32, #tpu.memory_space<vmem>> -> memref<128xi32, #tpu.memory_space<vmem>>
      %dma_wait3A_1232 = arith.constant 0 : i32
      %dma_wait3A_1233 = arith.constant 0 : i32
      %dma_wait3A_1234 = tpu.memref_slice %arg3[%dma_wait3A_1232, %dma_wait3A_1233] : memref<1000001x64xf32, #tpu.memory_space<hbm>> -> memref<1000001x64xf32, #tpu.memory_space<hbm>>
      %dma_wait3A_1235 = tpu.memref_slice %arg7[%dma_wait3A_1226] : memref<8x!tpu.dma_semaphore, #tpu.memory_space<semaphore_mem>> -> memref<1x!tpu.dma_semaphore, #tpu.memory_space<semaphore_mem>>
      %dma_wait3A_1236 = tpu.memref_squeeze %dma_wait3A_1235 : memref<1x!tpu.dma_semaphore, #tpu.memory_space<semaphore_mem>> -> memref<!tpu.dma_semaphore, #tpu.memory_space<semaphore_mem>>
      tpu.wait_indirect_dma semaphore(%dma_wait3A_1236 : memref<!tpu.dma_semaphore, #tpu.memory_space<semaphore_mem>>) src(%dma_wait3A_1234 : memref<1000001x64xf32, #tpu.memory_space<hbm>>) dst(%dma_wait3A_1230 : memref<128x64xf32, #tpu.memory_space<vmem>>)
      %mul3A_1237 = arith.constant 128 : i32
      %mul3A_1238 = arith.muli %add3A_1222, %mul3A_1237 : i32
      %add3A_1239 = arith.addi %mul3A_2, %mul3A_1238 : i32
      %dma_start3A_1240 = arith.constant 3 : i32
      %dma_start3A_1241 = arith.constant 3 : i32
      %dma_start3A_1242 = arith.constant 0 : i32
      %dma_start3A_1243 = arith.constant 0 : i32
      %dma_start3A_1244 = tpu.memref_slice %arg6[%dma_start3A_1240, %dma_start3A_1242, %dma_start3A_1243] : memref<8x128x64xf32, #tpu.memory_space<vmem>> -> memref<1x128x64xf32, #tpu.memory_space<vmem>>
      %dma_start3A_1245 = tpu.memref_squeeze %dma_start3A_1244 : memref<1x128x64xf32, #tpu.memory_space<vmem>> -> memref<128x64xf32, #tpu.memory_space<vmem>>
      %dma_start3A_1246 = arith.constant 0 : i32
      %dma_start3A_1247 = tpu.memref_slice %arg4[%add3A_1239, %dma_start3A_1246] : memref<819200x64xf32, #tpu.memory_space<hbm>> -> memref<128x64xf32, #tpu.memory_space<hbm>>
      %dma_start3A_1248 = tpu.memref_slice %arg8[%dma_start3A_1241] : memref<8x!tpu.dma_semaphore, #tpu.memory_space<semaphore_mem>> -> memref<1x!tpu.dma_semaphore, #tpu.memory_space<semaphore_mem>>
      %dma_start3A_1249 = tpu.memref_squeeze %dma_start3A_1248 : memref<1x!tpu.dma_semaphore, #tpu.memory_space<semaphore_mem>> -> memref<!tpu.dma_semaphore, #tpu.memory_space<semaphore_mem>>
      %dma_start3A_1250 = arith.constant 0 : i32
      %dma_start3A_1251 = tpu.memref_slice %arg4[%add3A_1239, %dma_start3A_1250] : memref<819200x64xf32, #tpu.memory_space<hbm>> -> memref<128x64xf32, #tpu.memory_space<hbm>>
      %dma_start3A_1252 = arith.constant 0 : i32
      %dma_start3A_1253 = arith.constant 0 : i32
      %dma_start3A_1254 = tpu.memref_slice %arg6[%dma_start3A_1240, %dma_start3A_1252, %dma_start3A_1253] : memref<8x128x64xf32, #tpu.memory_space<vmem>> -> memref<1x128x64xf32, #tpu.memory_space<vmem>>
      %dma_start3A_1255 = tpu.memref_squeeze %dma_start3A_1254 : memref<1x128x64xf32, #tpu.memory_space<vmem>> -> memref<128x64xf32, #tpu.memory_space<vmem>>
      tpu.enqueue_dma source(%dma_start3A_1255 : memref<128x64xf32, #tpu.memory_space<vmem>>) target(%dma_start3A_1251 : memref<128x64xf32, #tpu.memory_space<hbm>>) target_semaphore(%dma_start3A_1249 : memref<!tpu.dma_semaphore, #tpu.memory_space<semaphore_mem>>)
      %add3A_1256 = arith.constant 6 : i32
      %add3A_1257 = arith.addi %add3A_1222, %add3A_1256 : i32
      %sub3A_1258 = arith.constant 8 : i32
      %sub3A_1259 = arith.subi %add3A_1257, %sub3A_1258 : i32
      %mul3A_1260 = arith.constant 128 : i32
      %mul3A_1261 = arith.muli %sub3A_1259, %mul3A_1260 : i32
      %add3A_1262 = arith.addi %mul3A_2, %mul3A_1261 : i32
      %dma_wait3A_1263 = arith.constant 1 : i32
      %dma_wait3A_1264 = arith.constant 1 : i32
      %dma_wait3A_1265 = arith.constant 0 : i32
      %dma_wait3A_1266 = arith.constant 0 : i32
      %dma_wait3A_1267 = tpu.memref_slice %arg6[%dma_wait3A_1263, %dma_wait3A_1265, %dma_wait3A_1266] : memref<8x128x64xf32, #tpu.memory_space<vmem>> -> memref<1x128x64xf32, #tpu.memory_space<vmem>>
      %dma_wait3A_1268 = tpu.memref_squeeze %dma_wait3A_1267 : memref<1x128x64xf32, #tpu.memory_space<vmem>> -> memref<128x64xf32, #tpu.memory_space<vmem>>
      %dma_wait3A_1269 = arith.constant 0 : i32
      %dma_wait3A_1270 = tpu.memref_slice %arg4[%add3A_1262, %dma_wait3A_1269] : memref<819200x64xf32, #tpu.memory_space<hbm>> -> memref<128x64xf32, #tpu.memory_space<hbm>>
      %dma_wait3A_1271 = tpu.memref_slice %arg8[%dma_wait3A_1264] : memref<8x!tpu.dma_semaphore, #tpu.memory_space<semaphore_mem>> -> memref<1x!tpu.dma_semaphore, #tpu.memory_space<semaphore_mem>>
      %dma_wait3A_1272 = tpu.memref_squeeze %dma_wait3A_1271 : memref<1x!tpu.dma_semaphore, #tpu.memory_space<semaphore_mem>> -> memref<!tpu.dma_semaphore, #tpu.memory_space<semaphore_mem>>
      %dma_wait3A_1273 = arith.constant 0 : i32
      %dma_wait3A_1274 = tpu.memref_slice %arg4[%add3A_1262, %dma_wait3A_1273] : memref<819200x64xf32, #tpu.memory_space<hbm>> -> memref<128x64xf32, #tpu.memory_space<hbm>>
      %dma_wait3A_1275 = arith.constant 0 : i32
      %dma_wait3A_1276 = arith.constant 0 : i32
      %dma_wait3A_1277 = tpu.memref_slice %arg6[%dma_wait3A_1263, %dma_wait3A_1275, %dma_wait3A_1276] : memref<8x128x64xf32, #tpu.memory_space<vmem>> -> memref<1x128x64xf32, #tpu.memory_space<vmem>>
      %dma_wait3A_1278 = tpu.memref_squeeze %dma_wait3A_1277 : memref<1x128x64xf32, #tpu.memory_space<vmem>> -> memref<128x64xf32, #tpu.memory_space<vmem>>
      tpu.wait_dma2 semaphore(%dma_wait3A_1272 : memref<!tpu.dma_semaphore, #tpu.memory_space<semaphore_mem>>) src(%dma_wait3A_1278 : memref<128x64xf32, #tpu.memory_space<vmem>>) dst(%dma_wait3A_1274 : memref<128x64xf32, #tpu.memory_space<hbm>>)
      %mul3A_1279 = arith.constant 128 : i32
      %mul3A_1280 = arith.muli %add3A_1257, %mul3A_1279 : i32
      %dma_start3A_1281 = arith.constant 1 : i32
      %dma_start3A_1282 = arith.constant 1 : i32
      %dma_start3A_1283 = arith.constant 0 : i32
      %dma_start3A_1284 = arith.constant 0 : i32
      %dma_start3A_1285 = tpu.memref_slice %arg6[%dma_start3A_1281, %dma_start3A_1283, %dma_start3A_1284] : memref<8x128x64xf32, #tpu.memory_space<vmem>> -> memref<1x128x64xf32, #tpu.memory_space<vmem>>
      %dma_start3A_1286 = tpu.memref_squeeze %dma_start3A_1285 : memref<1x128x64xf32, #tpu.memory_space<vmem>> -> memref<128x64xf32, #tpu.memory_space<vmem>>
      %dma_start3A_1287 = tpu.memref_slice %arg5[%mul3A_1280] : memref<25600xi32, #tpu.memory_space<vmem>> -> memref<128xi32, #tpu.memory_space<vmem>>
      %dma_start3A_1288 = arith.constant 0 : i32
      %dma_start3A_1289 = arith.constant 0 : i32
      %dma_start3A_1290 = tpu.memref_slice %arg3[%dma_start3A_1288, %dma_start3A_1289] : memref<1000001x64xf32, #tpu.memory_space<hbm>> -> memref<1000001x64xf32, #tpu.memory_space<hbm>>
      %dma_start3A_1291 = tpu.memref_slice %arg7[%dma_start3A_1282] : memref<8x!tpu.dma_semaphore, #tpu.memory_space<semaphore_mem>> -> memref<1x!tpu.dma_semaphore, #tpu.memory_space<semaphore_mem>>
      %dma_start3A_1292 = tpu.memref_squeeze %dma_start3A_1291 : memref<1x!tpu.dma_semaphore, #tpu.memory_space<semaphore_mem>> -> memref<!tpu.dma_semaphore, #tpu.memory_space<semaphore_mem>>
      tpu.enqueue_indirect_dma source(%dma_start3A_1290 : memref<1000001x64xf32, #tpu.memory_space<hbm>>) target(%dma_start3A_1286 : memref<128x64xf32, #tpu.memory_space<vmem>>) offsets(%dma_start3A_1287 : memref<128xi32, #tpu.memory_space<vmem>>) semaphore(%dma_start3A_1292 : memref<!tpu.dma_semaphore, #tpu.memory_space<semaphore_mem>>)
      %mul3A_1293 = arith.constant 8 : i32
      %mul3A_1294 = arith.muli %scan3A_997, %mul3A_1293 : i32
      %add3A_1295 = arith.constant 4 : i32
      %add3A_1296 = arith.addi %mul3A_1294, %add3A_1295 : i32
      %mul3A_1297 = arith.constant 128 : i32
      %mul3A_1298 = arith.muli %add3A_1296, %mul3A_1297 : i32
      %dma_wait3A_1299 = arith.constant 4 : i32
      %dma_wait3A_1300 = arith.constant 4 : i32
      %dma_wait3A_1301 = arith.constant 0 : i32
      %dma_wait3A_1302 = arith.constant 0 : i32
      %dma_wait3A_1303 = tpu.memref_slice %arg6[%dma_wait3A_1299, %dma_wait3A_1301, %dma_wait3A_1302] : memref<8x128x64xf32, #tpu.memory_space<vmem>> -> memref<1x128x64xf32, #tpu.memory_space<vmem>>
      %dma_wait3A_1304 = tpu.memref_squeeze %dma_wait3A_1303 : memref<1x128x64xf32, #tpu.memory_space<vmem>> -> memref<128x64xf32, #tpu.memory_space<vmem>>
      %dma_wait3A_1305 = tpu.memref_slice %arg5[%mul3A_1298] : memref<25600xi32, #tpu.memory_space<vmem>> -> memref<128xi32, #tpu.memory_space<vmem>>
      %dma_wait3A_1306 = arith.constant 0 : i32
      %dma_wait3A_1307 = arith.constant 0 : i32
      %dma_wait3A_1308 = tpu.memref_slice %arg3[%dma_wait3A_1306, %dma_wait3A_1307] : memref<1000001x64xf32, #tpu.memory_space<hbm>> -> memref<1000001x64xf32, #tpu.memory_space<hbm>>
      %dma_wait3A_1309 = tpu.memref_slice %arg7[%dma_wait3A_1300] : memref<8x!tpu.dma_semaphore, #tpu.memory_space<semaphore_mem>> -> memref<1x!tpu.dma_semaphore, #tpu.memory_space<semaphore_mem>>
      %dma_wait3A_1310 = tpu.memref_squeeze %dma_wait3A_1309 : memref<1x!tpu.dma_semaphore, #tpu.memory_space<semaphore_mem>> -> memref<!tpu.dma_semaphore, #tpu.memory_space<semaphore_mem>>
      tpu.wait_indirect_dma semaphore(%dma_wait3A_1310 : memref<!tpu.dma_semaphore, #tpu.memory_space<semaphore_mem>>) src(%dma_wait3A_1308 : memref<1000001x64xf32, #tpu.memory_space<hbm>>) dst(%dma_wait3A_1304 : memref<128x64xf32, #tpu.memory_space<vmem>>)
      %mul3A_1311 = arith.constant 128 : i32
      %mul3A_1312 = arith.muli %add3A_1296, %mul3A_1311 : i32
      %add3A_1313 = arith.addi %mul3A_2, %mul3A_1312 : i32
      %dma_start3A_1314 = arith.constant 4 : i32
      %dma_start3A_1315 = arith.constant 4 : i32
      %dma_start3A_1316 = arith.constant 0 : i32
      %dma_start3A_1317 = arith.constant 0 : i32
      %dma_start3A_1318 = tpu.memref_slice %arg6[%dma_start3A_1314, %dma_start3A_1316, %dma_start3A_1317] : memref<8x128x64xf32, #tpu.memory_space<vmem>> -> memref<1x128x64xf32, #tpu.memory_space<vmem>>
      %dma_start3A_1319 = tpu.memref_squeeze %dma_start3A_1318 : memref<1x128x64xf32, #tpu.memory_space<vmem>> -> memref<128x64xf32, #tpu.memory_space<vmem>>
      %dma_start3A_1320 = arith.constant 0 : i32
      %dma_start3A_1321 = tpu.memref_slice %arg4[%add3A_1313, %dma_start3A_1320] : memref<819200x64xf32, #tpu.memory_space<hbm>> -> memref<128x64xf32, #tpu.memory_space<hbm>>
      %dma_start3A_1322 = tpu.memref_slice %arg8[%dma_start3A_1315] : memref<8x!tpu.dma_semaphore, #tpu.memory_space<semaphore_mem>> -> memref<1x!tpu.dma_semaphore, #tpu.memory_space<semaphore_mem>>
      %dma_start3A_1323 = tpu.memref_squeeze %dma_start3A_1322 : memref<1x!tpu.dma_semaphore, #tpu.memory_space<semaphore_mem>> -> memref<!tpu.dma_semaphore, #tpu.memory_space<semaphore_mem>>
      %dma_start3A_1324 = arith.constant 0 : i32
      %dma_start3A_1325 = tpu.memref_slice %arg4[%add3A_1313, %dma_start3A_1324] : memref<819200x64xf32, #tpu.memory_space<hbm>> -> memref<128x64xf32, #tpu.memory_space<hbm>>
      %dma_start3A_1326 = arith.constant 0 : i32
      %dma_start3A_1327 = arith.constant 0 : i32
      %dma_start3A_1328 = tpu.memref_slice %arg6[%dma_start3A_1314, %dma_start3A_1326, %dma_start3A_1327] : memref<8x128x64xf32, #tpu.memory_space<vmem>> -> memref<1x128x64xf32, #tpu.memory_space<vmem>>
      %dma_start3A_1329 = tpu.memref_squeeze %dma_start3A_1328 : memref<1x128x64xf32, #tpu.memory_space<vmem>> -> memref<128x64xf32, #tpu.memory_space<vmem>>
      tpu.enqueue_dma source(%dma_start3A_1329 : memref<128x64xf32, #tpu.memory_space<vmem>>) target(%dma_start3A_1325 : memref<128x64xf32, #tpu.memory_space<hbm>>) target_semaphore(%dma_start3A_1323 : memref<!tpu.dma_semaphore, #tpu.memory_space<semaphore_mem>>)
      %add3A_1330 = arith.constant 6 : i32
      %add3A_1331 = arith.addi %add3A_1296, %add3A_1330 : i32
      %sub3A_1332 = arith.constant 8 : i32
      %sub3A_1333 = arith.subi %add3A_1331, %sub3A_1332 : i32
      %mul3A_1334 = arith.constant 128 : i32
      %mul3A_1335 = arith.muli %sub3A_1333, %mul3A_1334 : i32
      %add3A_1336 = arith.addi %mul3A_2, %mul3A_1335 : i32
      %dma_wait3A_1337 = arith.constant 2 : i32
      %dma_wait3A_1338 = arith.constant 2 : i32
      %dma_wait3A_1339 = arith.constant 0 : i32
      %dma_wait3A_1340 = arith.constant 0 : i32
      %dma_wait3A_1341 = tpu.memref_slice %arg6[%dma_wait3A_1337, %dma_wait3A_1339, %dma_wait3A_1340] : memref<8x128x64xf32, #tpu.memory_space<vmem>> -> memref<1x128x64xf32, #tpu.memory_space<vmem>>
      %dma_wait3A_1342 = tpu.memref_squeeze %dma_wait3A_1341 : memref<1x128x64xf32, #tpu.memory_space<vmem>> -> memref<128x64xf32, #tpu.memory_space<vmem>>
      %dma_wait3A_1343 = arith.constant 0 : i32
      %dma_wait3A_1344 = tpu.memref_slice %arg4[%add3A_1336, %dma_wait3A_1343] : memref<819200x64xf32, #tpu.memory_space<hbm>> -> memref<128x64xf32, #tpu.memory_space<hbm>>
      %dma_wait3A_1345 = tpu.memref_slice %arg8[%dma_wait3A_1338] : memref<8x!tpu.dma_semaphore, #tpu.memory_space<semaphore_mem>> -> memref<1x!tpu.dma_semaphore, #tpu.memory_space<semaphore_mem>>
      %dma_wait3A_1346 = tpu.memref_squeeze %dma_wait3A_1345 : memref<1x!tpu.dma_semaphore, #tpu.memory_space<semaphore_mem>> -> memref<!tpu.dma_semaphore, #tpu.memory_space<semaphore_mem>>
      %dma_wait3A_1347 = arith.constant 0 : i32
      %dma_wait3A_1348 = tpu.memref_slice %arg4[%add3A_1336, %dma_wait3A_1347] : memref<819200x64xf32, #tpu.memory_space<hbm>> -> memref<128x64xf32, #tpu.memory_space<hbm>>
      %dma_wait3A_1349 = arith.constant 0 : i32
      %dma_wait3A_1350 = arith.constant 0 : i32
      %dma_wait3A_1351 = tpu.memref_slice %arg6[%dma_wait3A_1337, %dma_wait3A_1349, %dma_wait3A_1350] : memref<8x128x64xf32, #tpu.memory_space<vmem>> -> memref<1x128x64xf32, #tpu.memory_space<vmem>>
      %dma_wait3A_1352 = tpu.memref_squeeze %dma_wait3A_1351 : memref<1x128x64xf32, #tpu.memory_space<vmem>> -> memref<128x64xf32, #tpu.memory_space<vmem>>
      tpu.wait_dma2 semaphore(%dma_wait3A_1346 : memref<!tpu.dma_semaphore, #tpu.memory_space<semaphore_mem>>) src(%dma_wait3A_1352 : memref<128x64xf32, #tpu.memory_space<vmem>>) dst(%dma_wait3A_1348 : memref<128x64xf32, #tpu.memory_space<hbm>>)
      %mul3A_1353 = arith.constant 128 : i32
      %mul3A_1354 = arith.muli %add3A_1331, %mul3A_1353 : i32
      %dma_start3A_1355 = arith.constant 2 : i32
      %dma_start3A_1356 = arith.constant 2 : i32
      %dma_start3A_1357 = arith.constant 0 : i32
      %dma_start3A_1358 = arith.constant 0 : i32
      %dma_start3A_1359 = tpu.memref_slice %arg6[%dma_start3A_1355, %dma_start3A_1357, %dma_start3A_1358] : memref<8x128x64xf32, #tpu.memory_space<vmem>> -> memref<1x128x64xf32, #tpu.memory_space<vmem>>
      %dma_start3A_1360 = tpu.memref_squeeze %dma_start3A_1359 : memref<1x128x64xf32, #tpu.memory_space<vmem>> -> memref<128x64xf32, #tpu.memory_space<vmem>>
      %dma_start3A_1361 = tpu.memref_slice %arg5[%mul3A_1354] : memref<25600xi32, #tpu.memory_space<vmem>> -> memref<128xi32, #tpu.memory_space<vmem>>
      %dma_start3A_1362 = arith.constant 0 : i32
      %dma_start3A_1363 = arith.constant 0 : i32
      %dma_start3A_1364 = tpu.memref_slice %arg3[%dma_start3A_1362, %dma_start3A_1363] : memref<1000001x64xf32, #tpu.memory_space<hbm>> -> memref<1000001x64xf32, #tpu.memory_space<hbm>>
      %dma_start3A_1365 = tpu.memref_slice %arg7[%dma_start3A_1356] : memref<8x!tpu.dma_semaphore, #tpu.memory_space<semaphore_mem>> -> memref<1x!tpu.dma_semaphore, #tpu.memory_space<semaphore_mem>>
      %dma_start3A_1366 = tpu.memref_squeeze %dma_start3A_1365 : memref<1x!tpu.dma_semaphore, #tpu.memory_space<semaphore_mem>> -> memref<!tpu.dma_semaphore, #tpu.memory_space<semaphore_mem>>
      tpu.enqueue_indirect_dma source(%dma_start3A_1364 : memref<1000001x64xf32, #tpu.memory_space<hbm>>) target(%dma_start3A_1360 : memref<128x64xf32, #tpu.memory_space<vmem>>) offsets(%dma_start3A_1361 : memref<128xi32, #tpu.memory_space<vmem>>) semaphore(%dma_start3A_1366 : memref<!tpu.dma_semaphore, #tpu.memory_space<semaphore_mem>>)
      %mul3A_1367 = arith.constant 8 : i32
      %mul3A_1368 = arith.muli %scan3A_997, %mul3A_1367 : i32
      %add3A_1369 = arith.constant 5 : i32
      %add3A_1370 = arith.addi %mul3A_1368, %add3A_1369 : i32
      %mul3A_1371 = arith.constant 128 : i32
      %mul3A_1372 = arith.muli %add3A_1370, %mul3A_1371 : i32
      %dma_wait3A_1373 = arith.constant 5 : i32
      %dma_wait3A_1374 = arith.constant 5 : i32
      %dma_wait3A_1375 = arith.constant 0 : i32
      %dma_wait3A_1376 = arith.constant 0 : i32
      %dma_wait3A_1377 = tpu.memref_slice %arg6[%dma_wait3A_1373, %dma_wait3A_1375, %dma_wait3A_1376] : memref<8x128x64xf32, #tpu.memory_space<vmem>> -> memref<1x128x64xf32, #tpu.memory_space<vmem>>
      %dma_wait3A_1378 = tpu.memref_squeeze %dma_wait3A_1377 : memref<1x128x64xf32, #tpu.memory_space<vmem>> -> memref<128x64xf32, #tpu.memory_space<vmem>>
      %dma_wait3A_1379 = tpu.memref_slice %arg5[%mul3A_1372] : memref<25600xi32, #tpu.memory_space<vmem>> -> memref<128xi32, #tpu.memory_space<vmem>>
      %dma_wait3A_1380 = arith.constant 0 : i32
      %dma_wait3A_1381 = arith.constant 0 : i32
      %dma_wait3A_1382 = tpu.memref_slice %arg3[%dma_wait3A_1380, %dma_wait3A_1381] : memref<1000001x64xf32, #tpu.memory_space<hbm>> -> memref<1000001x64xf32, #tpu.memory_space<hbm>>
      %dma_wait3A_1383 = tpu.memref_slice %arg7[%dma_wait3A_1374] : memref<8x!tpu.dma_semaphore, #tpu.memory_space<semaphore_mem>> -> memref<1x!tpu.dma_semaphore, #tpu.memory_space<semaphore_mem>>
      %dma_wait3A_1384 = tpu.memref_squeeze %dma_wait3A_1383 : memref<1x!tpu.dma_semaphore, #tpu.memory_space<semaphore_mem>> -> memref<!tpu.dma_semaphore, #tpu.memory_space<semaphore_mem>>
      tpu.wait_indirect_dma semaphore(%dma_wait3A_1384 : memref<!tpu.dma_semaphore, #tpu.memory_space<semaphore_mem>>) src(%dma_wait3A_1382 : memref<1000001x64xf32, #tpu.memory_space<hbm>>) dst(%dma_wait3A_1378 : memref<128x64xf32, #tpu.memory_space<vmem>>)
      %mul3A_1385 = arith.constant 128 : i32
      %mul3A_1386 = arith.muli %add3A_1370, %mul3A_1385 : i32
      %add3A_1387 = arith.addi %mul3A_2, %mul3A_1386 : i32
      %dma_start3A_1388 = arith.constant 5 : i32
      %dma_start3A_1389 = arith.constant 5 : i32
      %dma_start3A_1390 = arith.constant 0 : i32
      %dma_start3A_1391 = arith.constant 0 : i32
      %dma_start3A_1392 = tpu.memref_slice %arg6[%dma_start3A_1388, %dma_start3A_1390, %dma_start3A_1391] : memref<8x128x64xf32, #tpu.memory_space<vmem>> -> memref<1x128x64xf32, #tpu.memory_space<vmem>>
      %dma_start3A_1393 = tpu.memref_squeeze %dma_start3A_1392 : memref<1x128x64xf32, #tpu.memory_space<vmem>> -> memref<128x64xf32, #tpu.memory_space<vmem>>
      %dma_start3A_1394 = arith.constant 0 : i32
      %dma_start3A_1395 = tpu.memref_slice %arg4[%add3A_1387, %dma_start3A_1394] : memref<819200x64xf32, #tpu.memory_space<hbm>> -> memref<128x64xf32, #tpu.memory_space<hbm>>
      %dma_start3A_1396 = tpu.memref_slice %arg8[%dma_start3A_1389] : memref<8x!tpu.dma_semaphore, #tpu.memory_space<semaphore_mem>> -> memref<1x!tpu.dma_semaphore, #tpu.memory_space<semaphore_mem>>
      %dma_start3A_1397 = tpu.memref_squeeze %dma_start3A_1396 : memref<1x!tpu.dma_semaphore, #tpu.memory_space<semaphore_mem>> -> memref<!tpu.dma_semaphore, #tpu.memory_space<semaphore_mem>>
      %dma_start3A_1398 = arith.constant 0 : i32
      %dma_start3A_1399 = tpu.memref_slice %arg4[%add3A_1387, %dma_start3A_1398] : memref<819200x64xf32, #tpu.memory_space<hbm>> -> memref<128x64xf32, #tpu.memory_space<hbm>>
      %dma_start3A_1400 = arith.constant 0 : i32
      %dma_start3A_1401 = arith.constant 0 : i32
      %dma_start3A_1402 = tpu.memref_slice %arg6[%dma_start3A_1388, %dma_start3A_1400, %dma_start3A_1401] : memref<8x128x64xf32, #tpu.memory_space<vmem>> -> memref<1x128x64xf32, #tpu.memory_space<vmem>>
      %dma_start3A_1403 = tpu.memref_squeeze %dma_start3A_1402 : memref<1x128x64xf32, #tpu.memory_space<vmem>> -> memref<128x64xf32, #tpu.memory_space<vmem>>
      tpu.enqueue_dma source(%dma_start3A_1403 : memref<128x64xf32, #tpu.memory_space<vmem>>) target(%dma_start3A_1399 : memref<128x64xf32, #tpu.memory_space<hbm>>) target_semaphore(%dma_start3A_1397 : memref<!tpu.dma_semaphore, #tpu.memory_space<semaphore_mem>>)
      %add3A_1404 = arith.constant 6 : i32
      %add3A_1405 = arith.addi %add3A_1370, %add3A_1404 : i32
      %sub3A_1406 = arith.constant 8 : i32
      %sub3A_1407 = arith.subi %add3A_1405, %sub3A_1406 : i32
      %mul3A_1408 = arith.constant 128 : i32
      %mul3A_1409 = arith.muli %sub3A_1407, %mul3A_1408 : i32
      %add3A_1410 = arith.addi %mul3A_2, %mul3A_1409 : i32
      %dma_wait3A_1411 = arith.constant 3 : i32
      %dma_wait3A_1412 = arith.constant 3 : i32
      %dma_wait3A_1413 = arith.constant 0 : i32
      %dma_wait3A_1414 = arith.constant 0 : i32
      %dma_wait3A_1415 = tpu.memref_slice %arg6[%dma_wait3A_1411, %dma_wait3A_1413, %dma_wait3A_1414] : memref<8x128x64xf32, #tpu.memory_space<vmem>> -> memref<1x128x64xf32, #tpu.memory_space<vmem>>
      %dma_wait3A_1416 = tpu.memref_squeeze %dma_wait3A_1415 : memref<1x128x64xf32, #tpu.memory_space<vmem>> -> memref<128x64xf32, #tpu.memory_space<vmem>>
      %dma_wait3A_1417 = arith.constant 0 : i32
      %dma_wait3A_1418 = tpu.memref_slice %arg4[%add3A_1410, %dma_wait3A_1417] : memref<819200x64xf32, #tpu.memory_space<hbm>> -> memref<128x64xf32, #tpu.memory_space<hbm>>
      %dma_wait3A_1419 = tpu.memref_slice %arg8[%dma_wait3A_1412] : memref<8x!tpu.dma_semaphore, #tpu.memory_space<semaphore_mem>> -> memref<1x!tpu.dma_semaphore, #tpu.memory_space<semaphore_mem>>
      %dma_wait3A_1420 = tpu.memref_squeeze %dma_wait3A_1419 : memref<1x!tpu.dma_semaphore, #tpu.memory_space<semaphore_mem>> -> memref<!tpu.dma_semaphore, #tpu.memory_space<semaphore_mem>>
      %dma_wait3A_1421 = arith.constant 0 : i32
      %dma_wait3A_1422 = tpu.memref_slice %arg4[%add3A_1410, %dma_wait3A_1421] : memref<819200x64xf32, #tpu.memory_space<hbm>> -> memref<128x64xf32, #tpu.memory_space<hbm>>
      %dma_wait3A_1423 = arith.constant 0 : i32
      %dma_wait3A_1424 = arith.constant 0 : i32
      %dma_wait3A_1425 = tpu.memref_slice %arg6[%dma_wait3A_1411, %dma_wait3A_1423, %dma_wait3A_1424] : memref<8x128x64xf32, #tpu.memory_space<vmem>> -> memref<1x128x64xf32, #tpu.memory_space<vmem>>
      %dma_wait3A_1426 = tpu.memref_squeeze %dma_wait3A_1425 : memref<1x128x64xf32, #tpu.memory_space<vmem>> -> memref<128x64xf32, #tpu.memory_space<vmem>>
      tpu.wait_dma2 semaphore(%dma_wait3A_1420 : memref<!tpu.dma_semaphore, #tpu.memory_space<semaphore_mem>>) src(%dma_wait3A_1426 : memref<128x64xf32, #tpu.memory_space<vmem>>) dst(%dma_wait3A_1422 : memref<128x64xf32, #tpu.memory_space<hbm>>)
      %mul3A_1427 = arith.constant 128 : i32
      %mul3A_1428 = arith.muli %add3A_1405, %mul3A_1427 : i32
      %dma_start3A_1429 = arith.constant 3 : i32
      %dma_start3A_1430 = arith.constant 3 : i32
      %dma_start3A_1431 = arith.constant 0 : i32
      %dma_start3A_1432 = arith.constant 0 : i32
      %dma_start3A_1433 = tpu.memref_slice %arg6[%dma_start3A_1429, %dma_start3A_1431, %dma_start3A_1432] : memref<8x128x64xf32, #tpu.memory_space<vmem>> -> memref<1x128x64xf32, #tpu.memory_space<vmem>>
      %dma_start3A_1434 = tpu.memref_squeeze %dma_start3A_1433 : memref<1x128x64xf32, #tpu.memory_space<vmem>> -> memref<128x64xf32, #tpu.memory_space<vmem>>
      %dma_start3A_1435 = tpu.memref_slice %arg5[%mul3A_1428] : memref<25600xi32, #tpu.memory_space<vmem>> -> memref<128xi32, #tpu.memory_space<vmem>>
      %dma_start3A_1436 = arith.constant 0 : i32
      %dma_start3A_1437 = arith.constant 0 : i32
      %dma_start3A_1438 = tpu.memref_slice %arg3[%dma_start3A_1436, %dma_start3A_1437] : memref<1000001x64xf32, #tpu.memory_space<hbm>> -> memref<1000001x64xf32, #tpu.memory_space<hbm>>
      %dma_start3A_1439 = tpu.memref_slice %arg7[%dma_start3A_1430] : memref<8x!tpu.dma_semaphore, #tpu.memory_space<semaphore_mem>> -> memref<1x!tpu.dma_semaphore, #tpu.memory_space<semaphore_mem>>
      %dma_start3A_1440 = tpu.memref_squeeze %dma_start3A_1439 : memref<1x!tpu.dma_semaphore, #tpu.memory_space<semaphore_mem>> -> memref<!tpu.dma_semaphore, #tpu.memory_space<semaphore_mem>>
      tpu.enqueue_indirect_dma source(%dma_start3A_1438 : memref<1000001x64xf32, #tpu.memory_space<hbm>>) target(%dma_start3A_1434 : memref<128x64xf32, #tpu.memory_space<vmem>>) offsets(%dma_start3A_1435 : memref<128xi32, #tpu.memory_space<vmem>>) semaphore(%dma_start3A_1440 : memref<!tpu.dma_semaphore, #tpu.memory_space<semaphore_mem>>)
      %mul3A_1441 = arith.constant 8 : i32
      %mul3A_1442 = arith.muli %scan3A_997, %mul3A_1441 : i32
      %add3A_1443 = arith.constant 6 : i32
      %add3A_1444 = arith.addi %mul3A_1442, %add3A_1443 : i32
      %mul3A_1445 = arith.constant 128 : i32
      %mul3A_1446 = arith.muli %add3A_1444, %mul3A_1445 : i32
      %dma_wait3A_1447 = arith.constant 6 : i32
      %dma_wait3A_1448 = arith.constant 6 : i32
      %dma_wait3A_1449 = arith.constant 0 : i32
      %dma_wait3A_1450 = arith.constant 0 : i32
      %dma_wait3A_1451 = tpu.memref_slice %arg6[%dma_wait3A_1447, %dma_wait3A_1449, %dma_wait3A_1450] : memref<8x128x64xf32, #tpu.memory_space<vmem>> -> memref<1x128x64xf32, #tpu.memory_space<vmem>>
      %dma_wait3A_1452 = tpu.memref_squeeze %dma_wait3A_1451 : memref<1x128x64xf32, #tpu.memory_space<vmem>> -> memref<128x64xf32, #tpu.memory_space<vmem>>
      %dma_wait3A_1453 = tpu.memref_slice %arg5[%mul3A_1446] : memref<25600xi32, #tpu.memory_space<vmem>> -> memref<128xi32, #tpu.memory_space<vmem>>
      %dma_wait3A_1454 = arith.constant 0 : i32
      %dma_wait3A_1455 = arith.constant 0 : i32
      %dma_wait3A_1456 = tpu.memref_slice %arg3[%dma_wait3A_1454, %dma_wait3A_1455] : memref<1000001x64xf32, #tpu.memory_space<hbm>> -> memref<1000001x64xf32, #tpu.memory_space<hbm>>
      %dma_wait3A_1457 = tpu.memref_slice %arg7[%dma_wait3A_1448] : memref<8x!tpu.dma_semaphore, #tpu.memory_space<semaphore_mem>> -> memref<1x!tpu.dma_semaphore, #tpu.memory_space<semaphore_mem>>
      %dma_wait3A_1458 = tpu.memref_squeeze %dma_wait3A_1457 : memref<1x!tpu.dma_semaphore, #tpu.memory_space<semaphore_mem>> -> memref<!tpu.dma_semaphore, #tpu.memory_space<semaphore_mem>>
      tpu.wait_indirect_dma semaphore(%dma_wait3A_1458 : memref<!tpu.dma_semaphore, #tpu.memory_space<semaphore_mem>>) src(%dma_wait3A_1456 : memref<1000001x64xf32, #tpu.memory_space<hbm>>) dst(%dma_wait3A_1452 : memref<128x64xf32, #tpu.memory_space<vmem>>)
      %mul3A_1459 = arith.constant 128 : i32
      %mul3A_1460 = arith.muli %add3A_1444, %mul3A_1459 : i32
      %add3A_1461 = arith.addi %mul3A_2, %mul3A_1460 : i32
      %dma_start3A_1462 = arith.constant 6 : i32
      %dma_start3A_1463 = arith.constant 6 : i32
      %dma_start3A_1464 = arith.constant 0 : i32
      %dma_start3A_1465 = arith.constant 0 : i32
      %dma_start3A_1466 = tpu.memref_slice %arg6[%dma_start3A_1462, %dma_start3A_1464, %dma_start3A_1465] : memref<8x128x64xf32, #tpu.memory_space<vmem>> -> memref<1x128x64xf32, #tpu.memory_space<vmem>>
      %dma_start3A_1467 = tpu.memref_squeeze %dma_start3A_1466 : memref<1x128x64xf32, #tpu.memory_space<vmem>> -> memref<128x64xf32, #tpu.memory_space<vmem>>
      %dma_start3A_1468 = arith.constant 0 : i32
      %dma_start3A_1469 = tpu.memref_slice %arg4[%add3A_1461, %dma_start3A_1468] : memref<819200x64xf32, #tpu.memory_space<hbm>> -> memref<128x64xf32, #tpu.memory_space<hbm>>
      %dma_start3A_1470 = tpu.memref_slice %arg8[%dma_start3A_1463] : memref<8x!tpu.dma_semaphore, #tpu.memory_space<semaphore_mem>> -> memref<1x!tpu.dma_semaphore, #tpu.memory_space<semaphore_mem>>
      %dma_start3A_1471 = tpu.memref_squeeze %dma_start3A_1470 : memref<1x!tpu.dma_semaphore, #tpu.memory_space<semaphore_mem>> -> memref<!tpu.dma_semaphore, #tpu.memory_space<semaphore_mem>>
      %dma_start3A_1472 = arith.constant 0 : i32
      %dma_start3A_1473 = tpu.memref_slice %arg4[%add3A_1461, %dma_start3A_1472] : memref<819200x64xf32, #tpu.memory_space<hbm>> -> memref<128x64xf32, #tpu.memory_space<hbm>>
      %dma_start3A_1474 = arith.constant 0 : i32
      %dma_start3A_1475 = arith.constant 0 : i32
      %dma_start3A_1476 = tpu.memref_slice %arg6[%dma_start3A_1462, %dma_start3A_1474, %dma_start3A_1475] : memref<8x128x64xf32, #tpu.memory_space<vmem>> -> memref<1x128x64xf32, #tpu.memory_space<vmem>>
      %dma_start3A_1477 = tpu.memref_squeeze %dma_start3A_1476 : memref<1x128x64xf32, #tpu.memory_space<vmem>> -> memref<128x64xf32, #tpu.memory_space<vmem>>
      tpu.enqueue_dma source(%dma_start3A_1477 : memref<128x64xf32, #tpu.memory_space<vmem>>) target(%dma_start3A_1473 : memref<128x64xf32, #tpu.memory_space<hbm>>) target_semaphore(%dma_start3A_1471 : memref<!tpu.dma_semaphore, #tpu.memory_space<semaphore_mem>>)
      %add3A_1478 = arith.constant 6 : i32
      %add3A_1479 = arith.addi %add3A_1444, %add3A_1478 : i32
      %sub3A_1480 = arith.constant 8 : i32
      %sub3A_1481 = arith.subi %add3A_1479, %sub3A_1480 : i32
      %mul3A_1482 = arith.constant 128 : i32
      %mul3A_1483 = arith.muli %sub3A_1481, %mul3A_1482 : i32
      %add3A_1484 = arith.addi %mul3A_2, %mul3A_1483 : i32
      %dma_wait3A_1485 = arith.constant 4 : i32
      %dma_wait3A_1486 = arith.constant 4 : i32
      %dma_wait3A_1487 = arith.constant 0 : i32
      %dma_wait3A_1488 = arith.constant 0 : i32
      %dma_wait3A_1489 = tpu.memref_slice %arg6[%dma_wait3A_1485, %dma_wait3A_1487, %dma_wait3A_1488] : memref<8x128x64xf32, #tpu.memory_space<vmem>> -> memref<1x128x64xf32, #tpu.memory_space<vmem>>
      %dma_wait3A_1490 = tpu.memref_squeeze %dma_wait3A_1489 : memref<1x128x64xf32, #tpu.memory_space<vmem>> -> memref<128x64xf32, #tpu.memory_space<vmem>>
      %dma_wait3A_1491 = arith.constant 0 : i32
      %dma_wait3A_1492 = tpu.memref_slice %arg4[%add3A_1484, %dma_wait3A_1491] : memref<819200x64xf32, #tpu.memory_space<hbm>> -> memref<128x64xf32, #tpu.memory_space<hbm>>
      %dma_wait3A_1493 = tpu.memref_slice %arg8[%dma_wait3A_1486] : memref<8x!tpu.dma_semaphore, #tpu.memory_space<semaphore_mem>> -> memref<1x!tpu.dma_semaphore, #tpu.memory_space<semaphore_mem>>
      %dma_wait3A_1494 = tpu.memref_squeeze %dma_wait3A_1493 : memref<1x!tpu.dma_semaphore, #tpu.memory_space<semaphore_mem>> -> memref<!tpu.dma_semaphore, #tpu.memory_space<semaphore_mem>>
      %dma_wait3A_1495 = arith.constant 0 : i32
      %dma_wait3A_1496 = tpu.memref_slice %arg4[%add3A_1484, %dma_wait3A_1495] : memref<819200x64xf32, #tpu.memory_space<hbm>> -> memref<128x64xf32, #tpu.memory_space<hbm>>
      %dma_wait3A_1497 = arith.constant 0 : i32
      %dma_wait3A_1498 = arith.constant 0 : i32
      %dma_wait3A_1499 = tpu.memref_slice %arg6[%dma_wait3A_1485, %dma_wait3A_1497, %dma_wait3A_1498] : memref<8x128x64xf32, #tpu.memory_space<vmem>> -> memref<1x128x64xf32, #tpu.memory_space<vmem>>
      %dma_wait3A_1500 = tpu.memref_squeeze %dma_wait3A_1499 : memref<1x128x64xf32, #tpu.memory_space<vmem>> -> memref<128x64xf32, #tpu.memory_space<vmem>>
      tpu.wait_dma2 semaphore(%dma_wait3A_1494 : memref<!tpu.dma_semaphore, #tpu.memory_space<semaphore_mem>>) src(%dma_wait3A_1500 : memref<128x64xf32, #tpu.memory_space<vmem>>) dst(%dma_wait3A_1496 : memref<128x64xf32, #tpu.memory_space<hbm>>)
      %mul3A_1501 = arith.constant 128 : i32
      %mul3A_1502 = arith.muli %add3A_1479, %mul3A_1501 : i32
      %dma_start3A_1503 = arith.constant 4 : i32
      %dma_start3A_1504 = arith.constant 4 : i32
      %dma_start3A_1505 = arith.constant 0 : i32
      %dma_start3A_1506 = arith.constant 0 : i32
      %dma_start3A_1507 = tpu.memref_slice %arg6[%dma_start3A_1503, %dma_start3A_1505, %dma_start3A_1506] : memref<8x128x64xf32, #tpu.memory_space<vmem>> -> memref<1x128x64xf32, #tpu.memory_space<vmem>>
      %dma_start3A_1508 = tpu.memref_squeeze %dma_start3A_1507 : memref<1x128x64xf32, #tpu.memory_space<vmem>> -> memref<128x64xf32, #tpu.memory_space<vmem>>
      %dma_start3A_1509 = tpu.memref_slice %arg5[%mul3A_1502] : memref<25600xi32, #tpu.memory_space<vmem>> -> memref<128xi32, #tpu.memory_space<vmem>>
      %dma_start3A_1510 = arith.constant 0 : i32
      %dma_start3A_1511 = arith.constant 0 : i32
      %dma_start3A_1512 = tpu.memref_slice %arg3[%dma_start3A_1510, %dma_start3A_1511] : memref<1000001x64xf32, #tpu.memory_space<hbm>> -> memref<1000001x64xf32, #tpu.memory_space<hbm>>
      %dma_start3A_1513 = tpu.memref_slice %arg7[%dma_start3A_1504] : memref<8x!tpu.dma_semaphore, #tpu.memory_space<semaphore_mem>> -> memref<1x!tpu.dma_semaphore, #tpu.memory_space<semaphore_mem>>
      %dma_start3A_1514 = tpu.memref_squeeze %dma_start3A_1513 : memref<1x!tpu.dma_semaphore, #tpu.memory_space<semaphore_mem>> -> memref<!tpu.dma_semaphore, #tpu.memory_space<semaphore_mem>>
      tpu.enqueue_indirect_dma source(%dma_start3A_1512 : memref<1000001x64xf32, #tpu.memory_space<hbm>>) target(%dma_start3A_1508 : memref<128x64xf32, #tpu.memory_space<vmem>>) offsets(%dma_start3A_1509 : memref<128xi32, #tpu.memory_space<vmem>>) semaphore(%dma_start3A_1514 : memref<!tpu.dma_semaphore, #tpu.memory_space<semaphore_mem>>)
      %mul3A_1515 = arith.constant 8 : i32
      %mul3A_1516 = arith.muli %scan3A_997, %mul3A_1515 : i32
      %add3A_1517 = arith.constant 7 : i32
      %add3A_1518 = arith.addi %mul3A_1516, %add3A_1517 : i32
      %mul3A_1519 = arith.constant 128 : i32
      %mul3A_1520 = arith.muli %add3A_1518, %mul3A_1519 : i32
      %dma_wait3A_1521 = arith.constant 7 : i32
      %dma_wait3A_1522 = arith.constant 7 : i32
      %dma_wait3A_1523 = arith.constant 0 : i32
      %dma_wait3A_1524 = arith.constant 0 : i32
      %dma_wait3A_1525 = tpu.memref_slice %arg6[%dma_wait3A_1521, %dma_wait3A_1523, %dma_wait3A_1524] : memref<8x128x64xf32, #tpu.memory_space<vmem>> -> memref<1x128x64xf32, #tpu.memory_space<vmem>>
      %dma_wait3A_1526 = tpu.memref_squeeze %dma_wait3A_1525 : memref<1x128x64xf32, #tpu.memory_space<vmem>> -> memref<128x64xf32, #tpu.memory_space<vmem>>
      %dma_wait3A_1527 = tpu.memref_slice %arg5[%mul3A_1520] : memref<25600xi32, #tpu.memory_space<vmem>> -> memref<128xi32, #tpu.memory_space<vmem>>
      %dma_wait3A_1528 = arith.constant 0 : i32
      %dma_wait3A_1529 = arith.constant 0 : i32
      %dma_wait3A_1530 = tpu.memref_slice %arg3[%dma_wait3A_1528, %dma_wait3A_1529] : memref<1000001x64xf32, #tpu.memory_space<hbm>> -> memref<1000001x64xf32, #tpu.memory_space<hbm>>
      %dma_wait3A_1531 = tpu.memref_slice %arg7[%dma_wait3A_1522] : memref<8x!tpu.dma_semaphore, #tpu.memory_space<semaphore_mem>> -> memref<1x!tpu.dma_semaphore, #tpu.memory_space<semaphore_mem>>
      %dma_wait3A_1532 = tpu.memref_squeeze %dma_wait3A_1531 : memref<1x!tpu.dma_semaphore, #tpu.memory_space<semaphore_mem>> -> memref<!tpu.dma_semaphore, #tpu.memory_space<semaphore_mem>>
      tpu.wait_indirect_dma semaphore(%dma_wait3A_1532 : memref<!tpu.dma_semaphore, #tpu.memory_space<semaphore_mem>>) src(%dma_wait3A_1530 : memref<1000001x64xf32, #tpu.memory_space<hbm>>) dst(%dma_wait3A_1526 : memref<128x64xf32, #tpu.memory_space<vmem>>)
      %mul3A_1533 = arith.constant 128 : i32
      %mul3A_1534 = arith.muli %add3A_1518, %mul3A_1533 : i32
      %add3A_1535 = arith.addi %mul3A_2, %mul3A_1534 : i32
      %dma_start3A_1536 = arith.constant 7 : i32
      %dma_start3A_1537 = arith.constant 7 : i32
      %dma_start3A_1538 = arith.constant 0 : i32
      %dma_start3A_1539 = arith.constant 0 : i32
      %dma_start3A_1540 = tpu.memref_slice %arg6[%dma_start3A_1536, %dma_start3A_1538, %dma_start3A_1539] : memref<8x128x64xf32, #tpu.memory_space<vmem>> -> memref<1x128x64xf32, #tpu.memory_space<vmem>>
      %dma_start3A_1541 = tpu.memref_squeeze %dma_start3A_1540 : memref<1x128x64xf32, #tpu.memory_space<vmem>> -> memref<128x64xf32, #tpu.memory_space<vmem>>
      %dma_start3A_1542 = arith.constant 0 : i32
      %dma_start3A_1543 = tpu.memref_slice %arg4[%add3A_1535, %dma_start3A_1542] : memref<819200x64xf32, #tpu.memory_space<hbm>> -> memref<128x64xf32, #tpu.memory_space<hbm>>
      %dma_start3A_1544 = tpu.memref_slice %arg8[%dma_start3A_1537] : memref<8x!tpu.dma_semaphore, #tpu.memory_space<semaphore_mem>> -> memref<1x!tpu.dma_semaphore, #tpu.memory_space<semaphore_mem>>
      %dma_start3A_1545 = tpu.memref_squeeze %dma_start3A_1544 : memref<1x!tpu.dma_semaphore, #tpu.memory_space<semaphore_mem>> -> memref<!tpu.dma_semaphore, #tpu.memory_space<semaphore_mem>>
      %dma_start3A_1546 = arith.constant 0 : i32
      %dma_start3A_1547 = tpu.memref_slice %arg4[%add3A_1535, %dma_start3A_1546] : memref<819200x64xf32, #tpu.memory_space<hbm>> -> memref<128x64xf32, #tpu.memory_space<hbm>>
      %dma_start3A_1548 = arith.constant 0 : i32
      %dma_start3A_1549 = arith.constant 0 : i32
      %dma_start3A_1550 = tpu.memref_slice %arg6[%dma_start3A_1536, %dma_start3A_1548, %dma_start3A_1549] : memref<8x128x64xf32, #tpu.memory_space<vmem>> -> memref<1x128x64xf32, #tpu.memory_space<vmem>>
      %dma_start3A_1551 = tpu.memref_squeeze %dma_start3A_1550 : memref<1x128x64xf32, #tpu.memory_space<vmem>> -> memref<128x64xf32, #tpu.memory_space<vmem>>
      tpu.enqueue_dma source(%dma_start3A_1551 : memref<128x64xf32, #tpu.memory_space<vmem>>) target(%dma_start3A_1547 : memref<128x64xf32, #tpu.memory_space<hbm>>) target_semaphore(%dma_start3A_1545 : memref<!tpu.dma_semaphore, #tpu.memory_space<semaphore_mem>>)
      %add3A_1552 = arith.constant 6 : i32
      %add3A_1553 = arith.addi %add3A_1518, %add3A_1552 : i32
      %sub3A_1554 = arith.constant 8 : i32
      %sub3A_1555 = arith.subi %add3A_1553, %sub3A_1554 : i32
      %mul3A_1556 = arith.constant 128 : i32
      %mul3A_1557 = arith.muli %sub3A_1555, %mul3A_1556 : i32
      %add3A_1558 = arith.addi %mul3A_2, %mul3A_1557 : i32
      %dma_wait3A_1559 = arith.constant 5 : i32
      %dma_wait3A_1560 = arith.constant 5 : i32
      %dma_wait3A_1561 = arith.constant 0 : i32
      %dma_wait3A_1562 = arith.constant 0 : i32
      %dma_wait3A_1563 = tpu.memref_slice %arg6[%dma_wait3A_1559, %dma_wait3A_1561, %dma_wait3A_1562] : memref<8x128x64xf32, #tpu.memory_space<vmem>> -> memref<1x128x64xf32, #tpu.memory_space<vmem>>
      %dma_wait3A_1564 = tpu.memref_squeeze %dma_wait3A_1563 : memref<1x128x64xf32, #tpu.memory_space<vmem>> -> memref<128x64xf32, #tpu.memory_space<vmem>>
      %dma_wait3A_1565 = arith.constant 0 : i32
      %dma_wait3A_1566 = tpu.memref_slice %arg4[%add3A_1558, %dma_wait3A_1565] : memref<819200x64xf32, #tpu.memory_space<hbm>> -> memref<128x64xf32, #tpu.memory_space<hbm>>
      %dma_wait3A_1567 = tpu.memref_slice %arg8[%dma_wait3A_1560] : memref<8x!tpu.dma_semaphore, #tpu.memory_space<semaphore_mem>> -> memref<1x!tpu.dma_semaphore, #tpu.memory_space<semaphore_mem>>
      %dma_wait3A_1568 = tpu.memref_squeeze %dma_wait3A_1567 : memref<1x!tpu.dma_semaphore, #tpu.memory_space<semaphore_mem>> -> memref<!tpu.dma_semaphore, #tpu.memory_space<semaphore_mem>>
      %dma_wait3A_1569 = arith.constant 0 : i32
      %dma_wait3A_1570 = tpu.memref_slice %arg4[%add3A_1558, %dma_wait3A_1569] : memref<819200x64xf32, #tpu.memory_space<hbm>> -> memref<128x64xf32, #tpu.memory_space<hbm>>
      %dma_wait3A_1571 = arith.constant 0 : i32
      %dma_wait3A_1572 = arith.constant 0 : i32
      %dma_wait3A_1573 = tpu.memref_slice %arg6[%dma_wait3A_1559, %dma_wait3A_1571, %dma_wait3A_1572] : memref<8x128x64xf32, #tpu.memory_space<vmem>> -> memref<1x128x64xf32, #tpu.memory_space<vmem>>
      %dma_wait3A_1574 = tpu.memref_squeeze %dma_wait3A_1573 : memref<1x128x64xf32, #tpu.memory_space<vmem>> -> memref<128x64xf32, #tpu.memory_space<vmem>>
      tpu.wait_dma2 semaphore(%dma_wait3A_1568 : memref<!tpu.dma_semaphore, #tpu.memory_space<semaphore_mem>>) src(%dma_wait3A_1574 : memref<128x64xf32, #tpu.memory_space<vmem>>) dst(%dma_wait3A_1570 : memref<128x64xf32, #tpu.memory_space<hbm>>)
      %mul3A_1575 = arith.constant 128 : i32
      %mul3A_1576 = arith.muli %add3A_1553, %mul3A_1575 : i32
      %dma_start3A_1577 = arith.constant 5 : i32
      %dma_start3A_1578 = arith.constant 5 : i32
      %dma_start3A_1579 = arith.constant 0 : i32
      %dma_start3A_1580 = arith.constant 0 : i32
      %dma_start3A_1581 = tpu.memref_slice %arg6[%dma_start3A_1577, %dma_start3A_1579, %dma_start3A_1580] : memref<8x128x64xf32, #tpu.memory_space<vmem>> -> memref<1x128x64xf32, #tpu.memory_space<vmem>>
      %dma_start3A_1582 = tpu.memref_squeeze %dma_start3A_1581 : memref<1x128x64xf32, #tpu.memory_space<vmem>> -> memref<128x64xf32, #tpu.memory_space<vmem>>
      %dma_start3A_1583 = tpu.memref_slice %arg5[%mul3A_1576] : memref<25600xi32, #tpu.memory_space<vmem>> -> memref<128xi32, #tpu.memory_space<vmem>>
      %dma_start3A_1584 = arith.constant 0 : i32
      %dma_start3A_1585 = arith.constant 0 : i32
      %dma_start3A_1586 = tpu.memref_slice %arg3[%dma_start3A_1584, %dma_start3A_1585] : memref<1000001x64xf32, #tpu.memory_space<hbm>> -> memref<1000001x64xf32, #tpu.memory_space<hbm>>
      %dma_start3A_1587 = tpu.memref_slice %arg7[%dma_start3A_1578] : memref<8x!tpu.dma_semaphore, #tpu.memory_space<semaphore_mem>> -> memref<1x!tpu.dma_semaphore, #tpu.memory_space<semaphore_mem>>
      %dma_start3A_1588 = tpu.memref_squeeze %dma_start3A_1587 : memref<1x!tpu.dma_semaphore, #tpu.memory_space<semaphore_mem>> -> memref<!tpu.dma_semaphore, #tpu.memory_space<semaphore_mem>>
      tpu.enqueue_indirect_dma source(%dma_start3A_1586 : memref<1000001x64xf32, #tpu.memory_space<hbm>>) target(%dma_start3A_1582 : memref<128x64xf32, #tpu.memory_space<vmem>>) offsets(%dma_start3A_1583 : memref<128xi32, #tpu.memory_space<vmem>>) semaphore(%dma_start3A_1588 : memref<!tpu.dma_semaphore, #tpu.memory_space<semaphore_mem>>)
    }
    %scan3A_542 = arith.constant 23 : i32
    %dma_wait3A_543 = arith.constant 0 : i32
    %dma_wait3A_544 = arith.constant 0 : i32
    %dma_wait3A_545 = arith.constant 0 : i32
    %dma_wait3A_546 = arith.constant 0 : i32
    %dma_wait3A_547 = tpu.memref_slice %arg6[%dma_wait3A_543, %dma_wait3A_545, %dma_wait3A_546] : memref<8x128x64xf32, #tpu.memory_space<vmem>> -> memref<1x128x64xf32, #tpu.memory_space<vmem>>
    %dma_wait3A_548 = tpu.memref_squeeze %dma_wait3A_547 : memref<1x128x64xf32, #tpu.memory_space<vmem>> -> memref<128x64xf32, #tpu.memory_space<vmem>>
    %dma_wait3A_549 = arith.constant 24576 : i32
    %dma_wait3A_550 = tpu.memref_slice %arg5[%dma_wait3A_549] : memref<25600xi32, #tpu.memory_space<vmem>> -> memref<128xi32, #tpu.memory_space<vmem>>
    %dma_wait3A_551 = arith.constant 0 : i32
    %dma_wait3A_552 = arith.constant 0 : i32
    %dma_wait3A_553 = tpu.memref_slice %arg3[%dma_wait3A_551, %dma_wait3A_552] : memref<1000001x64xf32, #tpu.memory_space<hbm>> -> memref<1000001x64xf32, #tpu.memory_space<hbm>>
    %dma_wait3A_554 = tpu.memref_slice %arg7[%dma_wait3A_544] : memref<8x!tpu.dma_semaphore, #tpu.memory_space<semaphore_mem>> -> memref<1x!tpu.dma_semaphore, #tpu.memory_space<semaphore_mem>>
    %dma_wait3A_555 = tpu.memref_squeeze %dma_wait3A_554 : memref<1x!tpu.dma_semaphore, #tpu.memory_space<semaphore_mem>> -> memref<!tpu.dma_semaphore, #tpu.memory_space<semaphore_mem>>
    tpu.wait_indirect_dma semaphore(%dma_wait3A_555 : memref<!tpu.dma_semaphore, #tpu.memory_space<semaphore_mem>>) src(%dma_wait3A_553 : memref<1000001x64xf32, #tpu.memory_space<hbm>>) dst(%dma_wait3A_548 : memref<128x64xf32, #tpu.memory_space<vmem>>)
    %add3A_556 = arith.constant 24576 : i32
    %add3A_557 = arith.addi %mul3A_2, %add3A_556 : i32
    %dma_start3A_558 = arith.constant 0 : i32
    %dma_start3A_559 = arith.constant 0 : i32
    %dma_start3A_560 = arith.constant 0 : i32
    %dma_start3A_561 = arith.constant 0 : i32
    %dma_start3A_562 = tpu.memref_slice %arg6[%dma_start3A_558, %dma_start3A_560, %dma_start3A_561] : memref<8x128x64xf32, #tpu.memory_space<vmem>> -> memref<1x128x64xf32, #tpu.memory_space<vmem>>
    %dma_start3A_563 = tpu.memref_squeeze %dma_start3A_562 : memref<1x128x64xf32, #tpu.memory_space<vmem>> -> memref<128x64xf32, #tpu.memory_space<vmem>>
    %dma_start3A_564 = arith.constant 0 : i32
    %dma_start3A_565 = tpu.memref_slice %arg4[%add3A_557, %dma_start3A_564] : memref<819200x64xf32, #tpu.memory_space<hbm>> -> memref<128x64xf32, #tpu.memory_space<hbm>>
    %dma_start3A_566 = tpu.memref_slice %arg8[%dma_start3A_559] : memref<8x!tpu.dma_semaphore, #tpu.memory_space<semaphore_mem>> -> memref<1x!tpu.dma_semaphore, #tpu.memory_space<semaphore_mem>>
    %dma_start3A_567 = tpu.memref_squeeze %dma_start3A_566 : memref<1x!tpu.dma_semaphore, #tpu.memory_space<semaphore_mem>> -> memref<!tpu.dma_semaphore, #tpu.memory_space<semaphore_mem>>
    %dma_start3A_568 = arith.constant 0 : i32
    %dma_start3A_569 = tpu.memref_slice %arg4[%add3A_557, %dma_start3A_568] : memref<819200x64xf32, #tpu.memory_space<hbm>> -> memref<128x64xf32, #tpu.memory_space<hbm>>
    %dma_start3A_570 = arith.constant 0 : i32
    %dma_start3A_571 = arith.constant 0 : i32
    %dma_start3A_572 = tpu.memref_slice %arg6[%dma_start3A_558, %dma_start3A_570, %dma_start3A_571] : memref<8x128x64xf32, #tpu.memory_space<vmem>> -> memref<1x128x64xf32, #tpu.memory_space<vmem>>
    %dma_start3A_573 = tpu.memref_squeeze %dma_start3A_572 : memref<1x128x64xf32, #tpu.memory_space<vmem>> -> memref<128x64xf32, #tpu.memory_space<vmem>>
    tpu.enqueue_dma source(%dma_start3A_573 : memref<128x64xf32, #tpu.memory_space<vmem>>) target(%dma_start3A_569 : memref<128x64xf32, #tpu.memory_space<hbm>>) target_semaphore(%dma_start3A_567 : memref<!tpu.dma_semaphore, #tpu.memory_space<semaphore_mem>>)
    %add3A_574 = arith.constant 24320 : i32
    %add3A_575 = arith.addi %mul3A_2, %add3A_574 : i32
    %dma_wait3A_576 = arith.constant 6 : i32
    %dma_wait3A_577 = arith.constant 6 : i32
    %dma_wait3A_578 = arith.constant 0 : i32
    %dma_wait3A_579 = arith.constant 0 : i32
    %dma_wait3A_580 = tpu.memref_slice %arg6[%dma_wait3A_576, %dma_wait3A_578, %dma_wait3A_579] : memref<8x128x64xf32, #tpu.memory_space<vmem>> -> memref<1x128x64xf32, #tpu.memory_space<vmem>>
    %dma_wait3A_581 = tpu.memref_squeeze %dma_wait3A_580 : memref<1x128x64xf32, #tpu.memory_space<vmem>> -> memref<128x64xf32, #tpu.memory_space<vmem>>
    %dma_wait3A_582 = arith.constant 0 : i32
    %dma_wait3A_583 = tpu.memref_slice %arg4[%add3A_575, %dma_wait3A_582] : memref<819200x64xf32, #tpu.memory_space<hbm>> -> memref<128x64xf32, #tpu.memory_space<hbm>>
    %dma_wait3A_584 = tpu.memref_slice %arg8[%dma_wait3A_577] : memref<8x!tpu.dma_semaphore, #tpu.memory_space<semaphore_mem>> -> memref<1x!tpu.dma_semaphore, #tpu.memory_space<semaphore_mem>>
    %dma_wait3A_585 = tpu.memref_squeeze %dma_wait3A_584 : memref<1x!tpu.dma_semaphore, #tpu.memory_space<semaphore_mem>> -> memref<!tpu.dma_semaphore, #tpu.memory_space<semaphore_mem>>
    %dma_wait3A_586 = arith.constant 0 : i32
    %dma_wait3A_587 = tpu.memref_slice %arg4[%add3A_575, %dma_wait3A_586] : memref<819200x64xf32, #tpu.memory_space<hbm>> -> memref<128x64xf32, #tpu.memory_space<hbm>>
    %dma_wait3A_588 = arith.constant 0 : i32
    %dma_wait3A_589 = arith.constant 0 : i32
    %dma_wait3A_590 = tpu.memref_slice %arg6[%dma_wait3A_576, %dma_wait3A_588, %dma_wait3A_589] : memref<8x128x64xf32, #tpu.memory_space<vmem>> -> memref<1x128x64xf32, #tpu.memory_space<vmem>>
    %dma_wait3A_591 = tpu.memref_squeeze %dma_wait3A_590 : memref<1x128x64xf32, #tpu.memory_space<vmem>> -> memref<128x64xf32, #tpu.memory_space<vmem>>
    tpu.wait_dma2 semaphore(%dma_wait3A_585 : memref<!tpu.dma_semaphore, #tpu.memory_space<semaphore_mem>>) src(%dma_wait3A_591 : memref<128x64xf32, #tpu.memory_space<vmem>>) dst(%dma_wait3A_587 : memref<128x64xf32, #tpu.memory_space<hbm>>)
    %dma_start3A_592 = arith.constant 6 : i32
    %dma_start3A_593 = arith.constant 6 : i32
    %dma_start3A_594 = arith.constant 0 : i32
    %dma_start3A_595 = arith.constant 0 : i32
    %dma_start3A_596 = tpu.memref_slice %arg6[%dma_start3A_592, %dma_start3A_594, %dma_start3A_595] : memref<8x128x64xf32, #tpu.memory_space<vmem>> -> memref<1x128x64xf32, #tpu.memory_space<vmem>>
    %dma_start3A_597 = tpu.memref_squeeze %dma_start3A_596 : memref<1x128x64xf32, #tpu.memory_space<vmem>> -> memref<128x64xf32, #tpu.memory_space<vmem>>
    %dma_start3A_598 = arith.constant 25344 : i32
    %dma_start3A_599 = tpu.memref_slice %arg5[%dma_start3A_598] : memref<25600xi32, #tpu.memory_space<vmem>> -> memref<128xi32, #tpu.memory_space<vmem>>
    %dma_start3A_600 = arith.constant 0 : i32
    %dma_start3A_601 = arith.constant 0 : i32
    %dma_start3A_602 = tpu.memref_slice %arg3[%dma_start3A_600, %dma_start3A_601] : memref<1000001x64xf32, #tpu.memory_space<hbm>> -> memref<1000001x64xf32, #tpu.memory_space<hbm>>
    %dma_start3A_603 = tpu.memref_slice %arg7[%dma_start3A_593] : memref<8x!tpu.dma_semaphore, #tpu.memory_space<semaphore_mem>> -> memref<1x!tpu.dma_semaphore, #tpu.memory_space<semaphore_mem>>
    %dma_start3A_604 = tpu.memref_squeeze %dma_start3A_603 : memref<1x!tpu.dma_semaphore, #tpu.memory_space<semaphore_mem>> -> memref<!tpu.dma_semaphore, #tpu.memory_space<semaphore_mem>>
    tpu.enqueue_indirect_dma source(%dma_start3A_602 : memref<1000001x64xf32, #tpu.memory_space<hbm>>) target(%dma_start3A_597 : memref<128x64xf32, #tpu.memory_space<vmem>>) offsets(%dma_start3A_599 : memref<128xi32, #tpu.memory_space<vmem>>) semaphore(%dma_start3A_604 : memref<!tpu.dma_semaphore, #tpu.memory_space<semaphore_mem>>)
    %dma_wait3A_605 = arith.constant 1 : i32
    %dma_wait3A_606 = arith.constant 1 : i32
    %dma_wait3A_607 = arith.constant 0 : i32
    %dma_wait3A_608 = arith.constant 0 : i32
    %dma_wait3A_609 = tpu.memref_slice %arg6[%dma_wait3A_605, %dma_wait3A_607, %dma_wait3A_608] : memref<8x128x64xf32, #tpu.memory_space<vmem>> -> memref<1x128x64xf32, #tpu.memory_space<vmem>>
    %dma_wait3A_610 = tpu.memref_squeeze %dma_wait3A_609 : memref<1x128x64xf32, #tpu.memory_space<vmem>> -> memref<128x64xf32, #tpu.memory_space<vmem>>
    %dma_wait3A_611 = arith.constant 24704 : i32
    %dma_wait3A_612 = tpu.memref_slice %arg5[%dma_wait3A_611] : memref<25600xi32, #tpu.memory_space<vmem>> -> memref<128xi32, #tpu.memory_space<vmem>>
    %dma_wait3A_613 = arith.constant 0 : i32
    %dma_wait3A_614 = arith.constant 0 : i32
    %dma_wait3A_615 = tpu.memref_slice %arg3[%dma_wait3A_613, %dma_wait3A_614] : memref<1000001x64xf32, #tpu.memory_space<hbm>> -> memref<1000001x64xf32, #tpu.memory_space<hbm>>
    %dma_wait3A_616 = tpu.memref_slice %arg7[%dma_wait3A_606] : memref<8x!tpu.dma_semaphore, #tpu.memory_space<semaphore_mem>> -> memref<1x!tpu.dma_semaphore, #tpu.memory_space<semaphore_mem>>
    %dma_wait3A_617 = tpu.memref_squeeze %dma_wait3A_616 : memref<1x!tpu.dma_semaphore, #tpu.memory_space<semaphore_mem>> -> memref<!tpu.dma_semaphore, #tpu.memory_space<semaphore_mem>>
    tpu.wait_indirect_dma semaphore(%dma_wait3A_617 : memref<!tpu.dma_semaphore, #tpu.memory_space<semaphore_mem>>) src(%dma_wait3A_615 : memref<1000001x64xf32, #tpu.memory_space<hbm>>) dst(%dma_wait3A_610 : memref<128x64xf32, #tpu.memory_space<vmem>>)
    %add3A_618 = arith.constant 24704 : i32
    %add3A_619 = arith.addi %mul3A_2, %add3A_618 : i32
    %dma_start3A_620 = arith.constant 1 : i32
    %dma_start3A_621 = arith.constant 1 : i32
    %dma_start3A_622 = arith.constant 0 : i32
    %dma_start3A_623 = arith.constant 0 : i32
    %dma_start3A_624 = tpu.memref_slice %arg6[%dma_start3A_620, %dma_start3A_622, %dma_start3A_623] : memref<8x128x64xf32, #tpu.memory_space<vmem>> -> memref<1x128x64xf32, #tpu.memory_space<vmem>>
    %dma_start3A_625 = tpu.memref_squeeze %dma_start3A_624 : memref<1x128x64xf32, #tpu.memory_space<vmem>> -> memref<128x64xf32, #tpu.memory_space<vmem>>
    %dma_start3A_626 = arith.constant 0 : i32
    %dma_start3A_627 = tpu.memref_slice %arg4[%add3A_619, %dma_start3A_626] : memref<819200x64xf32, #tpu.memory_space<hbm>> -> memref<128x64xf32, #tpu.memory_space<hbm>>
    %dma_start3A_628 = tpu.memref_slice %arg8[%dma_start3A_621] : memref<8x!tpu.dma_semaphore, #tpu.memory_space<semaphore_mem>> -> memref<1x!tpu.dma_semaphore, #tpu.memory_space<semaphore_mem>>
    %dma_start3A_629 = tpu.memref_squeeze %dma_start3A_628 : memref<1x!tpu.dma_semaphore, #tpu.memory_space<semaphore_mem>> -> memref<!tpu.dma_semaphore, #tpu.memory_space<semaphore_mem>>
    %dma_start3A_630 = arith.constant 0 : i32
    %dma_start3A_631 = tpu.memref_slice %arg4[%add3A_619, %dma_start3A_630] : memref<819200x64xf32, #tpu.memory_space<hbm>> -> memref<128x64xf32, #tpu.memory_space<hbm>>
    %dma_start3A_632 = arith.constant 0 : i32
    %dma_start3A_633 = arith.constant 0 : i32
    %dma_start3A_634 = tpu.memref_slice %arg6[%dma_start3A_620, %dma_start3A_632, %dma_start3A_633] : memref<8x128x64xf32, #tpu.memory_space<vmem>> -> memref<1x128x64xf32, #tpu.memory_space<vmem>>
    %dma_start3A_635 = tpu.memref_squeeze %dma_start3A_634 : memref<1x128x64xf32, #tpu.memory_space<vmem>> -> memref<128x64xf32, #tpu.memory_space<vmem>>
    tpu.enqueue_dma source(%dma_start3A_635 : memref<128x64xf32, #tpu.memory_space<vmem>>) target(%dma_start3A_631 : memref<128x64xf32, #tpu.memory_space<hbm>>) target_semaphore(%dma_start3A_629 : memref<!tpu.dma_semaphore, #tpu.memory_space<semaphore_mem>>)
    %add3A_636 = arith.constant 24448 : i32
    %add3A_637 = arith.addi %mul3A_2, %add3A_636 : i32
    %dma_wait3A_638 = arith.constant 7 : i32
    %dma_wait3A_639 = arith.constant 7 : i32
    %dma_wait3A_640 = arith.constant 0 : i32
    %dma_wait3A_641 = arith.constant 0 : i32
    %dma_wait3A_642 = tpu.memref_slice %arg6[%dma_wait3A_638, %dma_wait3A_640, %dma_wait3A_641] : memref<8x128x64xf32, #tpu.memory_space<vmem>> -> memref<1x128x64xf32, #tpu.memory_space<vmem>>
    %dma_wait3A_643 = tpu.memref_squeeze %dma_wait3A_642 : memref<1x128x64xf32, #tpu.memory_space<vmem>> -> memref<128x64xf32, #tpu.memory_space<vmem>>
    %dma_wait3A_644 = arith.constant 0 : i32
    %dma_wait3A_645 = tpu.memref_slice %arg4[%add3A_637, %dma_wait3A_644] : memref<819200x64xf32, #tpu.memory_space<hbm>> -> memref<128x64xf32, #tpu.memory_space<hbm>>
    %dma_wait3A_646 = tpu.memref_slice %arg8[%dma_wait3A_639] : memref<8x!tpu.dma_semaphore, #tpu.memory_space<semaphore_mem>> -> memref<1x!tpu.dma_semaphore, #tpu.memory_space<semaphore_mem>>
    %dma_wait3A_647 = tpu.memref_squeeze %dma_wait3A_646 : memref<1x!tpu.dma_semaphore, #tpu.memory_space<semaphore_mem>> -> memref<!tpu.dma_semaphore, #tpu.memory_space<semaphore_mem>>
    %dma_wait3A_648 = arith.constant 0 : i32
    %dma_wait3A_649 = tpu.memref_slice %arg4[%add3A_637, %dma_wait3A_648] : memref<819200x64xf32, #tpu.memory_space<hbm>> -> memref<128x64xf32, #tpu.memory_space<hbm>>
    %dma_wait3A_650 = arith.constant 0 : i32
    %dma_wait3A_651 = arith.constant 0 : i32
    %dma_wait3A_652 = tpu.memref_slice %arg6[%dma_wait3A_638, %dma_wait3A_650, %dma_wait3A_651] : memref<8x128x64xf32, #tpu.memory_space<vmem>> -> memref<1x128x64xf32, #tpu.memory_space<vmem>>
    %dma_wait3A_653 = tpu.memref_squeeze %dma_wait3A_652 : memref<1x128x64xf32, #tpu.memory_space<vmem>> -> memref<128x64xf32, #tpu.memory_space<vmem>>
    tpu.wait_dma2 semaphore(%dma_wait3A_647 : memref<!tpu.dma_semaphore, #tpu.memory_space<semaphore_mem>>) src(%dma_wait3A_653 : memref<128x64xf32, #tpu.memory_space<vmem>>) dst(%dma_wait3A_649 : memref<128x64xf32, #tpu.memory_space<hbm>>)
    %dma_start3A_654 = arith.constant 7 : i32
    %dma_start3A_655 = arith.constant 7 : i32
    %dma_start3A_656 = arith.constant 0 : i32
    %dma_start3A_657 = arith.constant 0 : i32
    %dma_start3A_658 = tpu.memref_slice %arg6[%dma_start3A_654, %dma_start3A_656, %dma_start3A_657] : memref<8x128x64xf32, #tpu.memory_space<vmem>> -> memref<1x128x64xf32, #tpu.memory_space<vmem>>
    %dma_start3A_659 = tpu.memref_squeeze %dma_start3A_658 : memref<1x128x64xf32, #tpu.memory_space<vmem>> -> memref<128x64xf32, #tpu.memory_space<vmem>>
    %dma_start3A_660 = arith.constant 25472 : i32
    %dma_start3A_661 = tpu.memref_slice %arg5[%dma_start3A_660] : memref<25600xi32, #tpu.memory_space<vmem>> -> memref<128xi32, #tpu.memory_space<vmem>>
    %dma_start3A_662 = arith.constant 0 : i32
    %dma_start3A_663 = arith.constant 0 : i32
    %dma_start3A_664 = tpu.memref_slice %arg3[%dma_start3A_662, %dma_start3A_663] : memref<1000001x64xf32, #tpu.memory_space<hbm>> -> memref<1000001x64xf32, #tpu.memory_space<hbm>>
    %dma_start3A_665 = tpu.memref_slice %arg7[%dma_start3A_655] : memref<8x!tpu.dma_semaphore, #tpu.memory_space<semaphore_mem>> -> memref<1x!tpu.dma_semaphore, #tpu.memory_space<semaphore_mem>>
    %dma_start3A_666 = tpu.memref_squeeze %dma_start3A_665 : memref<1x!tpu.dma_semaphore, #tpu.memory_space<semaphore_mem>> -> memref<!tpu.dma_semaphore, #tpu.memory_space<semaphore_mem>>
    tpu.enqueue_indirect_dma source(%dma_start3A_664 : memref<1000001x64xf32, #tpu.memory_space<hbm>>) target(%dma_start3A_659 : memref<128x64xf32, #tpu.memory_space<vmem>>) offsets(%dma_start3A_661 : memref<128xi32, #tpu.memory_space<vmem>>) semaphore(%dma_start3A_666 : memref<!tpu.dma_semaphore, #tpu.memory_space<semaphore_mem>>)
    %dma_wait3A_667 = arith.constant 2 : i32
    %dma_wait3A_668 = arith.constant 2 : i32
    %dma_wait3A_669 = arith.constant 0 : i32
    %dma_wait3A_670 = arith.constant 0 : i32
    %dma_wait3A_671 = tpu.memref_slice %arg6[%dma_wait3A_667, %dma_wait3A_669, %dma_wait3A_670] : memref<8x128x64xf32, #tpu.memory_space<vmem>> -> memref<1x128x64xf32, #tpu.memory_space<vmem>>
    %dma_wait3A_672 = tpu.memref_squeeze %dma_wait3A_671 : memref<1x128x64xf32, #tpu.memory_space<vmem>> -> memref<128x64xf32, #tpu.memory_space<vmem>>
    %dma_wait3A_673 = arith.constant 24832 : i32
    %dma_wait3A_674 = tpu.memref_slice %arg5[%dma_wait3A_673] : memref<25600xi32, #tpu.memory_space<vmem>> -> memref<128xi32, #tpu.memory_space<vmem>>
    %dma_wait3A_675 = arith.constant 0 : i32
    %dma_wait3A_676 = arith.constant 0 : i32
    %dma_wait3A_677 = tpu.memref_slice %arg3[%dma_wait3A_675, %dma_wait3A_676] : memref<1000001x64xf32, #tpu.memory_space<hbm>> -> memref<1000001x64xf32, #tpu.memory_space<hbm>>
    %dma_wait3A_678 = tpu.memref_slice %arg7[%dma_wait3A_668] : memref<8x!tpu.dma_semaphore, #tpu.memory_space<semaphore_mem>> -> memref<1x!tpu.dma_semaphore, #tpu.memory_space<semaphore_mem>>
    %dma_wait3A_679 = tpu.memref_squeeze %dma_wait3A_678 : memref<1x!tpu.dma_semaphore, #tpu.memory_space<semaphore_mem>> -> memref<!tpu.dma_semaphore, #tpu.memory_space<semaphore_mem>>
    tpu.wait_indirect_dma semaphore(%dma_wait3A_679 : memref<!tpu.dma_semaphore, #tpu.memory_space<semaphore_mem>>) src(%dma_wait3A_677 : memref<1000001x64xf32, #tpu.memory_space<hbm>>) dst(%dma_wait3A_672 : memref<128x64xf32, #tpu.memory_space<vmem>>)
    %add3A_680 = arith.constant 24832 : i32
    %add3A_681 = arith.addi %mul3A_2, %add3A_680 : i32
    %dma_start3A_682 = arith.constant 2 : i32
    %dma_start3A_683 = arith.constant 2 : i32
    %dma_start3A_684 = arith.constant 0 : i32
    %dma_start3A_685 = arith.constant 0 : i32
    %dma_start3A_686 = tpu.memref_slice %arg6[%dma_start3A_682, %dma_start3A_684, %dma_start3A_685] : memref<8x128x64xf32, #tpu.memory_space<vmem>> -> memref<1x128x64xf32, #tpu.memory_space<vmem>>
    %dma_start3A_687 = tpu.memref_squeeze %dma_start3A_686 : memref<1x128x64xf32, #tpu.memory_space<vmem>> -> memref<128x64xf32, #tpu.memory_space<vmem>>
    %dma_start3A_688 = arith.constant 0 : i32
    %dma_start3A_689 = tpu.memref_slice %arg4[%add3A_681, %dma_start3A_688] : memref<819200x64xf32, #tpu.memory_space<hbm>> -> memref<128x64xf32, #tpu.memory_space<hbm>>
    %dma_start3A_690 = tpu.memref_slice %arg8[%dma_start3A_683] : memref<8x!tpu.dma_semaphore, #tpu.memory_space<semaphore_mem>> -> memref<1x!tpu.dma_semaphore, #tpu.memory_space<semaphore_mem>>
    %dma_start3A_691 = tpu.memref_squeeze %dma_start3A_690 : memref<1x!tpu.dma_semaphore, #tpu.memory_space<semaphore_mem>> -> memref<!tpu.dma_semaphore, #tpu.memory_space<semaphore_mem>>
    %dma_start3A_692 = arith.constant 0 : i32
    %dma_start3A_693 = tpu.memref_slice %arg4[%add3A_681, %dma_start3A_692] : memref<819200x64xf32, #tpu.memory_space<hbm>> -> memref<128x64xf32, #tpu.memory_space<hbm>>
    %dma_start3A_694 = arith.constant 0 : i32
    %dma_start3A_695 = arith.constant 0 : i32
    %dma_start3A_696 = tpu.memref_slice %arg6[%dma_start3A_682, %dma_start3A_694, %dma_start3A_695] : memref<8x128x64xf32, #tpu.memory_space<vmem>> -> memref<1x128x64xf32, #tpu.memory_space<vmem>>
    %dma_start3A_697 = tpu.memref_squeeze %dma_start3A_696 : memref<1x128x64xf32, #tpu.memory_space<vmem>> -> memref<128x64xf32, #tpu.memory_space<vmem>>
    tpu.enqueue_dma source(%dma_start3A_697 : memref<128x64xf32, #tpu.memory_space<vmem>>) target(%dma_start3A_693 : memref<128x64xf32, #tpu.memory_space<hbm>>) target_semaphore(%dma_start3A_691 : memref<!tpu.dma_semaphore, #tpu.memory_space<semaphore_mem>>)
    %dma_wait3A_698 = arith.constant 3 : i32
    %dma_wait3A_699 = arith.constant 3 : i32
    %dma_wait3A_700 = arith.constant 0 : i32
    %dma_wait3A_701 = arith.constant 0 : i32
    %dma_wait3A_702 = tpu.memref_slice %arg6[%dma_wait3A_698, %dma_wait3A_700, %dma_wait3A_701] : memref<8x128x64xf32, #tpu.memory_space<vmem>> -> memref<1x128x64xf32, #tpu.memory_space<vmem>>
    %dma_wait3A_703 = tpu.memref_squeeze %dma_wait3A_702 : memref<1x128x64xf32, #tpu.memory_space<vmem>> -> memref<128x64xf32, #tpu.memory_space<vmem>>
    %dma_wait3A_704 = arith.constant 24960 : i32
    %dma_wait3A_705 = tpu.memref_slice %arg5[%dma_wait3A_704] : memref<25600xi32, #tpu.memory_space<vmem>> -> memref<128xi32, #tpu.memory_space<vmem>>
    %dma_wait3A_706 = arith.constant 0 : i32
    %dma_wait3A_707 = arith.constant 0 : i32
    %dma_wait3A_708 = tpu.memref_slice %arg3[%dma_wait3A_706, %dma_wait3A_707] : memref<1000001x64xf32, #tpu.memory_space<hbm>> -> memref<1000001x64xf32, #tpu.memory_space<hbm>>
    %dma_wait3A_709 = tpu.memref_slice %arg7[%dma_wait3A_699] : memref<8x!tpu.dma_semaphore, #tpu.memory_space<semaphore_mem>> -> memref<1x!tpu.dma_semaphore, #tpu.memory_space<semaphore_mem>>
    %dma_wait3A_710 = tpu.memref_squeeze %dma_wait3A_709 : memref<1x!tpu.dma_semaphore, #tpu.memory_space<semaphore_mem>> -> memref<!tpu.dma_semaphore, #tpu.memory_space<semaphore_mem>>
    tpu.wait_indirect_dma semaphore(%dma_wait3A_710 : memref<!tpu.dma_semaphore, #tpu.memory_space<semaphore_mem>>) src(%dma_wait3A_708 : memref<1000001x64xf32, #tpu.memory_space<hbm>>) dst(%dma_wait3A_703 : memref<128x64xf32, #tpu.memory_space<vmem>>)
    %add3A_711 = arith.constant 24960 : i32
    %add3A_712 = arith.addi %mul3A_2, %add3A_711 : i32
    %dma_start3A_713 = arith.constant 3 : i32
    %dma_start3A_714 = arith.constant 3 : i32
    %dma_start3A_715 = arith.constant 0 : i32
    %dma_start3A_716 = arith.constant 0 : i32
    %dma_start3A_717 = tpu.memref_slice %arg6[%dma_start3A_713, %dma_start3A_715, %dma_start3A_716] : memref<8x128x64xf32, #tpu.memory_space<vmem>> -> memref<1x128x64xf32, #tpu.memory_space<vmem>>
    %dma_start3A_718 = tpu.memref_squeeze %dma_start3A_717 : memref<1x128x64xf32, #tpu.memory_space<vmem>> -> memref<128x64xf32, #tpu.memory_space<vmem>>
    %dma_start3A_719 = arith.constant 0 : i32
    %dma_start3A_720 = tpu.memref_slice %arg4[%add3A_712, %dma_start3A_719] : memref<819200x64xf32, #tpu.memory_space<hbm>> -> memref<128x64xf32, #tpu.memory_space<hbm>>
    %dma_start3A_721 = tpu.memref_slice %arg8[%dma_start3A_714] : memref<8x!tpu.dma_semaphore, #tpu.memory_space<semaphore_mem>> -> memref<1x!tpu.dma_semaphore, #tpu.memory_space<semaphore_mem>>
    %dma_start3A_722 = tpu.memref_squeeze %dma_start3A_721 : memref<1x!tpu.dma_semaphore, #tpu.memory_space<semaphore_mem>> -> memref<!tpu.dma_semaphore, #tpu.memory_space<semaphore_mem>>
    %dma_start3A_723 = arith.constant 0 : i32
    %dma_start3A_724 = tpu.memref_slice %arg4[%add3A_712, %dma_start3A_723] : memref<819200x64xf32, #tpu.memory_space<hbm>> -> memref<128x64xf32, #tpu.memory_space<hbm>>
    %dma_start3A_725 = arith.constant 0 : i32
    %dma_start3A_726 = arith.constant 0 : i32
    %dma_start3A_727 = tpu.memref_slice %arg6[%dma_start3A_713, %dma_start3A_725, %dma_start3A_726] : memref<8x128x64xf32, #tpu.memory_space<vmem>> -> memref<1x128x64xf32, #tpu.memory_space<vmem>>
    %dma_start3A_728 = tpu.memref_squeeze %dma_start3A_727 : memref<1x128x64xf32, #tpu.memory_space<vmem>> -> memref<128x64xf32, #tpu.memory_space<vmem>>
    tpu.enqueue_dma source(%dma_start3A_728 : memref<128x64xf32, #tpu.memory_space<vmem>>) target(%dma_start3A_724 : memref<128x64xf32, #tpu.memory_space<hbm>>) target_semaphore(%dma_start3A_722 : memref<!tpu.dma_semaphore, #tpu.memory_space<semaphore_mem>>)
    %dma_wait3A_729 = arith.constant 4 : i32
    %dma_wait3A_730 = arith.constant 4 : i32
    %dma_wait3A_731 = arith.constant 0 : i32
    %dma_wait3A_732 = arith.constant 0 : i32
    %dma_wait3A_733 = tpu.memref_slice %arg6[%dma_wait3A_729, %dma_wait3A_731, %dma_wait3A_732] : memref<8x128x64xf32, #tpu.memory_space<vmem>> -> memref<1x128x64xf32, #tpu.memory_space<vmem>>
    %dma_wait3A_734 = tpu.memref_squeeze %dma_wait3A_733 : memref<1x128x64xf32, #tpu.memory_space<vmem>> -> memref<128x64xf32, #tpu.memory_space<vmem>>
    %dma_wait3A_735 = arith.constant 25088 : i32
    %dma_wait3A_736 = tpu.memref_slice %arg5[%dma_wait3A_735] : memref<25600xi32, #tpu.memory_space<vmem>> -> memref<128xi32, #tpu.memory_space<vmem>>
    %dma_wait3A_737 = arith.constant 0 : i32
    %dma_wait3A_738 = arith.constant 0 : i32
    %dma_wait3A_739 = tpu.memref_slice %arg3[%dma_wait3A_737, %dma_wait3A_738] : memref<1000001x64xf32, #tpu.memory_space<hbm>> -> memref<1000001x64xf32, #tpu.memory_space<hbm>>
    %dma_wait3A_740 = tpu.memref_slice %arg7[%dma_wait3A_730] : memref<8x!tpu.dma_semaphore, #tpu.memory_space<semaphore_mem>> -> memref<1x!tpu.dma_semaphore, #tpu.memory_space<semaphore_mem>>
    %dma_wait3A_741 = tpu.memref_squeeze %dma_wait3A_740 : memref<1x!tpu.dma_semaphore, #tpu.memory_space<semaphore_mem>> -> memref<!tpu.dma_semaphore, #tpu.memory_space<semaphore_mem>>
    tpu.wait_indirect_dma semaphore(%dma_wait3A_741 : memref<!tpu.dma_semaphore, #tpu.memory_space<semaphore_mem>>) src(%dma_wait3A_739 : memref<1000001x64xf32, #tpu.memory_space<hbm>>) dst(%dma_wait3A_734 : memref<128x64xf32, #tpu.memory_space<vmem>>)
    %add3A_742 = arith.constant 25088 : i32
    %add3A_743 = arith.addi %mul3A_2, %add3A_742 : i32
    %dma_start3A_744 = arith.constant 4 : i32
    %dma_start3A_745 = arith.constant 4 : i32
    %dma_start3A_746 = arith.constant 0 : i32
    %dma_start3A_747 = arith.constant 0 : i32
    %dma_start3A_748 = tpu.memref_slice %arg6[%dma_start3A_744, %dma_start3A_746, %dma_start3A_747] : memref<8x128x64xf32, #tpu.memory_space<vmem>> -> memref<1x128x64xf32, #tpu.memory_space<vmem>>
    %dma_start3A_749 = tpu.memref_squeeze %dma_start3A_748 : memref<1x128x64xf32, #tpu.memory_space<vmem>> -> memref<128x64xf32, #tpu.memory_space<vmem>>
    %dma_start3A_750 = arith.constant 0 : i32
    %dma_start3A_751 = tpu.memref_slice %arg4[%add3A_743, %dma_start3A_750] : memref<819200x64xf32, #tpu.memory_space<hbm>> -> memref<128x64xf32, #tpu.memory_space<hbm>>
    %dma_start3A_752 = tpu.memref_slice %arg8[%dma_start3A_745] : memref<8x!tpu.dma_semaphore, #tpu.memory_space<semaphore_mem>> -> memref<1x!tpu.dma_semaphore, #tpu.memory_space<semaphore_mem>>
    %dma_start3A_753 = tpu.memref_squeeze %dma_start3A_752 : memref<1x!tpu.dma_semaphore, #tpu.memory_space<semaphore_mem>> -> memref<!tpu.dma_semaphore, #tpu.memory_space<semaphore_mem>>
    %dma_start3A_754 = arith.constant 0 : i32
    %dma_start3A_755 = tpu.memref_slice %arg4[%add3A_743, %dma_start3A_754] : memref<819200x64xf32, #tpu.memory_space<hbm>> -> memref<128x64xf32, #tpu.memory_space<hbm>>
    %dma_start3A_756 = arith.constant 0 : i32
    %dma_start3A_757 = arith.constant 0 : i32
    %dma_start3A_758 = tpu.memref_slice %arg6[%dma_start3A_744, %dma_start3A_756, %dma_start3A_757] : memref<8x128x64xf32, #tpu.memory_space<vmem>> -> memref<1x128x64xf32, #tpu.memory_space<vmem>>
    %dma_start3A_759 = tpu.memref_squeeze %dma_start3A_758 : memref<1x128x64xf32, #tpu.memory_space<vmem>> -> memref<128x64xf32, #tpu.memory_space<vmem>>
    tpu.enqueue_dma source(%dma_start3A_759 : memref<128x64xf32, #tpu.memory_space<vmem>>) target(%dma_start3A_755 : memref<128x64xf32, #tpu.memory_space<hbm>>) target_semaphore(%dma_start3A_753 : memref<!tpu.dma_semaphore, #tpu.memory_space<semaphore_mem>>)
    %dma_wait3A_760 = arith.constant 5 : i32
    %dma_wait3A_761 = arith.constant 5 : i32
    %dma_wait3A_762 = arith.constant 0 : i32
    %dma_wait3A_763 = arith.constant 0 : i32
    %dma_wait3A_764 = tpu.memref_slice %arg6[%dma_wait3A_760, %dma_wait3A_762, %dma_wait3A_763] : memref<8x128x64xf32, #tpu.memory_space<vmem>> -> memref<1x128x64xf32, #tpu.memory_space<vmem>>
    %dma_wait3A_765 = tpu.memref_squeeze %dma_wait3A_764 : memref<1x128x64xf32, #tpu.memory_space<vmem>> -> memref<128x64xf32, #tpu.memory_space<vmem>>
    %dma_wait3A_766 = arith.constant 25216 : i32
    %dma_wait3A_767 = tpu.memref_slice %arg5[%dma_wait3A_766] : memref<25600xi32, #tpu.memory_space<vmem>> -> memref<128xi32, #tpu.memory_space<vmem>>
    %dma_wait3A_768 = arith.constant 0 : i32
    %dma_wait3A_769 = arith.constant 0 : i32
    %dma_wait3A_770 = tpu.memref_slice %arg3[%dma_wait3A_768, %dma_wait3A_769] : memref<1000001x64xf32, #tpu.memory_space<hbm>> -> memref<1000001x64xf32, #tpu.memory_space<hbm>>
    %dma_wait3A_771 = tpu.memref_slice %arg7[%dma_wait3A_761] : memref<8x!tpu.dma_semaphore, #tpu.memory_space<semaphore_mem>> -> memref<1x!tpu.dma_semaphore, #tpu.memory_space<semaphore_mem>>
    %dma_wait3A_772 = tpu.memref_squeeze %dma_wait3A_771 : memref<1x!tpu.dma_semaphore, #tpu.memory_space<semaphore_mem>> -> memref<!tpu.dma_semaphore, #tpu.memory_space<semaphore_mem>>
    tpu.wait_indirect_dma semaphore(%dma_wait3A_772 : memref<!tpu.dma_semaphore, #tpu.memory_space<semaphore_mem>>) src(%dma_wait3A_770 : memref<1000001x64xf32, #tpu.memory_space<hbm>>) dst(%dma_wait3A_765 : memref<128x64xf32, #tpu.memory_space<vmem>>)
    %add3A_773 = arith.constant 25216 : i32
    %add3A_774 = arith.addi %mul3A_2, %add3A_773 : i32
    %dma_start3A_775 = arith.constant 5 : i32
    %dma_start3A_776 = arith.constant 5 : i32
    %dma_start3A_777 = arith.constant 0 : i32
    %dma_start3A_778 = arith.constant 0 : i32
    %dma_start3A_779 = tpu.memref_slice %arg6[%dma_start3A_775, %dma_start3A_777, %dma_start3A_778] : memref<8x128x64xf32, #tpu.memory_space<vmem>> -> memref<1x128x64xf32, #tpu.memory_space<vmem>>
    %dma_start3A_780 = tpu.memref_squeeze %dma_start3A_779 : memref<1x128x64xf32, #tpu.memory_space<vmem>> -> memref<128x64xf32, #tpu.memory_space<vmem>>
    %dma_start3A_781 = arith.constant 0 : i32
    %dma_start3A_782 = tpu.memref_slice %arg4[%add3A_774, %dma_start3A_781] : memref<819200x64xf32, #tpu.memory_space<hbm>> -> memref<128x64xf32, #tpu.memory_space<hbm>>
    %dma_start3A_783 = tpu.memref_slice %arg8[%dma_start3A_776] : memref<8x!tpu.dma_semaphore, #tpu.memory_space<semaphore_mem>> -> memref<1x!tpu.dma_semaphore, #tpu.memory_space<semaphore_mem>>
    %dma_start3A_784 = tpu.memref_squeeze %dma_start3A_783 : memref<1x!tpu.dma_semaphore, #tpu.memory_space<semaphore_mem>> -> memref<!tpu.dma_semaphore, #tpu.memory_space<semaphore_mem>>
    %dma_start3A_785 = arith.constant 0 : i32
    %dma_start3A_786 = tpu.memref_slice %arg4[%add3A_774, %dma_start3A_785] : memref<819200x64xf32, #tpu.memory_space<hbm>> -> memref<128x64xf32, #tpu.memory_space<hbm>>
    %dma_start3A_787 = arith.constant 0 : i32
    %dma_start3A_788 = arith.constant 0 : i32
    %dma_start3A_789 = tpu.memref_slice %arg6[%dma_start3A_775, %dma_start3A_787, %dma_start3A_788] : memref<8x128x64xf32, #tpu.memory_space<vmem>> -> memref<1x128x64xf32, #tpu.memory_space<vmem>>
    %dma_start3A_790 = tpu.memref_squeeze %dma_start3A_789 : memref<1x128x64xf32, #tpu.memory_space<vmem>> -> memref<128x64xf32, #tpu.memory_space<vmem>>
    tpu.enqueue_dma source(%dma_start3A_790 : memref<128x64xf32, #tpu.memory_space<vmem>>) target(%dma_start3A_786 : memref<128x64xf32, #tpu.memory_space<hbm>>) target_semaphore(%dma_start3A_784 : memref<!tpu.dma_semaphore, #tpu.memory_space<semaphore_mem>>)
    %dma_wait3A_791 = arith.constant 6 : i32
    %dma_wait3A_792 = arith.constant 6 : i32
    %dma_wait3A_793 = arith.constant 0 : i32
    %dma_wait3A_794 = arith.constant 0 : i32
    %dma_wait3A_795 = tpu.memref_slice %arg6[%dma_wait3A_791, %dma_wait3A_793, %dma_wait3A_794] : memref<8x128x64xf32, #tpu.memory_space<vmem>> -> memref<1x128x64xf32, #tpu.memory_space<vmem>>
    %dma_wait3A_796 = tpu.memref_squeeze %dma_wait3A_795 : memref<1x128x64xf32, #tpu.memory_space<vmem>> -> memref<128x64xf32, #tpu.memory_space<vmem>>
    %dma_wait3A_797 = arith.constant 25344 : i32
    %dma_wait3A_798 = tpu.memref_slice %arg5[%dma_wait3A_797] : memref<25600xi32, #tpu.memory_space<vmem>> -> memref<128xi32, #tpu.memory_space<vmem>>
    %dma_wait3A_799 = arith.constant 0 : i32
    %dma_wait3A_800 = arith.constant 0 : i32
    %dma_wait3A_801 = tpu.memref_slice %arg3[%dma_wait3A_799, %dma_wait3A_800] : memref<1000001x64xf32, #tpu.memory_space<hbm>> -> memref<1000001x64xf32, #tpu.memory_space<hbm>>
    %dma_wait3A_802 = tpu.memref_slice %arg7[%dma_wait3A_792] : memref<8x!tpu.dma_semaphore, #tpu.memory_space<semaphore_mem>> -> memref<1x!tpu.dma_semaphore, #tpu.memory_space<semaphore_mem>>
    %dma_wait3A_803 = tpu.memref_squeeze %dma_wait3A_802 : memref<1x!tpu.dma_semaphore, #tpu.memory_space<semaphore_mem>> -> memref<!tpu.dma_semaphore, #tpu.memory_space<semaphore_mem>>
    tpu.wait_indirect_dma semaphore(%dma_wait3A_803 : memref<!tpu.dma_semaphore, #tpu.memory_space<semaphore_mem>>) src(%dma_wait3A_801 : memref<1000001x64xf32, #tpu.memory_space<hbm>>) dst(%dma_wait3A_796 : memref<128x64xf32, #tpu.memory_space<vmem>>)
    %add3A_804 = arith.constant 25344 : i32
    %add3A_805 = arith.addi %mul3A_2, %add3A_804 : i32
    %dma_start3A_806 = arith.constant 6 : i32
    %dma_start3A_807 = arith.constant 6 : i32
    %dma_start3A_808 = arith.constant 0 : i32
    %dma_start3A_809 = arith.constant 0 : i32
    %dma_start3A_810 = tpu.memref_slice %arg6[%dma_start3A_806, %dma_start3A_808, %dma_start3A_809] : memref<8x128x64xf32, #tpu.memory_space<vmem>> -> memref<1x128x64xf32, #tpu.memory_space<vmem>>
    %dma_start3A_811 = tpu.memref_squeeze %dma_start3A_810 : memref<1x128x64xf32, #tpu.memory_space<vmem>> -> memref<128x64xf32, #tpu.memory_space<vmem>>
    %dma_start3A_812 = arith.constant 0 : i32
    %dma_start3A_813 = tpu.memref_slice %arg4[%add3A_805, %dma_start3A_812] : memref<819200x64xf32, #tpu.memory_space<hbm>> -> memref<128x64xf32, #tpu.memory_space<hbm>>
    %dma_start3A_814 = tpu.memref_slice %arg8[%dma_start3A_807] : memref<8x!tpu.dma_semaphore, #tpu.memory_space<semaphore_mem>> -> memref<1x!tpu.dma_semaphore, #tpu.memory_space<semaphore_mem>>
    %dma_start3A_815 = tpu.memref_squeeze %dma_start3A_814 : memref<1x!tpu.dma_semaphore, #tpu.memory_space<semaphore_mem>> -> memref<!tpu.dma_semaphore, #tpu.memory_space<semaphore_mem>>
    %dma_start3A_816 = arith.constant 0 : i32
    %dma_start3A_817 = tpu.memref_slice %arg4[%add3A_805, %dma_start3A_816] : memref<819200x64xf32, #tpu.memory_space<hbm>> -> memref<128x64xf32, #tpu.memory_space<hbm>>
    %dma_start3A_818 = arith.constant 0 : i32
    %dma_start3A_819 = arith.constant 0 : i32
    %dma_start3A_820 = tpu.memref_slice %arg6[%dma_start3A_806, %dma_start3A_818, %dma_start3A_819] : memref<8x128x64xf32, #tpu.memory_space<vmem>> -> memref<1x128x64xf32, #tpu.memory_space<vmem>>
    %dma_start3A_821 = tpu.memref_squeeze %dma_start3A_820 : memref<1x128x64xf32, #tpu.memory_space<vmem>> -> memref<128x64xf32, #tpu.memory_space<vmem>>
    tpu.enqueue_dma source(%dma_start3A_821 : memref<128x64xf32, #tpu.memory_space<vmem>>) target(%dma_start3A_817 : memref<128x64xf32, #tpu.memory_space<hbm>>) target_semaphore(%dma_start3A_815 : memref<!tpu.dma_semaphore, #tpu.memory_space<semaphore_mem>>)
    %dma_wait3A_822 = arith.constant 7 : i32
    %dma_wait3A_823 = arith.constant 7 : i32
    %dma_wait3A_824 = arith.constant 0 : i32
    %dma_wait3A_825 = arith.constant 0 : i32
    %dma_wait3A_826 = tpu.memref_slice %arg6[%dma_wait3A_822, %dma_wait3A_824, %dma_wait3A_825] : memref<8x128x64xf32, #tpu.memory_space<vmem>> -> memref<1x128x64xf32, #tpu.memory_space<vmem>>
    %dma_wait3A_827 = tpu.memref_squeeze %dma_wait3A_826 : memref<1x128x64xf32, #tpu.memory_space<vmem>> -> memref<128x64xf32, #tpu.memory_space<vmem>>
    %dma_wait3A_828 = arith.constant 25472 : i32
    %dma_wait3A_829 = tpu.memref_slice %arg5[%dma_wait3A_828] : memref<25600xi32, #tpu.memory_space<vmem>> -> memref<128xi32, #tpu.memory_space<vmem>>
    %dma_wait3A_830 = arith.constant 0 : i32
    %dma_wait3A_831 = arith.constant 0 : i32
    %dma_wait3A_832 = tpu.memref_slice %arg3[%dma_wait3A_830, %dma_wait3A_831] : memref<1000001x64xf32, #tpu.memory_space<hbm>> -> memref<1000001x64xf32, #tpu.memory_space<hbm>>
    %dma_wait3A_833 = tpu.memref_slice %arg7[%dma_wait3A_823] : memref<8x!tpu.dma_semaphore, #tpu.memory_space<semaphore_mem>> -> memref<1x!tpu.dma_semaphore, #tpu.memory_space<semaphore_mem>>
    %dma_wait3A_834 = tpu.memref_squeeze %dma_wait3A_833 : memref<1x!tpu.dma_semaphore, #tpu.memory_space<semaphore_mem>> -> memref<!tpu.dma_semaphore, #tpu.memory_space<semaphore_mem>>
    tpu.wait_indirect_dma semaphore(%dma_wait3A_834 : memref<!tpu.dma_semaphore, #tpu.memory_space<semaphore_mem>>) src(%dma_wait3A_832 : memref<1000001x64xf32, #tpu.memory_space<hbm>>) dst(%dma_wait3A_827 : memref<128x64xf32, #tpu.memory_space<vmem>>)
    %add3A_835 = arith.constant 25472 : i32
    %add3A_836 = arith.addi %mul3A_2, %add3A_835 : i32
    %dma_start3A_837 = arith.constant 7 : i32
    %dma_start3A_838 = arith.constant 7 : i32
    %dma_start3A_839 = arith.constant 0 : i32
    %dma_start3A_840 = arith.constant 0 : i32
    %dma_start3A_841 = tpu.memref_slice %arg6[%dma_start3A_837, %dma_start3A_839, %dma_start3A_840] : memref<8x128x64xf32, #tpu.memory_space<vmem>> -> memref<1x128x64xf32, #tpu.memory_space<vmem>>
    %dma_start3A_842 = tpu.memref_squeeze %dma_start3A_841 : memref<1x128x64xf32, #tpu.memory_space<vmem>> -> memref<128x64xf32, #tpu.memory_space<vmem>>
    %dma_start3A_843 = arith.constant 0 : i32
    %dma_start3A_844 = tpu.memref_slice %arg4[%add3A_836, %dma_start3A_843] : memref<819200x64xf32, #tpu.memory_space<hbm>> -> memref<128x64xf32, #tpu.memory_space<hbm>>
    %dma_start3A_845 = tpu.memref_slice %arg8[%dma_start3A_838] : memref<8x!tpu.dma_semaphore, #tpu.memory_space<semaphore_mem>> -> memref<1x!tpu.dma_semaphore, #tpu.memory_space<semaphore_mem>>
    %dma_start3A_846 = tpu.memref_squeeze %dma_start3A_845 : memref<1x!tpu.dma_semaphore, #tpu.memory_space<semaphore_mem>> -> memref<!tpu.dma_semaphore, #tpu.memory_space<semaphore_mem>>
    %dma_start3A_847 = arith.constant 0 : i32
    %dma_start3A_848 = tpu.memref_slice %arg4[%add3A_836, %dma_start3A_847] : memref<819200x64xf32, #tpu.memory_space<hbm>> -> memref<128x64xf32, #tpu.memory_space<hbm>>
    %dma_start3A_849 = arith.constant 0 : i32
    %dma_start3A_850 = arith.constant 0 : i32
    %dma_start3A_851 = tpu.memref_slice %arg6[%dma_start3A_837, %dma_start3A_849, %dma_start3A_850] : memref<8x128x64xf32, #tpu.memory_space<vmem>> -> memref<1x128x64xf32, #tpu.memory_space<vmem>>
    %dma_start3A_852 = tpu.memref_squeeze %dma_start3A_851 : memref<1x128x64xf32, #tpu.memory_space<vmem>> -> memref<128x64xf32, #tpu.memory_space<vmem>>
    tpu.enqueue_dma source(%dma_start3A_852 : memref<128x64xf32, #tpu.memory_space<vmem>>) target(%dma_start3A_848 : memref<128x64xf32, #tpu.memory_space<hbm>>) target_semaphore(%dma_start3A_846 : memref<!tpu.dma_semaphore, #tpu.memory_space<semaphore_mem>>)
    %add3A_853 = arith.constant 24576 : i32
    %add3A_854 = arith.addi %mul3A_2, %add3A_853 : i32
    %dma_wait3A_855 = arith.constant 0 : i32
    %dma_wait3A_856 = arith.constant 0 : i32
    %dma_wait3A_857 = arith.constant 0 : i32
    %dma_wait3A_858 = arith.constant 0 : i32
    %dma_wait3A_859 = tpu.memref_slice %arg6[%dma_wait3A_855, %dma_wait3A_857, %dma_wait3A_858] : memref<8x128x64xf32, #tpu.memory_space<vmem>> -> memref<1x128x64xf32, #tpu.memory_space<vmem>>
    %dma_wait3A_860 = tpu.memref_squeeze %dma_wait3A_859 : memref<1x128x64xf32, #tpu.memory_space<vmem>> -> memref<128x64xf32, #tpu.memory_space<vmem>>
    %dma_wait3A_861 = arith.constant 0 : i32
    %dma_wait3A_862 = tpu.memref_slice %arg4[%add3A_854, %dma_wait3A_861] : memref<819200x64xf32, #tpu.memory_space<hbm>> -> memref<128x64xf32, #tpu.memory_space<hbm>>
    %dma_wait3A_863 = tpu.memref_slice %arg8[%dma_wait3A_856] : memref<8x!tpu.dma_semaphore, #tpu.memory_space<semaphore_mem>> -> memref<1x!tpu.dma_semaphore, #tpu.memory_space<semaphore_mem>>
    %dma_wait3A_864 = tpu.memref_squeeze %dma_wait3A_863 : memref<1x!tpu.dma_semaphore, #tpu.memory_space<semaphore_mem>> -> memref<!tpu.dma_semaphore, #tpu.memory_space<semaphore_mem>>
    %dma_wait3A_865 = arith.constant 0 : i32
    %dma_wait3A_866 = tpu.memref_slice %arg4[%add3A_854, %dma_wait3A_865] : memref<819200x64xf32, #tpu.memory_space<hbm>> -> memref<128x64xf32, #tpu.memory_space<hbm>>
    %dma_wait3A_867 = arith.constant 0 : i32
    %dma_wait3A_868 = arith.constant 0 : i32
    %dma_wait3A_869 = tpu.memref_slice %arg6[%dma_wait3A_855, %dma_wait3A_867, %dma_wait3A_868] : memref<8x128x64xf32, #tpu.memory_space<vmem>> -> memref<1x128x64xf32, #tpu.memory_space<vmem>>
    %dma_wait3A_870 = tpu.memref_squeeze %dma_wait3A_869 : memref<1x128x64xf32, #tpu.memory_space<vmem>> -> memref<128x64xf32, #tpu.memory_space<vmem>>
    tpu.wait_dma2 semaphore(%dma_wait3A_864 : memref<!tpu.dma_semaphore, #tpu.memory_space<semaphore_mem>>) src(%dma_wait3A_870 : memref<128x64xf32, #tpu.memory_space<vmem>>) dst(%dma_wait3A_866 : memref<128x64xf32, #tpu.memory_space<hbm>>)
    %add3A_871 = arith.constant 24704 : i32
    %add3A_872 = arith.addi %mul3A_2, %add3A_871 : i32
    %dma_wait3A_873 = arith.constant 1 : i32
    %dma_wait3A_874 = arith.constant 1 : i32
    %dma_wait3A_875 = arith.constant 0 : i32
    %dma_wait3A_876 = arith.constant 0 : i32
    %dma_wait3A_877 = tpu.memref_slice %arg6[%dma_wait3A_873, %dma_wait3A_875, %dma_wait3A_876] : memref<8x128x64xf32, #tpu.memory_space<vmem>> -> memref<1x128x64xf32, #tpu.memory_space<vmem>>
    %dma_wait3A_878 = tpu.memref_squeeze %dma_wait3A_877 : memref<1x128x64xf32, #tpu.memory_space<vmem>> -> memref<128x64xf32, #tpu.memory_space<vmem>>
    %dma_wait3A_879 = arith.constant 0 : i32
    %dma_wait3A_880 = tpu.memref_slice %arg4[%add3A_872, %dma_wait3A_879] : memref<819200x64xf32, #tpu.memory_space<hbm>> -> memref<128x64xf32, #tpu.memory_space<hbm>>
    %dma_wait3A_881 = tpu.memref_slice %arg8[%dma_wait3A_874] : memref<8x!tpu.dma_semaphore, #tpu.memory_space<semaphore_mem>> -> memref<1x!tpu.dma_semaphore, #tpu.memory_space<semaphore_mem>>
    %dma_wait3A_882 = tpu.memref_squeeze %dma_wait3A_881 : memref<1x!tpu.dma_semaphore, #tpu.memory_space<semaphore_mem>> -> memref<!tpu.dma_semaphore, #tpu.memory_space<semaphore_mem>>
    %dma_wait3A_883 = arith.constant 0 : i32
    %dma_wait3A_884 = tpu.memref_slice %arg4[%add3A_872, %dma_wait3A_883] : memref<819200x64xf32, #tpu.memory_space<hbm>> -> memref<128x64xf32, #tpu.memory_space<hbm>>
    %dma_wait3A_885 = arith.constant 0 : i32
    %dma_wait3A_886 = arith.constant 0 : i32
    %dma_wait3A_887 = tpu.memref_slice %arg6[%dma_wait3A_873, %dma_wait3A_885, %dma_wait3A_886] : memref<8x128x64xf32, #tpu.memory_space<vmem>> -> memref<1x128x64xf32, #tpu.memory_space<vmem>>
    %dma_wait3A_888 = tpu.memref_squeeze %dma_wait3A_887 : memref<1x128x64xf32, #tpu.memory_space<vmem>> -> memref<128x64xf32, #tpu.memory_space<vmem>>
    tpu.wait_dma2 semaphore(%dma_wait3A_882 : memref<!tpu.dma_semaphore, #tpu.memory_space<semaphore_mem>>) src(%dma_wait3A_888 : memref<128x64xf32, #tpu.memory_space<vmem>>) dst(%dma_wait3A_884 : memref<128x64xf32, #tpu.memory_space<hbm>>)
    %add3A_889 = arith.constant 24832 : i32
    %add3A_890 = arith.addi %mul3A_2, %add3A_889 : i32
    %dma_wait3A_891 = arith.constant 2 : i32
    %dma_wait3A_892 = arith.constant 2 : i32
    %dma_wait3A_893 = arith.constant 0 : i32
    %dma_wait3A_894 = arith.constant 0 : i32
    %dma_wait3A_895 = tpu.memref_slice %arg6[%dma_wait3A_891, %dma_wait3A_893, %dma_wait3A_894] : memref<8x128x64xf32, #tpu.memory_space<vmem>> -> memref<1x128x64xf32, #tpu.memory_space<vmem>>
    %dma_wait3A_896 = tpu.memref_squeeze %dma_wait3A_895 : memref<1x128x64xf32, #tpu.memory_space<vmem>> -> memref<128x64xf32, #tpu.memory_space<vmem>>
    %dma_wait3A_897 = arith.constant 0 : i32
    %dma_wait3A_898 = tpu.memref_slice %arg4[%add3A_890, %dma_wait3A_897] : memref<819200x64xf32, #tpu.memory_space<hbm>> -> memref<128x64xf32, #tpu.memory_space<hbm>>
    %dma_wait3A_899 = tpu.memref_slice %arg8[%dma_wait3A_892] : memref<8x!tpu.dma_semaphore, #tpu.memory_space<semaphore_mem>> -> memref<1x!tpu.dma_semaphore, #tpu.memory_space<semaphore_mem>>
    %dma_wait3A_900 = tpu.memref_squeeze %dma_wait3A_899 : memref<1x!tpu.dma_semaphore, #tpu.memory_space<semaphore_mem>> -> memref<!tpu.dma_semaphore, #tpu.memory_space<semaphore_mem>>
    %dma_wait3A_901 = arith.constant 0 : i32
    %dma_wait3A_902 = tpu.memref_slice %arg4[%add3A_890, %dma_wait3A_901] : memref<819200x64xf32, #tpu.memory_space<hbm>> -> memref<128x64xf32, #tpu.memory_space<hbm>>
    %dma_wait3A_903 = arith.constant 0 : i32
    %dma_wait3A_904 = arith.constant 0 : i32
    %dma_wait3A_905 = tpu.memref_slice %arg6[%dma_wait3A_891, %dma_wait3A_903, %dma_wait3A_904] : memref<8x128x64xf32, #tpu.memory_space<vmem>> -> memref<1x128x64xf32, #tpu.memory_space<vmem>>
    %dma_wait3A_906 = tpu.memref_squeeze %dma_wait3A_905 : memref<1x128x64xf32, #tpu.memory_space<vmem>> -> memref<128x64xf32, #tpu.memory_space<vmem>>
    tpu.wait_dma2 semaphore(%dma_wait3A_900 : memref<!tpu.dma_semaphore, #tpu.memory_space<semaphore_mem>>) src(%dma_wait3A_906 : memref<128x64xf32, #tpu.memory_space<vmem>>) dst(%dma_wait3A_902 : memref<128x64xf32, #tpu.memory_space<hbm>>)
    %add3A_907 = arith.constant 24960 : i32
    %add3A_908 = arith.addi %mul3A_2, %add3A_907 : i32
    %dma_wait3A_909 = arith.constant 3 : i32
    %dma_wait3A_910 = arith.constant 3 : i32
    %dma_wait3A_911 = arith.constant 0 : i32
    %dma_wait3A_912 = arith.constant 0 : i32
    %dma_wait3A_913 = tpu.memref_slice %arg6[%dma_wait3A_909, %dma_wait3A_911, %dma_wait3A_912] : memref<8x128x64xf32, #tpu.memory_space<vmem>> -> memref<1x128x64xf32, #tpu.memory_space<vmem>>
    %dma_wait3A_914 = tpu.memref_squeeze %dma_wait3A_913 : memref<1x128x64xf32, #tpu.memory_space<vmem>> -> memref<128x64xf32, #tpu.memory_space<vmem>>
    %dma_wait3A_915 = arith.constant 0 : i32
    %dma_wait3A_916 = tpu.memref_slice %arg4[%add3A_908, %dma_wait3A_915] : memref<819200x64xf32, #tpu.memory_space<hbm>> -> memref<128x64xf32, #tpu.memory_space<hbm>>
    %dma_wait3A_917 = tpu.memref_slice %arg8[%dma_wait3A_910] : memref<8x!tpu.dma_semaphore, #tpu.memory_space<semaphore_mem>> -> memref<1x!tpu.dma_semaphore, #tpu.memory_space<semaphore_mem>>
    %dma_wait3A_918 = tpu.memref_squeeze %dma_wait3A_917 : memref<1x!tpu.dma_semaphore, #tpu.memory_space<semaphore_mem>> -> memref<!tpu.dma_semaphore, #tpu.memory_space<semaphore_mem>>
    %dma_wait3A_919 = arith.constant 0 : i32
    %dma_wait3A_920 = tpu.memref_slice %arg4[%add3A_908, %dma_wait3A_919] : memref<819200x64xf32, #tpu.memory_space<hbm>> -> memref<128x64xf32, #tpu.memory_space<hbm>>
    %dma_wait3A_921 = arith.constant 0 : i32
    %dma_wait3A_922 = arith.constant 0 : i32
    %dma_wait3A_923 = tpu.memref_slice %arg6[%dma_wait3A_909, %dma_wait3A_921, %dma_wait3A_922] : memref<8x128x64xf32, #tpu.memory_space<vmem>> -> memref<1x128x64xf32, #tpu.memory_space<vmem>>
    %dma_wait3A_924 = tpu.memref_squeeze %dma_wait3A_923 : memref<1x128x64xf32, #tpu.memory_space<vmem>> -> memref<128x64xf32, #tpu.memory_space<vmem>>
    tpu.wait_dma2 semaphore(%dma_wait3A_918 : memref<!tpu.dma_semaphore, #tpu.memory_space<semaphore_mem>>) src(%dma_wait3A_924 : memref<128x64xf32, #tpu.memory_space<vmem>>) dst(%dma_wait3A_920 : memref<128x64xf32, #tpu.memory_space<hbm>>)
    %add3A_925 = arith.constant 25088 : i32
    %add3A_926 = arith.addi %mul3A_2, %add3A_925 : i32
    %dma_wait3A_927 = arith.constant 4 : i32
    %dma_wait3A_928 = arith.constant 4 : i32
    %dma_wait3A_929 = arith.constant 0 : i32
    %dma_wait3A_930 = arith.constant 0 : i32
    %dma_wait3A_931 = tpu.memref_slice %arg6[%dma_wait3A_927, %dma_wait3A_929, %dma_wait3A_930] : memref<8x128x64xf32, #tpu.memory_space<vmem>> -> memref<1x128x64xf32, #tpu.memory_space<vmem>>
    %dma_wait3A_932 = tpu.memref_squeeze %dma_wait3A_931 : memref<1x128x64xf32, #tpu.memory_space<vmem>> -> memref<128x64xf32, #tpu.memory_space<vmem>>
    %dma_wait3A_933 = arith.constant 0 : i32
    %dma_wait3A_934 = tpu.memref_slice %arg4[%add3A_926, %dma_wait3A_933] : memref<819200x64xf32, #tpu.memory_space<hbm>> -> memref<128x64xf32, #tpu.memory_space<hbm>>
    %dma_wait3A_935 = tpu.memref_slice %arg8[%dma_wait3A_928] : memref<8x!tpu.dma_semaphore, #tpu.memory_space<semaphore_mem>> -> memref<1x!tpu.dma_semaphore, #tpu.memory_space<semaphore_mem>>
    %dma_wait3A_936 = tpu.memref_squeeze %dma_wait3A_935 : memref<1x!tpu.dma_semaphore, #tpu.memory_space<semaphore_mem>> -> memref<!tpu.dma_semaphore, #tpu.memory_space<semaphore_mem>>
    %dma_wait3A_937 = arith.constant 0 : i32
    %dma_wait3A_938 = tpu.memref_slice %arg4[%add3A_926, %dma_wait3A_937] : memref<819200x64xf32, #tpu.memory_space<hbm>> -> memref<128x64xf32, #tpu.memory_space<hbm>>
    %dma_wait3A_939 = arith.constant 0 : i32
    %dma_wait3A_940 = arith.constant 0 : i32
    %dma_wait3A_941 = tpu.memref_slice %arg6[%dma_wait3A_927, %dma_wait3A_939, %dma_wait3A_940] : memref<8x128x64xf32, #tpu.memory_space<vmem>> -> memref<1x128x64xf32, #tpu.memory_space<vmem>>
    %dma_wait3A_942 = tpu.memref_squeeze %dma_wait3A_941 : memref<1x128x64xf32, #tpu.memory_space<vmem>> -> memref<128x64xf32, #tpu.memory_space<vmem>>
    tpu.wait_dma2 semaphore(%dma_wait3A_936 : memref<!tpu.dma_semaphore, #tpu.memory_space<semaphore_mem>>) src(%dma_wait3A_942 : memref<128x64xf32, #tpu.memory_space<vmem>>) dst(%dma_wait3A_938 : memref<128x64xf32, #tpu.memory_space<hbm>>)
    %add3A_943 = arith.constant 25216 : i32
    %add3A_944 = arith.addi %mul3A_2, %add3A_943 : i32
    %dma_wait3A_945 = arith.constant 5 : i32
    %dma_wait3A_946 = arith.constant 5 : i32
    %dma_wait3A_947 = arith.constant 0 : i32
    %dma_wait3A_948 = arith.constant 0 : i32
    %dma_wait3A_949 = tpu.memref_slice %arg6[%dma_wait3A_945, %dma_wait3A_947, %dma_wait3A_948] : memref<8x128x64xf32, #tpu.memory_space<vmem>> -> memref<1x128x64xf32, #tpu.memory_space<vmem>>
    %dma_wait3A_950 = tpu.memref_squeeze %dma_wait3A_949 : memref<1x128x64xf32, #tpu.memory_space<vmem>> -> memref<128x64xf32, #tpu.memory_space<vmem>>
    %dma_wait3A_951 = arith.constant 0 : i32
    %dma_wait3A_952 = tpu.memref_slice %arg4[%add3A_944, %dma_wait3A_951] : memref<819200x64xf32, #tpu.memory_space<hbm>> -> memref<128x64xf32, #tpu.memory_space<hbm>>
    %dma_wait3A_953 = tpu.memref_slice %arg8[%dma_wait3A_946] : memref<8x!tpu.dma_semaphore, #tpu.memory_space<semaphore_mem>> -> memref<1x!tpu.dma_semaphore, #tpu.memory_space<semaphore_mem>>
    %dma_wait3A_954 = tpu.memref_squeeze %dma_wait3A_953 : memref<1x!tpu.dma_semaphore, #tpu.memory_space<semaphore_mem>> -> memref<!tpu.dma_semaphore, #tpu.memory_space<semaphore_mem>>
    %dma_wait3A_955 = arith.constant 0 : i32
    %dma_wait3A_956 = tpu.memref_slice %arg4[%add3A_944, %dma_wait3A_955] : memref<819200x64xf32, #tpu.memory_space<hbm>> -> memref<128x64xf32, #tpu.memory_space<hbm>>
    %dma_wait3A_957 = arith.constant 0 : i32
    %dma_wait3A_958 = arith.constant 0 : i32
    %dma_wait3A_959 = tpu.memref_slice %arg6[%dma_wait3A_945, %dma_wait3A_957, %dma_wait3A_958] : memref<8x128x64xf32, #tpu.memory_space<vmem>> -> memref<1x128x64xf32, #tpu.memory_space<vmem>>
    %dma_wait3A_960 = tpu.memref_squeeze %dma_wait3A_959 : memref<1x128x64xf32, #tpu.memory_space<vmem>> -> memref<128x64xf32, #tpu.memory_space<vmem>>
    tpu.wait_dma2 semaphore(%dma_wait3A_954 : memref<!tpu.dma_semaphore, #tpu.memory_space<semaphore_mem>>) src(%dma_wait3A_960 : memref<128x64xf32, #tpu.memory_space<vmem>>) dst(%dma_wait3A_956 : memref<128x64xf32, #tpu.memory_space<hbm>>)
    %add3A_961 = arith.constant 25344 : i32
    %add3A_962 = arith.addi %mul3A_2, %add3A_961 : i32
    %dma_wait3A_963 = arith.constant 6 : i32
    %dma_wait3A_964 = arith.constant 6 : i32
    %dma_wait3A_965 = arith.constant 0 : i32
    %dma_wait3A_966 = arith.constant 0 : i32
    %dma_wait3A_967 = tpu.memref_slice %arg6[%dma_wait3A_963, %dma_wait3A_965, %dma_wait3A_966] : memref<8x128x64xf32, #tpu.memory_space<vmem>> -> memref<1x128x64xf32, #tpu.memory_space<vmem>>
    %dma_wait3A_968 = tpu.memref_squeeze %dma_wait3A_967 : memref<1x128x64xf32, #tpu.memory_space<vmem>> -> memref<128x64xf32, #tpu.memory_space<vmem>>
    %dma_wait3A_969 = arith.constant 0 : i32
    %dma_wait3A_970 = tpu.memref_slice %arg4[%add3A_962, %dma_wait3A_969] : memref<819200x64xf32, #tpu.memory_space<hbm>> -> memref<128x64xf32, #tpu.memory_space<hbm>>
    %dma_wait3A_971 = tpu.memref_slice %arg8[%dma_wait3A_964] : memref<8x!tpu.dma_semaphore, #tpu.memory_space<semaphore_mem>> -> memref<1x!tpu.dma_semaphore, #tpu.memory_space<semaphore_mem>>
    %dma_wait3A_972 = tpu.memref_squeeze %dma_wait3A_971 : memref<1x!tpu.dma_semaphore, #tpu.memory_space<semaphore_mem>> -> memref<!tpu.dma_semaphore, #tpu.memory_space<semaphore_mem>>
    %dma_wait3A_973 = arith.constant 0 : i32
    %dma_wait3A_974 = tpu.memref_slice %arg4[%add3A_962, %dma_wait3A_973] : memref<819200x64xf32, #tpu.memory_space<hbm>> -> memref<128x64xf32, #tpu.memory_space<hbm>>
    %dma_wait3A_975 = arith.constant 0 : i32
    %dma_wait3A_976 = arith.constant 0 : i32
    %dma_wait3A_977 = tpu.memref_slice %arg6[%dma_wait3A_963, %dma_wait3A_975, %dma_wait3A_976] : memref<8x128x64xf32, #tpu.memory_space<vmem>> -> memref<1x128x64xf32, #tpu.memory_space<vmem>>
    %dma_wait3A_978 = tpu.memref_squeeze %dma_wait3A_977 : memref<1x128x64xf32, #tpu.memory_space<vmem>> -> memref<128x64xf32, #tpu.memory_space<vmem>>
    tpu.wait_dma2 semaphore(%dma_wait3A_972 : memref<!tpu.dma_semaphore, #tpu.memory_space<semaphore_mem>>) src(%dma_wait3A_978 : memref<128x64xf32, #tpu.memory_space<vmem>>) dst(%dma_wait3A_974 : memref<128x64xf32, #tpu.memory_space<hbm>>)
    %add3A_979 = arith.constant 25472 : i32
    %add3A_980 = arith.addi %mul3A_2, %add3A_979 : i32
    %dma_wait3A_981 = arith.constant 7 : i32
    %dma_wait3A_982 = arith.constant 7 : i32
    %dma_wait3A_983 = arith.constant 0 : i32
    %dma_wait3A_984 = arith.constant 0 : i32
    %dma_wait3A_985 = tpu.memref_slice %arg6[%dma_wait3A_981, %dma_wait3A_983, %dma_wait3A_984] : memref<8x128x64xf32, #tpu.memory_space<vmem>> -> memref<1x128x64xf32, #tpu.memory_space<vmem>>
    %dma_wait3A_986 = tpu.memref_squeeze %dma_wait3A_985 : memref<1x128x64xf32, #tpu.memory_space<vmem>> -> memref<128x64xf32, #tpu.memory_space<vmem>>
    %dma_wait3A_987 = arith.constant 0 : i32
    %dma_wait3A_988 = tpu.memref_slice %arg4[%add3A_980, %dma_wait3A_987] : memref<819200x64xf32, #tpu.memory_space<hbm>> -> memref<128x64xf32, #tpu.memory_space<hbm>>
    %dma_wait3A_989 = tpu.memref_slice %arg8[%dma_wait3A_982] : memref<8x!tpu.dma_semaphore, #tpu.memory_space<semaphore_mem>> -> memref<1x!tpu.dma_semaphore, #tpu.memory_space<semaphore_mem>>
    %dma_wait3A_990 = tpu.memref_squeeze %dma_wait3A_989 : memref<1x!tpu.dma_semaphore, #tpu.memory_space<semaphore_mem>> -> memref<!tpu.dma_semaphore, #tpu.memory_space<semaphore_mem>>
    %dma_wait3A_991 = arith.constant 0 : i32
    %dma_wait3A_992 = tpu.memref_slice %arg4[%add3A_980, %dma_wait3A_991] : memref<819200x64xf32, #tpu.memory_space<hbm>> -> memref<128x64xf32, #tpu.memory_space<hbm>>
    %dma_wait3A_993 = arith.constant 0 : i32
    %dma_wait3A_994 = arith.constant 0 : i32
    %dma_wait3A_995 = tpu.memref_slice %arg6[%dma_wait3A_981, %dma_wait3A_993, %dma_wait3A_994] : memref<8x128x64xf32, #tpu.memory_space<vmem>> -> memref<1x128x64xf32, #tpu.memory_space<vmem>>
    %dma_wait3A_996 = tpu.memref_squeeze %dma_wait3A_995 : memref<1x128x64xf32, #tpu.memory_space<vmem>> -> memref<128x64xf32, #tpu.memory_space<vmem>>
    tpu.wait_dma2 semaphore(%dma_wait3A_990 : memref<!tpu.dma_semaphore, #tpu.memory_space<semaphore_mem>>) src(%dma_wait3A_996 : memref<128x64xf32, #tpu.memory_space<vmem>>) dst(%dma_wait3A_992 : memref<128x64xf32, #tpu.memory_space<hbm>>)
    return
  }
}

#map = affine_map<(d0, d1) -> (0)>
#map1 = affine_map<(d0, d1) -> (0, 0)>
module attributes {stable_mosaic.version = 14 : i64} {
  func.func @k(%arg0: i32, %arg1: i32, %arg2: memref<819200xi32, #tpu.memory_space<hbm>>, %arg3: memref<100001x32xf32, #tpu.memory_space<hbm>>, %arg4: memref<819200x32xf32, #tpu.memory_space<hbm>>, %arg5: memref<25600xi32, #tpu.memory_space<vmem>>, %arg6: memref<8x128x32xf32, #tpu.memory_space<vmem>>, %arg7: memref<8x!tpu.dma_semaphore, #tpu.memory_space<semaphore_mem>>, %arg8: memref<8x!tpu.dma_semaphore, #tpu.memory_space<semaphore_mem>>) attributes {dimension_semantics = [#tpu.dimension_semantics<core_parallel>, #tpu.dimension_semantics<subcore_parallel>], iteration_bounds = array<i64: 2, 16>, scalar_prefetch = 0 : i64, scratch_operands = 4 : i64, tpu.core_type = #tpu.core_type<sc_vector_subcore>, window_params = [{transform_indices = #map}, {transform_indices = #map1}, {transform_indices = #map1}]} {
    %mul3A = arith.constant 2 : i32
    %mul3A_0 = arith.muli %arg1, %mul3A : i32
    %add3A = arith.addi %mul3A_0, %arg0 : i32
    %mul3A_1 = arith.constant 25600 : i32
    %mul3A_2 = arith.muli %add3A, %mul3A_1 : i32
    "tpu.region"() ({
      %run_scoped3A = tpu.sem_alloc : memref<!tpu.dma_semaphore, #tpu.memory_space<semaphore_mem>>
      %dma_start3A_997 = tpu.memref_slice %arg2[%mul3A_2] : memref<819200xi32, #tpu.memory_space<hbm>> -> memref<25600xi32, #tpu.memory_space<hbm>>
      %dma_start3A_998 = tpu.memref_slice %arg2[%mul3A_2] : memref<819200xi32, #tpu.memory_space<hbm>> -> memref<25600xi32, #tpu.memory_space<hbm>>
      tpu.enqueue_dma source(%dma_start3A_998 : memref<25600xi32, #tpu.memory_space<hbm>>) target(%arg5 : memref<25600xi32, #tpu.memory_space<vmem>>) target_semaphore(%run_scoped3A : memref<!tpu.dma_semaphore, #tpu.memory_space<semaphore_mem>>)
      %dma_wait3A_999 = tpu.memref_slice %arg2[%mul3A_2] : memref<819200xi32, #tpu.memory_space<hbm>> -> memref<25600xi32, #tpu.memory_space<hbm>>
      %dma_wait3A_1000 = tpu.memref_slice %arg2[%mul3A_2] : memref<819200xi32, #tpu.memory_space<hbm>> -> memref<25600xi32, #tpu.memory_space<hbm>>
      tpu.wait_dma2 semaphore(%run_scoped3A : memref<!tpu.dma_semaphore, #tpu.memory_space<semaphore_mem>>) src(%dma_wait3A_1000 : memref<25600xi32, #tpu.memory_space<hbm>>) dst(%arg5 : memref<25600xi32, #tpu.memory_space<vmem>>)
      tpu.yield
    }) : () -> ()
    %dma_start3A = arith.constant 0 : i32
    %dma_start3A_3 = arith.constant 0 : i32
    %dma_start3A_4 = arith.constant 0 : i32
    %dma_start3A_5 = arith.constant 0 : i32
    %dma_start3A_6 = tpu.memref_slice %arg6[%dma_start3A, %dma_start3A_4, %dma_start3A_5] : memref<8x128x32xf32, #tpu.memory_space<vmem>> -> memref<1x128x32xf32, #tpu.memory_space<vmem>>
    %dma_start3A_7 = tpu.memref_squeeze %dma_start3A_6 : memref<1x128x32xf32, #tpu.memory_space<vmem>> -> memref<128x32xf32, #tpu.memory_space<vmem>>
    %dma_start3A_8 = arith.constant 0 : i32
    %dma_start3A_9 = tpu.memref_slice %arg5[%dma_start3A_8] : memref<25600xi32, #tpu.memory_space<vmem>> -> memref<128xi32, #tpu.memory_space<vmem>>
    %dma_start3A_10 = arith.constant 0 : i32
    %dma_start3A_11 = arith.constant 0 : i32
    %dma_start3A_12 = tpu.memref_slice %arg3[%dma_start3A_10, %dma_start3A_11] : memref<100001x32xf32, #tpu.memory_space<hbm>> -> memref<100001x32xf32, #tpu.memory_space<hbm>>
    %dma_start3A_13 = tpu.memref_slice %arg7[%dma_start3A_3] : memref<8x!tpu.dma_semaphore, #tpu.memory_space<semaphore_mem>> -> memref<1x!tpu.dma_semaphore, #tpu.memory_space<semaphore_mem>>
    %dma_start3A_14 = tpu.memref_squeeze %dma_start3A_13 : memref<1x!tpu.dma_semaphore, #tpu.memory_space<semaphore_mem>> -> memref<!tpu.dma_semaphore, #tpu.memory_space<semaphore_mem>>
    tpu.enqueue_indirect_dma source(%dma_start3A_12 : memref<100001x32xf32, #tpu.memory_space<hbm>>) target(%dma_start3A_7 : memref<128x32xf32, #tpu.memory_space<vmem>>) offsets(%dma_start3A_9 : memref<128xi32, #tpu.memory_space<vmem>>) semaphore(%dma_start3A_14 : memref<!tpu.dma_semaphore, #tpu.memory_space<semaphore_mem>>)
    %dma_start3A_15 = arith.constant 1 : i32
    %dma_start3A_16 = arith.constant 1 : i32
    %dma_start3A_17 = arith.constant 0 : i32
    %dma_start3A_18 = arith.constant 0 : i32
    %dma_start3A_19 = tpu.memref_slice %arg6[%dma_start3A_15, %dma_start3A_17, %dma_start3A_18] : memref<8x128x32xf32, #tpu.memory_space<vmem>> -> memref<1x128x32xf32, #tpu.memory_space<vmem>>
    %dma_start3A_20 = tpu.memref_squeeze %dma_start3A_19 : memref<1x128x32xf32, #tpu.memory_space<vmem>> -> memref<128x32xf32, #tpu.memory_space<vmem>>
    %dma_start3A_21 = arith.constant 128 : i32
    %dma_start3A_22 = tpu.memref_slice %arg5[%dma_start3A_21] : memref<25600xi32, #tpu.memory_space<vmem>> -> memref<128xi32, #tpu.memory_space<vmem>>
    %dma_start3A_23 = arith.constant 0 : i32
    %dma_start3A_24 = arith.constant 0 : i32
    %dma_start3A_25 = tpu.memref_slice %arg3[%dma_start3A_23, %dma_start3A_24] : memref<100001x32xf32, #tpu.memory_space<hbm>> -> memref<100001x32xf32, #tpu.memory_space<hbm>>
    %dma_start3A_26 = tpu.memref_slice %arg7[%dma_start3A_16] : memref<8x!tpu.dma_semaphore, #tpu.memory_space<semaphore_mem>> -> memref<1x!tpu.dma_semaphore, #tpu.memory_space<semaphore_mem>>
    %dma_start3A_27 = tpu.memref_squeeze %dma_start3A_26 : memref<1x!tpu.dma_semaphore, #tpu.memory_space<semaphore_mem>> -> memref<!tpu.dma_semaphore, #tpu.memory_space<semaphore_mem>>
    tpu.enqueue_indirect_dma source(%dma_start3A_25 : memref<100001x32xf32, #tpu.memory_space<hbm>>) target(%dma_start3A_20 : memref<128x32xf32, #tpu.memory_space<vmem>>) offsets(%dma_start3A_22 : memref<128xi32, #tpu.memory_space<vmem>>) semaphore(%dma_start3A_27 : memref<!tpu.dma_semaphore, #tpu.memory_space<semaphore_mem>>)
    %dma_start3A_28 = arith.constant 2 : i32
    %dma_start3A_29 = arith.constant 2 : i32
    %dma_start3A_30 = arith.constant 0 : i32
    %dma_start3A_31 = arith.constant 0 : i32
    %dma_start3A_32 = tpu.memref_slice %arg6[%dma_start3A_28, %dma_start3A_30, %dma_start3A_31] : memref<8x128x32xf32, #tpu.memory_space<vmem>> -> memref<1x128x32xf32, #tpu.memory_space<vmem>>
    %dma_start3A_33 = tpu.memref_squeeze %dma_start3A_32 : memref<1x128x32xf32, #tpu.memory_space<vmem>> -> memref<128x32xf32, #tpu.memory_space<vmem>>
    %dma_start3A_34 = arith.constant 256 : i32
    %dma_start3A_35 = tpu.memref_slice %arg5[%dma_start3A_34] : memref<25600xi32, #tpu.memory_space<vmem>> -> memref<128xi32, #tpu.memory_space<vmem>>
    %dma_start3A_36 = arith.constant 0 : i32
    %dma_start3A_37 = arith.constant 0 : i32
    %dma_start3A_38 = tpu.memref_slice %arg3[%dma_start3A_36, %dma_start3A_37] : memref<100001x32xf32, #tpu.memory_space<hbm>> -> memref<100001x32xf32, #tpu.memory_space<hbm>>
    %dma_start3A_39 = tpu.memref_slice %arg7[%dma_start3A_29] : memref<8x!tpu.dma_semaphore, #tpu.memory_space<semaphore_mem>> -> memref<1x!tpu.dma_semaphore, #tpu.memory_space<semaphore_mem>>
    %dma_start3A_40 = tpu.memref_squeeze %dma_start3A_39 : memref<1x!tpu.dma_semaphore, #tpu.memory_space<semaphore_mem>> -> memref<!tpu.dma_semaphore, #tpu.memory_space<semaphore_mem>>
    tpu.enqueue_indirect_dma source(%dma_start3A_38 : memref<100001x32xf32, #tpu.memory_space<hbm>>) target(%dma_start3A_33 : memref<128x32xf32, #tpu.memory_space<vmem>>) offsets(%dma_start3A_35 : memref<128xi32, #tpu.memory_space<vmem>>) semaphore(%dma_start3A_40 : memref<!tpu.dma_semaphore, #tpu.memory_space<semaphore_mem>>)
    %dma_start3A_41 = arith.constant 3 : i32
    %dma_start3A_42 = arith.constant 3 : i32
    %dma_start3A_43 = arith.constant 0 : i32
    %dma_start3A_44 = arith.constant 0 : i32
    %dma_start3A_45 = tpu.memref_slice %arg6[%dma_start3A_41, %dma_start3A_43, %dma_start3A_44] : memref<8x128x32xf32, #tpu.memory_space<vmem>> -> memref<1x128x32xf32, #tpu.memory_space<vmem>>
    %dma_start3A_46 = tpu.memref_squeeze %dma_start3A_45 : memref<1x128x32xf32, #tpu.memory_space<vmem>> -> memref<128x32xf32, #tpu.memory_space<vmem>>
    %dma_start3A_47 = arith.constant 384 : i32
    %dma_start3A_48 = tpu.memref_slice %arg5[%dma_start3A_47] : memref<25600xi32, #tpu.memory_space<vmem>> -> memref<128xi32, #tpu.memory_space<vmem>>
    %dma_start3A_49 = arith.constant 0 : i32
    %dma_start3A_50 = arith.constant 0 : i32
    %dma_start3A_51 = tpu.memref_slice %arg3[%dma_start3A_49, %dma_start3A_50] : memref<100001x32xf32, #tpu.memory_space<hbm>> -> memref<100001x32xf32, #tpu.memory_space<hbm>>
    %dma_start3A_52 = tpu.memref_slice %arg7[%dma_start3A_42] : memref<8x!tpu.dma_semaphore, #tpu.memory_space<semaphore_mem>> -> memref<1x!tpu.dma_semaphore, #tpu.memory_space<semaphore_mem>>
    %dma_start3A_53 = tpu.memref_squeeze %dma_start3A_52 : memref<1x!tpu.dma_semaphore, #tpu.memory_space<semaphore_mem>> -> memref<!tpu.dma_semaphore, #tpu.memory_space<semaphore_mem>>
    tpu.enqueue_indirect_dma source(%dma_start3A_51 : memref<100001x32xf32, #tpu.memory_space<hbm>>) target(%dma_start3A_46 : memref<128x32xf32, #tpu.memory_space<vmem>>) offsets(%dma_start3A_48 : memref<128xi32, #tpu.memory_space<vmem>>) semaphore(%dma_start3A_53 : memref<!tpu.dma_semaphore, #tpu.memory_space<semaphore_mem>>)
    %dma_start3A_54 = arith.constant 4 : i32
    %dma_start3A_55 = arith.constant 4 : i32
    %dma_start3A_56 = arith.constant 0 : i32
    %dma_start3A_57 = arith.constant 0 : i32
    %dma_start3A_58 = tpu.memref_slice %arg6[%dma_start3A_54, %dma_start3A_56, %dma_start3A_57] : memref<8x128x32xf32, #tpu.memory_space<vmem>> -> memref<1x128x32xf32, #tpu.memory_space<vmem>>
    %dma_start3A_59 = tpu.memref_squeeze %dma_start3A_58 : memref<1x128x32xf32, #tpu.memory_space<vmem>> -> memref<128x32xf32, #tpu.memory_space<vmem>>
    %dma_start3A_60 = arith.constant 512 : i32
    %dma_start3A_61 = tpu.memref_slice %arg5[%dma_start3A_60] : memref<25600xi32, #tpu.memory_space<vmem>> -> memref<128xi32, #tpu.memory_space<vmem>>
    %dma_start3A_62 = arith.constant 0 : i32
    %dma_start3A_63 = arith.constant 0 : i32
    %dma_start3A_64 = tpu.memref_slice %arg3[%dma_start3A_62, %dma_start3A_63] : memref<100001x32xf32, #tpu.memory_space<hbm>> -> memref<100001x32xf32, #tpu.memory_space<hbm>>
    %dma_start3A_65 = tpu.memref_slice %arg7[%dma_start3A_55] : memref<8x!tpu.dma_semaphore, #tpu.memory_space<semaphore_mem>> -> memref<1x!tpu.dma_semaphore, #tpu.memory_space<semaphore_mem>>
    %dma_start3A_66 = tpu.memref_squeeze %dma_start3A_65 : memref<1x!tpu.dma_semaphore, #tpu.memory_space<semaphore_mem>> -> memref<!tpu.dma_semaphore, #tpu.memory_space<semaphore_mem>>
    tpu.enqueue_indirect_dma source(%dma_start3A_64 : memref<100001x32xf32, #tpu.memory_space<hbm>>) target(%dma_start3A_59 : memref<128x32xf32, #tpu.memory_space<vmem>>) offsets(%dma_start3A_61 : memref<128xi32, #tpu.memory_space<vmem>>) semaphore(%dma_start3A_66 : memref<!tpu.dma_semaphore, #tpu.memory_space<semaphore_mem>>)
    %dma_start3A_67 = arith.constant 5 : i32
    %dma_start3A_68 = arith.constant 5 : i32
    %dma_start3A_69 = arith.constant 0 : i32
    %dma_start3A_70 = arith.constant 0 : i32
    %dma_start3A_71 = tpu.memref_slice %arg6[%dma_start3A_67, %dma_start3A_69, %dma_start3A_70] : memref<8x128x32xf32, #tpu.memory_space<vmem>> -> memref<1x128x32xf32, #tpu.memory_space<vmem>>
    %dma_start3A_72 = tpu.memref_squeeze %dma_start3A_71 : memref<1x128x32xf32, #tpu.memory_space<vmem>> -> memref<128x32xf32, #tpu.memory_space<vmem>>
    %dma_start3A_73 = arith.constant 640 : i32
    %dma_start3A_74 = tpu.memref_slice %arg5[%dma_start3A_73] : memref<25600xi32, #tpu.memory_space<vmem>> -> memref<128xi32, #tpu.memory_space<vmem>>
    %dma_start3A_75 = arith.constant 0 : i32
    %dma_start3A_76 = arith.constant 0 : i32
    %dma_start3A_77 = tpu.memref_slice %arg3[%dma_start3A_75, %dma_start3A_76] : memref<100001x32xf32, #tpu.memory_space<hbm>> -> memref<100001x32xf32, #tpu.memory_space<hbm>>
    %dma_start3A_78 = tpu.memref_slice %arg7[%dma_start3A_68] : memref<8x!tpu.dma_semaphore, #tpu.memory_space<semaphore_mem>> -> memref<1x!tpu.dma_semaphore, #tpu.memory_space<semaphore_mem>>
    %dma_start3A_79 = tpu.memref_squeeze %dma_start3A_78 : memref<1x!tpu.dma_semaphore, #tpu.memory_space<semaphore_mem>> -> memref<!tpu.dma_semaphore, #tpu.memory_space<semaphore_mem>>
    tpu.enqueue_indirect_dma source(%dma_start3A_77 : memref<100001x32xf32, #tpu.memory_space<hbm>>) target(%dma_start3A_72 : memref<128x32xf32, #tpu.memory_space<vmem>>) offsets(%dma_start3A_74 : memref<128xi32, #tpu.memory_space<vmem>>) semaphore(%dma_start3A_79 : memref<!tpu.dma_semaphore, #tpu.memory_space<semaphore_mem>>)
    %dma_wait3A = arith.constant 0 : i32
    %dma_wait3A_80 = arith.constant 0 : i32
    %dma_wait3A_81 = arith.constant 0 : i32
    %dma_wait3A_82 = arith.constant 0 : i32
    %dma_wait3A_83 = tpu.memref_slice %arg6[%dma_wait3A, %dma_wait3A_81, %dma_wait3A_82] : memref<8x128x32xf32, #tpu.memory_space<vmem>> -> memref<1x128x32xf32, #tpu.memory_space<vmem>>
    %dma_wait3A_84 = tpu.memref_squeeze %dma_wait3A_83 : memref<1x128x32xf32, #tpu.memory_space<vmem>> -> memref<128x32xf32, #tpu.memory_space<vmem>>
    %dma_wait3A_85 = arith.constant 0 : i32
    %dma_wait3A_86 = tpu.memref_slice %arg5[%dma_wait3A_85] : memref<25600xi32, #tpu.memory_space<vmem>> -> memref<128xi32, #tpu.memory_space<vmem>>
    %dma_wait3A_87 = arith.constant 0 : i32
    %dma_wait3A_88 = arith.constant 0 : i32
    %dma_wait3A_89 = tpu.memref_slice %arg3[%dma_wait3A_87, %dma_wait3A_88] : memref<100001x32xf32, #tpu.memory_space<hbm>> -> memref<100001x32xf32, #tpu.memory_space<hbm>>
    %dma_wait3A_90 = tpu.memref_slice %arg7[%dma_wait3A_80] : memref<8x!tpu.dma_semaphore, #tpu.memory_space<semaphore_mem>> -> memref<1x!tpu.dma_semaphore, #tpu.memory_space<semaphore_mem>>
    %dma_wait3A_91 = tpu.memref_squeeze %dma_wait3A_90 : memref<1x!tpu.dma_semaphore, #tpu.memory_space<semaphore_mem>> -> memref<!tpu.dma_semaphore, #tpu.memory_space<semaphore_mem>>
    tpu.wait_indirect_dma semaphore(%dma_wait3A_91 : memref<!tpu.dma_semaphore, #tpu.memory_space<semaphore_mem>>) src(%dma_wait3A_89 : memref<100001x32xf32, #tpu.memory_space<hbm>>) dst(%dma_wait3A_84 : memref<128x32xf32, #tpu.memory_space<vmem>>)
    %add3A_92 = arith.constant 0 : i32
    %add3A_93 = arith.addi %mul3A_2, %add3A_92 : i32
    %dma_start3A_94 = arith.constant 0 : i32
    %dma_start3A_95 = arith.constant 0 : i32
    %dma_start3A_96 = arith.constant 0 : i32
    %dma_start3A_97 = arith.constant 0 : i32
    %dma_start3A_98 = tpu.memref_slice %arg6[%dma_start3A_94, %dma_start3A_96, %dma_start3A_97] : memref<8x128x32xf32, #tpu.memory_space<vmem>> -> memref<1x128x32xf32, #tpu.memory_space<vmem>>
    %dma_start3A_99 = tpu.memref_squeeze %dma_start3A_98 : memref<1x128x32xf32, #tpu.memory_space<vmem>> -> memref<128x32xf32, #tpu.memory_space<vmem>>
    %dma_start3A_100 = arith.constant 0 : i32
    %dma_start3A_101 = tpu.memref_slice %arg4[%add3A_93, %dma_start3A_100] : memref<819200x32xf32, #tpu.memory_space<hbm>> -> memref<128x32xf32, #tpu.memory_space<hbm>>
    %dma_start3A_102 = tpu.memref_slice %arg8[%dma_start3A_95] : memref<8x!tpu.dma_semaphore, #tpu.memory_space<semaphore_mem>> -> memref<1x!tpu.dma_semaphore, #tpu.memory_space<semaphore_mem>>
    %dma_start3A_103 = tpu.memref_squeeze %dma_start3A_102 : memref<1x!tpu.dma_semaphore, #tpu.memory_space<semaphore_mem>> -> memref<!tpu.dma_semaphore, #tpu.memory_space<semaphore_mem>>
    %dma_start3A_104 = arith.constant 0 : i32
    %dma_start3A_105 = tpu.memref_slice %arg4[%add3A_93, %dma_start3A_104] : memref<819200x32xf32, #tpu.memory_space<hbm>> -> memref<128x32xf32, #tpu.memory_space<hbm>>
    %dma_start3A_106 = arith.constant 0 : i32
    %dma_start3A_107 = arith.constant 0 : i32
    %dma_start3A_108 = tpu.memref_slice %arg6[%dma_start3A_94, %dma_start3A_106, %dma_start3A_107] : memref<8x128x32xf32, #tpu.memory_space<vmem>> -> memref<1x128x32xf32, #tpu.memory_space<vmem>>
    %dma_start3A_109 = tpu.memref_squeeze %dma_start3A_108 : memref<1x128x32xf32, #tpu.memory_space<vmem>> -> memref<128x32xf32, #tpu.memory_space<vmem>>
    tpu.enqueue_dma source(%dma_start3A_109 : memref<128x32xf32, #tpu.memory_space<vmem>>) target(%dma_start3A_105 : memref<128x32xf32, #tpu.memory_space<hbm>>) target_semaphore(%dma_start3A_103 : memref<!tpu.dma_semaphore, #tpu.memory_space<semaphore_mem>>)
    %dma_start3A_110 = arith.constant 6 : i32
    %dma_start3A_111 = arith.constant 6 : i32
    %dma_start3A_112 = arith.constant 0 : i32
    %dma_start3A_113 = arith.constant 0 : i32
    %dma_start3A_114 = tpu.memref_slice %arg6[%dma_start3A_110, %dma_start3A_112, %dma_start3A_113] : memref<8x128x32xf32, #tpu.memory_space<vmem>> -> memref<1x128x32xf32, #tpu.memory_space<vmem>>
    %dma_start3A_115 = tpu.memref_squeeze %dma_start3A_114 : memref<1x128x32xf32, #tpu.memory_space<vmem>> -> memref<128x32xf32, #tpu.memory_space<vmem>>
    %dma_start3A_116 = arith.constant 768 : i32
    %dma_start3A_117 = tpu.memref_slice %arg5[%dma_start3A_116] : memref<25600xi32, #tpu.memory_space<vmem>> -> memref<128xi32, #tpu.memory_space<vmem>>
    %dma_start3A_118 = arith.constant 0 : i32
    %dma_start3A_119 = arith.constant 0 : i32
    %dma_start3A_120 = tpu.memref_slice %arg3[%dma_start3A_118, %dma_start3A_119] : memref<100001x32xf32, #tpu.memory_space<hbm>> -> memref<100001x32xf32, #tpu.memory_space<hbm>>
    %dma_start3A_121 = tpu.memref_slice %arg7[%dma_start3A_111] : memref<8x!tpu.dma_semaphore, #tpu.memory_space<semaphore_mem>> -> memref<1x!tpu.dma_semaphore, #tpu.memory_space<semaphore_mem>>
    %dma_start3A_122 = tpu.memref_squeeze %dma_start3A_121 : memref<1x!tpu.dma_semaphore, #tpu.memory_space<semaphore_mem>> -> memref<!tpu.dma_semaphore, #tpu.memory_space<semaphore_mem>>
    tpu.enqueue_indirect_dma source(%dma_start3A_120 : memref<100001x32xf32, #tpu.memory_space<hbm>>) target(%dma_start3A_115 : memref<128x32xf32, #tpu.memory_space<vmem>>) offsets(%dma_start3A_117 : memref<128xi32, #tpu.memory_space<vmem>>) semaphore(%dma_start3A_122 : memref<!tpu.dma_semaphore, #tpu.memory_space<semaphore_mem>>)
    %dma_wait3A_123 = arith.constant 1 : i32
    %dma_wait3A_124 = arith.constant 1 : i32
    %dma_wait3A_125 = arith.constant 0 : i32
    %dma_wait3A_126 = arith.constant 0 : i32
    %dma_wait3A_127 = tpu.memref_slice %arg6[%dma_wait3A_123, %dma_wait3A_125, %dma_wait3A_126] : memref<8x128x32xf32, #tpu.memory_space<vmem>> -> memref<1x128x32xf32, #tpu.memory_space<vmem>>
    %dma_wait3A_128 = tpu.memref_squeeze %dma_wait3A_127 : memref<1x128x32xf32, #tpu.memory_space<vmem>> -> memref<128x32xf32, #tpu.memory_space<vmem>>
    %dma_wait3A_129 = arith.constant 128 : i32
    %dma_wait3A_130 = tpu.memref_slice %arg5[%dma_wait3A_129] : memref<25600xi32, #tpu.memory_space<vmem>> -> memref<128xi32, #tpu.memory_space<vmem>>
    %dma_wait3A_131 = arith.constant 0 : i32
    %dma_wait3A_132 = arith.constant 0 : i32
    %dma_wait3A_133 = tpu.memref_slice %arg3[%dma_wait3A_131, %dma_wait3A_132] : memref<100001x32xf32, #tpu.memory_space<hbm>> -> memref<100001x32xf32, #tpu.memory_space<hbm>>
    %dma_wait3A_134 = tpu.memref_slice %arg7[%dma_wait3A_124] : memref<8x!tpu.dma_semaphore, #tpu.memory_space<semaphore_mem>> -> memref<1x!tpu.dma_semaphore, #tpu.memory_space<semaphore_mem>>
    %dma_wait3A_135 = tpu.memref_squeeze %dma_wait3A_134 : memref<1x!tpu.dma_semaphore, #tpu.memory_space<semaphore_mem>> -> memref<!tpu.dma_semaphore, #tpu.memory_space<semaphore_mem>>
    tpu.wait_indirect_dma semaphore(%dma_wait3A_135 : memref<!tpu.dma_semaphore, #tpu.memory_space<semaphore_mem>>) src(%dma_wait3A_133 : memref<100001x32xf32, #tpu.memory_space<hbm>>) dst(%dma_wait3A_128 : memref<128x32xf32, #tpu.memory_space<vmem>>)
    %add3A_136 = arith.constant 128 : i32
    %add3A_137 = arith.addi %mul3A_2, %add3A_136 : i32
    %dma_start3A_138 = arith.constant 1 : i32
    %dma_start3A_139 = arith.constant 1 : i32
    %dma_start3A_140 = arith.constant 0 : i32
    %dma_start3A_141 = arith.constant 0 : i32
    %dma_start3A_142 = tpu.memref_slice %arg6[%dma_start3A_138, %dma_start3A_140, %dma_start3A_141] : memref<8x128x32xf32, #tpu.memory_space<vmem>> -> memref<1x128x32xf32, #tpu.memory_space<vmem>>
    %dma_start3A_143 = tpu.memref_squeeze %dma_start3A_142 : memref<1x128x32xf32, #tpu.memory_space<vmem>> -> memref<128x32xf32, #tpu.memory_space<vmem>>
    %dma_start3A_144 = arith.constant 0 : i32
    %dma_start3A_145 = tpu.memref_slice %arg4[%add3A_137, %dma_start3A_144] : memref<819200x32xf32, #tpu.memory_space<hbm>> -> memref<128x32xf32, #tpu.memory_space<hbm>>
    %dma_start3A_146 = tpu.memref_slice %arg8[%dma_start3A_139] : memref<8x!tpu.dma_semaphore, #tpu.memory_space<semaphore_mem>> -> memref<1x!tpu.dma_semaphore, #tpu.memory_space<semaphore_mem>>
    %dma_start3A_147 = tpu.memref_squeeze %dma_start3A_146 : memref<1x!tpu.dma_semaphore, #tpu.memory_space<semaphore_mem>> -> memref<!tpu.dma_semaphore, #tpu.memory_space<semaphore_mem>>
    %dma_start3A_148 = arith.constant 0 : i32
    %dma_start3A_149 = tpu.memref_slice %arg4[%add3A_137, %dma_start3A_148] : memref<819200x32xf32, #tpu.memory_space<hbm>> -> memref<128x32xf32, #tpu.memory_space<hbm>>
    %dma_start3A_150 = arith.constant 0 : i32
    %dma_start3A_151 = arith.constant 0 : i32
    %dma_start3A_152 = tpu.memref_slice %arg6[%dma_start3A_138, %dma_start3A_150, %dma_start3A_151] : memref<8x128x32xf32, #tpu.memory_space<vmem>> -> memref<1x128x32xf32, #tpu.memory_space<vmem>>
    %dma_start3A_153 = tpu.memref_squeeze %dma_start3A_152 : memref<1x128x32xf32, #tpu.memory_space<vmem>> -> memref<128x32xf32, #tpu.memory_space<vmem>>
    tpu.enqueue_dma source(%dma_start3A_153 : memref<128x32xf32, #tpu.memory_space<vmem>>) target(%dma_start3A_149 : memref<128x32xf32, #tpu.memory_space<hbm>>) target_semaphore(%dma_start3A_147 : memref<!tpu.dma_semaphore, #tpu.memory_space<semaphore_mem>>)
    %dma_start3A_154 = arith.constant 7 : i32
    %dma_start3A_155 = arith.constant 7 : i32
    %dma_start3A_156 = arith.constant 0 : i32
    %dma_start3A_157 = arith.constant 0 : i32
    %dma_start3A_158 = tpu.memref_slice %arg6[%dma_start3A_154, %dma_start3A_156, %dma_start3A_157] : memref<8x128x32xf32, #tpu.memory_space<vmem>> -> memref<1x128x32xf32, #tpu.memory_space<vmem>>
    %dma_start3A_159 = tpu.memref_squeeze %dma_start3A_158 : memref<1x128x32xf32, #tpu.memory_space<vmem>> -> memref<128x32xf32, #tpu.memory_space<vmem>>
    %dma_start3A_160 = arith.constant 896 : i32
    %dma_start3A_161 = tpu.memref_slice %arg5[%dma_start3A_160] : memref<25600xi32, #tpu.memory_space<vmem>> -> memref<128xi32, #tpu.memory_space<vmem>>
    %dma_start3A_162 = arith.constant 0 : i32
    %dma_start3A_163 = arith.constant 0 : i32
    %dma_start3A_164 = tpu.memref_slice %arg3[%dma_start3A_162, %dma_start3A_163] : memref<100001x32xf32, #tpu.memory_space<hbm>> -> memref<100001x32xf32, #tpu.memory_space<hbm>>
    %dma_start3A_165 = tpu.memref_slice %arg7[%dma_start3A_155] : memref<8x!tpu.dma_semaphore, #tpu.memory_space<semaphore_mem>> -> memref<1x!tpu.dma_semaphore, #tpu.memory_space<semaphore_mem>>
    %dma_start3A_166 = tpu.memref_squeeze %dma_start3A_165 : memref<1x!tpu.dma_semaphore, #tpu.memory_space<semaphore_mem>> -> memref<!tpu.dma_semaphore, #tpu.memory_space<semaphore_mem>>
    tpu.enqueue_indirect_dma source(%dma_start3A_164 : memref<100001x32xf32, #tpu.memory_space<hbm>>) target(%dma_start3A_159 : memref<128x32xf32, #tpu.memory_space<vmem>>) offsets(%dma_start3A_161 : memref<128xi32, #tpu.memory_space<vmem>>) semaphore(%dma_start3A_166 : memref<!tpu.dma_semaphore, #tpu.memory_space<semaphore_mem>>)
    %dma_wait3A_167 = arith.constant 2 : i32
    %dma_wait3A_168 = arith.constant 2 : i32
    %dma_wait3A_169 = arith.constant 0 : i32
    %dma_wait3A_170 = arith.constant 0 : i32
    %dma_wait3A_171 = tpu.memref_slice %arg6[%dma_wait3A_167, %dma_wait3A_169, %dma_wait3A_170] : memref<8x128x32xf32, #tpu.memory_space<vmem>> -> memref<1x128x32xf32, #tpu.memory_space<vmem>>
    %dma_wait3A_172 = tpu.memref_squeeze %dma_wait3A_171 : memref<1x128x32xf32, #tpu.memory_space<vmem>> -> memref<128x32xf32, #tpu.memory_space<vmem>>
    %dma_wait3A_173 = arith.constant 256 : i32
    %dma_wait3A_174 = tpu.memref_slice %arg5[%dma_wait3A_173] : memref<25600xi32, #tpu.memory_space<vmem>> -> memref<128xi32, #tpu.memory_space<vmem>>
    %dma_wait3A_175 = arith.constant 0 : i32
    %dma_wait3A_176 = arith.constant 0 : i32
    %dma_wait3A_177 = tpu.memref_slice %arg3[%dma_wait3A_175, %dma_wait3A_176] : memref<100001x32xf32, #tpu.memory_space<hbm>> -> memref<100001x32xf32, #tpu.memory_space<hbm>>
    %dma_wait3A_178 = tpu.memref_slice %arg7[%dma_wait3A_168] : memref<8x!tpu.dma_semaphore, #tpu.memory_space<semaphore_mem>> -> memref<1x!tpu.dma_semaphore, #tpu.memory_space<semaphore_mem>>
    %dma_wait3A_179 = tpu.memref_squeeze %dma_wait3A_178 : memref<1x!tpu.dma_semaphore, #tpu.memory_space<semaphore_mem>> -> memref<!tpu.dma_semaphore, #tpu.memory_space<semaphore_mem>>
    tpu.wait_indirect_dma semaphore(%dma_wait3A_179 : memref<!tpu.dma_semaphore, #tpu.memory_space<semaphore_mem>>) src(%dma_wait3A_177 : memref<100001x32xf32, #tpu.memory_space<hbm>>) dst(%dma_wait3A_172 : memref<128x32xf32, #tpu.memory_space<vmem>>)
    %add3A_180 = arith.constant 256 : i32
    %add3A_181 = arith.addi %mul3A_2, %add3A_180 : i32
    %dma_start3A_182 = arith.constant 2 : i32
    %dma_start3A_183 = arith.constant 2 : i32
    %dma_start3A_184 = arith.constant 0 : i32
    %dma_start3A_185 = arith.constant 0 : i32
    %dma_start3A_186 = tpu.memref_slice %arg6[%dma_start3A_182, %dma_start3A_184, %dma_start3A_185] : memref<8x128x32xf32, #tpu.memory_space<vmem>> -> memref<1x128x32xf32, #tpu.memory_space<vmem>>
    %dma_start3A_187 = tpu.memref_squeeze %dma_start3A_186 : memref<1x128x32xf32, #tpu.memory_space<vmem>> -> memref<128x32xf32, #tpu.memory_space<vmem>>
    %dma_start3A_188 = arith.constant 0 : i32
    %dma_start3A_189 = tpu.memref_slice %arg4[%add3A_181, %dma_start3A_188] : memref<819200x32xf32, #tpu.memory_space<hbm>> -> memref<128x32xf32, #tpu.memory_space<hbm>>
    %dma_start3A_190 = tpu.memref_slice %arg8[%dma_start3A_183] : memref<8x!tpu.dma_semaphore, #tpu.memory_space<semaphore_mem>> -> memref<1x!tpu.dma_semaphore, #tpu.memory_space<semaphore_mem>>
    %dma_start3A_191 = tpu.memref_squeeze %dma_start3A_190 : memref<1x!tpu.dma_semaphore, #tpu.memory_space<semaphore_mem>> -> memref<!tpu.dma_semaphore, #tpu.memory_space<semaphore_mem>>
    %dma_start3A_192 = arith.constant 0 : i32
    %dma_start3A_193 = tpu.memref_slice %arg4[%add3A_181, %dma_start3A_192] : memref<819200x32xf32, #tpu.memory_space<hbm>> -> memref<128x32xf32, #tpu.memory_space<hbm>>
    %dma_start3A_194 = arith.constant 0 : i32
    %dma_start3A_195 = arith.constant 0 : i32
    %dma_start3A_196 = tpu.memref_slice %arg6[%dma_start3A_182, %dma_start3A_194, %dma_start3A_195] : memref<8x128x32xf32, #tpu.memory_space<vmem>> -> memref<1x128x32xf32, #tpu.memory_space<vmem>>
    %dma_start3A_197 = tpu.memref_squeeze %dma_start3A_196 : memref<1x128x32xf32, #tpu.memory_space<vmem>> -> memref<128x32xf32, #tpu.memory_space<vmem>>
    tpu.enqueue_dma source(%dma_start3A_197 : memref<128x32xf32, #tpu.memory_space<vmem>>) target(%dma_start3A_193 : memref<128x32xf32, #tpu.memory_space<hbm>>) target_semaphore(%dma_start3A_191 : memref<!tpu.dma_semaphore, #tpu.memory_space<semaphore_mem>>)
    %add3A_198 = arith.constant 0 : i32
    %add3A_199 = arith.addi %mul3A_2, %add3A_198 : i32
    %dma_wait3A_200 = arith.constant 0 : i32
    %dma_wait3A_201 = arith.constant 0 : i32
    %dma_wait3A_202 = arith.constant 0 : i32
    %dma_wait3A_203 = arith.constant 0 : i32
    %dma_wait3A_204 = tpu.memref_slice %arg6[%dma_wait3A_200, %dma_wait3A_202, %dma_wait3A_203] : memref<8x128x32xf32, #tpu.memory_space<vmem>> -> memref<1x128x32xf32, #tpu.memory_space<vmem>>
    %dma_wait3A_205 = tpu.memref_squeeze %dma_wait3A_204 : memref<1x128x32xf32, #tpu.memory_space<vmem>> -> memref<128x32xf32, #tpu.memory_space<vmem>>
    %dma_wait3A_206 = arith.constant 0 : i32
    %dma_wait3A_207 = tpu.memref_slice %arg4[%add3A_199, %dma_wait3A_206] : memref<819200x32xf32, #tpu.memory_space<hbm>> -> memref<128x32xf32, #tpu.memory_space<hbm>>
    %dma_wait3A_208 = tpu.memref_slice %arg8[%dma_wait3A_201] : memref<8x!tpu.dma_semaphore, #tpu.memory_space<semaphore_mem>> -> memref<1x!tpu.dma_semaphore, #tpu.memory_space<semaphore_mem>>
    %dma_wait3A_209 = tpu.memref_squeeze %dma_wait3A_208 : memref<1x!tpu.dma_semaphore, #tpu.memory_space<semaphore_mem>> -> memref<!tpu.dma_semaphore, #tpu.memory_space<semaphore_mem>>
    %dma_wait3A_210 = arith.constant 0 : i32
    %dma_wait3A_211 = tpu.memref_slice %arg4[%add3A_199, %dma_wait3A_210] : memref<819200x32xf32, #tpu.memory_space<hbm>> -> memref<128x32xf32, #tpu.memory_space<hbm>>
    %dma_wait3A_212 = arith.constant 0 : i32
    %dma_wait3A_213 = arith.constant 0 : i32
    %dma_wait3A_214 = tpu.memref_slice %arg6[%dma_wait3A_200, %dma_wait3A_212, %dma_wait3A_213] : memref<8x128x32xf32, #tpu.memory_space<vmem>> -> memref<1x128x32xf32, #tpu.memory_space<vmem>>
    %dma_wait3A_215 = tpu.memref_squeeze %dma_wait3A_214 : memref<1x128x32xf32, #tpu.memory_space<vmem>> -> memref<128x32xf32, #tpu.memory_space<vmem>>
    tpu.wait_dma2 semaphore(%dma_wait3A_209 : memref<!tpu.dma_semaphore, #tpu.memory_space<semaphore_mem>>) src(%dma_wait3A_215 : memref<128x32xf32, #tpu.memory_space<vmem>>) dst(%dma_wait3A_211 : memref<128x32xf32, #tpu.memory_space<hbm>>)
    %dma_start3A_216 = arith.constant 0 : i32
    %dma_start3A_217 = arith.constant 0 : i32
    %dma_start3A_218 = arith.constant 0 : i32
    %dma_start3A_219 = arith.constant 0 : i32
    %dma_start3A_220 = tpu.memref_slice %arg6[%dma_start3A_216, %dma_start3A_218, %dma_start3A_219] : memref<8x128x32xf32, #tpu.memory_space<vmem>> -> memref<1x128x32xf32, #tpu.memory_space<vmem>>
    %dma_start3A_221 = tpu.memref_squeeze %dma_start3A_220 : memref<1x128x32xf32, #tpu.memory_space<vmem>> -> memref<128x32xf32, #tpu.memory_space<vmem>>
    %dma_start3A_222 = arith.constant 1024 : i32
    %dma_start3A_223 = tpu.memref_slice %arg5[%dma_start3A_222] : memref<25600xi32, #tpu.memory_space<vmem>> -> memref<128xi32, #tpu.memory_space<vmem>>
    %dma_start3A_224 = arith.constant 0 : i32
    %dma_start3A_225 = arith.constant 0 : i32
    %dma_start3A_226 = tpu.memref_slice %arg3[%dma_start3A_224, %dma_start3A_225] : memref<100001x32xf32, #tpu.memory_space<hbm>> -> memref<100001x32xf32, #tpu.memory_space<hbm>>
    %dma_start3A_227 = tpu.memref_slice %arg7[%dma_start3A_217] : memref<8x!tpu.dma_semaphore, #tpu.memory_space<semaphore_mem>> -> memref<1x!tpu.dma_semaphore, #tpu.memory_space<semaphore_mem>>
    %dma_start3A_228 = tpu.memref_squeeze %dma_start3A_227 : memref<1x!tpu.dma_semaphore, #tpu.memory_space<semaphore_mem>> -> memref<!tpu.dma_semaphore, #tpu.memory_space<semaphore_mem>>
    tpu.enqueue_indirect_dma source(%dma_start3A_226 : memref<100001x32xf32, #tpu.memory_space<hbm>>) target(%dma_start3A_221 : memref<128x32xf32, #tpu.memory_space<vmem>>) offsets(%dma_start3A_223 : memref<128xi32, #tpu.memory_space<vmem>>) semaphore(%dma_start3A_228 : memref<!tpu.dma_semaphore, #tpu.memory_space<semaphore_mem>>)
    %dma_wait3A_229 = arith.constant 3 : i32
    %dma_wait3A_230 = arith.constant 3 : i32
    %dma_wait3A_231 = arith.constant 0 : i32
    %dma_wait3A_232 = arith.constant 0 : i32
    %dma_wait3A_233 = tpu.memref_slice %arg6[%dma_wait3A_229, %dma_wait3A_231, %dma_wait3A_232] : memref<8x128x32xf32, #tpu.memory_space<vmem>> -> memref<1x128x32xf32, #tpu.memory_space<vmem>>
    %dma_wait3A_234 = tpu.memref_squeeze %dma_wait3A_233 : memref<1x128x32xf32, #tpu.memory_space<vmem>> -> memref<128x32xf32, #tpu.memory_space<vmem>>
    %dma_wait3A_235 = arith.constant 384 : i32
    %dma_wait3A_236 = tpu.memref_slice %arg5[%dma_wait3A_235] : memref<25600xi32, #tpu.memory_space<vmem>> -> memref<128xi32, #tpu.memory_space<vmem>>
    %dma_wait3A_237 = arith.constant 0 : i32
    %dma_wait3A_238 = arith.constant 0 : i32
    %dma_wait3A_239 = tpu.memref_slice %arg3[%dma_wait3A_237, %dma_wait3A_238] : memref<100001x32xf32, #tpu.memory_space<hbm>> -> memref<100001x32xf32, #tpu.memory_space<hbm>>
    %dma_wait3A_240 = tpu.memref_slice %arg7[%dma_wait3A_230] : memref<8x!tpu.dma_semaphore, #tpu.memory_space<semaphore_mem>> -> memref<1x!tpu.dma_semaphore, #tpu.memory_space<semaphore_mem>>
    %dma_wait3A_241 = tpu.memref_squeeze %dma_wait3A_240 : memref<1x!tpu.dma_semaphore, #tpu.memory_space<semaphore_mem>> -> memref<!tpu.dma_semaphore, #tpu.memory_space<semaphore_mem>>
    tpu.wait_indirect_dma semaphore(%dma_wait3A_241 : memref<!tpu.dma_semaphore, #tpu.memory_space<semaphore_mem>>) src(%dma_wait3A_239 : memref<100001x32xf32, #tpu.memory_space<hbm>>) dst(%dma_wait3A_234 : memref<128x32xf32, #tpu.memory_space<vmem>>)
    %add3A_242 = arith.constant 384 : i32
    %add3A_243 = arith.addi %mul3A_2, %add3A_242 : i32
    %dma_start3A_244 = arith.constant 3 : i32
    %dma_start3A_245 = arith.constant 3 : i32
    %dma_start3A_246 = arith.constant 0 : i32
    %dma_start3A_247 = arith.constant 0 : i32
    %dma_start3A_248 = tpu.memref_slice %arg6[%dma_start3A_244, %dma_start3A_246, %dma_start3A_247] : memref<8x128x32xf32, #tpu.memory_space<vmem>> -> memref<1x128x32xf32, #tpu.memory_space<vmem>>
    %dma_start3A_249 = tpu.memref_squeeze %dma_start3A_248 : memref<1x128x32xf32, #tpu.memory_space<vmem>> -> memref<128x32xf32, #tpu.memory_space<vmem>>
    %dma_start3A_250 = arith.constant 0 : i32
    %dma_start3A_251 = tpu.memref_slice %arg4[%add3A_243, %dma_start3A_250] : memref<819200x32xf32, #tpu.memory_space<hbm>> -> memref<128x32xf32, #tpu.memory_space<hbm>>
    %dma_start3A_252 = tpu.memref_slice %arg8[%dma_start3A_245] : memref<8x!tpu.dma_semaphore, #tpu.memory_space<semaphore_mem>> -> memref<1x!tpu.dma_semaphore, #tpu.memory_space<semaphore_mem>>
    %dma_start3A_253 = tpu.memref_squeeze %dma_start3A_252 : memref<1x!tpu.dma_semaphore, #tpu.memory_space<semaphore_mem>> -> memref<!tpu.dma_semaphore, #tpu.memory_space<semaphore_mem>>
    %dma_start3A_254 = arith.constant 0 : i32
    %dma_start3A_255 = tpu.memref_slice %arg4[%add3A_243, %dma_start3A_254] : memref<819200x32xf32, #tpu.memory_space<hbm>> -> memref<128x32xf32, #tpu.memory_space<hbm>>
    %dma_start3A_256 = arith.constant 0 : i32
    %dma_start3A_257 = arith.constant 0 : i32
    %dma_start3A_258 = tpu.memref_slice %arg6[%dma_start3A_244, %dma_start3A_256, %dma_start3A_257] : memref<8x128x32xf32, #tpu.memory_space<vmem>> -> memref<1x128x32xf32, #tpu.memory_space<vmem>>
    %dma_start3A_259 = tpu.memref_squeeze %dma_start3A_258 : memref<1x128x32xf32, #tpu.memory_space<vmem>> -> memref<128x32xf32, #tpu.memory_space<vmem>>
    tpu.enqueue_dma source(%dma_start3A_259 : memref<128x32xf32, #tpu.memory_space<vmem>>) target(%dma_start3A_255 : memref<128x32xf32, #tpu.memory_space<hbm>>) target_semaphore(%dma_start3A_253 : memref<!tpu.dma_semaphore, #tpu.memory_space<semaphore_mem>>)
    %add3A_260 = arith.constant 128 : i32
    %add3A_261 = arith.addi %mul3A_2, %add3A_260 : i32
    %dma_wait3A_262 = arith.constant 1 : i32
    %dma_wait3A_263 = arith.constant 1 : i32
    %dma_wait3A_264 = arith.constant 0 : i32
    %dma_wait3A_265 = arith.constant 0 : i32
    %dma_wait3A_266 = tpu.memref_slice %arg6[%dma_wait3A_262, %dma_wait3A_264, %dma_wait3A_265] : memref<8x128x32xf32, #tpu.memory_space<vmem>> -> memref<1x128x32xf32, #tpu.memory_space<vmem>>
    %dma_wait3A_267 = tpu.memref_squeeze %dma_wait3A_266 : memref<1x128x32xf32, #tpu.memory_space<vmem>> -> memref<128x32xf32, #tpu.memory_space<vmem>>
    %dma_wait3A_268 = arith.constant 0 : i32
    %dma_wait3A_269 = tpu.memref_slice %arg4[%add3A_261, %dma_wait3A_268] : memref<819200x32xf32, #tpu.memory_space<hbm>> -> memref<128x32xf32, #tpu.memory_space<hbm>>
    %dma_wait3A_270 = tpu.memref_slice %arg8[%dma_wait3A_263] : memref<8x!tpu.dma_semaphore, #tpu.memory_space<semaphore_mem>> -> memref<1x!tpu.dma_semaphore, #tpu.memory_space<semaphore_mem>>
    %dma_wait3A_271 = tpu.memref_squeeze %dma_wait3A_270 : memref<1x!tpu.dma_semaphore, #tpu.memory_space<semaphore_mem>> -> memref<!tpu.dma_semaphore, #tpu.memory_space<semaphore_mem>>
    %dma_wait3A_272 = arith.constant 0 : i32
    %dma_wait3A_273 = tpu.memref_slice %arg4[%add3A_261, %dma_wait3A_272] : memref<819200x32xf32, #tpu.memory_space<hbm>> -> memref<128x32xf32, #tpu.memory_space<hbm>>
    %dma_wait3A_274 = arith.constant 0 : i32
    %dma_wait3A_275 = arith.constant 0 : i32
    %dma_wait3A_276 = tpu.memref_slice %arg6[%dma_wait3A_262, %dma_wait3A_274, %dma_wait3A_275] : memref<8x128x32xf32, #tpu.memory_space<vmem>> -> memref<1x128x32xf32, #tpu.memory_space<vmem>>
    %dma_wait3A_277 = tpu.memref_squeeze %dma_wait3A_276 : memref<1x128x32xf32, #tpu.memory_space<vmem>> -> memref<128x32xf32, #tpu.memory_space<vmem>>
    tpu.wait_dma2 semaphore(%dma_wait3A_271 : memref<!tpu.dma_semaphore, #tpu.memory_space<semaphore_mem>>) src(%dma_wait3A_277 : memref<128x32xf32, #tpu.memory_space<vmem>>) dst(%dma_wait3A_273 : memref<128x32xf32, #tpu.memory_space<hbm>>)
    %dma_start3A_278 = arith.constant 1 : i32
    %dma_start3A_279 = arith.constant 1 : i32
    %dma_start3A_280 = arith.constant 0 : i32
    %dma_start3A_281 = arith.constant 0 : i32
    %dma_start3A_282 = tpu.memref_slice %arg6[%dma_start3A_278, %dma_start3A_280, %dma_start3A_281] : memref<8x128x32xf32, #tpu.memory_space<vmem>> -> memref<1x128x32xf32, #tpu.memory_space<vmem>>
    %dma_start3A_283 = tpu.memref_squeeze %dma_start3A_282 : memref<1x128x32xf32, #tpu.memory_space<vmem>> -> memref<128x32xf32, #tpu.memory_space<vmem>>
    %dma_start3A_284 = arith.constant 1152 : i32
    %dma_start3A_285 = tpu.memref_slice %arg5[%dma_start3A_284] : memref<25600xi32, #tpu.memory_space<vmem>> -> memref<128xi32, #tpu.memory_space<vmem>>
    %dma_start3A_286 = arith.constant 0 : i32
    %dma_start3A_287 = arith.constant 0 : i32
    %dma_start3A_288 = tpu.memref_slice %arg3[%dma_start3A_286, %dma_start3A_287] : memref<100001x32xf32, #tpu.memory_space<hbm>> -> memref<100001x32xf32, #tpu.memory_space<hbm>>
    %dma_start3A_289 = tpu.memref_slice %arg7[%dma_start3A_279] : memref<8x!tpu.dma_semaphore, #tpu.memory_space<semaphore_mem>> -> memref<1x!tpu.dma_semaphore, #tpu.memory_space<semaphore_mem>>
    %dma_start3A_290 = tpu.memref_squeeze %dma_start3A_289 : memref<1x!tpu.dma_semaphore, #tpu.memory_space<semaphore_mem>> -> memref<!tpu.dma_semaphore, #tpu.memory_space<semaphore_mem>>
    tpu.enqueue_indirect_dma source(%dma_start3A_288 : memref<100001x32xf32, #tpu.memory_space<hbm>>) target(%dma_start3A_283 : memref<128x32xf32, #tpu.memory_space<vmem>>) offsets(%dma_start3A_285 : memref<128xi32, #tpu.memory_space<vmem>>) semaphore(%dma_start3A_290 : memref<!tpu.dma_semaphore, #tpu.memory_space<semaphore_mem>>)
    %dma_wait3A_291 = arith.constant 4 : i32
    %dma_wait3A_292 = arith.constant 4 : i32
    %dma_wait3A_293 = arith.constant 0 : i32
    %dma_wait3A_294 = arith.constant 0 : i32
    %dma_wait3A_295 = tpu.memref_slice %arg6[%dma_wait3A_291, %dma_wait3A_293, %dma_wait3A_294] : memref<8x128x32xf32, #tpu.memory_space<vmem>> -> memref<1x128x32xf32, #tpu.memory_space<vmem>>
    %dma_wait3A_296 = tpu.memref_squeeze %dma_wait3A_295 : memref<1x128x32xf32, #tpu.memory_space<vmem>> -> memref<128x32xf32, #tpu.memory_space<vmem>>
    %dma_wait3A_297 = arith.constant 512 : i32
    %dma_wait3A_298 = tpu.memref_slice %arg5[%dma_wait3A_297] : memref<25600xi32, #tpu.memory_space<vmem>> -> memref<128xi32, #tpu.memory_space<vmem>>
    %dma_wait3A_299 = arith.constant 0 : i32
    %dma_wait3A_300 = arith.constant 0 : i32
    %dma_wait3A_301 = tpu.memref_slice %arg3[%dma_wait3A_299, %dma_wait3A_300] : memref<100001x32xf32, #tpu.memory_space<hbm>> -> memref<100001x32xf32, #tpu.memory_space<hbm>>
    %dma_wait3A_302 = tpu.memref_slice %arg7[%dma_wait3A_292] : memref<8x!tpu.dma_semaphore, #tpu.memory_space<semaphore_mem>> -> memref<1x!tpu.dma_semaphore, #tpu.memory_space<semaphore_mem>>
    %dma_wait3A_303 = tpu.memref_squeeze %dma_wait3A_302 : memref<1x!tpu.dma_semaphore, #tpu.memory_space<semaphore_mem>> -> memref<!tpu.dma_semaphore, #tpu.memory_space<semaphore_mem>>
    tpu.wait_indirect_dma semaphore(%dma_wait3A_303 : memref<!tpu.dma_semaphore, #tpu.memory_space<semaphore_mem>>) src(%dma_wait3A_301 : memref<100001x32xf32, #tpu.memory_space<hbm>>) dst(%dma_wait3A_296 : memref<128x32xf32, #tpu.memory_space<vmem>>)
    %add3A_304 = arith.constant 512 : i32
    %add3A_305 = arith.addi %mul3A_2, %add3A_304 : i32
    %dma_start3A_306 = arith.constant 4 : i32
    %dma_start3A_307 = arith.constant 4 : i32
    %dma_start3A_308 = arith.constant 0 : i32
    %dma_start3A_309 = arith.constant 0 : i32
    %dma_start3A_310 = tpu.memref_slice %arg6[%dma_start3A_306, %dma_start3A_308, %dma_start3A_309] : memref<8x128x32xf32, #tpu.memory_space<vmem>> -> memref<1x128x32xf32, #tpu.memory_space<vmem>>
    %dma_start3A_311 = tpu.memref_squeeze %dma_start3A_310 : memref<1x128x32xf32, #tpu.memory_space<vmem>> -> memref<128x32xf32, #tpu.memory_space<vmem>>
    %dma_start3A_312 = arith.constant 0 : i32
    %dma_start3A_313 = tpu.memref_slice %arg4[%add3A_305, %dma_start3A_312] : memref<819200x32xf32, #tpu.memory_space<hbm>> -> memref<128x32xf32, #tpu.memory_space<hbm>>
    %dma_start3A_314 = tpu.memref_slice %arg8[%dma_start3A_307] : memref<8x!tpu.dma_semaphore, #tpu.memory_space<semaphore_mem>> -> memref<1x!tpu.dma_semaphore, #tpu.memory_space<semaphore_mem>>
    %dma_start3A_315 = tpu.memref_squeeze %dma_start3A_314 : memref<1x!tpu.dma_semaphore, #tpu.memory_space<semaphore_mem>> -> memref<!tpu.dma_semaphore, #tpu.memory_space<semaphore_mem>>
    %dma_start3A_316 = arith.constant 0 : i32
    %dma_start3A_317 = tpu.memref_slice %arg4[%add3A_305, %dma_start3A_316] : memref<819200x32xf32, #tpu.memory_space<hbm>> -> memref<128x32xf32, #tpu.memory_space<hbm>>
    %dma_start3A_318 = arith.constant 0 : i32
    %dma_start3A_319 = arith.constant 0 : i32
    %dma_start3A_320 = tpu.memref_slice %arg6[%dma_start3A_306, %dma_start3A_318, %dma_start3A_319] : memref<8x128x32xf32, #tpu.memory_space<vmem>> -> memref<1x128x32xf32, #tpu.memory_space<vmem>>
    %dma_start3A_321 = tpu.memref_squeeze %dma_start3A_320 : memref<1x128x32xf32, #tpu.memory_space<vmem>> -> memref<128x32xf32, #tpu.memory_space<vmem>>
    tpu.enqueue_dma source(%dma_start3A_321 : memref<128x32xf32, #tpu.memory_space<vmem>>) target(%dma_start3A_317 : memref<128x32xf32, #tpu.memory_space<hbm>>) target_semaphore(%dma_start3A_315 : memref<!tpu.dma_semaphore, #tpu.memory_space<semaphore_mem>>)
    %add3A_322 = arith.constant 256 : i32
    %add3A_323 = arith.addi %mul3A_2, %add3A_322 : i32
    %dma_wait3A_324 = arith.constant 2 : i32
    %dma_wait3A_325 = arith.constant 2 : i32
    %dma_wait3A_326 = arith.constant 0 : i32
    %dma_wait3A_327 = arith.constant 0 : i32
    %dma_wait3A_328 = tpu.memref_slice %arg6[%dma_wait3A_324, %dma_wait3A_326, %dma_wait3A_327] : memref<8x128x32xf32, #tpu.memory_space<vmem>> -> memref<1x128x32xf32, #tpu.memory_space<vmem>>
    %dma_wait3A_329 = tpu.memref_squeeze %dma_wait3A_328 : memref<1x128x32xf32, #tpu.memory_space<vmem>> -> memref<128x32xf32, #tpu.memory_space<vmem>>
    %dma_wait3A_330 = arith.constant 0 : i32
    %dma_wait3A_331 = tpu.memref_slice %arg4[%add3A_323, %dma_wait3A_330] : memref<819200x32xf32, #tpu.memory_space<hbm>> -> memref<128x32xf32, #tpu.memory_space<hbm>>
    %dma_wait3A_332 = tpu.memref_slice %arg8[%dma_wait3A_325] : memref<8x!tpu.dma_semaphore, #tpu.memory_space<semaphore_mem>> -> memref<1x!tpu.dma_semaphore, #tpu.memory_space<semaphore_mem>>
    %dma_wait3A_333 = tpu.memref_squeeze %dma_wait3A_332 : memref<1x!tpu.dma_semaphore, #tpu.memory_space<semaphore_mem>> -> memref<!tpu.dma_semaphore, #tpu.memory_space<semaphore_mem>>
    %dma_wait3A_334 = arith.constant 0 : i32
    %dma_wait3A_335 = tpu.memref_slice %arg4[%add3A_323, %dma_wait3A_334] : memref<819200x32xf32, #tpu.memory_space<hbm>> -> memref<128x32xf32, #tpu.memory_space<hbm>>
    %dma_wait3A_336 = arith.constant 0 : i32
    %dma_wait3A_337 = arith.constant 0 : i32
    %dma_wait3A_338 = tpu.memref_slice %arg6[%dma_wait3A_324, %dma_wait3A_336, %dma_wait3A_337] : memref<8x128x32xf32, #tpu.memory_space<vmem>> -> memref<1x128x32xf32, #tpu.memory_space<vmem>>
    %dma_wait3A_339 = tpu.memref_squeeze %dma_wait3A_338 : memref<1x128x32xf32, #tpu.memory_space<vmem>> -> memref<128x32xf32, #tpu.memory_space<vmem>>
    tpu.wait_dma2 semaphore(%dma_wait3A_333 : memref<!tpu.dma_semaphore, #tpu.memory_space<semaphore_mem>>) src(%dma_wait3A_339 : memref<128x32xf32, #tpu.memory_space<vmem>>) dst(%dma_wait3A_335 : memref<128x32xf32, #tpu.memory_space<hbm>>)
    %dma_start3A_340 = arith.constant 2 : i32
    %dma_start3A_341 = arith.constant 2 : i32
    %dma_start3A_342 = arith.constant 0 : i32
    %dma_start3A_343 = arith.constant 0 : i32
    %dma_start3A_344 = tpu.memref_slice %arg6[%dma_start3A_340, %dma_start3A_342, %dma_start3A_343] : memref<8x128x32xf32, #tpu.memory_space<vmem>> -> memref<1x128x32xf32, #tpu.memory_space<vmem>>
    %dma_start3A_345 = tpu.memref_squeeze %dma_start3A_344 : memref<1x128x32xf32, #tpu.memory_space<vmem>> -> memref<128x32xf32, #tpu.memory_space<vmem>>
    %dma_start3A_346 = arith.constant 1280 : i32
    %dma_start3A_347 = tpu.memref_slice %arg5[%dma_start3A_346] : memref<25600xi32, #tpu.memory_space<vmem>> -> memref<128xi32, #tpu.memory_space<vmem>>
    %dma_start3A_348 = arith.constant 0 : i32
    %dma_start3A_349 = arith.constant 0 : i32
    %dma_start3A_350 = tpu.memref_slice %arg3[%dma_start3A_348, %dma_start3A_349] : memref<100001x32xf32, #tpu.memory_space<hbm>> -> memref<100001x32xf32, #tpu.memory_space<hbm>>
    %dma_start3A_351 = tpu.memref_slice %arg7[%dma_start3A_341] : memref<8x!tpu.dma_semaphore, #tpu.memory_space<semaphore_mem>> -> memref<1x!tpu.dma_semaphore, #tpu.memory_space<semaphore_mem>>
    %dma_start3A_352 = tpu.memref_squeeze %dma_start3A_351 : memref<1x!tpu.dma_semaphore, #tpu.memory_space<semaphore_mem>> -> memref<!tpu.dma_semaphore, #tpu.memory_space<semaphore_mem>>
    tpu.enqueue_indirect_dma source(%dma_start3A_350 : memref<100001x32xf32, #tpu.memory_space<hbm>>) target(%dma_start3A_345 : memref<128x32xf32, #tpu.memory_space<vmem>>) offsets(%dma_start3A_347 : memref<128xi32, #tpu.memory_space<vmem>>) semaphore(%dma_start3A_352 : memref<!tpu.dma_semaphore, #tpu.memory_space<semaphore_mem>>)
    %dma_wait3A_353 = arith.constant 5 : i32
    %dma_wait3A_354 = arith.constant 5 : i32
    %dma_wait3A_355 = arith.constant 0 : i32
    %dma_wait3A_356 = arith.constant 0 : i32
    %dma_wait3A_357 = tpu.memref_slice %arg6[%dma_wait3A_353, %dma_wait3A_355, %dma_wait3A_356] : memref<8x128x32xf32, #tpu.memory_space<vmem>> -> memref<1x128x32xf32, #tpu.memory_space<vmem>>
    %dma_wait3A_358 = tpu.memref_squeeze %dma_wait3A_357 : memref<1x128x32xf32, #tpu.memory_space<vmem>> -> memref<128x32xf32, #tpu.memory_space<vmem>>
    %dma_wait3A_359 = arith.constant 640 : i32
    %dma_wait3A_360 = tpu.memref_slice %arg5[%dma_wait3A_359] : memref<25600xi32, #tpu.memory_space<vmem>> -> memref<128xi32, #tpu.memory_space<vmem>>
    %dma_wait3A_361 = arith.constant 0 : i32
    %dma_wait3A_362 = arith.constant 0 : i32
    %dma_wait3A_363 = tpu.memref_slice %arg3[%dma_wait3A_361, %dma_wait3A_362] : memref<100001x32xf32, #tpu.memory_space<hbm>> -> memref<100001x32xf32, #tpu.memory_space<hbm>>
    %dma_wait3A_364 = tpu.memref_slice %arg7[%dma_wait3A_354] : memref<8x!tpu.dma_semaphore, #tpu.memory_space<semaphore_mem>> -> memref<1x!tpu.dma_semaphore, #tpu.memory_space<semaphore_mem>>
    %dma_wait3A_365 = tpu.memref_squeeze %dma_wait3A_364 : memref<1x!tpu.dma_semaphore, #tpu.memory_space<semaphore_mem>> -> memref<!tpu.dma_semaphore, #tpu.memory_space<semaphore_mem>>
    tpu.wait_indirect_dma semaphore(%dma_wait3A_365 : memref<!tpu.dma_semaphore, #tpu.memory_space<semaphore_mem>>) src(%dma_wait3A_363 : memref<100001x32xf32, #tpu.memory_space<hbm>>) dst(%dma_wait3A_358 : memref<128x32xf32, #tpu.memory_space<vmem>>)
    %add3A_366 = arith.constant 640 : i32
    %add3A_367 = arith.addi %mul3A_2, %add3A_366 : i32
    %dma_start3A_368 = arith.constant 5 : i32
    %dma_start3A_369 = arith.constant 5 : i32
    %dma_start3A_370 = arith.constant 0 : i32
    %dma_start3A_371 = arith.constant 0 : i32
    %dma_start3A_372 = tpu.memref_slice %arg6[%dma_start3A_368, %dma_start3A_370, %dma_start3A_371] : memref<8x128x32xf32, #tpu.memory_space<vmem>> -> memref<1x128x32xf32, #tpu.memory_space<vmem>>
    %dma_start3A_373 = tpu.memref_squeeze %dma_start3A_372 : memref<1x128x32xf32, #tpu.memory_space<vmem>> -> memref<128x32xf32, #tpu.memory_space<vmem>>
    %dma_start3A_374 = arith.constant 0 : i32
    %dma_start3A_375 = tpu.memref_slice %arg4[%add3A_367, %dma_start3A_374] : memref<819200x32xf32, #tpu.memory_space<hbm>> -> memref<128x32xf32, #tpu.memory_space<hbm>>
    %dma_start3A_376 = tpu.memref_slice %arg8[%dma_start3A_369] : memref<8x!tpu.dma_semaphore, #tpu.memory_space<semaphore_mem>> -> memref<1x!tpu.dma_semaphore, #tpu.memory_space<semaphore_mem>>
    %dma_start3A_377 = tpu.memref_squeeze %dma_start3A_376 : memref<1x!tpu.dma_semaphore, #tpu.memory_space<semaphore_mem>> -> memref<!tpu.dma_semaphore, #tpu.memory_space<semaphore_mem>>
    %dma_start3A_378 = arith.constant 0 : i32
    %dma_start3A_379 = tpu.memref_slice %arg4[%add3A_367, %dma_start3A_378] : memref<819200x32xf32, #tpu.memory_space<hbm>> -> memref<128x32xf32, #tpu.memory_space<hbm>>
    %dma_start3A_380 = arith.constant 0 : i32
    %dma_start3A_381 = arith.constant 0 : i32
    %dma_start3A_382 = tpu.memref_slice %arg6[%dma_start3A_368, %dma_start3A_380, %dma_start3A_381] : memref<8x128x32xf32, #tpu.memory_space<vmem>> -> memref<1x128x32xf32, #tpu.memory_space<vmem>>
    %dma_start3A_383 = tpu.memref_squeeze %dma_start3A_382 : memref<1x128x32xf32, #tpu.memory_space<vmem>> -> memref<128x32xf32, #tpu.memory_space<vmem>>
    tpu.enqueue_dma source(%dma_start3A_383 : memref<128x32xf32, #tpu.memory_space<vmem>>) target(%dma_start3A_379 : memref<128x32xf32, #tpu.memory_space<hbm>>) target_semaphore(%dma_start3A_377 : memref<!tpu.dma_semaphore, #tpu.memory_space<semaphore_mem>>)
    %add3A_384 = arith.constant 384 : i32
    %add3A_385 = arith.addi %mul3A_2, %add3A_384 : i32
    %dma_wait3A_386 = arith.constant 3 : i32
    %dma_wait3A_387 = arith.constant 3 : i32
    %dma_wait3A_388 = arith.constant 0 : i32
    %dma_wait3A_389 = arith.constant 0 : i32
    %dma_wait3A_390 = tpu.memref_slice %arg6[%dma_wait3A_386, %dma_wait3A_388, %dma_wait3A_389] : memref<8x128x32xf32, #tpu.memory_space<vmem>> -> memref<1x128x32xf32, #tpu.memory_space<vmem>>
    %dma_wait3A_391 = tpu.memref_squeeze %dma_wait3A_390 : memref<1x128x32xf32, #tpu.memory_space<vmem>> -> memref<128x32xf32, #tpu.memory_space<vmem>>
    %dma_wait3A_392 = arith.constant 0 : i32
    %dma_wait3A_393 = tpu.memref_slice %arg4[%add3A_385, %dma_wait3A_392] : memref<819200x32xf32, #tpu.memory_space<hbm>> -> memref<128x32xf32, #tpu.memory_space<hbm>>
    %dma_wait3A_394 = tpu.memref_slice %arg8[%dma_wait3A_387] : memref<8x!tpu.dma_semaphore, #tpu.memory_space<semaphore_mem>> -> memref<1x!tpu.dma_semaphore, #tpu.memory_space<semaphore_mem>>
    %dma_wait3A_395 = tpu.memref_squeeze %dma_wait3A_394 : memref<1x!tpu.dma_semaphore, #tpu.memory_space<semaphore_mem>> -> memref<!tpu.dma_semaphore, #tpu.memory_space<semaphore_mem>>
    %dma_wait3A_396 = arith.constant 0 : i32
    %dma_wait3A_397 = tpu.memref_slice %arg4[%add3A_385, %dma_wait3A_396] : memref<819200x32xf32, #tpu.memory_space<hbm>> -> memref<128x32xf32, #tpu.memory_space<hbm>>
    %dma_wait3A_398 = arith.constant 0 : i32
    %dma_wait3A_399 = arith.constant 0 : i32
    %dma_wait3A_400 = tpu.memref_slice %arg6[%dma_wait3A_386, %dma_wait3A_398, %dma_wait3A_399] : memref<8x128x32xf32, #tpu.memory_space<vmem>> -> memref<1x128x32xf32, #tpu.memory_space<vmem>>
    %dma_wait3A_401 = tpu.memref_squeeze %dma_wait3A_400 : memref<1x128x32xf32, #tpu.memory_space<vmem>> -> memref<128x32xf32, #tpu.memory_space<vmem>>
    tpu.wait_dma2 semaphore(%dma_wait3A_395 : memref<!tpu.dma_semaphore, #tpu.memory_space<semaphore_mem>>) src(%dma_wait3A_401 : memref<128x32xf32, #tpu.memory_space<vmem>>) dst(%dma_wait3A_397 : memref<128x32xf32, #tpu.memory_space<hbm>>)
    %dma_start3A_402 = arith.constant 3 : i32
    %dma_start3A_403 = arith.constant 3 : i32
    %dma_start3A_404 = arith.constant 0 : i32
    %dma_start3A_405 = arith.constant 0 : i32
    %dma_start3A_406 = tpu.memref_slice %arg6[%dma_start3A_402, %dma_start3A_404, %dma_start3A_405] : memref<8x128x32xf32, #tpu.memory_space<vmem>> -> memref<1x128x32xf32, #tpu.memory_space<vmem>>
    %dma_start3A_407 = tpu.memref_squeeze %dma_start3A_406 : memref<1x128x32xf32, #tpu.memory_space<vmem>> -> memref<128x32xf32, #tpu.memory_space<vmem>>
    %dma_start3A_408 = arith.constant 1408 : i32
    %dma_start3A_409 = tpu.memref_slice %arg5[%dma_start3A_408] : memref<25600xi32, #tpu.memory_space<vmem>> -> memref<128xi32, #tpu.memory_space<vmem>>
    %dma_start3A_410 = arith.constant 0 : i32
    %dma_start3A_411 = arith.constant 0 : i32
    %dma_start3A_412 = tpu.memref_slice %arg3[%dma_start3A_410, %dma_start3A_411] : memref<100001x32xf32, #tpu.memory_space<hbm>> -> memref<100001x32xf32, #tpu.memory_space<hbm>>
    %dma_start3A_413 = tpu.memref_slice %arg7[%dma_start3A_403] : memref<8x!tpu.dma_semaphore, #tpu.memory_space<semaphore_mem>> -> memref<1x!tpu.dma_semaphore, #tpu.memory_space<semaphore_mem>>
    %dma_start3A_414 = tpu.memref_squeeze %dma_start3A_413 : memref<1x!tpu.dma_semaphore, #tpu.memory_space<semaphore_mem>> -> memref<!tpu.dma_semaphore, #tpu.memory_space<semaphore_mem>>
    tpu.enqueue_indirect_dma source(%dma_start3A_412 : memref<100001x32xf32, #tpu.memory_space<hbm>>) target(%dma_start3A_407 : memref<128x32xf32, #tpu.memory_space<vmem>>) offsets(%dma_start3A_409 : memref<128xi32, #tpu.memory_space<vmem>>) semaphore(%dma_start3A_414 : memref<!tpu.dma_semaphore, #tpu.memory_space<semaphore_mem>>)
    %dma_wait3A_415 = arith.constant 6 : i32
    %dma_wait3A_416 = arith.constant 6 : i32
    %dma_wait3A_417 = arith.constant 0 : i32
    %dma_wait3A_418 = arith.constant 0 : i32
    %dma_wait3A_419 = tpu.memref_slice %arg6[%dma_wait3A_415, %dma_wait3A_417, %dma_wait3A_418] : memref<8x128x32xf32, #tpu.memory_space<vmem>> -> memref<1x128x32xf32, #tpu.memory_space<vmem>>
    %dma_wait3A_420 = tpu.memref_squeeze %dma_wait3A_419 : memref<1x128x32xf32, #tpu.memory_space<vmem>> -> memref<128x32xf32, #tpu.memory_space<vmem>>
    %dma_wait3A_421 = arith.constant 768 : i32
    %dma_wait3A_422 = tpu.memref_slice %arg5[%dma_wait3A_421] : memref<25600xi32, #tpu.memory_space<vmem>> -> memref<128xi32, #tpu.memory_space<vmem>>
    %dma_wait3A_423 = arith.constant 0 : i32
    %dma_wait3A_424 = arith.constant 0 : i32
    %dma_wait3A_425 = tpu.memref_slice %arg3[%dma_wait3A_423, %dma_wait3A_424] : memref<100001x32xf32, #tpu.memory_space<hbm>> -> memref<100001x32xf32, #tpu.memory_space<hbm>>
    %dma_wait3A_426 = tpu.memref_slice %arg7[%dma_wait3A_416] : memref<8x!tpu.dma_semaphore, #tpu.memory_space<semaphore_mem>> -> memref<1x!tpu.dma_semaphore, #tpu.memory_space<semaphore_mem>>
    %dma_wait3A_427 = tpu.memref_squeeze %dma_wait3A_426 : memref<1x!tpu.dma_semaphore, #tpu.memory_space<semaphore_mem>> -> memref<!tpu.dma_semaphore, #tpu.memory_space<semaphore_mem>>
    tpu.wait_indirect_dma semaphore(%dma_wait3A_427 : memref<!tpu.dma_semaphore, #tpu.memory_space<semaphore_mem>>) src(%dma_wait3A_425 : memref<100001x32xf32, #tpu.memory_space<hbm>>) dst(%dma_wait3A_420 : memref<128x32xf32, #tpu.memory_space<vmem>>)
    %add3A_428 = arith.constant 768 : i32
    %add3A_429 = arith.addi %mul3A_2, %add3A_428 : i32
    %dma_start3A_430 = arith.constant 6 : i32
    %dma_start3A_431 = arith.constant 6 : i32
    %dma_start3A_432 = arith.constant 0 : i32
    %dma_start3A_433 = arith.constant 0 : i32
    %dma_start3A_434 = tpu.memref_slice %arg6[%dma_start3A_430, %dma_start3A_432, %dma_start3A_433] : memref<8x128x32xf32, #tpu.memory_space<vmem>> -> memref<1x128x32xf32, #tpu.memory_space<vmem>>
    %dma_start3A_435 = tpu.memref_squeeze %dma_start3A_434 : memref<1x128x32xf32, #tpu.memory_space<vmem>> -> memref<128x32xf32, #tpu.memory_space<vmem>>
    %dma_start3A_436 = arith.constant 0 : i32
    %dma_start3A_437 = tpu.memref_slice %arg4[%add3A_429, %dma_start3A_436] : memref<819200x32xf32, #tpu.memory_space<hbm>> -> memref<128x32xf32, #tpu.memory_space<hbm>>
    %dma_start3A_438 = tpu.memref_slice %arg8[%dma_start3A_431] : memref<8x!tpu.dma_semaphore, #tpu.memory_space<semaphore_mem>> -> memref<1x!tpu.dma_semaphore, #tpu.memory_space<semaphore_mem>>
    %dma_start3A_439 = tpu.memref_squeeze %dma_start3A_438 : memref<1x!tpu.dma_semaphore, #tpu.memory_space<semaphore_mem>> -> memref<!tpu.dma_semaphore, #tpu.memory_space<semaphore_mem>>
    %dma_start3A_440 = arith.constant 0 : i32
    %dma_start3A_441 = tpu.memref_slice %arg4[%add3A_429, %dma_start3A_440] : memref<819200x32xf32, #tpu.memory_space<hbm>> -> memref<128x32xf32, #tpu.memory_space<hbm>>
    %dma_start3A_442 = arith.constant 0 : i32
    %dma_start3A_443 = arith.constant 0 : i32
    %dma_start3A_444 = tpu.memref_slice %arg6[%dma_start3A_430, %dma_start3A_442, %dma_start3A_443] : memref<8x128x32xf32, #tpu.memory_space<vmem>> -> memref<1x128x32xf32, #tpu.memory_space<vmem>>
    %dma_start3A_445 = tpu.memref_squeeze %dma_start3A_444 : memref<1x128x32xf32, #tpu.memory_space<vmem>> -> memref<128x32xf32, #tpu.memory_space<vmem>>
    tpu.enqueue_dma source(%dma_start3A_445 : memref<128x32xf32, #tpu.memory_space<vmem>>) target(%dma_start3A_441 : memref<128x32xf32, #tpu.memory_space<hbm>>) target_semaphore(%dma_start3A_439 : memref<!tpu.dma_semaphore, #tpu.memory_space<semaphore_mem>>)
    %add3A_446 = arith.constant 512 : i32
    %add3A_447 = arith.addi %mul3A_2, %add3A_446 : i32
    %dma_wait3A_448 = arith.constant 4 : i32
    %dma_wait3A_449 = arith.constant 4 : i32
    %dma_wait3A_450 = arith.constant 0 : i32
    %dma_wait3A_451 = arith.constant 0 : i32
    %dma_wait3A_452 = tpu.memref_slice %arg6[%dma_wait3A_448, %dma_wait3A_450, %dma_wait3A_451] : memref<8x128x32xf32, #tpu.memory_space<vmem>> -> memref<1x128x32xf32, #tpu.memory_space<vmem>>
    %dma_wait3A_453 = tpu.memref_squeeze %dma_wait3A_452 : memref<1x128x32xf32, #tpu.memory_space<vmem>> -> memref<128x32xf32, #tpu.memory_space<vmem>>
    %dma_wait3A_454 = arith.constant 0 : i32
    %dma_wait3A_455 = tpu.memref_slice %arg4[%add3A_447, %dma_wait3A_454] : memref<819200x32xf32, #tpu.memory_space<hbm>> -> memref<128x32xf32, #tpu.memory_space<hbm>>
    %dma_wait3A_456 = tpu.memref_slice %arg8[%dma_wait3A_449] : memref<8x!tpu.dma_semaphore, #tpu.memory_space<semaphore_mem>> -> memref<1x!tpu.dma_semaphore, #tpu.memory_space<semaphore_mem>>
    %dma_wait3A_457 = tpu.memref_squeeze %dma_wait3A_456 : memref<1x!tpu.dma_semaphore, #tpu.memory_space<semaphore_mem>> -> memref<!tpu.dma_semaphore, #tpu.memory_space<semaphore_mem>>
    %dma_wait3A_458 = arith.constant 0 : i32
    %dma_wait3A_459 = tpu.memref_slice %arg4[%add3A_447, %dma_wait3A_458] : memref<819200x32xf32, #tpu.memory_space<hbm>> -> memref<128x32xf32, #tpu.memory_space<hbm>>
    %dma_wait3A_460 = arith.constant 0 : i32
    %dma_wait3A_461 = arith.constant 0 : i32
    %dma_wait3A_462 = tpu.memref_slice %arg6[%dma_wait3A_448, %dma_wait3A_460, %dma_wait3A_461] : memref<8x128x32xf32, #tpu.memory_space<vmem>> -> memref<1x128x32xf32, #tpu.memory_space<vmem>>
    %dma_wait3A_463 = tpu.memref_squeeze %dma_wait3A_462 : memref<1x128x32xf32, #tpu.memory_space<vmem>> -> memref<128x32xf32, #tpu.memory_space<vmem>>
    tpu.wait_dma2 semaphore(%dma_wait3A_457 : memref<!tpu.dma_semaphore, #tpu.memory_space<semaphore_mem>>) src(%dma_wait3A_463 : memref<128x32xf32, #tpu.memory_space<vmem>>) dst(%dma_wait3A_459 : memref<128x32xf32, #tpu.memory_space<hbm>>)
    %dma_start3A_464 = arith.constant 4 : i32
    %dma_start3A_465 = arith.constant 4 : i32
    %dma_start3A_466 = arith.constant 0 : i32
    %dma_start3A_467 = arith.constant 0 : i32
    %dma_start3A_468 = tpu.memref_slice %arg6[%dma_start3A_464, %dma_start3A_466, %dma_start3A_467] : memref<8x128x32xf32, #tpu.memory_space<vmem>> -> memref<1x128x32xf32, #tpu.memory_space<vmem>>
    %dma_start3A_469 = tpu.memref_squeeze %dma_start3A_468 : memref<1x128x32xf32, #tpu.memory_space<vmem>> -> memref<128x32xf32, #tpu.memory_space<vmem>>
    %dma_start3A_470 = arith.constant 1536 : i32
    %dma_start3A_471 = tpu.memref_slice %arg5[%dma_start3A_470] : memref<25600xi32, #tpu.memory_space<vmem>> -> memref<128xi32, #tpu.memory_space<vmem>>
    %dma_start3A_472 = arith.constant 0 : i32
    %dma_start3A_473 = arith.constant 0 : i32
    %dma_start3A_474 = tpu.memref_slice %arg3[%dma_start3A_472, %dma_start3A_473] : memref<100001x32xf32, #tpu.memory_space<hbm>> -> memref<100001x32xf32, #tpu.memory_space<hbm>>
    %dma_start3A_475 = tpu.memref_slice %arg7[%dma_start3A_465] : memref<8x!tpu.dma_semaphore, #tpu.memory_space<semaphore_mem>> -> memref<1x!tpu.dma_semaphore, #tpu.memory_space<semaphore_mem>>
    %dma_start3A_476 = tpu.memref_squeeze %dma_start3A_475 : memref<1x!tpu.dma_semaphore, #tpu.memory_space<semaphore_mem>> -> memref<!tpu.dma_semaphore, #tpu.memory_space<semaphore_mem>>
    tpu.enqueue_indirect_dma source(%dma_start3A_474 : memref<100001x32xf32, #tpu.memory_space<hbm>>) target(%dma_start3A_469 : memref<128x32xf32, #tpu.memory_space<vmem>>) offsets(%dma_start3A_471 : memref<128xi32, #tpu.memory_space<vmem>>) semaphore(%dma_start3A_476 : memref<!tpu.dma_semaphore, #tpu.memory_space<semaphore_mem>>)
    %dma_wait3A_477 = arith.constant 7 : i32
    %dma_wait3A_478 = arith.constant 7 : i32
    %dma_wait3A_479 = arith.constant 0 : i32
    %dma_wait3A_480 = arith.constant 0 : i32
    %dma_wait3A_481 = tpu.memref_slice %arg6[%dma_wait3A_477, %dma_wait3A_479, %dma_wait3A_480] : memref<8x128x32xf32, #tpu.memory_space<vmem>> -> memref<1x128x32xf32, #tpu.memory_space<vmem>>
    %dma_wait3A_482 = tpu.memref_squeeze %dma_wait3A_481 : memref<1x128x32xf32, #tpu.memory_space<vmem>> -> memref<128x32xf32, #tpu.memory_space<vmem>>
    %dma_wait3A_483 = arith.constant 896 : i32
    %dma_wait3A_484 = tpu.memref_slice %arg5[%dma_wait3A_483] : memref<25600xi32, #tpu.memory_space<vmem>> -> memref<128xi32, #tpu.memory_space<vmem>>
    %dma_wait3A_485 = arith.constant 0 : i32
    %dma_wait3A_486 = arith.constant 0 : i32
    %dma_wait3A_487 = tpu.memref_slice %arg3[%dma_wait3A_485, %dma_wait3A_486] : memref<100001x32xf32, #tpu.memory_space<hbm>> -> memref<100001x32xf32, #tpu.memory_space<hbm>>
    %dma_wait3A_488 = tpu.memref_slice %arg7[%dma_wait3A_478] : memref<8x!tpu.dma_semaphore, #tpu.memory_space<semaphore_mem>> -> memref<1x!tpu.dma_semaphore, #tpu.memory_space<semaphore_mem>>
    %dma_wait3A_489 = tpu.memref_squeeze %dma_wait3A_488 : memref<1x!tpu.dma_semaphore, #tpu.memory_space<semaphore_mem>> -> memref<!tpu.dma_semaphore, #tpu.memory_space<semaphore_mem>>
    tpu.wait_indirect_dma semaphore(%dma_wait3A_489 : memref<!tpu.dma_semaphore, #tpu.memory_space<semaphore_mem>>) src(%dma_wait3A_487 : memref<100001x32xf32, #tpu.memory_space<hbm>>) dst(%dma_wait3A_482 : memref<128x32xf32, #tpu.memory_space<vmem>>)
    %add3A_490 = arith.constant 896 : i32
    %add3A_491 = arith.addi %mul3A_2, %add3A_490 : i32
    %dma_start3A_492 = arith.constant 7 : i32
    %dma_start3A_493 = arith.constant 7 : i32
    %dma_start3A_494 = arith.constant 0 : i32
    %dma_start3A_495 = arith.constant 0 : i32
    %dma_start3A_496 = tpu.memref_slice %arg6[%dma_start3A_492, %dma_start3A_494, %dma_start3A_495] : memref<8x128x32xf32, #tpu.memory_space<vmem>> -> memref<1x128x32xf32, #tpu.memory_space<vmem>>
    %dma_start3A_497 = tpu.memref_squeeze %dma_start3A_496 : memref<1x128x32xf32, #tpu.memory_space<vmem>> -> memref<128x32xf32, #tpu.memory_space<vmem>>
    %dma_start3A_498 = arith.constant 0 : i32
    %dma_start3A_499 = tpu.memref_slice %arg4[%add3A_491, %dma_start3A_498] : memref<819200x32xf32, #tpu.memory_space<hbm>> -> memref<128x32xf32, #tpu.memory_space<hbm>>
    %dma_start3A_500 = tpu.memref_slice %arg8[%dma_start3A_493] : memref<8x!tpu.dma_semaphore, #tpu.memory_space<semaphore_mem>> -> memref<1x!tpu.dma_semaphore, #tpu.memory_space<semaphore_mem>>
    %dma_start3A_501 = tpu.memref_squeeze %dma_start3A_500 : memref<1x!tpu.dma_semaphore, #tpu.memory_space<semaphore_mem>> -> memref<!tpu.dma_semaphore, #tpu.memory_space<semaphore_mem>>
    %dma_start3A_502 = arith.constant 0 : i32
    %dma_start3A_503 = tpu.memref_slice %arg4[%add3A_491, %dma_start3A_502] : memref<819200x32xf32, #tpu.memory_space<hbm>> -> memref<128x32xf32, #tpu.memory_space<hbm>>
    %dma_start3A_504 = arith.constant 0 : i32
    %dma_start3A_505 = arith.constant 0 : i32
    %dma_start3A_506 = tpu.memref_slice %arg6[%dma_start3A_492, %dma_start3A_504, %dma_start3A_505] : memref<8x128x32xf32, #tpu.memory_space<vmem>> -> memref<1x128x32xf32, #tpu.memory_space<vmem>>
    %dma_start3A_507 = tpu.memref_squeeze %dma_start3A_506 : memref<1x128x32xf32, #tpu.memory_space<vmem>> -> memref<128x32xf32, #tpu.memory_space<vmem>>
    tpu.enqueue_dma source(%dma_start3A_507 : memref<128x32xf32, #tpu.memory_space<vmem>>) target(%dma_start3A_503 : memref<128x32xf32, #tpu.memory_space<hbm>>) target_semaphore(%dma_start3A_501 : memref<!tpu.dma_semaphore, #tpu.memory_space<semaphore_mem>>)
    %add3A_508 = arith.constant 640 : i32
    %add3A_509 = arith.addi %mul3A_2, %add3A_508 : i32
    %dma_wait3A_510 = arith.constant 5 : i32
    %dma_wait3A_511 = arith.constant 5 : i32
    %dma_wait3A_512 = arith.constant 0 : i32
    %dma_wait3A_513 = arith.constant 0 : i32
    %dma_wait3A_514 = tpu.memref_slice %arg6[%dma_wait3A_510, %dma_wait3A_512, %dma_wait3A_513] : memref<8x128x32xf32, #tpu.memory_space<vmem>> -> memref<1x128x32xf32, #tpu.memory_space<vmem>>
    %dma_wait3A_515 = tpu.memref_squeeze %dma_wait3A_514 : memref<1x128x32xf32, #tpu.memory_space<vmem>> -> memref<128x32xf32, #tpu.memory_space<vmem>>
    %dma_wait3A_516 = arith.constant 0 : i32
    %dma_wait3A_517 = tpu.memref_slice %arg4[%add3A_509, %dma_wait3A_516] : memref<819200x32xf32, #tpu.memory_space<hbm>> -> memref<128x32xf32, #tpu.memory_space<hbm>>
    %dma_wait3A_518 = tpu.memref_slice %arg8[%dma_wait3A_511] : memref<8x!tpu.dma_semaphore, #tpu.memory_space<semaphore_mem>> -> memref<1x!tpu.dma_semaphore, #tpu.memory_space<semaphore_mem>>
    %dma_wait3A_519 = tpu.memref_squeeze %dma_wait3A_518 : memref<1x!tpu.dma_semaphore, #tpu.memory_space<semaphore_mem>> -> memref<!tpu.dma_semaphore, #tpu.memory_space<semaphore_mem>>
    %dma_wait3A_520 = arith.constant 0 : i32
    %dma_wait3A_521 = tpu.memref_slice %arg4[%add3A_509, %dma_wait3A_520] : memref<819200x32xf32, #tpu.memory_space<hbm>> -> memref<128x32xf32, #tpu.memory_space<hbm>>
    %dma_wait3A_522 = arith.constant 0 : i32
    %dma_wait3A_523 = arith.constant 0 : i32
    %dma_wait3A_524 = tpu.memref_slice %arg6[%dma_wait3A_510, %dma_wait3A_522, %dma_wait3A_523] : memref<8x128x32xf32, #tpu.memory_space<vmem>> -> memref<1x128x32xf32, #tpu.memory_space<vmem>>
    %dma_wait3A_525 = tpu.memref_squeeze %dma_wait3A_524 : memref<1x128x32xf32, #tpu.memory_space<vmem>> -> memref<128x32xf32, #tpu.memory_space<vmem>>
    tpu.wait_dma2 semaphore(%dma_wait3A_519 : memref<!tpu.dma_semaphore, #tpu.memory_space<semaphore_mem>>) src(%dma_wait3A_525 : memref<128x32xf32, #tpu.memory_space<vmem>>) dst(%dma_wait3A_521 : memref<128x32xf32, #tpu.memory_space<hbm>>)
    %dma_start3A_526 = arith.constant 5 : i32
    %dma_start3A_527 = arith.constant 5 : i32
    %dma_start3A_528 = arith.constant 0 : i32
    %dma_start3A_529 = arith.constant 0 : i32
    %dma_start3A_530 = tpu.memref_slice %arg6[%dma_start3A_526, %dma_start3A_528, %dma_start3A_529] : memref<8x128x32xf32, #tpu.memory_space<vmem>> -> memref<1x128x32xf32, #tpu.memory_space<vmem>>
    %dma_start3A_531 = tpu.memref_squeeze %dma_start3A_530 : memref<1x128x32xf32, #tpu.memory_space<vmem>> -> memref<128x32xf32, #tpu.memory_space<vmem>>
    %dma_start3A_532 = arith.constant 1664 : i32
    %dma_start3A_533 = tpu.memref_slice %arg5[%dma_start3A_532] : memref<25600xi32, #tpu.memory_space<vmem>> -> memref<128xi32, #tpu.memory_space<vmem>>
    %dma_start3A_534 = arith.constant 0 : i32
    %dma_start3A_535 = arith.constant 0 : i32
    %dma_start3A_536 = tpu.memref_slice %arg3[%dma_start3A_534, %dma_start3A_535] : memref<100001x32xf32, #tpu.memory_space<hbm>> -> memref<100001x32xf32, #tpu.memory_space<hbm>>
    %dma_start3A_537 = tpu.memref_slice %arg7[%dma_start3A_527] : memref<8x!tpu.dma_semaphore, #tpu.memory_space<semaphore_mem>> -> memref<1x!tpu.dma_semaphore, #tpu.memory_space<semaphore_mem>>
    %dma_start3A_538 = tpu.memref_squeeze %dma_start3A_537 : memref<1x!tpu.dma_semaphore, #tpu.memory_space<semaphore_mem>> -> memref<!tpu.dma_semaphore, #tpu.memory_space<semaphore_mem>>
    tpu.enqueue_indirect_dma source(%dma_start3A_536 : memref<100001x32xf32, #tpu.memory_space<hbm>>) target(%dma_start3A_531 : memref<128x32xf32, #tpu.memory_space<vmem>>) offsets(%dma_start3A_533 : memref<128xi32, #tpu.memory_space<vmem>>) semaphore(%dma_start3A_538 : memref<!tpu.dma_semaphore, #tpu.memory_space<semaphore_mem>>)
    %scan3A = arith.constant 1 : i32
    %scan3A_539 = arith.constant 23 : i32
    %scan3A_540 = arith.addi %scan3A, %scan3A_539 : i32
    %scan3A_541 = arith.constant 1 : i32
    scf.for %scan3A_997 = %scan3A to %scan3A_540 step %scan3A_541  : i32 {
      %mul3A_998 = arith.constant 8 : i32
      %mul3A_999 = arith.muli %scan3A_997, %mul3A_998 : i32
      %add3A_1000 = arith.constant 0 : i32
      %add3A_1001 = arith.addi %mul3A_999, %add3A_1000 : i32
      %mul3A_1002 = arith.constant 128 : i32
      %mul3A_1003 = arith.muli %add3A_1001, %mul3A_1002 : i32
      %dma_wait3A_1004 = arith.constant 0 : i32
      %dma_wait3A_1005 = arith.constant 0 : i32
      %dma_wait3A_1006 = arith.constant 0 : i32
      %dma_wait3A_1007 = arith.constant 0 : i32
      %dma_wait3A_1008 = tpu.memref_slice %arg6[%dma_wait3A_1004, %dma_wait3A_1006, %dma_wait3A_1007] : memref<8x128x32xf32, #tpu.memory_space<vmem>> -> memref<1x128x32xf32, #tpu.memory_space<vmem>>
      %dma_wait3A_1009 = tpu.memref_squeeze %dma_wait3A_1008 : memref<1x128x32xf32, #tpu.memory_space<vmem>> -> memref<128x32xf32, #tpu.memory_space<vmem>>
      %dma_wait3A_1010 = tpu.memref_slice %arg5[%mul3A_1003] : memref<25600xi32, #tpu.memory_space<vmem>> -> memref<128xi32, #tpu.memory_space<vmem>>
      %dma_wait3A_1011 = arith.constant 0 : i32
      %dma_wait3A_1012 = arith.constant 0 : i32
      %dma_wait3A_1013 = tpu.memref_slice %arg3[%dma_wait3A_1011, %dma_wait3A_1012] : memref<100001x32xf32, #tpu.memory_space<hbm>> -> memref<100001x32xf32, #tpu.memory_space<hbm>>
      %dma_wait3A_1014 = tpu.memref_slice %arg7[%dma_wait3A_1005] : memref<8x!tpu.dma_semaphore, #tpu.memory_space<semaphore_mem>> -> memref<1x!tpu.dma_semaphore, #tpu.memory_space<semaphore_mem>>
      %dma_wait3A_1015 = tpu.memref_squeeze %dma_wait3A_1014 : memref<1x!tpu.dma_semaphore, #tpu.memory_space<semaphore_mem>> -> memref<!tpu.dma_semaphore, #tpu.memory_space<semaphore_mem>>
      tpu.wait_indirect_dma semaphore(%dma_wait3A_1015 : memref<!tpu.dma_semaphore, #tpu.memory_space<semaphore_mem>>) src(%dma_wait3A_1013 : memref<100001x32xf32, #tpu.memory_space<hbm>>) dst(%dma_wait3A_1009 : memref<128x32xf32, #tpu.memory_space<vmem>>)
      %mul3A_1016 = arith.constant 128 : i32
      %mul3A_1017 = arith.muli %add3A_1001, %mul3A_1016 : i32
      %add3A_1018 = arith.addi %mul3A_2, %mul3A_1017 : i32
      %dma_start3A_1019 = arith.constant 0 : i32
      %dma_start3A_1020 = arith.constant 0 : i32
      %dma_start3A_1021 = arith.constant 0 : i32
      %dma_start3A_1022 = arith.constant 0 : i32
      %dma_start3A_1023 = tpu.memref_slice %arg6[%dma_start3A_1019, %dma_start3A_1021, %dma_start3A_1022] : memref<8x128x32xf32, #tpu.memory_space<vmem>> -> memref<1x128x32xf32, #tpu.memory_space<vmem>>
      %dma_start3A_1024 = tpu.memref_squeeze %dma_start3A_1023 : memref<1x128x32xf32, #tpu.memory_space<vmem>> -> memref<128x32xf32, #tpu.memory_space<vmem>>
      %dma_start3A_1025 = arith.constant 0 : i32
      %dma_start3A_1026 = tpu.memref_slice %arg4[%add3A_1018, %dma_start3A_1025] : memref<819200x32xf32, #tpu.memory_space<hbm>> -> memref<128x32xf32, #tpu.memory_space<hbm>>
      %dma_start3A_1027 = tpu.memref_slice %arg8[%dma_start3A_1020] : memref<8x!tpu.dma_semaphore, #tpu.memory_space<semaphore_mem>> -> memref<1x!tpu.dma_semaphore, #tpu.memory_space<semaphore_mem>>
      %dma_start3A_1028 = tpu.memref_squeeze %dma_start3A_1027 : memref<1x!tpu.dma_semaphore, #tpu.memory_space<semaphore_mem>> -> memref<!tpu.dma_semaphore, #tpu.memory_space<semaphore_mem>>
      %dma_start3A_1029 = arith.constant 0 : i32
      %dma_start3A_1030 = tpu.memref_slice %arg4[%add3A_1018, %dma_start3A_1029] : memref<819200x32xf32, #tpu.memory_space<hbm>> -> memref<128x32xf32, #tpu.memory_space<hbm>>
      %dma_start3A_1031 = arith.constant 0 : i32
      %dma_start3A_1032 = arith.constant 0 : i32
      %dma_start3A_1033 = tpu.memref_slice %arg6[%dma_start3A_1019, %dma_start3A_1031, %dma_start3A_1032] : memref<8x128x32xf32, #tpu.memory_space<vmem>> -> memref<1x128x32xf32, #tpu.memory_space<vmem>>
      %dma_start3A_1034 = tpu.memref_squeeze %dma_start3A_1033 : memref<1x128x32xf32, #tpu.memory_space<vmem>> -> memref<128x32xf32, #tpu.memory_space<vmem>>
      tpu.enqueue_dma source(%dma_start3A_1034 : memref<128x32xf32, #tpu.memory_space<vmem>>) target(%dma_start3A_1030 : memref<128x32xf32, #tpu.memory_space<hbm>>) target_semaphore(%dma_start3A_1028 : memref<!tpu.dma_semaphore, #tpu.memory_space<semaphore_mem>>)
      %add3A_1035 = arith.constant 6 : i32
      %add3A_1036 = arith.addi %add3A_1001, %add3A_1035 : i32
      %sub3A = arith.constant 8 : i32
      %sub3A_1037 = arith.subi %add3A_1036, %sub3A : i32
      %mul3A_1038 = arith.constant 128 : i32
      %mul3A_1039 = arith.muli %sub3A_1037, %mul3A_1038 : i32
      %add3A_1040 = arith.addi %mul3A_2, %mul3A_1039 : i32
      %dma_wait3A_1041 = arith.constant 6 : i32
      %dma_wait3A_1042 = arith.constant 6 : i32
      %dma_wait3A_1043 = arith.constant 0 : i32
      %dma_wait3A_1044 = arith.constant 0 : i32
      %dma_wait3A_1045 = tpu.memref_slice %arg6[%dma_wait3A_1041, %dma_wait3A_1043, %dma_wait3A_1044] : memref<8x128x32xf32, #tpu.memory_space<vmem>> -> memref<1x128x32xf32, #tpu.memory_space<vmem>>
      %dma_wait3A_1046 = tpu.memref_squeeze %dma_wait3A_1045 : memref<1x128x32xf32, #tpu.memory_space<vmem>> -> memref<128x32xf32, #tpu.memory_space<vmem>>
      %dma_wait3A_1047 = arith.constant 0 : i32
      %dma_wait3A_1048 = tpu.memref_slice %arg4[%add3A_1040, %dma_wait3A_1047] : memref<819200x32xf32, #tpu.memory_space<hbm>> -> memref<128x32xf32, #tpu.memory_space<hbm>>
      %dma_wait3A_1049 = tpu.memref_slice %arg8[%dma_wait3A_1042] : memref<8x!tpu.dma_semaphore, #tpu.memory_space<semaphore_mem>> -> memref<1x!tpu.dma_semaphore, #tpu.memory_space<semaphore_mem>>
      %dma_wait3A_1050 = tpu.memref_squeeze %dma_wait3A_1049 : memref<1x!tpu.dma_semaphore, #tpu.memory_space<semaphore_mem>> -> memref<!tpu.dma_semaphore, #tpu.memory_space<semaphore_mem>>
      %dma_wait3A_1051 = arith.constant 0 : i32
      %dma_wait3A_1052 = tpu.memref_slice %arg4[%add3A_1040, %dma_wait3A_1051] : memref<819200x32xf32, #tpu.memory_space<hbm>> -> memref<128x32xf32, #tpu.memory_space<hbm>>
      %dma_wait3A_1053 = arith.constant 0 : i32
      %dma_wait3A_1054 = arith.constant 0 : i32
      %dma_wait3A_1055 = tpu.memref_slice %arg6[%dma_wait3A_1041, %dma_wait3A_1053, %dma_wait3A_1054] : memref<8x128x32xf32, #tpu.memory_space<vmem>> -> memref<1x128x32xf32, #tpu.memory_space<vmem>>
      %dma_wait3A_1056 = tpu.memref_squeeze %dma_wait3A_1055 : memref<1x128x32xf32, #tpu.memory_space<vmem>> -> memref<128x32xf32, #tpu.memory_space<vmem>>
      tpu.wait_dma2 semaphore(%dma_wait3A_1050 : memref<!tpu.dma_semaphore, #tpu.memory_space<semaphore_mem>>) src(%dma_wait3A_1056 : memref<128x32xf32, #tpu.memory_space<vmem>>) dst(%dma_wait3A_1052 : memref<128x32xf32, #tpu.memory_space<hbm>>)
      %mul3A_1057 = arith.constant 128 : i32
      %mul3A_1058 = arith.muli %add3A_1036, %mul3A_1057 : i32
      %dma_start3A_1059 = arith.constant 6 : i32
      %dma_start3A_1060 = arith.constant 6 : i32
      %dma_start3A_1061 = arith.constant 0 : i32
      %dma_start3A_1062 = arith.constant 0 : i32
      %dma_start3A_1063 = tpu.memref_slice %arg6[%dma_start3A_1059, %dma_start3A_1061, %dma_start3A_1062] : memref<8x128x32xf32, #tpu.memory_space<vmem>> -> memref<1x128x32xf32, #tpu.memory_space<vmem>>
      %dma_start3A_1064 = tpu.memref_squeeze %dma_start3A_1063 : memref<1x128x32xf32, #tpu.memory_space<vmem>> -> memref<128x32xf32, #tpu.memory_space<vmem>>
      %dma_start3A_1065 = tpu.memref_slice %arg5[%mul3A_1058] : memref<25600xi32, #tpu.memory_space<vmem>> -> memref<128xi32, #tpu.memory_space<vmem>>
      %dma_start3A_1066 = arith.constant 0 : i32
      %dma_start3A_1067 = arith.constant 0 : i32
      %dma_start3A_1068 = tpu.memref_slice %arg3[%dma_start3A_1066, %dma_start3A_1067] : memref<100001x32xf32, #tpu.memory_space<hbm>> -> memref<100001x32xf32, #tpu.memory_space<hbm>>
      %dma_start3A_1069 = tpu.memref_slice %arg7[%dma_start3A_1060] : memref<8x!tpu.dma_semaphore, #tpu.memory_space<semaphore_mem>> -> memref<1x!tpu.dma_semaphore, #tpu.memory_space<semaphore_mem>>
      %dma_start3A_1070 = tpu.memref_squeeze %dma_start3A_1069 : memref<1x!tpu.dma_semaphore, #tpu.memory_space<semaphore_mem>> -> memref<!tpu.dma_semaphore, #tpu.memory_space<semaphore_mem>>
      tpu.enqueue_indirect_dma source(%dma_start3A_1068 : memref<100001x32xf32, #tpu.memory_space<hbm>>) target(%dma_start3A_1064 : memref<128x32xf32, #tpu.memory_space<vmem>>) offsets(%dma_start3A_1065 : memref<128xi32, #tpu.memory_space<vmem>>) semaphore(%dma_start3A_1070 : memref<!tpu.dma_semaphore, #tpu.memory_space<semaphore_mem>>)
      %mul3A_1071 = arith.constant 8 : i32
      %mul3A_1072 = arith.muli %scan3A_997, %mul3A_1071 : i32
      %add3A_1073 = arith.constant 1 : i32
      %add3A_1074 = arith.addi %mul3A_1072, %add3A_1073 : i32
      %mul3A_1075 = arith.constant 128 : i32
      %mul3A_1076 = arith.muli %add3A_1074, %mul3A_1075 : i32
      %dma_wait3A_1077 = arith.constant 1 : i32
      %dma_wait3A_1078 = arith.constant 1 : i32
      %dma_wait3A_1079 = arith.constant 0 : i32
      %dma_wait3A_1080 = arith.constant 0 : i32
      %dma_wait3A_1081 = tpu.memref_slice %arg6[%dma_wait3A_1077, %dma_wait3A_1079, %dma_wait3A_1080] : memref<8x128x32xf32, #tpu.memory_space<vmem>> -> memref<1x128x32xf32, #tpu.memory_space<vmem>>
      %dma_wait3A_1082 = tpu.memref_squeeze %dma_wait3A_1081 : memref<1x128x32xf32, #tpu.memory_space<vmem>> -> memref<128x32xf32, #tpu.memory_space<vmem>>
      %dma_wait3A_1083 = tpu.memref_slice %arg5[%mul3A_1076] : memref<25600xi32, #tpu.memory_space<vmem>> -> memref<128xi32, #tpu.memory_space<vmem>>
      %dma_wait3A_1084 = arith.constant 0 : i32
      %dma_wait3A_1085 = arith.constant 0 : i32
      %dma_wait3A_1086 = tpu.memref_slice %arg3[%dma_wait3A_1084, %dma_wait3A_1085] : memref<100001x32xf32, #tpu.memory_space<hbm>> -> memref<100001x32xf32, #tpu.memory_space<hbm>>
      %dma_wait3A_1087 = tpu.memref_slice %arg7[%dma_wait3A_1078] : memref<8x!tpu.dma_semaphore, #tpu.memory_space<semaphore_mem>> -> memref<1x!tpu.dma_semaphore, #tpu.memory_space<semaphore_mem>>
      %dma_wait3A_1088 = tpu.memref_squeeze %dma_wait3A_1087 : memref<1x!tpu.dma_semaphore, #tpu.memory_space<semaphore_mem>> -> memref<!tpu.dma_semaphore, #tpu.memory_space<semaphore_mem>>
      tpu.wait_indirect_dma semaphore(%dma_wait3A_1088 : memref<!tpu.dma_semaphore, #tpu.memory_space<semaphore_mem>>) src(%dma_wait3A_1086 : memref<100001x32xf32, #tpu.memory_space<hbm>>) dst(%dma_wait3A_1082 : memref<128x32xf32, #tpu.memory_space<vmem>>)
      %mul3A_1089 = arith.constant 128 : i32
      %mul3A_1090 = arith.muli %add3A_1074, %mul3A_1089 : i32
      %add3A_1091 = arith.addi %mul3A_2, %mul3A_1090 : i32
      %dma_start3A_1092 = arith.constant 1 : i32
      %dma_start3A_1093 = arith.constant 1 : i32
      %dma_start3A_1094 = arith.constant 0 : i32
      %dma_start3A_1095 = arith.constant 0 : i32
      %dma_start3A_1096 = tpu.memref_slice %arg6[%dma_start3A_1092, %dma_start3A_1094, %dma_start3A_1095] : memref<8x128x32xf32, #tpu.memory_space<vmem>> -> memref<1x128x32xf32, #tpu.memory_space<vmem>>
      %dma_start3A_1097 = tpu.memref_squeeze %dma_start3A_1096 : memref<1x128x32xf32, #tpu.memory_space<vmem>> -> memref<128x32xf32, #tpu.memory_space<vmem>>
      %dma_start3A_1098 = arith.constant 0 : i32
      %dma_start3A_1099 = tpu.memref_slice %arg4[%add3A_1091, %dma_start3A_1098] : memref<819200x32xf32, #tpu.memory_space<hbm>> -> memref<128x32xf32, #tpu.memory_space<hbm>>
      %dma_start3A_1100 = tpu.memref_slice %arg8[%dma_start3A_1093] : memref<8x!tpu.dma_semaphore, #tpu.memory_space<semaphore_mem>> -> memref<1x!tpu.dma_semaphore, #tpu.memory_space<semaphore_mem>>
      %dma_start3A_1101 = tpu.memref_squeeze %dma_start3A_1100 : memref<1x!tpu.dma_semaphore, #tpu.memory_space<semaphore_mem>> -> memref<!tpu.dma_semaphore, #tpu.memory_space<semaphore_mem>>
      %dma_start3A_1102 = arith.constant 0 : i32
      %dma_start3A_1103 = tpu.memref_slice %arg4[%add3A_1091, %dma_start3A_1102] : memref<819200x32xf32, #tpu.memory_space<hbm>> -> memref<128x32xf32, #tpu.memory_space<hbm>>
      %dma_start3A_1104 = arith.constant 0 : i32
      %dma_start3A_1105 = arith.constant 0 : i32
      %dma_start3A_1106 = tpu.memref_slice %arg6[%dma_start3A_1092, %dma_start3A_1104, %dma_start3A_1105] : memref<8x128x32xf32, #tpu.memory_space<vmem>> -> memref<1x128x32xf32, #tpu.memory_space<vmem>>
      %dma_start3A_1107 = tpu.memref_squeeze %dma_start3A_1106 : memref<1x128x32xf32, #tpu.memory_space<vmem>> -> memref<128x32xf32, #tpu.memory_space<vmem>>
      tpu.enqueue_dma source(%dma_start3A_1107 : memref<128x32xf32, #tpu.memory_space<vmem>>) target(%dma_start3A_1103 : memref<128x32xf32, #tpu.memory_space<hbm>>) target_semaphore(%dma_start3A_1101 : memref<!tpu.dma_semaphore, #tpu.memory_space<semaphore_mem>>)
      %add3A_1108 = arith.constant 6 : i32
      %add3A_1109 = arith.addi %add3A_1074, %add3A_1108 : i32
      %sub3A_1110 = arith.constant 8 : i32
      %sub3A_1111 = arith.subi %add3A_1109, %sub3A_1110 : i32
      %mul3A_1112 = arith.constant 128 : i32
      %mul3A_1113 = arith.muli %sub3A_1111, %mul3A_1112 : i32
      %add3A_1114 = arith.addi %mul3A_2, %mul3A_1113 : i32
      %dma_wait3A_1115 = arith.constant 7 : i32
      %dma_wait3A_1116 = arith.constant 7 : i32
      %dma_wait3A_1117 = arith.constant 0 : i32
      %dma_wait3A_1118 = arith.constant 0 : i32
      %dma_wait3A_1119 = tpu.memref_slice %arg6[%dma_wait3A_1115, %dma_wait3A_1117, %dma_wait3A_1118] : memref<8x128x32xf32, #tpu.memory_space<vmem>> -> memref<1x128x32xf32, #tpu.memory_space<vmem>>
      %dma_wait3A_1120 = tpu.memref_squeeze %dma_wait3A_1119 : memref<1x128x32xf32, #tpu.memory_space<vmem>> -> memref<128x32xf32, #tpu.memory_space<vmem>>
      %dma_wait3A_1121 = arith.constant 0 : i32
      %dma_wait3A_1122 = tpu.memref_slice %arg4[%add3A_1114, %dma_wait3A_1121] : memref<819200x32xf32, #tpu.memory_space<hbm>> -> memref<128x32xf32, #tpu.memory_space<hbm>>
      %dma_wait3A_1123 = tpu.memref_slice %arg8[%dma_wait3A_1116] : memref<8x!tpu.dma_semaphore, #tpu.memory_space<semaphore_mem>> -> memref<1x!tpu.dma_semaphore, #tpu.memory_space<semaphore_mem>>
      %dma_wait3A_1124 = tpu.memref_squeeze %dma_wait3A_1123 : memref<1x!tpu.dma_semaphore, #tpu.memory_space<semaphore_mem>> -> memref<!tpu.dma_semaphore, #tpu.memory_space<semaphore_mem>>
      %dma_wait3A_1125 = arith.constant 0 : i32
      %dma_wait3A_1126 = tpu.memref_slice %arg4[%add3A_1114, %dma_wait3A_1125] : memref<819200x32xf32, #tpu.memory_space<hbm>> -> memref<128x32xf32, #tpu.memory_space<hbm>>
      %dma_wait3A_1127 = arith.constant 0 : i32
      %dma_wait3A_1128 = arith.constant 0 : i32
      %dma_wait3A_1129 = tpu.memref_slice %arg6[%dma_wait3A_1115, %dma_wait3A_1127, %dma_wait3A_1128] : memref<8x128x32xf32, #tpu.memory_space<vmem>> -> memref<1x128x32xf32, #tpu.memory_space<vmem>>
      %dma_wait3A_1130 = tpu.memref_squeeze %dma_wait3A_1129 : memref<1x128x32xf32, #tpu.memory_space<vmem>> -> memref<128x32xf32, #tpu.memory_space<vmem>>
      tpu.wait_dma2 semaphore(%dma_wait3A_1124 : memref<!tpu.dma_semaphore, #tpu.memory_space<semaphore_mem>>) src(%dma_wait3A_1130 : memref<128x32xf32, #tpu.memory_space<vmem>>) dst(%dma_wait3A_1126 : memref<128x32xf32, #tpu.memory_space<hbm>>)
      %mul3A_1131 = arith.constant 128 : i32
      %mul3A_1132 = arith.muli %add3A_1109, %mul3A_1131 : i32
      %dma_start3A_1133 = arith.constant 7 : i32
      %dma_start3A_1134 = arith.constant 7 : i32
      %dma_start3A_1135 = arith.constant 0 : i32
      %dma_start3A_1136 = arith.constant 0 : i32
      %dma_start3A_1137 = tpu.memref_slice %arg6[%dma_start3A_1133, %dma_start3A_1135, %dma_start3A_1136] : memref<8x128x32xf32, #tpu.memory_space<vmem>> -> memref<1x128x32xf32, #tpu.memory_space<vmem>>
      %dma_start3A_1138 = tpu.memref_squeeze %dma_start3A_1137 : memref<1x128x32xf32, #tpu.memory_space<vmem>> -> memref<128x32xf32, #tpu.memory_space<vmem>>
      %dma_start3A_1139 = tpu.memref_slice %arg5[%mul3A_1132] : memref<25600xi32, #tpu.memory_space<vmem>> -> memref<128xi32, #tpu.memory_space<vmem>>
      %dma_start3A_1140 = arith.constant 0 : i32
      %dma_start3A_1141 = arith.constant 0 : i32
      %dma_start3A_1142 = tpu.memref_slice %arg3[%dma_start3A_1140, %dma_start3A_1141] : memref<100001x32xf32, #tpu.memory_space<hbm>> -> memref<100001x32xf32, #tpu.memory_space<hbm>>
      %dma_start3A_1143 = tpu.memref_slice %arg7[%dma_start3A_1134] : memref<8x!tpu.dma_semaphore, #tpu.memory_space<semaphore_mem>> -> memref<1x!tpu.dma_semaphore, #tpu.memory_space<semaphore_mem>>
      %dma_start3A_1144 = tpu.memref_squeeze %dma_start3A_1143 : memref<1x!tpu.dma_semaphore, #tpu.memory_space<semaphore_mem>> -> memref<!tpu.dma_semaphore, #tpu.memory_space<semaphore_mem>>
      tpu.enqueue_indirect_dma source(%dma_start3A_1142 : memref<100001x32xf32, #tpu.memory_space<hbm>>) target(%dma_start3A_1138 : memref<128x32xf32, #tpu.memory_space<vmem>>) offsets(%dma_start3A_1139 : memref<128xi32, #tpu.memory_space<vmem>>) semaphore(%dma_start3A_1144 : memref<!tpu.dma_semaphore, #tpu.memory_space<semaphore_mem>>)
      %mul3A_1145 = arith.constant 8 : i32
      %mul3A_1146 = arith.muli %scan3A_997, %mul3A_1145 : i32
      %add3A_1147 = arith.constant 2 : i32
      %add3A_1148 = arith.addi %mul3A_1146, %add3A_1147 : i32
      %mul3A_1149 = arith.constant 128 : i32
      %mul3A_1150 = arith.muli %add3A_1148, %mul3A_1149 : i32
      %dma_wait3A_1151 = arith.constant 2 : i32
      %dma_wait3A_1152 = arith.constant 2 : i32
      %dma_wait3A_1153 = arith.constant 0 : i32
      %dma_wait3A_1154 = arith.constant 0 : i32
      %dma_wait3A_1155 = tpu.memref_slice %arg6[%dma_wait3A_1151, %dma_wait3A_1153, %dma_wait3A_1154] : memref<8x128x32xf32, #tpu.memory_space<vmem>> -> memref<1x128x32xf32, #tpu.memory_space<vmem>>
      %dma_wait3A_1156 = tpu.memref_squeeze %dma_wait3A_1155 : memref<1x128x32xf32, #tpu.memory_space<vmem>> -> memref<128x32xf32, #tpu.memory_space<vmem>>
      %dma_wait3A_1157 = tpu.memref_slice %arg5[%mul3A_1150] : memref<25600xi32, #tpu.memory_space<vmem>> -> memref<128xi32, #tpu.memory_space<vmem>>
      %dma_wait3A_1158 = arith.constant 0 : i32
      %dma_wait3A_1159 = arith.constant 0 : i32
      %dma_wait3A_1160 = tpu.memref_slice %arg3[%dma_wait3A_1158, %dma_wait3A_1159] : memref<100001x32xf32, #tpu.memory_space<hbm>> -> memref<100001x32xf32, #tpu.memory_space<hbm>>
      %dma_wait3A_1161 = tpu.memref_slice %arg7[%dma_wait3A_1152] : memref<8x!tpu.dma_semaphore, #tpu.memory_space<semaphore_mem>> -> memref<1x!tpu.dma_semaphore, #tpu.memory_space<semaphore_mem>>
      %dma_wait3A_1162 = tpu.memref_squeeze %dma_wait3A_1161 : memref<1x!tpu.dma_semaphore, #tpu.memory_space<semaphore_mem>> -> memref<!tpu.dma_semaphore, #tpu.memory_space<semaphore_mem>>
      tpu.wait_indirect_dma semaphore(%dma_wait3A_1162 : memref<!tpu.dma_semaphore, #tpu.memory_space<semaphore_mem>>) src(%dma_wait3A_1160 : memref<100001x32xf32, #tpu.memory_space<hbm>>) dst(%dma_wait3A_1156 : memref<128x32xf32, #tpu.memory_space<vmem>>)
      %mul3A_1163 = arith.constant 128 : i32
      %mul3A_1164 = arith.muli %add3A_1148, %mul3A_1163 : i32
      %add3A_1165 = arith.addi %mul3A_2, %mul3A_1164 : i32
      %dma_start3A_1166 = arith.constant 2 : i32
      %dma_start3A_1167 = arith.constant 2 : i32
      %dma_start3A_1168 = arith.constant 0 : i32
      %dma_start3A_1169 = arith.constant 0 : i32
      %dma_start3A_1170 = tpu.memref_slice %arg6[%dma_start3A_1166, %dma_start3A_1168, %dma_start3A_1169] : memref<8x128x32xf32, #tpu.memory_space<vmem>> -> memref<1x128x32xf32, #tpu.memory_space<vmem>>
      %dma_start3A_1171 = tpu.memref_squeeze %dma_start3A_1170 : memref<1x128x32xf32, #tpu.memory_space<vmem>> -> memref<128x32xf32, #tpu.memory_space<vmem>>
      %dma_start3A_1172 = arith.constant 0 : i32
      %dma_start3A_1173 = tpu.memref_slice %arg4[%add3A_1165, %dma_start3A_1172] : memref<819200x32xf32, #tpu.memory_space<hbm>> -> memref<128x32xf32, #tpu.memory_space<hbm>>
      %dma_start3A_1174 = tpu.memref_slice %arg8[%dma_start3A_1167] : memref<8x!tpu.dma_semaphore, #tpu.memory_space<semaphore_mem>> -> memref<1x!tpu.dma_semaphore, #tpu.memory_space<semaphore_mem>>
      %dma_start3A_1175 = tpu.memref_squeeze %dma_start3A_1174 : memref<1x!tpu.dma_semaphore, #tpu.memory_space<semaphore_mem>> -> memref<!tpu.dma_semaphore, #tpu.memory_space<semaphore_mem>>
      %dma_start3A_1176 = arith.constant 0 : i32
      %dma_start3A_1177 = tpu.memref_slice %arg4[%add3A_1165, %dma_start3A_1176] : memref<819200x32xf32, #tpu.memory_space<hbm>> -> memref<128x32xf32, #tpu.memory_space<hbm>>
      %dma_start3A_1178 = arith.constant 0 : i32
      %dma_start3A_1179 = arith.constant 0 : i32
      %dma_start3A_1180 = tpu.memref_slice %arg6[%dma_start3A_1166, %dma_start3A_1178, %dma_start3A_1179] : memref<8x128x32xf32, #tpu.memory_space<vmem>> -> memref<1x128x32xf32, #tpu.memory_space<vmem>>
      %dma_start3A_1181 = tpu.memref_squeeze %dma_start3A_1180 : memref<1x128x32xf32, #tpu.memory_space<vmem>> -> memref<128x32xf32, #tpu.memory_space<vmem>>
      tpu.enqueue_dma source(%dma_start3A_1181 : memref<128x32xf32, #tpu.memory_space<vmem>>) target(%dma_start3A_1177 : memref<128x32xf32, #tpu.memory_space<hbm>>) target_semaphore(%dma_start3A_1175 : memref<!tpu.dma_semaphore, #tpu.memory_space<semaphore_mem>>)
      %add3A_1182 = arith.constant 6 : i32
      %add3A_1183 = arith.addi %add3A_1148, %add3A_1182 : i32
      %sub3A_1184 = arith.constant 8 : i32
      %sub3A_1185 = arith.subi %add3A_1183, %sub3A_1184 : i32
      %mul3A_1186 = arith.constant 128 : i32
      %mul3A_1187 = arith.muli %sub3A_1185, %mul3A_1186 : i32
      %add3A_1188 = arith.addi %mul3A_2, %mul3A_1187 : i32
      %dma_wait3A_1189 = arith.constant 0 : i32
      %dma_wait3A_1190 = arith.constant 0 : i32
      %dma_wait3A_1191 = arith.constant 0 : i32
      %dma_wait3A_1192 = arith.constant 0 : i32
      %dma_wait3A_1193 = tpu.memref_slice %arg6[%dma_wait3A_1189, %dma_wait3A_1191, %dma_wait3A_1192] : memref<8x128x32xf32, #tpu.memory_space<vmem>> -> memref<1x128x32xf32, #tpu.memory_space<vmem>>
      %dma_wait3A_1194 = tpu.memref_squeeze %dma_wait3A_1193 : memref<1x128x32xf32, #tpu.memory_space<vmem>> -> memref<128x32xf32, #tpu.memory_space<vmem>>
      %dma_wait3A_1195 = arith.constant 0 : i32
      %dma_wait3A_1196 = tpu.memref_slice %arg4[%add3A_1188, %dma_wait3A_1195] : memref<819200x32xf32, #tpu.memory_space<hbm>> -> memref<128x32xf32, #tpu.memory_space<hbm>>
      %dma_wait3A_1197 = tpu.memref_slice %arg8[%dma_wait3A_1190] : memref<8x!tpu.dma_semaphore, #tpu.memory_space<semaphore_mem>> -> memref<1x!tpu.dma_semaphore, #tpu.memory_space<semaphore_mem>>
      %dma_wait3A_1198 = tpu.memref_squeeze %dma_wait3A_1197 : memref<1x!tpu.dma_semaphore, #tpu.memory_space<semaphore_mem>> -> memref<!tpu.dma_semaphore, #tpu.memory_space<semaphore_mem>>
      %dma_wait3A_1199 = arith.constant 0 : i32
      %dma_wait3A_1200 = tpu.memref_slice %arg4[%add3A_1188, %dma_wait3A_1199] : memref<819200x32xf32, #tpu.memory_space<hbm>> -> memref<128x32xf32, #tpu.memory_space<hbm>>
      %dma_wait3A_1201 = arith.constant 0 : i32
      %dma_wait3A_1202 = arith.constant 0 : i32
      %dma_wait3A_1203 = tpu.memref_slice %arg6[%dma_wait3A_1189, %dma_wait3A_1201, %dma_wait3A_1202] : memref<8x128x32xf32, #tpu.memory_space<vmem>> -> memref<1x128x32xf32, #tpu.memory_space<vmem>>
      %dma_wait3A_1204 = tpu.memref_squeeze %dma_wait3A_1203 : memref<1x128x32xf32, #tpu.memory_space<vmem>> -> memref<128x32xf32, #tpu.memory_space<vmem>>
      tpu.wait_dma2 semaphore(%dma_wait3A_1198 : memref<!tpu.dma_semaphore, #tpu.memory_space<semaphore_mem>>) src(%dma_wait3A_1204 : memref<128x32xf32, #tpu.memory_space<vmem>>) dst(%dma_wait3A_1200 : memref<128x32xf32, #tpu.memory_space<hbm>>)
      %mul3A_1205 = arith.constant 128 : i32
      %mul3A_1206 = arith.muli %add3A_1183, %mul3A_1205 : i32
      %dma_start3A_1207 = arith.constant 0 : i32
      %dma_start3A_1208 = arith.constant 0 : i32
      %dma_start3A_1209 = arith.constant 0 : i32
      %dma_start3A_1210 = arith.constant 0 : i32
      %dma_start3A_1211 = tpu.memref_slice %arg6[%dma_start3A_1207, %dma_start3A_1209, %dma_start3A_1210] : memref<8x128x32xf32, #tpu.memory_space<vmem>> -> memref<1x128x32xf32, #tpu.memory_space<vmem>>
      %dma_start3A_1212 = tpu.memref_squeeze %dma_start3A_1211 : memref<1x128x32xf32, #tpu.memory_space<vmem>> -> memref<128x32xf32, #tpu.memory_space<vmem>>
      %dma_start3A_1213 = tpu.memref_slice %arg5[%mul3A_1206] : memref<25600xi32, #tpu.memory_space<vmem>> -> memref<128xi32, #tpu.memory_space<vmem>>
      %dma_start3A_1214 = arith.constant 0 : i32
      %dma_start3A_1215 = arith.constant 0 : i32
      %dma_start3A_1216 = tpu.memref_slice %arg3[%dma_start3A_1214, %dma_start3A_1215] : memref<100001x32xf32, #tpu.memory_space<hbm>> -> memref<100001x32xf32, #tpu.memory_space<hbm>>
      %dma_start3A_1217 = tpu.memref_slice %arg7[%dma_start3A_1208] : memref<8x!tpu.dma_semaphore, #tpu.memory_space<semaphore_mem>> -> memref<1x!tpu.dma_semaphore, #tpu.memory_space<semaphore_mem>>
      %dma_start3A_1218 = tpu.memref_squeeze %dma_start3A_1217 : memref<1x!tpu.dma_semaphore, #tpu.memory_space<semaphore_mem>> -> memref<!tpu.dma_semaphore, #tpu.memory_space<semaphore_mem>>
      tpu.enqueue_indirect_dma source(%dma_start3A_1216 : memref<100001x32xf32, #tpu.memory_space<hbm>>) target(%dma_start3A_1212 : memref<128x32xf32, #tpu.memory_space<vmem>>) offsets(%dma_start3A_1213 : memref<128xi32, #tpu.memory_space<vmem>>) semaphore(%dma_start3A_1218 : memref<!tpu.dma_semaphore, #tpu.memory_space<semaphore_mem>>)
      %mul3A_1219 = arith.constant 8 : i32
      %mul3A_1220 = arith.muli %scan3A_997, %mul3A_1219 : i32
      %add3A_1221 = arith.constant 3 : i32
      %add3A_1222 = arith.addi %mul3A_1220, %add3A_1221 : i32
      %mul3A_1223 = arith.constant 128 : i32
      %mul3A_1224 = arith.muli %add3A_1222, %mul3A_1223 : i32
      %dma_wait3A_1225 = arith.constant 3 : i32
      %dma_wait3A_1226 = arith.constant 3 : i32
      %dma_wait3A_1227 = arith.constant 0 : i32
      %dma_wait3A_1228 = arith.constant 0 : i32
      %dma_wait3A_1229 = tpu.memref_slice %arg6[%dma_wait3A_1225, %dma_wait3A_1227, %dma_wait3A_1228] : memref<8x128x32xf32, #tpu.memory_space<vmem>> -> memref<1x128x32xf32, #tpu.memory_space<vmem>>
      %dma_wait3A_1230 = tpu.memref_squeeze %dma_wait3A_1229 : memref<1x128x32xf32, #tpu.memory_space<vmem>> -> memref<128x32xf32, #tpu.memory_space<vmem>>
      %dma_wait3A_1231 = tpu.memref_slice %arg5[%mul3A_1224] : memref<25600xi32, #tpu.memory_space<vmem>> -> memref<128xi32, #tpu.memory_space<vmem>>
      %dma_wait3A_1232 = arith.constant 0 : i32
      %dma_wait3A_1233 = arith.constant 0 : i32
      %dma_wait3A_1234 = tpu.memref_slice %arg3[%dma_wait3A_1232, %dma_wait3A_1233] : memref<100001x32xf32, #tpu.memory_space<hbm>> -> memref<100001x32xf32, #tpu.memory_space<hbm>>
      %dma_wait3A_1235 = tpu.memref_slice %arg7[%dma_wait3A_1226] : memref<8x!tpu.dma_semaphore, #tpu.memory_space<semaphore_mem>> -> memref<1x!tpu.dma_semaphore, #tpu.memory_space<semaphore_mem>>
      %dma_wait3A_1236 = tpu.memref_squeeze %dma_wait3A_1235 : memref<1x!tpu.dma_semaphore, #tpu.memory_space<semaphore_mem>> -> memref<!tpu.dma_semaphore, #tpu.memory_space<semaphore_mem>>
      tpu.wait_indirect_dma semaphore(%dma_wait3A_1236 : memref<!tpu.dma_semaphore, #tpu.memory_space<semaphore_mem>>) src(%dma_wait3A_1234 : memref<100001x32xf32, #tpu.memory_space<hbm>>) dst(%dma_wait3A_1230 : memref<128x32xf32, #tpu.memory_space<vmem>>)
      %mul3A_1237 = arith.constant 128 : i32
      %mul3A_1238 = arith.muli %add3A_1222, %mul3A_1237 : i32
      %add3A_1239 = arith.addi %mul3A_2, %mul3A_1238 : i32
      %dma_start3A_1240 = arith.constant 3 : i32
      %dma_start3A_1241 = arith.constant 3 : i32
      %dma_start3A_1242 = arith.constant 0 : i32
      %dma_start3A_1243 = arith.constant 0 : i32
      %dma_start3A_1244 = tpu.memref_slice %arg6[%dma_start3A_1240, %dma_start3A_1242, %dma_start3A_1243] : memref<8x128x32xf32, #tpu.memory_space<vmem>> -> memref<1x128x32xf32, #tpu.memory_space<vmem>>
      %dma_start3A_1245 = tpu.memref_squeeze %dma_start3A_1244 : memref<1x128x32xf32, #tpu.memory_space<vmem>> -> memref<128x32xf32, #tpu.memory_space<vmem>>
      %dma_start3A_1246 = arith.constant 0 : i32
      %dma_start3A_1247 = tpu.memref_slice %arg4[%add3A_1239, %dma_start3A_1246] : memref<819200x32xf32, #tpu.memory_space<hbm>> -> memref<128x32xf32, #tpu.memory_space<hbm>>
      %dma_start3A_1248 = tpu.memref_slice %arg8[%dma_start3A_1241] : memref<8x!tpu.dma_semaphore, #tpu.memory_space<semaphore_mem>> -> memref<1x!tpu.dma_semaphore, #tpu.memory_space<semaphore_mem>>
      %dma_start3A_1249 = tpu.memref_squeeze %dma_start3A_1248 : memref<1x!tpu.dma_semaphore, #tpu.memory_space<semaphore_mem>> -> memref<!tpu.dma_semaphore, #tpu.memory_space<semaphore_mem>>
      %dma_start3A_1250 = arith.constant 0 : i32
      %dma_start3A_1251 = tpu.memref_slice %arg4[%add3A_1239, %dma_start3A_1250] : memref<819200x32xf32, #tpu.memory_space<hbm>> -> memref<128x32xf32, #tpu.memory_space<hbm>>
      %dma_start3A_1252 = arith.constant 0 : i32
      %dma_start3A_1253 = arith.constant 0 : i32
      %dma_start3A_1254 = tpu.memref_slice %arg6[%dma_start3A_1240, %dma_start3A_1252, %dma_start3A_1253] : memref<8x128x32xf32, #tpu.memory_space<vmem>> -> memref<1x128x32xf32, #tpu.memory_space<vmem>>
      %dma_start3A_1255 = tpu.memref_squeeze %dma_start3A_1254 : memref<1x128x32xf32, #tpu.memory_space<vmem>> -> memref<128x32xf32, #tpu.memory_space<vmem>>
      tpu.enqueue_dma source(%dma_start3A_1255 : memref<128x32xf32, #tpu.memory_space<vmem>>) target(%dma_start3A_1251 : memref<128x32xf32, #tpu.memory_space<hbm>>) target_semaphore(%dma_start3A_1249 : memref<!tpu.dma_semaphore, #tpu.memory_space<semaphore_mem>>)
      %add3A_1256 = arith.constant 6 : i32
      %add3A_1257 = arith.addi %add3A_1222, %add3A_1256 : i32
      %sub3A_1258 = arith.constant 8 : i32
      %sub3A_1259 = arith.subi %add3A_1257, %sub3A_1258 : i32
      %mul3A_1260 = arith.constant 128 : i32
      %mul3A_1261 = arith.muli %sub3A_1259, %mul3A_1260 : i32
      %add3A_1262 = arith.addi %mul3A_2, %mul3A_1261 : i32
      %dma_wait3A_1263 = arith.constant 1 : i32
      %dma_wait3A_1264 = arith.constant 1 : i32
      %dma_wait3A_1265 = arith.constant 0 : i32
      %dma_wait3A_1266 = arith.constant 0 : i32
      %dma_wait3A_1267 = tpu.memref_slice %arg6[%dma_wait3A_1263, %dma_wait3A_1265, %dma_wait3A_1266] : memref<8x128x32xf32, #tpu.memory_space<vmem>> -> memref<1x128x32xf32, #tpu.memory_space<vmem>>
      %dma_wait3A_1268 = tpu.memref_squeeze %dma_wait3A_1267 : memref<1x128x32xf32, #tpu.memory_space<vmem>> -> memref<128x32xf32, #tpu.memory_space<vmem>>
      %dma_wait3A_1269 = arith.constant 0 : i32
      %dma_wait3A_1270 = tpu.memref_slice %arg4[%add3A_1262, %dma_wait3A_1269] : memref<819200x32xf32, #tpu.memory_space<hbm>> -> memref<128x32xf32, #tpu.memory_space<hbm>>
      %dma_wait3A_1271 = tpu.memref_slice %arg8[%dma_wait3A_1264] : memref<8x!tpu.dma_semaphore, #tpu.memory_space<semaphore_mem>> -> memref<1x!tpu.dma_semaphore, #tpu.memory_space<semaphore_mem>>
      %dma_wait3A_1272 = tpu.memref_squeeze %dma_wait3A_1271 : memref<1x!tpu.dma_semaphore, #tpu.memory_space<semaphore_mem>> -> memref<!tpu.dma_semaphore, #tpu.memory_space<semaphore_mem>>
      %dma_wait3A_1273 = arith.constant 0 : i32
      %dma_wait3A_1274 = tpu.memref_slice %arg4[%add3A_1262, %dma_wait3A_1273] : memref<819200x32xf32, #tpu.memory_space<hbm>> -> memref<128x32xf32, #tpu.memory_space<hbm>>
      %dma_wait3A_1275 = arith.constant 0 : i32
      %dma_wait3A_1276 = arith.constant 0 : i32
      %dma_wait3A_1277 = tpu.memref_slice %arg6[%dma_wait3A_1263, %dma_wait3A_1275, %dma_wait3A_1276] : memref<8x128x32xf32, #tpu.memory_space<vmem>> -> memref<1x128x32xf32, #tpu.memory_space<vmem>>
      %dma_wait3A_1278 = tpu.memref_squeeze %dma_wait3A_1277 : memref<1x128x32xf32, #tpu.memory_space<vmem>> -> memref<128x32xf32, #tpu.memory_space<vmem>>
      tpu.wait_dma2 semaphore(%dma_wait3A_1272 : memref<!tpu.dma_semaphore, #tpu.memory_space<semaphore_mem>>) src(%dma_wait3A_1278 : memref<128x32xf32, #tpu.memory_space<vmem>>) dst(%dma_wait3A_1274 : memref<128x32xf32, #tpu.memory_space<hbm>>)
      %mul3A_1279 = arith.constant 128 : i32
      %mul3A_1280 = arith.muli %add3A_1257, %mul3A_1279 : i32
      %dma_start3A_1281 = arith.constant 1 : i32
      %dma_start3A_1282 = arith.constant 1 : i32
      %dma_start3A_1283 = arith.constant 0 : i32
      %dma_start3A_1284 = arith.constant 0 : i32
      %dma_start3A_1285 = tpu.memref_slice %arg6[%dma_start3A_1281, %dma_start3A_1283, %dma_start3A_1284] : memref<8x128x32xf32, #tpu.memory_space<vmem>> -> memref<1x128x32xf32, #tpu.memory_space<vmem>>
      %dma_start3A_1286 = tpu.memref_squeeze %dma_start3A_1285 : memref<1x128x32xf32, #tpu.memory_space<vmem>> -> memref<128x32xf32, #tpu.memory_space<vmem>>
      %dma_start3A_1287 = tpu.memref_slice %arg5[%mul3A_1280] : memref<25600xi32, #tpu.memory_space<vmem>> -> memref<128xi32, #tpu.memory_space<vmem>>
      %dma_start3A_1288 = arith.constant 0 : i32
      %dma_start3A_1289 = arith.constant 0 : i32
      %dma_start3A_1290 = tpu.memref_slice %arg3[%dma_start3A_1288, %dma_start3A_1289] : memref<100001x32xf32, #tpu.memory_space<hbm>> -> memref<100001x32xf32, #tpu.memory_space<hbm>>
      %dma_start3A_1291 = tpu.memref_slice %arg7[%dma_start3A_1282] : memref<8x!tpu.dma_semaphore, #tpu.memory_space<semaphore_mem>> -> memref<1x!tpu.dma_semaphore, #tpu.memory_space<semaphore_mem>>
      %dma_start3A_1292 = tpu.memref_squeeze %dma_start3A_1291 : memref<1x!tpu.dma_semaphore, #tpu.memory_space<semaphore_mem>> -> memref<!tpu.dma_semaphore, #tpu.memory_space<semaphore_mem>>
      tpu.enqueue_indirect_dma source(%dma_start3A_1290 : memref<100001x32xf32, #tpu.memory_space<hbm>>) target(%dma_start3A_1286 : memref<128x32xf32, #tpu.memory_space<vmem>>) offsets(%dma_start3A_1287 : memref<128xi32, #tpu.memory_space<vmem>>) semaphore(%dma_start3A_1292 : memref<!tpu.dma_semaphore, #tpu.memory_space<semaphore_mem>>)
      %mul3A_1293 = arith.constant 8 : i32
      %mul3A_1294 = arith.muli %scan3A_997, %mul3A_1293 : i32
      %add3A_1295 = arith.constant 4 : i32
      %add3A_1296 = arith.addi %mul3A_1294, %add3A_1295 : i32
      %mul3A_1297 = arith.constant 128 : i32
      %mul3A_1298 = arith.muli %add3A_1296, %mul3A_1297 : i32
      %dma_wait3A_1299 = arith.constant 4 : i32
      %dma_wait3A_1300 = arith.constant 4 : i32
      %dma_wait3A_1301 = arith.constant 0 : i32
      %dma_wait3A_1302 = arith.constant 0 : i32
      %dma_wait3A_1303 = tpu.memref_slice %arg6[%dma_wait3A_1299, %dma_wait3A_1301, %dma_wait3A_1302] : memref<8x128x32xf32, #tpu.memory_space<vmem>> -> memref<1x128x32xf32, #tpu.memory_space<vmem>>
      %dma_wait3A_1304 = tpu.memref_squeeze %dma_wait3A_1303 : memref<1x128x32xf32, #tpu.memory_space<vmem>> -> memref<128x32xf32, #tpu.memory_space<vmem>>
      %dma_wait3A_1305 = tpu.memref_slice %arg5[%mul3A_1298] : memref<25600xi32, #tpu.memory_space<vmem>> -> memref<128xi32, #tpu.memory_space<vmem>>
      %dma_wait3A_1306 = arith.constant 0 : i32
      %dma_wait3A_1307 = arith.constant 0 : i32
      %dma_wait3A_1308 = tpu.memref_slice %arg3[%dma_wait3A_1306, %dma_wait3A_1307] : memref<100001x32xf32, #tpu.memory_space<hbm>> -> memref<100001x32xf32, #tpu.memory_space<hbm>>
      %dma_wait3A_1309 = tpu.memref_slice %arg7[%dma_wait3A_1300] : memref<8x!tpu.dma_semaphore, #tpu.memory_space<semaphore_mem>> -> memref<1x!tpu.dma_semaphore, #tpu.memory_space<semaphore_mem>>
      %dma_wait3A_1310 = tpu.memref_squeeze %dma_wait3A_1309 : memref<1x!tpu.dma_semaphore, #tpu.memory_space<semaphore_mem>> -> memref<!tpu.dma_semaphore, #tpu.memory_space<semaphore_mem>>
      tpu.wait_indirect_dma semaphore(%dma_wait3A_1310 : memref<!tpu.dma_semaphore, #tpu.memory_space<semaphore_mem>>) src(%dma_wait3A_1308 : memref<100001x32xf32, #tpu.memory_space<hbm>>) dst(%dma_wait3A_1304 : memref<128x32xf32, #tpu.memory_space<vmem>>)
      %mul3A_1311 = arith.constant 128 : i32
      %mul3A_1312 = arith.muli %add3A_1296, %mul3A_1311 : i32
      %add3A_1313 = arith.addi %mul3A_2, %mul3A_1312 : i32
      %dma_start3A_1314 = arith.constant 4 : i32
      %dma_start3A_1315 = arith.constant 4 : i32
      %dma_start3A_1316 = arith.constant 0 : i32
      %dma_start3A_1317 = arith.constant 0 : i32
      %dma_start3A_1318 = tpu.memref_slice %arg6[%dma_start3A_1314, %dma_start3A_1316, %dma_start3A_1317] : memref<8x128x32xf32, #tpu.memory_space<vmem>> -> memref<1x128x32xf32, #tpu.memory_space<vmem>>
      %dma_start3A_1319 = tpu.memref_squeeze %dma_start3A_1318 : memref<1x128x32xf32, #tpu.memory_space<vmem>> -> memref<128x32xf32, #tpu.memory_space<vmem>>
      %dma_start3A_1320 = arith.constant 0 : i32
      %dma_start3A_1321 = tpu.memref_slice %arg4[%add3A_1313, %dma_start3A_1320] : memref<819200x32xf32, #tpu.memory_space<hbm>> -> memref<128x32xf32, #tpu.memory_space<hbm>>
      %dma_start3A_1322 = tpu.memref_slice %arg8[%dma_start3A_1315] : memref<8x!tpu.dma_semaphore, #tpu.memory_space<semaphore_mem>> -> memref<1x!tpu.dma_semaphore, #tpu.memory_space<semaphore_mem>>
      %dma_start3A_1323 = tpu.memref_squeeze %dma_start3A_1322 : memref<1x!tpu.dma_semaphore, #tpu.memory_space<semaphore_mem>> -> memref<!tpu.dma_semaphore, #tpu.memory_space<semaphore_mem>>
      %dma_start3A_1324 = arith.constant 0 : i32
      %dma_start3A_1325 = tpu.memref_slice %arg4[%add3A_1313, %dma_start3A_1324] : memref<819200x32xf32, #tpu.memory_space<hbm>> -> memref<128x32xf32, #tpu.memory_space<hbm>>
      %dma_start3A_1326 = arith.constant 0 : i32
      %dma_start3A_1327 = arith.constant 0 : i32
      %dma_start3A_1328 = tpu.memref_slice %arg6[%dma_start3A_1314, %dma_start3A_1326, %dma_start3A_1327] : memref<8x128x32xf32, #tpu.memory_space<vmem>> -> memref<1x128x32xf32, #tpu.memory_space<vmem>>
      %dma_start3A_1329 = tpu.memref_squeeze %dma_start3A_1328 : memref<1x128x32xf32, #tpu.memory_space<vmem>> -> memref<128x32xf32, #tpu.memory_space<vmem>>
      tpu.enqueue_dma source(%dma_start3A_1329 : memref<128x32xf32, #tpu.memory_space<vmem>>) target(%dma_start3A_1325 : memref<128x32xf32, #tpu.memory_space<hbm>>) target_semaphore(%dma_start3A_1323 : memref<!tpu.dma_semaphore, #tpu.memory_space<semaphore_mem>>)
      %add3A_1330 = arith.constant 6 : i32
      %add3A_1331 = arith.addi %add3A_1296, %add3A_1330 : i32
      %sub3A_1332 = arith.constant 8 : i32
      %sub3A_1333 = arith.subi %add3A_1331, %sub3A_1332 : i32
      %mul3A_1334 = arith.constant 128 : i32
      %mul3A_1335 = arith.muli %sub3A_1333, %mul3A_1334 : i32
      %add3A_1336 = arith.addi %mul3A_2, %mul3A_1335 : i32
      %dma_wait3A_1337 = arith.constant 2 : i32
      %dma_wait3A_1338 = arith.constant 2 : i32
      %dma_wait3A_1339 = arith.constant 0 : i32
      %dma_wait3A_1340 = arith.constant 0 : i32
      %dma_wait3A_1341 = tpu.memref_slice %arg6[%dma_wait3A_1337, %dma_wait3A_1339, %dma_wait3A_1340] : memref<8x128x32xf32, #tpu.memory_space<vmem>> -> memref<1x128x32xf32, #tpu.memory_space<vmem>>
      %dma_wait3A_1342 = tpu.memref_squeeze %dma_wait3A_1341 : memref<1x128x32xf32, #tpu.memory_space<vmem>> -> memref<128x32xf32, #tpu.memory_space<vmem>>
      %dma_wait3A_1343 = arith.constant 0 : i32
      %dma_wait3A_1344 = tpu.memref_slice %arg4[%add3A_1336, %dma_wait3A_1343] : memref<819200x32xf32, #tpu.memory_space<hbm>> -> memref<128x32xf32, #tpu.memory_space<hbm>>
      %dma_wait3A_1345 = tpu.memref_slice %arg8[%dma_wait3A_1338] : memref<8x!tpu.dma_semaphore, #tpu.memory_space<semaphore_mem>> -> memref<1x!tpu.dma_semaphore, #tpu.memory_space<semaphore_mem>>
      %dma_wait3A_1346 = tpu.memref_squeeze %dma_wait3A_1345 : memref<1x!tpu.dma_semaphore, #tpu.memory_space<semaphore_mem>> -> memref<!tpu.dma_semaphore, #tpu.memory_space<semaphore_mem>>
      %dma_wait3A_1347 = arith.constant 0 : i32
      %dma_wait3A_1348 = tpu.memref_slice %arg4[%add3A_1336, %dma_wait3A_1347] : memref<819200x32xf32, #tpu.memory_space<hbm>> -> memref<128x32xf32, #tpu.memory_space<hbm>>
      %dma_wait3A_1349 = arith.constant 0 : i32
      %dma_wait3A_1350 = arith.constant 0 : i32
      %dma_wait3A_1351 = tpu.memref_slice %arg6[%dma_wait3A_1337, %dma_wait3A_1349, %dma_wait3A_1350] : memref<8x128x32xf32, #tpu.memory_space<vmem>> -> memref<1x128x32xf32, #tpu.memory_space<vmem>>
      %dma_wait3A_1352 = tpu.memref_squeeze %dma_wait3A_1351 : memref<1x128x32xf32, #tpu.memory_space<vmem>> -> memref<128x32xf32, #tpu.memory_space<vmem>>
      tpu.wait_dma2 semaphore(%dma_wait3A_1346 : memref<!tpu.dma_semaphore, #tpu.memory_space<semaphore_mem>>) src(%dma_wait3A_1352 : memref<128x32xf32, #tpu.memory_space<vmem>>) dst(%dma_wait3A_1348 : memref<128x32xf32, #tpu.memory_space<hbm>>)
      %mul3A_1353 = arith.constant 128 : i32
      %mul3A_1354 = arith.muli %add3A_1331, %mul3A_1353 : i32
      %dma_start3A_1355 = arith.constant 2 : i32
      %dma_start3A_1356 = arith.constant 2 : i32
      %dma_start3A_1357 = arith.constant 0 : i32
      %dma_start3A_1358 = arith.constant 0 : i32
      %dma_start3A_1359 = tpu.memref_slice %arg6[%dma_start3A_1355, %dma_start3A_1357, %dma_start3A_1358] : memref<8x128x32xf32, #tpu.memory_space<vmem>> -> memref<1x128x32xf32, #tpu.memory_space<vmem>>
      %dma_start3A_1360 = tpu.memref_squeeze %dma_start3A_1359 : memref<1x128x32xf32, #tpu.memory_space<vmem>> -> memref<128x32xf32, #tpu.memory_space<vmem>>
      %dma_start3A_1361 = tpu.memref_slice %arg5[%mul3A_1354] : memref<25600xi32, #tpu.memory_space<vmem>> -> memref<128xi32, #tpu.memory_space<vmem>>
      %dma_start3A_1362 = arith.constant 0 : i32
      %dma_start3A_1363 = arith.constant 0 : i32
      %dma_start3A_1364 = tpu.memref_slice %arg3[%dma_start3A_1362, %dma_start3A_1363] : memref<100001x32xf32, #tpu.memory_space<hbm>> -> memref<100001x32xf32, #tpu.memory_space<hbm>>
      %dma_start3A_1365 = tpu.memref_slice %arg7[%dma_start3A_1356] : memref<8x!tpu.dma_semaphore, #tpu.memory_space<semaphore_mem>> -> memref<1x!tpu.dma_semaphore, #tpu.memory_space<semaphore_mem>>
      %dma_start3A_1366 = tpu.memref_squeeze %dma_start3A_1365 : memref<1x!tpu.dma_semaphore, #tpu.memory_space<semaphore_mem>> -> memref<!tpu.dma_semaphore, #tpu.memory_space<semaphore_mem>>
      tpu.enqueue_indirect_dma source(%dma_start3A_1364 : memref<100001x32xf32, #tpu.memory_space<hbm>>) target(%dma_start3A_1360 : memref<128x32xf32, #tpu.memory_space<vmem>>) offsets(%dma_start3A_1361 : memref<128xi32, #tpu.memory_space<vmem>>) semaphore(%dma_start3A_1366 : memref<!tpu.dma_semaphore, #tpu.memory_space<semaphore_mem>>)
      %mul3A_1367 = arith.constant 8 : i32
      %mul3A_1368 = arith.muli %scan3A_997, %mul3A_1367 : i32
      %add3A_1369 = arith.constant 5 : i32
      %add3A_1370 = arith.addi %mul3A_1368, %add3A_1369 : i32
      %mul3A_1371 = arith.constant 128 : i32
      %mul3A_1372 = arith.muli %add3A_1370, %mul3A_1371 : i32
      %dma_wait3A_1373 = arith.constant 5 : i32
      %dma_wait3A_1374 = arith.constant 5 : i32
      %dma_wait3A_1375 = arith.constant 0 : i32
      %dma_wait3A_1376 = arith.constant 0 : i32
      %dma_wait3A_1377 = tpu.memref_slice %arg6[%dma_wait3A_1373, %dma_wait3A_1375, %dma_wait3A_1376] : memref<8x128x32xf32, #tpu.memory_space<vmem>> -> memref<1x128x32xf32, #tpu.memory_space<vmem>>
      %dma_wait3A_1378 = tpu.memref_squeeze %dma_wait3A_1377 : memref<1x128x32xf32, #tpu.memory_space<vmem>> -> memref<128x32xf32, #tpu.memory_space<vmem>>
      %dma_wait3A_1379 = tpu.memref_slice %arg5[%mul3A_1372] : memref<25600xi32, #tpu.memory_space<vmem>> -> memref<128xi32, #tpu.memory_space<vmem>>
      %dma_wait3A_1380 = arith.constant 0 : i32
      %dma_wait3A_1381 = arith.constant 0 : i32
      %dma_wait3A_1382 = tpu.memref_slice %arg3[%dma_wait3A_1380, %dma_wait3A_1381] : memref<100001x32xf32, #tpu.memory_space<hbm>> -> memref<100001x32xf32, #tpu.memory_space<hbm>>
      %dma_wait3A_1383 = tpu.memref_slice %arg7[%dma_wait3A_1374] : memref<8x!tpu.dma_semaphore, #tpu.memory_space<semaphore_mem>> -> memref<1x!tpu.dma_semaphore, #tpu.memory_space<semaphore_mem>>
      %dma_wait3A_1384 = tpu.memref_squeeze %dma_wait3A_1383 : memref<1x!tpu.dma_semaphore, #tpu.memory_space<semaphore_mem>> -> memref<!tpu.dma_semaphore, #tpu.memory_space<semaphore_mem>>
      tpu.wait_indirect_dma semaphore(%dma_wait3A_1384 : memref<!tpu.dma_semaphore, #tpu.memory_space<semaphore_mem>>) src(%dma_wait3A_1382 : memref<100001x32xf32, #tpu.memory_space<hbm>>) dst(%dma_wait3A_1378 : memref<128x32xf32, #tpu.memory_space<vmem>>)
      %mul3A_1385 = arith.constant 128 : i32
      %mul3A_1386 = arith.muli %add3A_1370, %mul3A_1385 : i32
      %add3A_1387 = arith.addi %mul3A_2, %mul3A_1386 : i32
      %dma_start3A_1388 = arith.constant 5 : i32
      %dma_start3A_1389 = arith.constant 5 : i32
      %dma_start3A_1390 = arith.constant 0 : i32
      %dma_start3A_1391 = arith.constant 0 : i32
      %dma_start3A_1392 = tpu.memref_slice %arg6[%dma_start3A_1388, %dma_start3A_1390, %dma_start3A_1391] : memref<8x128x32xf32, #tpu.memory_space<vmem>> -> memref<1x128x32xf32, #tpu.memory_space<vmem>>
      %dma_start3A_1393 = tpu.memref_squeeze %dma_start3A_1392 : memref<1x128x32xf32, #tpu.memory_space<vmem>> -> memref<128x32xf32, #tpu.memory_space<vmem>>
      %dma_start3A_1394 = arith.constant 0 : i32
      %dma_start3A_1395 = tpu.memref_slice %arg4[%add3A_1387, %dma_start3A_1394] : memref<819200x32xf32, #tpu.memory_space<hbm>> -> memref<128x32xf32, #tpu.memory_space<hbm>>
      %dma_start3A_1396 = tpu.memref_slice %arg8[%dma_start3A_1389] : memref<8x!tpu.dma_semaphore, #tpu.memory_space<semaphore_mem>> -> memref<1x!tpu.dma_semaphore, #tpu.memory_space<semaphore_mem>>
      %dma_start3A_1397 = tpu.memref_squeeze %dma_start3A_1396 : memref<1x!tpu.dma_semaphore, #tpu.memory_space<semaphore_mem>> -> memref<!tpu.dma_semaphore, #tpu.memory_space<semaphore_mem>>
      %dma_start3A_1398 = arith.constant 0 : i32
      %dma_start3A_1399 = tpu.memref_slice %arg4[%add3A_1387, %dma_start3A_1398] : memref<819200x32xf32, #tpu.memory_space<hbm>> -> memref<128x32xf32, #tpu.memory_space<hbm>>
      %dma_start3A_1400 = arith.constant 0 : i32
      %dma_start3A_1401 = arith.constant 0 : i32
      %dma_start3A_1402 = tpu.memref_slice %arg6[%dma_start3A_1388, %dma_start3A_1400, %dma_start3A_1401] : memref<8x128x32xf32, #tpu.memory_space<vmem>> -> memref<1x128x32xf32, #tpu.memory_space<vmem>>
      %dma_start3A_1403 = tpu.memref_squeeze %dma_start3A_1402 : memref<1x128x32xf32, #tpu.memory_space<vmem>> -> memref<128x32xf32, #tpu.memory_space<vmem>>
      tpu.enqueue_dma source(%dma_start3A_1403 : memref<128x32xf32, #tpu.memory_space<vmem>>) target(%dma_start3A_1399 : memref<128x32xf32, #tpu.memory_space<hbm>>) target_semaphore(%dma_start3A_1397 : memref<!tpu.dma_semaphore, #tpu.memory_space<semaphore_mem>>)
      %add3A_1404 = arith.constant 6 : i32
      %add3A_1405 = arith.addi %add3A_1370, %add3A_1404 : i32
      %sub3A_1406 = arith.constant 8 : i32
      %sub3A_1407 = arith.subi %add3A_1405, %sub3A_1406 : i32
      %mul3A_1408 = arith.constant 128 : i32
      %mul3A_1409 = arith.muli %sub3A_1407, %mul3A_1408 : i32
      %add3A_1410 = arith.addi %mul3A_2, %mul3A_1409 : i32
      %dma_wait3A_1411 = arith.constant 3 : i32
      %dma_wait3A_1412 = arith.constant 3 : i32
      %dma_wait3A_1413 = arith.constant 0 : i32
      %dma_wait3A_1414 = arith.constant 0 : i32
      %dma_wait3A_1415 = tpu.memref_slice %arg6[%dma_wait3A_1411, %dma_wait3A_1413, %dma_wait3A_1414] : memref<8x128x32xf32, #tpu.memory_space<vmem>> -> memref<1x128x32xf32, #tpu.memory_space<vmem>>
      %dma_wait3A_1416 = tpu.memref_squeeze %dma_wait3A_1415 : memref<1x128x32xf32, #tpu.memory_space<vmem>> -> memref<128x32xf32, #tpu.memory_space<vmem>>
      %dma_wait3A_1417 = arith.constant 0 : i32
      %dma_wait3A_1418 = tpu.memref_slice %arg4[%add3A_1410, %dma_wait3A_1417] : memref<819200x32xf32, #tpu.memory_space<hbm>> -> memref<128x32xf32, #tpu.memory_space<hbm>>
      %dma_wait3A_1419 = tpu.memref_slice %arg8[%dma_wait3A_1412] : memref<8x!tpu.dma_semaphore, #tpu.memory_space<semaphore_mem>> -> memref<1x!tpu.dma_semaphore, #tpu.memory_space<semaphore_mem>>
      %dma_wait3A_1420 = tpu.memref_squeeze %dma_wait3A_1419 : memref<1x!tpu.dma_semaphore, #tpu.memory_space<semaphore_mem>> -> memref<!tpu.dma_semaphore, #tpu.memory_space<semaphore_mem>>
      %dma_wait3A_1421 = arith.constant 0 : i32
      %dma_wait3A_1422 = tpu.memref_slice %arg4[%add3A_1410, %dma_wait3A_1421] : memref<819200x32xf32, #tpu.memory_space<hbm>> -> memref<128x32xf32, #tpu.memory_space<hbm>>
      %dma_wait3A_1423 = arith.constant 0 : i32
      %dma_wait3A_1424 = arith.constant 0 : i32
      %dma_wait3A_1425 = tpu.memref_slice %arg6[%dma_wait3A_1411, %dma_wait3A_1423, %dma_wait3A_1424] : memref<8x128x32xf32, #tpu.memory_space<vmem>> -> memref<1x128x32xf32, #tpu.memory_space<vmem>>
      %dma_wait3A_1426 = tpu.memref_squeeze %dma_wait3A_1425 : memref<1x128x32xf32, #tpu.memory_space<vmem>> -> memref<128x32xf32, #tpu.memory_space<vmem>>
      tpu.wait_dma2 semaphore(%dma_wait3A_1420 : memref<!tpu.dma_semaphore, #tpu.memory_space<semaphore_mem>>) src(%dma_wait3A_1426 : memref<128x32xf32, #tpu.memory_space<vmem>>) dst(%dma_wait3A_1422 : memref<128x32xf32, #tpu.memory_space<hbm>>)
      %mul3A_1427 = arith.constant 128 : i32
      %mul3A_1428 = arith.muli %add3A_1405, %mul3A_1427 : i32
      %dma_start3A_1429 = arith.constant 3 : i32
      %dma_start3A_1430 = arith.constant 3 : i32
      %dma_start3A_1431 = arith.constant 0 : i32
      %dma_start3A_1432 = arith.constant 0 : i32
      %dma_start3A_1433 = tpu.memref_slice %arg6[%dma_start3A_1429, %dma_start3A_1431, %dma_start3A_1432] : memref<8x128x32xf32, #tpu.memory_space<vmem>> -> memref<1x128x32xf32, #tpu.memory_space<vmem>>
      %dma_start3A_1434 = tpu.memref_squeeze %dma_start3A_1433 : memref<1x128x32xf32, #tpu.memory_space<vmem>> -> memref<128x32xf32, #tpu.memory_space<vmem>>
      %dma_start3A_1435 = tpu.memref_slice %arg5[%mul3A_1428] : memref<25600xi32, #tpu.memory_space<vmem>> -> memref<128xi32, #tpu.memory_space<vmem>>
      %dma_start3A_1436 = arith.constant 0 : i32
      %dma_start3A_1437 = arith.constant 0 : i32
      %dma_start3A_1438 = tpu.memref_slice %arg3[%dma_start3A_1436, %dma_start3A_1437] : memref<100001x32xf32, #tpu.memory_space<hbm>> -> memref<100001x32xf32, #tpu.memory_space<hbm>>
      %dma_start3A_1439 = tpu.memref_slice %arg7[%dma_start3A_1430] : memref<8x!tpu.dma_semaphore, #tpu.memory_space<semaphore_mem>> -> memref<1x!tpu.dma_semaphore, #tpu.memory_space<semaphore_mem>>
      %dma_start3A_1440 = tpu.memref_squeeze %dma_start3A_1439 : memref<1x!tpu.dma_semaphore, #tpu.memory_space<semaphore_mem>> -> memref<!tpu.dma_semaphore, #tpu.memory_space<semaphore_mem>>
      tpu.enqueue_indirect_dma source(%dma_start3A_1438 : memref<100001x32xf32, #tpu.memory_space<hbm>>) target(%dma_start3A_1434 : memref<128x32xf32, #tpu.memory_space<vmem>>) offsets(%dma_start3A_1435 : memref<128xi32, #tpu.memory_space<vmem>>) semaphore(%dma_start3A_1440 : memref<!tpu.dma_semaphore, #tpu.memory_space<semaphore_mem>>)
      %mul3A_1441 = arith.constant 8 : i32
      %mul3A_1442 = arith.muli %scan3A_997, %mul3A_1441 : i32
      %add3A_1443 = arith.constant 6 : i32
      %add3A_1444 = arith.addi %mul3A_1442, %add3A_1443 : i32
      %mul3A_1445 = arith.constant 128 : i32
      %mul3A_1446 = arith.muli %add3A_1444, %mul3A_1445 : i32
      %dma_wait3A_1447 = arith.constant 6 : i32
      %dma_wait3A_1448 = arith.constant 6 : i32
      %dma_wait3A_1449 = arith.constant 0 : i32
      %dma_wait3A_1450 = arith.constant 0 : i32
      %dma_wait3A_1451 = tpu.memref_slice %arg6[%dma_wait3A_1447, %dma_wait3A_1449, %dma_wait3A_1450] : memref<8x128x32xf32, #tpu.memory_space<vmem>> -> memref<1x128x32xf32, #tpu.memory_space<vmem>>
      %dma_wait3A_1452 = tpu.memref_squeeze %dma_wait3A_1451 : memref<1x128x32xf32, #tpu.memory_space<vmem>> -> memref<128x32xf32, #tpu.memory_space<vmem>>
      %dma_wait3A_1453 = tpu.memref_slice %arg5[%mul3A_1446] : memref<25600xi32, #tpu.memory_space<vmem>> -> memref<128xi32, #tpu.memory_space<vmem>>
      %dma_wait3A_1454 = arith.constant 0 : i32
      %dma_wait3A_1455 = arith.constant 0 : i32
      %dma_wait3A_1456 = tpu.memref_slice %arg3[%dma_wait3A_1454, %dma_wait3A_1455] : memref<100001x32xf32, #tpu.memory_space<hbm>> -> memref<100001x32xf32, #tpu.memory_space<hbm>>
      %dma_wait3A_1457 = tpu.memref_slice %arg7[%dma_wait3A_1448] : memref<8x!tpu.dma_semaphore, #tpu.memory_space<semaphore_mem>> -> memref<1x!tpu.dma_semaphore, #tpu.memory_space<semaphore_mem>>
      %dma_wait3A_1458 = tpu.memref_squeeze %dma_wait3A_1457 : memref<1x!tpu.dma_semaphore, #tpu.memory_space<semaphore_mem>> -> memref<!tpu.dma_semaphore, #tpu.memory_space<semaphore_mem>>
      tpu.wait_indirect_dma semaphore(%dma_wait3A_1458 : memref<!tpu.dma_semaphore, #tpu.memory_space<semaphore_mem>>) src(%dma_wait3A_1456 : memref<100001x32xf32, #tpu.memory_space<hbm>>) dst(%dma_wait3A_1452 : memref<128x32xf32, #tpu.memory_space<vmem>>)
      %mul3A_1459 = arith.constant 128 : i32
      %mul3A_1460 = arith.muli %add3A_1444, %mul3A_1459 : i32
      %add3A_1461 = arith.addi %mul3A_2, %mul3A_1460 : i32
      %dma_start3A_1462 = arith.constant 6 : i32
      %dma_start3A_1463 = arith.constant 6 : i32
      %dma_start3A_1464 = arith.constant 0 : i32
      %dma_start3A_1465 = arith.constant 0 : i32
      %dma_start3A_1466 = tpu.memref_slice %arg6[%dma_start3A_1462, %dma_start3A_1464, %dma_start3A_1465] : memref<8x128x32xf32, #tpu.memory_space<vmem>> -> memref<1x128x32xf32, #tpu.memory_space<vmem>>
      %dma_start3A_1467 = tpu.memref_squeeze %dma_start3A_1466 : memref<1x128x32xf32, #tpu.memory_space<vmem>> -> memref<128x32xf32, #tpu.memory_space<vmem>>
      %dma_start3A_1468 = arith.constant 0 : i32
      %dma_start3A_1469 = tpu.memref_slice %arg4[%add3A_1461, %dma_start3A_1468] : memref<819200x32xf32, #tpu.memory_space<hbm>> -> memref<128x32xf32, #tpu.memory_space<hbm>>
      %dma_start3A_1470 = tpu.memref_slice %arg8[%dma_start3A_1463] : memref<8x!tpu.dma_semaphore, #tpu.memory_space<semaphore_mem>> -> memref<1x!tpu.dma_semaphore, #tpu.memory_space<semaphore_mem>>
      %dma_start3A_1471 = tpu.memref_squeeze %dma_start3A_1470 : memref<1x!tpu.dma_semaphore, #tpu.memory_space<semaphore_mem>> -> memref<!tpu.dma_semaphore, #tpu.memory_space<semaphore_mem>>
      %dma_start3A_1472 = arith.constant 0 : i32
      %dma_start3A_1473 = tpu.memref_slice %arg4[%add3A_1461, %dma_start3A_1472] : memref<819200x32xf32, #tpu.memory_space<hbm>> -> memref<128x32xf32, #tpu.memory_space<hbm>>
      %dma_start3A_1474 = arith.constant 0 : i32
      %dma_start3A_1475 = arith.constant 0 : i32
      %dma_start3A_1476 = tpu.memref_slice %arg6[%dma_start3A_1462, %dma_start3A_1474, %dma_start3A_1475] : memref<8x128x32xf32, #tpu.memory_space<vmem>> -> memref<1x128x32xf32, #tpu.memory_space<vmem>>
      %dma_start3A_1477 = tpu.memref_squeeze %dma_start3A_1476 : memref<1x128x32xf32, #tpu.memory_space<vmem>> -> memref<128x32xf32, #tpu.memory_space<vmem>>
      tpu.enqueue_dma source(%dma_start3A_1477 : memref<128x32xf32, #tpu.memory_space<vmem>>) target(%dma_start3A_1473 : memref<128x32xf32, #tpu.memory_space<hbm>>) target_semaphore(%dma_start3A_1471 : memref<!tpu.dma_semaphore, #tpu.memory_space<semaphore_mem>>)
      %add3A_1478 = arith.constant 6 : i32
      %add3A_1479 = arith.addi %add3A_1444, %add3A_1478 : i32
      %sub3A_1480 = arith.constant 8 : i32
      %sub3A_1481 = arith.subi %add3A_1479, %sub3A_1480 : i32
      %mul3A_1482 = arith.constant 128 : i32
      %mul3A_1483 = arith.muli %sub3A_1481, %mul3A_1482 : i32
      %add3A_1484 = arith.addi %mul3A_2, %mul3A_1483 : i32
      %dma_wait3A_1485 = arith.constant 4 : i32
      %dma_wait3A_1486 = arith.constant 4 : i32
      %dma_wait3A_1487 = arith.constant 0 : i32
      %dma_wait3A_1488 = arith.constant 0 : i32
      %dma_wait3A_1489 = tpu.memref_slice %arg6[%dma_wait3A_1485, %dma_wait3A_1487, %dma_wait3A_1488] : memref<8x128x32xf32, #tpu.memory_space<vmem>> -> memref<1x128x32xf32, #tpu.memory_space<vmem>>
      %dma_wait3A_1490 = tpu.memref_squeeze %dma_wait3A_1489 : memref<1x128x32xf32, #tpu.memory_space<vmem>> -> memref<128x32xf32, #tpu.memory_space<vmem>>
      %dma_wait3A_1491 = arith.constant 0 : i32
      %dma_wait3A_1492 = tpu.memref_slice %arg4[%add3A_1484, %dma_wait3A_1491] : memref<819200x32xf32, #tpu.memory_space<hbm>> -> memref<128x32xf32, #tpu.memory_space<hbm>>
      %dma_wait3A_1493 = tpu.memref_slice %arg8[%dma_wait3A_1486] : memref<8x!tpu.dma_semaphore, #tpu.memory_space<semaphore_mem>> -> memref<1x!tpu.dma_semaphore, #tpu.memory_space<semaphore_mem>>
      %dma_wait3A_1494 = tpu.memref_squeeze %dma_wait3A_1493 : memref<1x!tpu.dma_semaphore, #tpu.memory_space<semaphore_mem>> -> memref<!tpu.dma_semaphore, #tpu.memory_space<semaphore_mem>>
      %dma_wait3A_1495 = arith.constant 0 : i32
      %dma_wait3A_1496 = tpu.memref_slice %arg4[%add3A_1484, %dma_wait3A_1495] : memref<819200x32xf32, #tpu.memory_space<hbm>> -> memref<128x32xf32, #tpu.memory_space<hbm>>
      %dma_wait3A_1497 = arith.constant 0 : i32
      %dma_wait3A_1498 = arith.constant 0 : i32
      %dma_wait3A_1499 = tpu.memref_slice %arg6[%dma_wait3A_1485, %dma_wait3A_1497, %dma_wait3A_1498] : memref<8x128x32xf32, #tpu.memory_space<vmem>> -> memref<1x128x32xf32, #tpu.memory_space<vmem>>
      %dma_wait3A_1500 = tpu.memref_squeeze %dma_wait3A_1499 : memref<1x128x32xf32, #tpu.memory_space<vmem>> -> memref<128x32xf32, #tpu.memory_space<vmem>>
      tpu.wait_dma2 semaphore(%dma_wait3A_1494 : memref<!tpu.dma_semaphore, #tpu.memory_space<semaphore_mem>>) src(%dma_wait3A_1500 : memref<128x32xf32, #tpu.memory_space<vmem>>) dst(%dma_wait3A_1496 : memref<128x32xf32, #tpu.memory_space<hbm>>)
      %mul3A_1501 = arith.constant 128 : i32
      %mul3A_1502 = arith.muli %add3A_1479, %mul3A_1501 : i32
      %dma_start3A_1503 = arith.constant 4 : i32
      %dma_start3A_1504 = arith.constant 4 : i32
      %dma_start3A_1505 = arith.constant 0 : i32
      %dma_start3A_1506 = arith.constant 0 : i32
      %dma_start3A_1507 = tpu.memref_slice %arg6[%dma_start3A_1503, %dma_start3A_1505, %dma_start3A_1506] : memref<8x128x32xf32, #tpu.memory_space<vmem>> -> memref<1x128x32xf32, #tpu.memory_space<vmem>>
      %dma_start3A_1508 = tpu.memref_squeeze %dma_start3A_1507 : memref<1x128x32xf32, #tpu.memory_space<vmem>> -> memref<128x32xf32, #tpu.memory_space<vmem>>
      %dma_start3A_1509 = tpu.memref_slice %arg5[%mul3A_1502] : memref<25600xi32, #tpu.memory_space<vmem>> -> memref<128xi32, #tpu.memory_space<vmem>>
      %dma_start3A_1510 = arith.constant 0 : i32
      %dma_start3A_1511 = arith.constant 0 : i32
      %dma_start3A_1512 = tpu.memref_slice %arg3[%dma_start3A_1510, %dma_start3A_1511] : memref<100001x32xf32, #tpu.memory_space<hbm>> -> memref<100001x32xf32, #tpu.memory_space<hbm>>
      %dma_start3A_1513 = tpu.memref_slice %arg7[%dma_start3A_1504] : memref<8x!tpu.dma_semaphore, #tpu.memory_space<semaphore_mem>> -> memref<1x!tpu.dma_semaphore, #tpu.memory_space<semaphore_mem>>
      %dma_start3A_1514 = tpu.memref_squeeze %dma_start3A_1513 : memref<1x!tpu.dma_semaphore, #tpu.memory_space<semaphore_mem>> -> memref<!tpu.dma_semaphore, #tpu.memory_space<semaphore_mem>>
      tpu.enqueue_indirect_dma source(%dma_start3A_1512 : memref<100001x32xf32, #tpu.memory_space<hbm>>) target(%dma_start3A_1508 : memref<128x32xf32, #tpu.memory_space<vmem>>) offsets(%dma_start3A_1509 : memref<128xi32, #tpu.memory_space<vmem>>) semaphore(%dma_start3A_1514 : memref<!tpu.dma_semaphore, #tpu.memory_space<semaphore_mem>>)
      %mul3A_1515 = arith.constant 8 : i32
      %mul3A_1516 = arith.muli %scan3A_997, %mul3A_1515 : i32
      %add3A_1517 = arith.constant 7 : i32
      %add3A_1518 = arith.addi %mul3A_1516, %add3A_1517 : i32
      %mul3A_1519 = arith.constant 128 : i32
      %mul3A_1520 = arith.muli %add3A_1518, %mul3A_1519 : i32
      %dma_wait3A_1521 = arith.constant 7 : i32
      %dma_wait3A_1522 = arith.constant 7 : i32
      %dma_wait3A_1523 = arith.constant 0 : i32
      %dma_wait3A_1524 = arith.constant 0 : i32
      %dma_wait3A_1525 = tpu.memref_slice %arg6[%dma_wait3A_1521, %dma_wait3A_1523, %dma_wait3A_1524] : memref<8x128x32xf32, #tpu.memory_space<vmem>> -> memref<1x128x32xf32, #tpu.memory_space<vmem>>
      %dma_wait3A_1526 = tpu.memref_squeeze %dma_wait3A_1525 : memref<1x128x32xf32, #tpu.memory_space<vmem>> -> memref<128x32xf32, #tpu.memory_space<vmem>>
      %dma_wait3A_1527 = tpu.memref_slice %arg5[%mul3A_1520] : memref<25600xi32, #tpu.memory_space<vmem>> -> memref<128xi32, #tpu.memory_space<vmem>>
      %dma_wait3A_1528 = arith.constant 0 : i32
      %dma_wait3A_1529 = arith.constant 0 : i32
      %dma_wait3A_1530 = tpu.memref_slice %arg3[%dma_wait3A_1528, %dma_wait3A_1529] : memref<100001x32xf32, #tpu.memory_space<hbm>> -> memref<100001x32xf32, #tpu.memory_space<hbm>>
      %dma_wait3A_1531 = tpu.memref_slice %arg7[%dma_wait3A_1522] : memref<8x!tpu.dma_semaphore, #tpu.memory_space<semaphore_mem>> -> memref<1x!tpu.dma_semaphore, #tpu.memory_space<semaphore_mem>>
      %dma_wait3A_1532 = tpu.memref_squeeze %dma_wait3A_1531 : memref<1x!tpu.dma_semaphore, #tpu.memory_space<semaphore_mem>> -> memref<!tpu.dma_semaphore, #tpu.memory_space<semaphore_mem>>
      tpu.wait_indirect_dma semaphore(%dma_wait3A_1532 : memref<!tpu.dma_semaphore, #tpu.memory_space<semaphore_mem>>) src(%dma_wait3A_1530 : memref<100001x32xf32, #tpu.memory_space<hbm>>) dst(%dma_wait3A_1526 : memref<128x32xf32, #tpu.memory_space<vmem>>)
      %mul3A_1533 = arith.constant 128 : i32
      %mul3A_1534 = arith.muli %add3A_1518, %mul3A_1533 : i32
      %add3A_1535 = arith.addi %mul3A_2, %mul3A_1534 : i32
      %dma_start3A_1536 = arith.constant 7 : i32
      %dma_start3A_1537 = arith.constant 7 : i32
      %dma_start3A_1538 = arith.constant 0 : i32
      %dma_start3A_1539 = arith.constant 0 : i32
      %dma_start3A_1540 = tpu.memref_slice %arg6[%dma_start3A_1536, %dma_start3A_1538, %dma_start3A_1539] : memref<8x128x32xf32, #tpu.memory_space<vmem>> -> memref<1x128x32xf32, #tpu.memory_space<vmem>>
      %dma_start3A_1541 = tpu.memref_squeeze %dma_start3A_1540 : memref<1x128x32xf32, #tpu.memory_space<vmem>> -> memref<128x32xf32, #tpu.memory_space<vmem>>
      %dma_start3A_1542 = arith.constant 0 : i32
      %dma_start3A_1543 = tpu.memref_slice %arg4[%add3A_1535, %dma_start3A_1542] : memref<819200x32xf32, #tpu.memory_space<hbm>> -> memref<128x32xf32, #tpu.memory_space<hbm>>
      %dma_start3A_1544 = tpu.memref_slice %arg8[%dma_start3A_1537] : memref<8x!tpu.dma_semaphore, #tpu.memory_space<semaphore_mem>> -> memref<1x!tpu.dma_semaphore, #tpu.memory_space<semaphore_mem>>
      %dma_start3A_1545 = tpu.memref_squeeze %dma_start3A_1544 : memref<1x!tpu.dma_semaphore, #tpu.memory_space<semaphore_mem>> -> memref<!tpu.dma_semaphore, #tpu.memory_space<semaphore_mem>>
      %dma_start3A_1546 = arith.constant 0 : i32
      %dma_start3A_1547 = tpu.memref_slice %arg4[%add3A_1535, %dma_start3A_1546] : memref<819200x32xf32, #tpu.memory_space<hbm>> -> memref<128x32xf32, #tpu.memory_space<hbm>>
      %dma_start3A_1548 = arith.constant 0 : i32
      %dma_start3A_1549 = arith.constant 0 : i32
      %dma_start3A_1550 = tpu.memref_slice %arg6[%dma_start3A_1536, %dma_start3A_1548, %dma_start3A_1549] : memref<8x128x32xf32, #tpu.memory_space<vmem>> -> memref<1x128x32xf32, #tpu.memory_space<vmem>>
      %dma_start3A_1551 = tpu.memref_squeeze %dma_start3A_1550 : memref<1x128x32xf32, #tpu.memory_space<vmem>> -> memref<128x32xf32, #tpu.memory_space<vmem>>
      tpu.enqueue_dma source(%dma_start3A_1551 : memref<128x32xf32, #tpu.memory_space<vmem>>) target(%dma_start3A_1547 : memref<128x32xf32, #tpu.memory_space<hbm>>) target_semaphore(%dma_start3A_1545 : memref<!tpu.dma_semaphore, #tpu.memory_space<semaphore_mem>>)
      %add3A_1552 = arith.constant 6 : i32
      %add3A_1553 = arith.addi %add3A_1518, %add3A_1552 : i32
      %sub3A_1554 = arith.constant 8 : i32
      %sub3A_1555 = arith.subi %add3A_1553, %sub3A_1554 : i32
      %mul3A_1556 = arith.constant 128 : i32
      %mul3A_1557 = arith.muli %sub3A_1555, %mul3A_1556 : i32
      %add3A_1558 = arith.addi %mul3A_2, %mul3A_1557 : i32
      %dma_wait3A_1559 = arith.constant 5 : i32
      %dma_wait3A_1560 = arith.constant 5 : i32
      %dma_wait3A_1561 = arith.constant 0 : i32
      %dma_wait3A_1562 = arith.constant 0 : i32
      %dma_wait3A_1563 = tpu.memref_slice %arg6[%dma_wait3A_1559, %dma_wait3A_1561, %dma_wait3A_1562] : memref<8x128x32xf32, #tpu.memory_space<vmem>> -> memref<1x128x32xf32, #tpu.memory_space<vmem>>
      %dma_wait3A_1564 = tpu.memref_squeeze %dma_wait3A_1563 : memref<1x128x32xf32, #tpu.memory_space<vmem>> -> memref<128x32xf32, #tpu.memory_space<vmem>>
      %dma_wait3A_1565 = arith.constant 0 : i32
      %dma_wait3A_1566 = tpu.memref_slice %arg4[%add3A_1558, %dma_wait3A_1565] : memref<819200x32xf32, #tpu.memory_space<hbm>> -> memref<128x32xf32, #tpu.memory_space<hbm>>
      %dma_wait3A_1567 = tpu.memref_slice %arg8[%dma_wait3A_1560] : memref<8x!tpu.dma_semaphore, #tpu.memory_space<semaphore_mem>> -> memref<1x!tpu.dma_semaphore, #tpu.memory_space<semaphore_mem>>
      %dma_wait3A_1568 = tpu.memref_squeeze %dma_wait3A_1567 : memref<1x!tpu.dma_semaphore, #tpu.memory_space<semaphore_mem>> -> memref<!tpu.dma_semaphore, #tpu.memory_space<semaphore_mem>>
      %dma_wait3A_1569 = arith.constant 0 : i32
      %dma_wait3A_1570 = tpu.memref_slice %arg4[%add3A_1558, %dma_wait3A_1569] : memref<819200x32xf32, #tpu.memory_space<hbm>> -> memref<128x32xf32, #tpu.memory_space<hbm>>
      %dma_wait3A_1571 = arith.constant 0 : i32
      %dma_wait3A_1572 = arith.constant 0 : i32
      %dma_wait3A_1573 = tpu.memref_slice %arg6[%dma_wait3A_1559, %dma_wait3A_1571, %dma_wait3A_1572] : memref<8x128x32xf32, #tpu.memory_space<vmem>> -> memref<1x128x32xf32, #tpu.memory_space<vmem>>
      %dma_wait3A_1574 = tpu.memref_squeeze %dma_wait3A_1573 : memref<1x128x32xf32, #tpu.memory_space<vmem>> -> memref<128x32xf32, #tpu.memory_space<vmem>>
      tpu.wait_dma2 semaphore(%dma_wait3A_1568 : memref<!tpu.dma_semaphore, #tpu.memory_space<semaphore_mem>>) src(%dma_wait3A_1574 : memref<128x32xf32, #tpu.memory_space<vmem>>) dst(%dma_wait3A_1570 : memref<128x32xf32, #tpu.memory_space<hbm>>)
      %mul3A_1575 = arith.constant 128 : i32
      %mul3A_1576 = arith.muli %add3A_1553, %mul3A_1575 : i32
      %dma_start3A_1577 = arith.constant 5 : i32
      %dma_start3A_1578 = arith.constant 5 : i32
      %dma_start3A_1579 = arith.constant 0 : i32
      %dma_start3A_1580 = arith.constant 0 : i32
      %dma_start3A_1581 = tpu.memref_slice %arg6[%dma_start3A_1577, %dma_start3A_1579, %dma_start3A_1580] : memref<8x128x32xf32, #tpu.memory_space<vmem>> -> memref<1x128x32xf32, #tpu.memory_space<vmem>>
      %dma_start3A_1582 = tpu.memref_squeeze %dma_start3A_1581 : memref<1x128x32xf32, #tpu.memory_space<vmem>> -> memref<128x32xf32, #tpu.memory_space<vmem>>
      %dma_start3A_1583 = tpu.memref_slice %arg5[%mul3A_1576] : memref<25600xi32, #tpu.memory_space<vmem>> -> memref<128xi32, #tpu.memory_space<vmem>>
      %dma_start3A_1584 = arith.constant 0 : i32
      %dma_start3A_1585 = arith.constant 0 : i32
      %dma_start3A_1586 = tpu.memref_slice %arg3[%dma_start3A_1584, %dma_start3A_1585] : memref<100001x32xf32, #tpu.memory_space<hbm>> -> memref<100001x32xf32, #tpu.memory_space<hbm>>
      %dma_start3A_1587 = tpu.memref_slice %arg7[%dma_start3A_1578] : memref<8x!tpu.dma_semaphore, #tpu.memory_space<semaphore_mem>> -> memref<1x!tpu.dma_semaphore, #tpu.memory_space<semaphore_mem>>
      %dma_start3A_1588 = tpu.memref_squeeze %dma_start3A_1587 : memref<1x!tpu.dma_semaphore, #tpu.memory_space<semaphore_mem>> -> memref<!tpu.dma_semaphore, #tpu.memory_space<semaphore_mem>>
      tpu.enqueue_indirect_dma source(%dma_start3A_1586 : memref<100001x32xf32, #tpu.memory_space<hbm>>) target(%dma_start3A_1582 : memref<128x32xf32, #tpu.memory_space<vmem>>) offsets(%dma_start3A_1583 : memref<128xi32, #tpu.memory_space<vmem>>) semaphore(%dma_start3A_1588 : memref<!tpu.dma_semaphore, #tpu.memory_space<semaphore_mem>>)
    }
    %scan3A_542 = arith.constant 23 : i32
    %dma_wait3A_543 = arith.constant 0 : i32
    %dma_wait3A_544 = arith.constant 0 : i32
    %dma_wait3A_545 = arith.constant 0 : i32
    %dma_wait3A_546 = arith.constant 0 : i32
    %dma_wait3A_547 = tpu.memref_slice %arg6[%dma_wait3A_543, %dma_wait3A_545, %dma_wait3A_546] : memref<8x128x32xf32, #tpu.memory_space<vmem>> -> memref<1x128x32xf32, #tpu.memory_space<vmem>>
    %dma_wait3A_548 = tpu.memref_squeeze %dma_wait3A_547 : memref<1x128x32xf32, #tpu.memory_space<vmem>> -> memref<128x32xf32, #tpu.memory_space<vmem>>
    %dma_wait3A_549 = arith.constant 24576 : i32
    %dma_wait3A_550 = tpu.memref_slice %arg5[%dma_wait3A_549] : memref<25600xi32, #tpu.memory_space<vmem>> -> memref<128xi32, #tpu.memory_space<vmem>>
    %dma_wait3A_551 = arith.constant 0 : i32
    %dma_wait3A_552 = arith.constant 0 : i32
    %dma_wait3A_553 = tpu.memref_slice %arg3[%dma_wait3A_551, %dma_wait3A_552] : memref<100001x32xf32, #tpu.memory_space<hbm>> -> memref<100001x32xf32, #tpu.memory_space<hbm>>
    %dma_wait3A_554 = tpu.memref_slice %arg7[%dma_wait3A_544] : memref<8x!tpu.dma_semaphore, #tpu.memory_space<semaphore_mem>> -> memref<1x!tpu.dma_semaphore, #tpu.memory_space<semaphore_mem>>
    %dma_wait3A_555 = tpu.memref_squeeze %dma_wait3A_554 : memref<1x!tpu.dma_semaphore, #tpu.memory_space<semaphore_mem>> -> memref<!tpu.dma_semaphore, #tpu.memory_space<semaphore_mem>>
    tpu.wait_indirect_dma semaphore(%dma_wait3A_555 : memref<!tpu.dma_semaphore, #tpu.memory_space<semaphore_mem>>) src(%dma_wait3A_553 : memref<100001x32xf32, #tpu.memory_space<hbm>>) dst(%dma_wait3A_548 : memref<128x32xf32, #tpu.memory_space<vmem>>)
    %add3A_556 = arith.constant 24576 : i32
    %add3A_557 = arith.addi %mul3A_2, %add3A_556 : i32
    %dma_start3A_558 = arith.constant 0 : i32
    %dma_start3A_559 = arith.constant 0 : i32
    %dma_start3A_560 = arith.constant 0 : i32
    %dma_start3A_561 = arith.constant 0 : i32
    %dma_start3A_562 = tpu.memref_slice %arg6[%dma_start3A_558, %dma_start3A_560, %dma_start3A_561] : memref<8x128x32xf32, #tpu.memory_space<vmem>> -> memref<1x128x32xf32, #tpu.memory_space<vmem>>
    %dma_start3A_563 = tpu.memref_squeeze %dma_start3A_562 : memref<1x128x32xf32, #tpu.memory_space<vmem>> -> memref<128x32xf32, #tpu.memory_space<vmem>>
    %dma_start3A_564 = arith.constant 0 : i32
    %dma_start3A_565 = tpu.memref_slice %arg4[%add3A_557, %dma_start3A_564] : memref<819200x32xf32, #tpu.memory_space<hbm>> -> memref<128x32xf32, #tpu.memory_space<hbm>>
    %dma_start3A_566 = tpu.memref_slice %arg8[%dma_start3A_559] : memref<8x!tpu.dma_semaphore, #tpu.memory_space<semaphore_mem>> -> memref<1x!tpu.dma_semaphore, #tpu.memory_space<semaphore_mem>>
    %dma_start3A_567 = tpu.memref_squeeze %dma_start3A_566 : memref<1x!tpu.dma_semaphore, #tpu.memory_space<semaphore_mem>> -> memref<!tpu.dma_semaphore, #tpu.memory_space<semaphore_mem>>
    %dma_start3A_568 = arith.constant 0 : i32
    %dma_start3A_569 = tpu.memref_slice %arg4[%add3A_557, %dma_start3A_568] : memref<819200x32xf32, #tpu.memory_space<hbm>> -> memref<128x32xf32, #tpu.memory_space<hbm>>
    %dma_start3A_570 = arith.constant 0 : i32
    %dma_start3A_571 = arith.constant 0 : i32
    %dma_start3A_572 = tpu.memref_slice %arg6[%dma_start3A_558, %dma_start3A_570, %dma_start3A_571] : memref<8x128x32xf32, #tpu.memory_space<vmem>> -> memref<1x128x32xf32, #tpu.memory_space<vmem>>
    %dma_start3A_573 = tpu.memref_squeeze %dma_start3A_572 : memref<1x128x32xf32, #tpu.memory_space<vmem>> -> memref<128x32xf32, #tpu.memory_space<vmem>>
    tpu.enqueue_dma source(%dma_start3A_573 : memref<128x32xf32, #tpu.memory_space<vmem>>) target(%dma_start3A_569 : memref<128x32xf32, #tpu.memory_space<hbm>>) target_semaphore(%dma_start3A_567 : memref<!tpu.dma_semaphore, #tpu.memory_space<semaphore_mem>>)
    %add3A_574 = arith.constant 24320 : i32
    %add3A_575 = arith.addi %mul3A_2, %add3A_574 : i32
    %dma_wait3A_576 = arith.constant 6 : i32
    %dma_wait3A_577 = arith.constant 6 : i32
    %dma_wait3A_578 = arith.constant 0 : i32
    %dma_wait3A_579 = arith.constant 0 : i32
    %dma_wait3A_580 = tpu.memref_slice %arg6[%dma_wait3A_576, %dma_wait3A_578, %dma_wait3A_579] : memref<8x128x32xf32, #tpu.memory_space<vmem>> -> memref<1x128x32xf32, #tpu.memory_space<vmem>>
    %dma_wait3A_581 = tpu.memref_squeeze %dma_wait3A_580 : memref<1x128x32xf32, #tpu.memory_space<vmem>> -> memref<128x32xf32, #tpu.memory_space<vmem>>
    %dma_wait3A_582 = arith.constant 0 : i32
    %dma_wait3A_583 = tpu.memref_slice %arg4[%add3A_575, %dma_wait3A_582] : memref<819200x32xf32, #tpu.memory_space<hbm>> -> memref<128x32xf32, #tpu.memory_space<hbm>>
    %dma_wait3A_584 = tpu.memref_slice %arg8[%dma_wait3A_577] : memref<8x!tpu.dma_semaphore, #tpu.memory_space<semaphore_mem>> -> memref<1x!tpu.dma_semaphore, #tpu.memory_space<semaphore_mem>>
    %dma_wait3A_585 = tpu.memref_squeeze %dma_wait3A_584 : memref<1x!tpu.dma_semaphore, #tpu.memory_space<semaphore_mem>> -> memref<!tpu.dma_semaphore, #tpu.memory_space<semaphore_mem>>
    %dma_wait3A_586 = arith.constant 0 : i32
    %dma_wait3A_587 = tpu.memref_slice %arg4[%add3A_575, %dma_wait3A_586] : memref<819200x32xf32, #tpu.memory_space<hbm>> -> memref<128x32xf32, #tpu.memory_space<hbm>>
    %dma_wait3A_588 = arith.constant 0 : i32
    %dma_wait3A_589 = arith.constant 0 : i32
    %dma_wait3A_590 = tpu.memref_slice %arg6[%dma_wait3A_576, %dma_wait3A_588, %dma_wait3A_589] : memref<8x128x32xf32, #tpu.memory_space<vmem>> -> memref<1x128x32xf32, #tpu.memory_space<vmem>>
    %dma_wait3A_591 = tpu.memref_squeeze %dma_wait3A_590 : memref<1x128x32xf32, #tpu.memory_space<vmem>> -> memref<128x32xf32, #tpu.memory_space<vmem>>
    tpu.wait_dma2 semaphore(%dma_wait3A_585 : memref<!tpu.dma_semaphore, #tpu.memory_space<semaphore_mem>>) src(%dma_wait3A_591 : memref<128x32xf32, #tpu.memory_space<vmem>>) dst(%dma_wait3A_587 : memref<128x32xf32, #tpu.memory_space<hbm>>)
    %dma_start3A_592 = arith.constant 6 : i32
    %dma_start3A_593 = arith.constant 6 : i32
    %dma_start3A_594 = arith.constant 0 : i32
    %dma_start3A_595 = arith.constant 0 : i32
    %dma_start3A_596 = tpu.memref_slice %arg6[%dma_start3A_592, %dma_start3A_594, %dma_start3A_595] : memref<8x128x32xf32, #tpu.memory_space<vmem>> -> memref<1x128x32xf32, #tpu.memory_space<vmem>>
    %dma_start3A_597 = tpu.memref_squeeze %dma_start3A_596 : memref<1x128x32xf32, #tpu.memory_space<vmem>> -> memref<128x32xf32, #tpu.memory_space<vmem>>
    %dma_start3A_598 = arith.constant 25344 : i32
    %dma_start3A_599 = tpu.memref_slice %arg5[%dma_start3A_598] : memref<25600xi32, #tpu.memory_space<vmem>> -> memref<128xi32, #tpu.memory_space<vmem>>
    %dma_start3A_600 = arith.constant 0 : i32
    %dma_start3A_601 = arith.constant 0 : i32
    %dma_start3A_602 = tpu.memref_slice %arg3[%dma_start3A_600, %dma_start3A_601] : memref<100001x32xf32, #tpu.memory_space<hbm>> -> memref<100001x32xf32, #tpu.memory_space<hbm>>
    %dma_start3A_603 = tpu.memref_slice %arg7[%dma_start3A_593] : memref<8x!tpu.dma_semaphore, #tpu.memory_space<semaphore_mem>> -> memref<1x!tpu.dma_semaphore, #tpu.memory_space<semaphore_mem>>
    %dma_start3A_604 = tpu.memref_squeeze %dma_start3A_603 : memref<1x!tpu.dma_semaphore, #tpu.memory_space<semaphore_mem>> -> memref<!tpu.dma_semaphore, #tpu.memory_space<semaphore_mem>>
    tpu.enqueue_indirect_dma source(%dma_start3A_602 : memref<100001x32xf32, #tpu.memory_space<hbm>>) target(%dma_start3A_597 : memref<128x32xf32, #tpu.memory_space<vmem>>) offsets(%dma_start3A_599 : memref<128xi32, #tpu.memory_space<vmem>>) semaphore(%dma_start3A_604 : memref<!tpu.dma_semaphore, #tpu.memory_space<semaphore_mem>>)
    %dma_wait3A_605 = arith.constant 1 : i32
    %dma_wait3A_606 = arith.constant 1 : i32
    %dma_wait3A_607 = arith.constant 0 : i32
    %dma_wait3A_608 = arith.constant 0 : i32
    %dma_wait3A_609 = tpu.memref_slice %arg6[%dma_wait3A_605, %dma_wait3A_607, %dma_wait3A_608] : memref<8x128x32xf32, #tpu.memory_space<vmem>> -> memref<1x128x32xf32, #tpu.memory_space<vmem>>
    %dma_wait3A_610 = tpu.memref_squeeze %dma_wait3A_609 : memref<1x128x32xf32, #tpu.memory_space<vmem>> -> memref<128x32xf32, #tpu.memory_space<vmem>>
    %dma_wait3A_611 = arith.constant 24704 : i32
    %dma_wait3A_612 = tpu.memref_slice %arg5[%dma_wait3A_611] : memref<25600xi32, #tpu.memory_space<vmem>> -> memref<128xi32, #tpu.memory_space<vmem>>
    %dma_wait3A_613 = arith.constant 0 : i32
    %dma_wait3A_614 = arith.constant 0 : i32
    %dma_wait3A_615 = tpu.memref_slice %arg3[%dma_wait3A_613, %dma_wait3A_614] : memref<100001x32xf32, #tpu.memory_space<hbm>> -> memref<100001x32xf32, #tpu.memory_space<hbm>>
    %dma_wait3A_616 = tpu.memref_slice %arg7[%dma_wait3A_606] : memref<8x!tpu.dma_semaphore, #tpu.memory_space<semaphore_mem>> -> memref<1x!tpu.dma_semaphore, #tpu.memory_space<semaphore_mem>>
    %dma_wait3A_617 = tpu.memref_squeeze %dma_wait3A_616 : memref<1x!tpu.dma_semaphore, #tpu.memory_space<semaphore_mem>> -> memref<!tpu.dma_semaphore, #tpu.memory_space<semaphore_mem>>
    tpu.wait_indirect_dma semaphore(%dma_wait3A_617 : memref<!tpu.dma_semaphore, #tpu.memory_space<semaphore_mem>>) src(%dma_wait3A_615 : memref<100001x32xf32, #tpu.memory_space<hbm>>) dst(%dma_wait3A_610 : memref<128x32xf32, #tpu.memory_space<vmem>>)
    %add3A_618 = arith.constant 24704 : i32
    %add3A_619 = arith.addi %mul3A_2, %add3A_618 : i32
    %dma_start3A_620 = arith.constant 1 : i32
    %dma_start3A_621 = arith.constant 1 : i32
    %dma_start3A_622 = arith.constant 0 : i32
    %dma_start3A_623 = arith.constant 0 : i32
    %dma_start3A_624 = tpu.memref_slice %arg6[%dma_start3A_620, %dma_start3A_622, %dma_start3A_623] : memref<8x128x32xf32, #tpu.memory_space<vmem>> -> memref<1x128x32xf32, #tpu.memory_space<vmem>>
    %dma_start3A_625 = tpu.memref_squeeze %dma_start3A_624 : memref<1x128x32xf32, #tpu.memory_space<vmem>> -> memref<128x32xf32, #tpu.memory_space<vmem>>
    %dma_start3A_626 = arith.constant 0 : i32
    %dma_start3A_627 = tpu.memref_slice %arg4[%add3A_619, %dma_start3A_626] : memref<819200x32xf32, #tpu.memory_space<hbm>> -> memref<128x32xf32, #tpu.memory_space<hbm>>
    %dma_start3A_628 = tpu.memref_slice %arg8[%dma_start3A_621] : memref<8x!tpu.dma_semaphore, #tpu.memory_space<semaphore_mem>> -> memref<1x!tpu.dma_semaphore, #tpu.memory_space<semaphore_mem>>
    %dma_start3A_629 = tpu.memref_squeeze %dma_start3A_628 : memref<1x!tpu.dma_semaphore, #tpu.memory_space<semaphore_mem>> -> memref<!tpu.dma_semaphore, #tpu.memory_space<semaphore_mem>>
    %dma_start3A_630 = arith.constant 0 : i32
    %dma_start3A_631 = tpu.memref_slice %arg4[%add3A_619, %dma_start3A_630] : memref<819200x32xf32, #tpu.memory_space<hbm>> -> memref<128x32xf32, #tpu.memory_space<hbm>>
    %dma_start3A_632 = arith.constant 0 : i32
    %dma_start3A_633 = arith.constant 0 : i32
    %dma_start3A_634 = tpu.memref_slice %arg6[%dma_start3A_620, %dma_start3A_632, %dma_start3A_633] : memref<8x128x32xf32, #tpu.memory_space<vmem>> -> memref<1x128x32xf32, #tpu.memory_space<vmem>>
    %dma_start3A_635 = tpu.memref_squeeze %dma_start3A_634 : memref<1x128x32xf32, #tpu.memory_space<vmem>> -> memref<128x32xf32, #tpu.memory_space<vmem>>
    tpu.enqueue_dma source(%dma_start3A_635 : memref<128x32xf32, #tpu.memory_space<vmem>>) target(%dma_start3A_631 : memref<128x32xf32, #tpu.memory_space<hbm>>) target_semaphore(%dma_start3A_629 : memref<!tpu.dma_semaphore, #tpu.memory_space<semaphore_mem>>)
    %add3A_636 = arith.constant 24448 : i32
    %add3A_637 = arith.addi %mul3A_2, %add3A_636 : i32
    %dma_wait3A_638 = arith.constant 7 : i32
    %dma_wait3A_639 = arith.constant 7 : i32
    %dma_wait3A_640 = arith.constant 0 : i32
    %dma_wait3A_641 = arith.constant 0 : i32
    %dma_wait3A_642 = tpu.memref_slice %arg6[%dma_wait3A_638, %dma_wait3A_640, %dma_wait3A_641] : memref<8x128x32xf32, #tpu.memory_space<vmem>> -> memref<1x128x32xf32, #tpu.memory_space<vmem>>
    %dma_wait3A_643 = tpu.memref_squeeze %dma_wait3A_642 : memref<1x128x32xf32, #tpu.memory_space<vmem>> -> memref<128x32xf32, #tpu.memory_space<vmem>>
    %dma_wait3A_644 = arith.constant 0 : i32
    %dma_wait3A_645 = tpu.memref_slice %arg4[%add3A_637, %dma_wait3A_644] : memref<819200x32xf32, #tpu.memory_space<hbm>> -> memref<128x32xf32, #tpu.memory_space<hbm>>
    %dma_wait3A_646 = tpu.memref_slice %arg8[%dma_wait3A_639] : memref<8x!tpu.dma_semaphore, #tpu.memory_space<semaphore_mem>> -> memref<1x!tpu.dma_semaphore, #tpu.memory_space<semaphore_mem>>
    %dma_wait3A_647 = tpu.memref_squeeze %dma_wait3A_646 : memref<1x!tpu.dma_semaphore, #tpu.memory_space<semaphore_mem>> -> memref<!tpu.dma_semaphore, #tpu.memory_space<semaphore_mem>>
    %dma_wait3A_648 = arith.constant 0 : i32
    %dma_wait3A_649 = tpu.memref_slice %arg4[%add3A_637, %dma_wait3A_648] : memref<819200x32xf32, #tpu.memory_space<hbm>> -> memref<128x32xf32, #tpu.memory_space<hbm>>
    %dma_wait3A_650 = arith.constant 0 : i32
    %dma_wait3A_651 = arith.constant 0 : i32
    %dma_wait3A_652 = tpu.memref_slice %arg6[%dma_wait3A_638, %dma_wait3A_650, %dma_wait3A_651] : memref<8x128x32xf32, #tpu.memory_space<vmem>> -> memref<1x128x32xf32, #tpu.memory_space<vmem>>
    %dma_wait3A_653 = tpu.memref_squeeze %dma_wait3A_652 : memref<1x128x32xf32, #tpu.memory_space<vmem>> -> memref<128x32xf32, #tpu.memory_space<vmem>>
    tpu.wait_dma2 semaphore(%dma_wait3A_647 : memref<!tpu.dma_semaphore, #tpu.memory_space<semaphore_mem>>) src(%dma_wait3A_653 : memref<128x32xf32, #tpu.memory_space<vmem>>) dst(%dma_wait3A_649 : memref<128x32xf32, #tpu.memory_space<hbm>>)
    %dma_start3A_654 = arith.constant 7 : i32
    %dma_start3A_655 = arith.constant 7 : i32
    %dma_start3A_656 = arith.constant 0 : i32
    %dma_start3A_657 = arith.constant 0 : i32
    %dma_start3A_658 = tpu.memref_slice %arg6[%dma_start3A_654, %dma_start3A_656, %dma_start3A_657] : memref<8x128x32xf32, #tpu.memory_space<vmem>> -> memref<1x128x32xf32, #tpu.memory_space<vmem>>
    %dma_start3A_659 = tpu.memref_squeeze %dma_start3A_658 : memref<1x128x32xf32, #tpu.memory_space<vmem>> -> memref<128x32xf32, #tpu.memory_space<vmem>>
    %dma_start3A_660 = arith.constant 25472 : i32
    %dma_start3A_661 = tpu.memref_slice %arg5[%dma_start3A_660] : memref<25600xi32, #tpu.memory_space<vmem>> -> memref<128xi32, #tpu.memory_space<vmem>>
    %dma_start3A_662 = arith.constant 0 : i32
    %dma_start3A_663 = arith.constant 0 : i32
    %dma_start3A_664 = tpu.memref_slice %arg3[%dma_start3A_662, %dma_start3A_663] : memref<100001x32xf32, #tpu.memory_space<hbm>> -> memref<100001x32xf32, #tpu.memory_space<hbm>>
    %dma_start3A_665 = tpu.memref_slice %arg7[%dma_start3A_655] : memref<8x!tpu.dma_semaphore, #tpu.memory_space<semaphore_mem>> -> memref<1x!tpu.dma_semaphore, #tpu.memory_space<semaphore_mem>>
    %dma_start3A_666 = tpu.memref_squeeze %dma_start3A_665 : memref<1x!tpu.dma_semaphore, #tpu.memory_space<semaphore_mem>> -> memref<!tpu.dma_semaphore, #tpu.memory_space<semaphore_mem>>
    tpu.enqueue_indirect_dma source(%dma_start3A_664 : memref<100001x32xf32, #tpu.memory_space<hbm>>) target(%dma_start3A_659 : memref<128x32xf32, #tpu.memory_space<vmem>>) offsets(%dma_start3A_661 : memref<128xi32, #tpu.memory_space<vmem>>) semaphore(%dma_start3A_666 : memref<!tpu.dma_semaphore, #tpu.memory_space<semaphore_mem>>)
    %dma_wait3A_667 = arith.constant 2 : i32
    %dma_wait3A_668 = arith.constant 2 : i32
    %dma_wait3A_669 = arith.constant 0 : i32
    %dma_wait3A_670 = arith.constant 0 : i32
    %dma_wait3A_671 = tpu.memref_slice %arg6[%dma_wait3A_667, %dma_wait3A_669, %dma_wait3A_670] : memref<8x128x32xf32, #tpu.memory_space<vmem>> -> memref<1x128x32xf32, #tpu.memory_space<vmem>>
    %dma_wait3A_672 = tpu.memref_squeeze %dma_wait3A_671 : memref<1x128x32xf32, #tpu.memory_space<vmem>> -> memref<128x32xf32, #tpu.memory_space<vmem>>
    %dma_wait3A_673 = arith.constant 24832 : i32
    %dma_wait3A_674 = tpu.memref_slice %arg5[%dma_wait3A_673] : memref<25600xi32, #tpu.memory_space<vmem>> -> memref<128xi32, #tpu.memory_space<vmem>>
    %dma_wait3A_675 = arith.constant 0 : i32
    %dma_wait3A_676 = arith.constant 0 : i32
    %dma_wait3A_677 = tpu.memref_slice %arg3[%dma_wait3A_675, %dma_wait3A_676] : memref<100001x32xf32, #tpu.memory_space<hbm>> -> memref<100001x32xf32, #tpu.memory_space<hbm>>
    %dma_wait3A_678 = tpu.memref_slice %arg7[%dma_wait3A_668] : memref<8x!tpu.dma_semaphore, #tpu.memory_space<semaphore_mem>> -> memref<1x!tpu.dma_semaphore, #tpu.memory_space<semaphore_mem>>
    %dma_wait3A_679 = tpu.memref_squeeze %dma_wait3A_678 : memref<1x!tpu.dma_semaphore, #tpu.memory_space<semaphore_mem>> -> memref<!tpu.dma_semaphore, #tpu.memory_space<semaphore_mem>>
    tpu.wait_indirect_dma semaphore(%dma_wait3A_679 : memref<!tpu.dma_semaphore, #tpu.memory_space<semaphore_mem>>) src(%dma_wait3A_677 : memref<100001x32xf32, #tpu.memory_space<hbm>>) dst(%dma_wait3A_672 : memref<128x32xf32, #tpu.memory_space<vmem>>)
    %add3A_680 = arith.constant 24832 : i32
    %add3A_681 = arith.addi %mul3A_2, %add3A_680 : i32
    %dma_start3A_682 = arith.constant 2 : i32
    %dma_start3A_683 = arith.constant 2 : i32
    %dma_start3A_684 = arith.constant 0 : i32
    %dma_start3A_685 = arith.constant 0 : i32
    %dma_start3A_686 = tpu.memref_slice %arg6[%dma_start3A_682, %dma_start3A_684, %dma_start3A_685] : memref<8x128x32xf32, #tpu.memory_space<vmem>> -> memref<1x128x32xf32, #tpu.memory_space<vmem>>
    %dma_start3A_687 = tpu.memref_squeeze %dma_start3A_686 : memref<1x128x32xf32, #tpu.memory_space<vmem>> -> memref<128x32xf32, #tpu.memory_space<vmem>>
    %dma_start3A_688 = arith.constant 0 : i32
    %dma_start3A_689 = tpu.memref_slice %arg4[%add3A_681, %dma_start3A_688] : memref<819200x32xf32, #tpu.memory_space<hbm>> -> memref<128x32xf32, #tpu.memory_space<hbm>>
    %dma_start3A_690 = tpu.memref_slice %arg8[%dma_start3A_683] : memref<8x!tpu.dma_semaphore, #tpu.memory_space<semaphore_mem>> -> memref<1x!tpu.dma_semaphore, #tpu.memory_space<semaphore_mem>>
    %dma_start3A_691 = tpu.memref_squeeze %dma_start3A_690 : memref<1x!tpu.dma_semaphore, #tpu.memory_space<semaphore_mem>> -> memref<!tpu.dma_semaphore, #tpu.memory_space<semaphore_mem>>
    %dma_start3A_692 = arith.constant 0 : i32
    %dma_start3A_693 = tpu.memref_slice %arg4[%add3A_681, %dma_start3A_692] : memref<819200x32xf32, #tpu.memory_space<hbm>> -> memref<128x32xf32, #tpu.memory_space<hbm>>
    %dma_start3A_694 = arith.constant 0 : i32
    %dma_start3A_695 = arith.constant 0 : i32
    %dma_start3A_696 = tpu.memref_slice %arg6[%dma_start3A_682, %dma_start3A_694, %dma_start3A_695] : memref<8x128x32xf32, #tpu.memory_space<vmem>> -> memref<1x128x32xf32, #tpu.memory_space<vmem>>
    %dma_start3A_697 = tpu.memref_squeeze %dma_start3A_696 : memref<1x128x32xf32, #tpu.memory_space<vmem>> -> memref<128x32xf32, #tpu.memory_space<vmem>>
    tpu.enqueue_dma source(%dma_start3A_697 : memref<128x32xf32, #tpu.memory_space<vmem>>) target(%dma_start3A_693 : memref<128x32xf32, #tpu.memory_space<hbm>>) target_semaphore(%dma_start3A_691 : memref<!tpu.dma_semaphore, #tpu.memory_space<semaphore_mem>>)
    %dma_wait3A_698 = arith.constant 3 : i32
    %dma_wait3A_699 = arith.constant 3 : i32
    %dma_wait3A_700 = arith.constant 0 : i32
    %dma_wait3A_701 = arith.constant 0 : i32
    %dma_wait3A_702 = tpu.memref_slice %arg6[%dma_wait3A_698, %dma_wait3A_700, %dma_wait3A_701] : memref<8x128x32xf32, #tpu.memory_space<vmem>> -> memref<1x128x32xf32, #tpu.memory_space<vmem>>
    %dma_wait3A_703 = tpu.memref_squeeze %dma_wait3A_702 : memref<1x128x32xf32, #tpu.memory_space<vmem>> -> memref<128x32xf32, #tpu.memory_space<vmem>>
    %dma_wait3A_704 = arith.constant 24960 : i32
    %dma_wait3A_705 = tpu.memref_slice %arg5[%dma_wait3A_704] : memref<25600xi32, #tpu.memory_space<vmem>> -> memref<128xi32, #tpu.memory_space<vmem>>
    %dma_wait3A_706 = arith.constant 0 : i32
    %dma_wait3A_707 = arith.constant 0 : i32
    %dma_wait3A_708 = tpu.memref_slice %arg3[%dma_wait3A_706, %dma_wait3A_707] : memref<100001x32xf32, #tpu.memory_space<hbm>> -> memref<100001x32xf32, #tpu.memory_space<hbm>>
    %dma_wait3A_709 = tpu.memref_slice %arg7[%dma_wait3A_699] : memref<8x!tpu.dma_semaphore, #tpu.memory_space<semaphore_mem>> -> memref<1x!tpu.dma_semaphore, #tpu.memory_space<semaphore_mem>>
    %dma_wait3A_710 = tpu.memref_squeeze %dma_wait3A_709 : memref<1x!tpu.dma_semaphore, #tpu.memory_space<semaphore_mem>> -> memref<!tpu.dma_semaphore, #tpu.memory_space<semaphore_mem>>
    tpu.wait_indirect_dma semaphore(%dma_wait3A_710 : memref<!tpu.dma_semaphore, #tpu.memory_space<semaphore_mem>>) src(%dma_wait3A_708 : memref<100001x32xf32, #tpu.memory_space<hbm>>) dst(%dma_wait3A_703 : memref<128x32xf32, #tpu.memory_space<vmem>>)
    %add3A_711 = arith.constant 24960 : i32
    %add3A_712 = arith.addi %mul3A_2, %add3A_711 : i32
    %dma_start3A_713 = arith.constant 3 : i32
    %dma_start3A_714 = arith.constant 3 : i32
    %dma_start3A_715 = arith.constant 0 : i32
    %dma_start3A_716 = arith.constant 0 : i32
    %dma_start3A_717 = tpu.memref_slice %arg6[%dma_start3A_713, %dma_start3A_715, %dma_start3A_716] : memref<8x128x32xf32, #tpu.memory_space<vmem>> -> memref<1x128x32xf32, #tpu.memory_space<vmem>>
    %dma_start3A_718 = tpu.memref_squeeze %dma_start3A_717 : memref<1x128x32xf32, #tpu.memory_space<vmem>> -> memref<128x32xf32, #tpu.memory_space<vmem>>
    %dma_start3A_719 = arith.constant 0 : i32
    %dma_start3A_720 = tpu.memref_slice %arg4[%add3A_712, %dma_start3A_719] : memref<819200x32xf32, #tpu.memory_space<hbm>> -> memref<128x32xf32, #tpu.memory_space<hbm>>
    %dma_start3A_721 = tpu.memref_slice %arg8[%dma_start3A_714] : memref<8x!tpu.dma_semaphore, #tpu.memory_space<semaphore_mem>> -> memref<1x!tpu.dma_semaphore, #tpu.memory_space<semaphore_mem>>
    %dma_start3A_722 = tpu.memref_squeeze %dma_start3A_721 : memref<1x!tpu.dma_semaphore, #tpu.memory_space<semaphore_mem>> -> memref<!tpu.dma_semaphore, #tpu.memory_space<semaphore_mem>>
    %dma_start3A_723 = arith.constant 0 : i32
    %dma_start3A_724 = tpu.memref_slice %arg4[%add3A_712, %dma_start3A_723] : memref<819200x32xf32, #tpu.memory_space<hbm>> -> memref<128x32xf32, #tpu.memory_space<hbm>>
    %dma_start3A_725 = arith.constant 0 : i32
    %dma_start3A_726 = arith.constant 0 : i32
    %dma_start3A_727 = tpu.memref_slice %arg6[%dma_start3A_713, %dma_start3A_725, %dma_start3A_726] : memref<8x128x32xf32, #tpu.memory_space<vmem>> -> memref<1x128x32xf32, #tpu.memory_space<vmem>>
    %dma_start3A_728 = tpu.memref_squeeze %dma_start3A_727 : memref<1x128x32xf32, #tpu.memory_space<vmem>> -> memref<128x32xf32, #tpu.memory_space<vmem>>
    tpu.enqueue_dma source(%dma_start3A_728 : memref<128x32xf32, #tpu.memory_space<vmem>>) target(%dma_start3A_724 : memref<128x32xf32, #tpu.memory_space<hbm>>) target_semaphore(%dma_start3A_722 : memref<!tpu.dma_semaphore, #tpu.memory_space<semaphore_mem>>)
    %dma_wait3A_729 = arith.constant 4 : i32
    %dma_wait3A_730 = arith.constant 4 : i32
    %dma_wait3A_731 = arith.constant 0 : i32
    %dma_wait3A_732 = arith.constant 0 : i32
    %dma_wait3A_733 = tpu.memref_slice %arg6[%dma_wait3A_729, %dma_wait3A_731, %dma_wait3A_732] : memref<8x128x32xf32, #tpu.memory_space<vmem>> -> memref<1x128x32xf32, #tpu.memory_space<vmem>>
    %dma_wait3A_734 = tpu.memref_squeeze %dma_wait3A_733 : memref<1x128x32xf32, #tpu.memory_space<vmem>> -> memref<128x32xf32, #tpu.memory_space<vmem>>
    %dma_wait3A_735 = arith.constant 25088 : i32
    %dma_wait3A_736 = tpu.memref_slice %arg5[%dma_wait3A_735] : memref<25600xi32, #tpu.memory_space<vmem>> -> memref<128xi32, #tpu.memory_space<vmem>>
    %dma_wait3A_737 = arith.constant 0 : i32
    %dma_wait3A_738 = arith.constant 0 : i32
    %dma_wait3A_739 = tpu.memref_slice %arg3[%dma_wait3A_737, %dma_wait3A_738] : memref<100001x32xf32, #tpu.memory_space<hbm>> -> memref<100001x32xf32, #tpu.memory_space<hbm>>
    %dma_wait3A_740 = tpu.memref_slice %arg7[%dma_wait3A_730] : memref<8x!tpu.dma_semaphore, #tpu.memory_space<semaphore_mem>> -> memref<1x!tpu.dma_semaphore, #tpu.memory_space<semaphore_mem>>
    %dma_wait3A_741 = tpu.memref_squeeze %dma_wait3A_740 : memref<1x!tpu.dma_semaphore, #tpu.memory_space<semaphore_mem>> -> memref<!tpu.dma_semaphore, #tpu.memory_space<semaphore_mem>>
    tpu.wait_indirect_dma semaphore(%dma_wait3A_741 : memref<!tpu.dma_semaphore, #tpu.memory_space<semaphore_mem>>) src(%dma_wait3A_739 : memref<100001x32xf32, #tpu.memory_space<hbm>>) dst(%dma_wait3A_734 : memref<128x32xf32, #tpu.memory_space<vmem>>)
    %add3A_742 = arith.constant 25088 : i32
    %add3A_743 = arith.addi %mul3A_2, %add3A_742 : i32
    %dma_start3A_744 = arith.constant 4 : i32
    %dma_start3A_745 = arith.constant 4 : i32
    %dma_start3A_746 = arith.constant 0 : i32
    %dma_start3A_747 = arith.constant 0 : i32
    %dma_start3A_748 = tpu.memref_slice %arg6[%dma_start3A_744, %dma_start3A_746, %dma_start3A_747] : memref<8x128x32xf32, #tpu.memory_space<vmem>> -> memref<1x128x32xf32, #tpu.memory_space<vmem>>
    %dma_start3A_749 = tpu.memref_squeeze %dma_start3A_748 : memref<1x128x32xf32, #tpu.memory_space<vmem>> -> memref<128x32xf32, #tpu.memory_space<vmem>>
    %dma_start3A_750 = arith.constant 0 : i32
    %dma_start3A_751 = tpu.memref_slice %arg4[%add3A_743, %dma_start3A_750] : memref<819200x32xf32, #tpu.memory_space<hbm>> -> memref<128x32xf32, #tpu.memory_space<hbm>>
    %dma_start3A_752 = tpu.memref_slice %arg8[%dma_start3A_745] : memref<8x!tpu.dma_semaphore, #tpu.memory_space<semaphore_mem>> -> memref<1x!tpu.dma_semaphore, #tpu.memory_space<semaphore_mem>>
    %dma_start3A_753 = tpu.memref_squeeze %dma_start3A_752 : memref<1x!tpu.dma_semaphore, #tpu.memory_space<semaphore_mem>> -> memref<!tpu.dma_semaphore, #tpu.memory_space<semaphore_mem>>
    %dma_start3A_754 = arith.constant 0 : i32
    %dma_start3A_755 = tpu.memref_slice %arg4[%add3A_743, %dma_start3A_754] : memref<819200x32xf32, #tpu.memory_space<hbm>> -> memref<128x32xf32, #tpu.memory_space<hbm>>
    %dma_start3A_756 = arith.constant 0 : i32
    %dma_start3A_757 = arith.constant 0 : i32
    %dma_start3A_758 = tpu.memref_slice %arg6[%dma_start3A_744, %dma_start3A_756, %dma_start3A_757] : memref<8x128x32xf32, #tpu.memory_space<vmem>> -> memref<1x128x32xf32, #tpu.memory_space<vmem>>
    %dma_start3A_759 = tpu.memref_squeeze %dma_start3A_758 : memref<1x128x32xf32, #tpu.memory_space<vmem>> -> memref<128x32xf32, #tpu.memory_space<vmem>>
    tpu.enqueue_dma source(%dma_start3A_759 : memref<128x32xf32, #tpu.memory_space<vmem>>) target(%dma_start3A_755 : memref<128x32xf32, #tpu.memory_space<hbm>>) target_semaphore(%dma_start3A_753 : memref<!tpu.dma_semaphore, #tpu.memory_space<semaphore_mem>>)
    %dma_wait3A_760 = arith.constant 5 : i32
    %dma_wait3A_761 = arith.constant 5 : i32
    %dma_wait3A_762 = arith.constant 0 : i32
    %dma_wait3A_763 = arith.constant 0 : i32
    %dma_wait3A_764 = tpu.memref_slice %arg6[%dma_wait3A_760, %dma_wait3A_762, %dma_wait3A_763] : memref<8x128x32xf32, #tpu.memory_space<vmem>> -> memref<1x128x32xf32, #tpu.memory_space<vmem>>
    %dma_wait3A_765 = tpu.memref_squeeze %dma_wait3A_764 : memref<1x128x32xf32, #tpu.memory_space<vmem>> -> memref<128x32xf32, #tpu.memory_space<vmem>>
    %dma_wait3A_766 = arith.constant 25216 : i32
    %dma_wait3A_767 = tpu.memref_slice %arg5[%dma_wait3A_766] : memref<25600xi32, #tpu.memory_space<vmem>> -> memref<128xi32, #tpu.memory_space<vmem>>
    %dma_wait3A_768 = arith.constant 0 : i32
    %dma_wait3A_769 = arith.constant 0 : i32
    %dma_wait3A_770 = tpu.memref_slice %arg3[%dma_wait3A_768, %dma_wait3A_769] : memref<100001x32xf32, #tpu.memory_space<hbm>> -> memref<100001x32xf32, #tpu.memory_space<hbm>>
    %dma_wait3A_771 = tpu.memref_slice %arg7[%dma_wait3A_761] : memref<8x!tpu.dma_semaphore, #tpu.memory_space<semaphore_mem>> -> memref<1x!tpu.dma_semaphore, #tpu.memory_space<semaphore_mem>>
    %dma_wait3A_772 = tpu.memref_squeeze %dma_wait3A_771 : memref<1x!tpu.dma_semaphore, #tpu.memory_space<semaphore_mem>> -> memref<!tpu.dma_semaphore, #tpu.memory_space<semaphore_mem>>
    tpu.wait_indirect_dma semaphore(%dma_wait3A_772 : memref<!tpu.dma_semaphore, #tpu.memory_space<semaphore_mem>>) src(%dma_wait3A_770 : memref<100001x32xf32, #tpu.memory_space<hbm>>) dst(%dma_wait3A_765 : memref<128x32xf32, #tpu.memory_space<vmem>>)
    %add3A_773 = arith.constant 25216 : i32
    %add3A_774 = arith.addi %mul3A_2, %add3A_773 : i32
    %dma_start3A_775 = arith.constant 5 : i32
    %dma_start3A_776 = arith.constant 5 : i32
    %dma_start3A_777 = arith.constant 0 : i32
    %dma_start3A_778 = arith.constant 0 : i32
    %dma_start3A_779 = tpu.memref_slice %arg6[%dma_start3A_775, %dma_start3A_777, %dma_start3A_778] : memref<8x128x32xf32, #tpu.memory_space<vmem>> -> memref<1x128x32xf32, #tpu.memory_space<vmem>>
    %dma_start3A_780 = tpu.memref_squeeze %dma_start3A_779 : memref<1x128x32xf32, #tpu.memory_space<vmem>> -> memref<128x32xf32, #tpu.memory_space<vmem>>
    %dma_start3A_781 = arith.constant 0 : i32
    %dma_start3A_782 = tpu.memref_slice %arg4[%add3A_774, %dma_start3A_781] : memref<819200x32xf32, #tpu.memory_space<hbm>> -> memref<128x32xf32, #tpu.memory_space<hbm>>
    %dma_start3A_783 = tpu.memref_slice %arg8[%dma_start3A_776] : memref<8x!tpu.dma_semaphore, #tpu.memory_space<semaphore_mem>> -> memref<1x!tpu.dma_semaphore, #tpu.memory_space<semaphore_mem>>
    %dma_start3A_784 = tpu.memref_squeeze %dma_start3A_783 : memref<1x!tpu.dma_semaphore, #tpu.memory_space<semaphore_mem>> -> memref<!tpu.dma_semaphore, #tpu.memory_space<semaphore_mem>>
    %dma_start3A_785 = arith.constant 0 : i32
    %dma_start3A_786 = tpu.memref_slice %arg4[%add3A_774, %dma_start3A_785] : memref<819200x32xf32, #tpu.memory_space<hbm>> -> memref<128x32xf32, #tpu.memory_space<hbm>>
    %dma_start3A_787 = arith.constant 0 : i32
    %dma_start3A_788 = arith.constant 0 : i32
    %dma_start3A_789 = tpu.memref_slice %arg6[%dma_start3A_775, %dma_start3A_787, %dma_start3A_788] : memref<8x128x32xf32, #tpu.memory_space<vmem>> -> memref<1x128x32xf32, #tpu.memory_space<vmem>>
    %dma_start3A_790 = tpu.memref_squeeze %dma_start3A_789 : memref<1x128x32xf32, #tpu.memory_space<vmem>> -> memref<128x32xf32, #tpu.memory_space<vmem>>
    tpu.enqueue_dma source(%dma_start3A_790 : memref<128x32xf32, #tpu.memory_space<vmem>>) target(%dma_start3A_786 : memref<128x32xf32, #tpu.memory_space<hbm>>) target_semaphore(%dma_start3A_784 : memref<!tpu.dma_semaphore, #tpu.memory_space<semaphore_mem>>)
    %dma_wait3A_791 = arith.constant 6 : i32
    %dma_wait3A_792 = arith.constant 6 : i32
    %dma_wait3A_793 = arith.constant 0 : i32
    %dma_wait3A_794 = arith.constant 0 : i32
    %dma_wait3A_795 = tpu.memref_slice %arg6[%dma_wait3A_791, %dma_wait3A_793, %dma_wait3A_794] : memref<8x128x32xf32, #tpu.memory_space<vmem>> -> memref<1x128x32xf32, #tpu.memory_space<vmem>>
    %dma_wait3A_796 = tpu.memref_squeeze %dma_wait3A_795 : memref<1x128x32xf32, #tpu.memory_space<vmem>> -> memref<128x32xf32, #tpu.memory_space<vmem>>
    %dma_wait3A_797 = arith.constant 25344 : i32
    %dma_wait3A_798 = tpu.memref_slice %arg5[%dma_wait3A_797] : memref<25600xi32, #tpu.memory_space<vmem>> -> memref<128xi32, #tpu.memory_space<vmem>>
    %dma_wait3A_799 = arith.constant 0 : i32
    %dma_wait3A_800 = arith.constant 0 : i32
    %dma_wait3A_801 = tpu.memref_slice %arg3[%dma_wait3A_799, %dma_wait3A_800] : memref<100001x32xf32, #tpu.memory_space<hbm>> -> memref<100001x32xf32, #tpu.memory_space<hbm>>
    %dma_wait3A_802 = tpu.memref_slice %arg7[%dma_wait3A_792] : memref<8x!tpu.dma_semaphore, #tpu.memory_space<semaphore_mem>> -> memref<1x!tpu.dma_semaphore, #tpu.memory_space<semaphore_mem>>
    %dma_wait3A_803 = tpu.memref_squeeze %dma_wait3A_802 : memref<1x!tpu.dma_semaphore, #tpu.memory_space<semaphore_mem>> -> memref<!tpu.dma_semaphore, #tpu.memory_space<semaphore_mem>>
    tpu.wait_indirect_dma semaphore(%dma_wait3A_803 : memref<!tpu.dma_semaphore, #tpu.memory_space<semaphore_mem>>) src(%dma_wait3A_801 : memref<100001x32xf32, #tpu.memory_space<hbm>>) dst(%dma_wait3A_796 : memref<128x32xf32, #tpu.memory_space<vmem>>)
    %add3A_804 = arith.constant 25344 : i32
    %add3A_805 = arith.addi %mul3A_2, %add3A_804 : i32
    %dma_start3A_806 = arith.constant 6 : i32
    %dma_start3A_807 = arith.constant 6 : i32
    %dma_start3A_808 = arith.constant 0 : i32
    %dma_start3A_809 = arith.constant 0 : i32
    %dma_start3A_810 = tpu.memref_slice %arg6[%dma_start3A_806, %dma_start3A_808, %dma_start3A_809] : memref<8x128x32xf32, #tpu.memory_space<vmem>> -> memref<1x128x32xf32, #tpu.memory_space<vmem>>
    %dma_start3A_811 = tpu.memref_squeeze %dma_start3A_810 : memref<1x128x32xf32, #tpu.memory_space<vmem>> -> memref<128x32xf32, #tpu.memory_space<vmem>>
    %dma_start3A_812 = arith.constant 0 : i32
    %dma_start3A_813 = tpu.memref_slice %arg4[%add3A_805, %dma_start3A_812] : memref<819200x32xf32, #tpu.memory_space<hbm>> -> memref<128x32xf32, #tpu.memory_space<hbm>>
    %dma_start3A_814 = tpu.memref_slice %arg8[%dma_start3A_807] : memref<8x!tpu.dma_semaphore, #tpu.memory_space<semaphore_mem>> -> memref<1x!tpu.dma_semaphore, #tpu.memory_space<semaphore_mem>>
    %dma_start3A_815 = tpu.memref_squeeze %dma_start3A_814 : memref<1x!tpu.dma_semaphore, #tpu.memory_space<semaphore_mem>> -> memref<!tpu.dma_semaphore, #tpu.memory_space<semaphore_mem>>
    %dma_start3A_816 = arith.constant 0 : i32
    %dma_start3A_817 = tpu.memref_slice %arg4[%add3A_805, %dma_start3A_816] : memref<819200x32xf32, #tpu.memory_space<hbm>> -> memref<128x32xf32, #tpu.memory_space<hbm>>
    %dma_start3A_818 = arith.constant 0 : i32
    %dma_start3A_819 = arith.constant 0 : i32
    %dma_start3A_820 = tpu.memref_slice %arg6[%dma_start3A_806, %dma_start3A_818, %dma_start3A_819] : memref<8x128x32xf32, #tpu.memory_space<vmem>> -> memref<1x128x32xf32, #tpu.memory_space<vmem>>
    %dma_start3A_821 = tpu.memref_squeeze %dma_start3A_820 : memref<1x128x32xf32, #tpu.memory_space<vmem>> -> memref<128x32xf32, #tpu.memory_space<vmem>>
    tpu.enqueue_dma source(%dma_start3A_821 : memref<128x32xf32, #tpu.memory_space<vmem>>) target(%dma_start3A_817 : memref<128x32xf32, #tpu.memory_space<hbm>>) target_semaphore(%dma_start3A_815 : memref<!tpu.dma_semaphore, #tpu.memory_space<semaphore_mem>>)
    %dma_wait3A_822 = arith.constant 7 : i32
    %dma_wait3A_823 = arith.constant 7 : i32
    %dma_wait3A_824 = arith.constant 0 : i32
    %dma_wait3A_825 = arith.constant 0 : i32
    %dma_wait3A_826 = tpu.memref_slice %arg6[%dma_wait3A_822, %dma_wait3A_824, %dma_wait3A_825] : memref<8x128x32xf32, #tpu.memory_space<vmem>> -> memref<1x128x32xf32, #tpu.memory_space<vmem>>
    %dma_wait3A_827 = tpu.memref_squeeze %dma_wait3A_826 : memref<1x128x32xf32, #tpu.memory_space<vmem>> -> memref<128x32xf32, #tpu.memory_space<vmem>>
    %dma_wait3A_828 = arith.constant 25472 : i32
    %dma_wait3A_829 = tpu.memref_slice %arg5[%dma_wait3A_828] : memref<25600xi32, #tpu.memory_space<vmem>> -> memref<128xi32, #tpu.memory_space<vmem>>
    %dma_wait3A_830 = arith.constant 0 : i32
    %dma_wait3A_831 = arith.constant 0 : i32
    %dma_wait3A_832 = tpu.memref_slice %arg3[%dma_wait3A_830, %dma_wait3A_831] : memref<100001x32xf32, #tpu.memory_space<hbm>> -> memref<100001x32xf32, #tpu.memory_space<hbm>>
    %dma_wait3A_833 = tpu.memref_slice %arg7[%dma_wait3A_823] : memref<8x!tpu.dma_semaphore, #tpu.memory_space<semaphore_mem>> -> memref<1x!tpu.dma_semaphore, #tpu.memory_space<semaphore_mem>>
    %dma_wait3A_834 = tpu.memref_squeeze %dma_wait3A_833 : memref<1x!tpu.dma_semaphore, #tpu.memory_space<semaphore_mem>> -> memref<!tpu.dma_semaphore, #tpu.memory_space<semaphore_mem>>
    tpu.wait_indirect_dma semaphore(%dma_wait3A_834 : memref<!tpu.dma_semaphore, #tpu.memory_space<semaphore_mem>>) src(%dma_wait3A_832 : memref<100001x32xf32, #tpu.memory_space<hbm>>) dst(%dma_wait3A_827 : memref<128x32xf32, #tpu.memory_space<vmem>>)
    %add3A_835 = arith.constant 25472 : i32
    %add3A_836 = arith.addi %mul3A_2, %add3A_835 : i32
    %dma_start3A_837 = arith.constant 7 : i32
    %dma_start3A_838 = arith.constant 7 : i32
    %dma_start3A_839 = arith.constant 0 : i32
    %dma_start3A_840 = arith.constant 0 : i32
    %dma_start3A_841 = tpu.memref_slice %arg6[%dma_start3A_837, %dma_start3A_839, %dma_start3A_840] : memref<8x128x32xf32, #tpu.memory_space<vmem>> -> memref<1x128x32xf32, #tpu.memory_space<vmem>>
    %dma_start3A_842 = tpu.memref_squeeze %dma_start3A_841 : memref<1x128x32xf32, #tpu.memory_space<vmem>> -> memref<128x32xf32, #tpu.memory_space<vmem>>
    %dma_start3A_843 = arith.constant 0 : i32
    %dma_start3A_844 = tpu.memref_slice %arg4[%add3A_836, %dma_start3A_843] : memref<819200x32xf32, #tpu.memory_space<hbm>> -> memref<128x32xf32, #tpu.memory_space<hbm>>
    %dma_start3A_845 = tpu.memref_slice %arg8[%dma_start3A_838] : memref<8x!tpu.dma_semaphore, #tpu.memory_space<semaphore_mem>> -> memref<1x!tpu.dma_semaphore, #tpu.memory_space<semaphore_mem>>
    %dma_start3A_846 = tpu.memref_squeeze %dma_start3A_845 : memref<1x!tpu.dma_semaphore, #tpu.memory_space<semaphore_mem>> -> memref<!tpu.dma_semaphore, #tpu.memory_space<semaphore_mem>>
    %dma_start3A_847 = arith.constant 0 : i32
    %dma_start3A_848 = tpu.memref_slice %arg4[%add3A_836, %dma_start3A_847] : memref<819200x32xf32, #tpu.memory_space<hbm>> -> memref<128x32xf32, #tpu.memory_space<hbm>>
    %dma_start3A_849 = arith.constant 0 : i32
    %dma_start3A_850 = arith.constant 0 : i32
    %dma_start3A_851 = tpu.memref_slice %arg6[%dma_start3A_837, %dma_start3A_849, %dma_start3A_850] : memref<8x128x32xf32, #tpu.memory_space<vmem>> -> memref<1x128x32xf32, #tpu.memory_space<vmem>>
    %dma_start3A_852 = tpu.memref_squeeze %dma_start3A_851 : memref<1x128x32xf32, #tpu.memory_space<vmem>> -> memref<128x32xf32, #tpu.memory_space<vmem>>
    tpu.enqueue_dma source(%dma_start3A_852 : memref<128x32xf32, #tpu.memory_space<vmem>>) target(%dma_start3A_848 : memref<128x32xf32, #tpu.memory_space<hbm>>) target_semaphore(%dma_start3A_846 : memref<!tpu.dma_semaphore, #tpu.memory_space<semaphore_mem>>)
    %add3A_853 = arith.constant 24576 : i32
    %add3A_854 = arith.addi %mul3A_2, %add3A_853 : i32
    %dma_wait3A_855 = arith.constant 0 : i32
    %dma_wait3A_856 = arith.constant 0 : i32
    %dma_wait3A_857 = arith.constant 0 : i32
    %dma_wait3A_858 = arith.constant 0 : i32
    %dma_wait3A_859 = tpu.memref_slice %arg6[%dma_wait3A_855, %dma_wait3A_857, %dma_wait3A_858] : memref<8x128x32xf32, #tpu.memory_space<vmem>> -> memref<1x128x32xf32, #tpu.memory_space<vmem>>
    %dma_wait3A_860 = tpu.memref_squeeze %dma_wait3A_859 : memref<1x128x32xf32, #tpu.memory_space<vmem>> -> memref<128x32xf32, #tpu.memory_space<vmem>>
    %dma_wait3A_861 = arith.constant 0 : i32
    %dma_wait3A_862 = tpu.memref_slice %arg4[%add3A_854, %dma_wait3A_861] : memref<819200x32xf32, #tpu.memory_space<hbm>> -> memref<128x32xf32, #tpu.memory_space<hbm>>
    %dma_wait3A_863 = tpu.memref_slice %arg8[%dma_wait3A_856] : memref<8x!tpu.dma_semaphore, #tpu.memory_space<semaphore_mem>> -> memref<1x!tpu.dma_semaphore, #tpu.memory_space<semaphore_mem>>
    %dma_wait3A_864 = tpu.memref_squeeze %dma_wait3A_863 : memref<1x!tpu.dma_semaphore, #tpu.memory_space<semaphore_mem>> -> memref<!tpu.dma_semaphore, #tpu.memory_space<semaphore_mem>>
    %dma_wait3A_865 = arith.constant 0 : i32
    %dma_wait3A_866 = tpu.memref_slice %arg4[%add3A_854, %dma_wait3A_865] : memref<819200x32xf32, #tpu.memory_space<hbm>> -> memref<128x32xf32, #tpu.memory_space<hbm>>
    %dma_wait3A_867 = arith.constant 0 : i32
    %dma_wait3A_868 = arith.constant 0 : i32
    %dma_wait3A_869 = tpu.memref_slice %arg6[%dma_wait3A_855, %dma_wait3A_867, %dma_wait3A_868] : memref<8x128x32xf32, #tpu.memory_space<vmem>> -> memref<1x128x32xf32, #tpu.memory_space<vmem>>
    %dma_wait3A_870 = tpu.memref_squeeze %dma_wait3A_869 : memref<1x128x32xf32, #tpu.memory_space<vmem>> -> memref<128x32xf32, #tpu.memory_space<vmem>>
    tpu.wait_dma2 semaphore(%dma_wait3A_864 : memref<!tpu.dma_semaphore, #tpu.memory_space<semaphore_mem>>) src(%dma_wait3A_870 : memref<128x32xf32, #tpu.memory_space<vmem>>) dst(%dma_wait3A_866 : memref<128x32xf32, #tpu.memory_space<hbm>>)
    %add3A_871 = arith.constant 24704 : i32
    %add3A_872 = arith.addi %mul3A_2, %add3A_871 : i32
    %dma_wait3A_873 = arith.constant 1 : i32
    %dma_wait3A_874 = arith.constant 1 : i32
    %dma_wait3A_875 = arith.constant 0 : i32
    %dma_wait3A_876 = arith.constant 0 : i32
    %dma_wait3A_877 = tpu.memref_slice %arg6[%dma_wait3A_873, %dma_wait3A_875, %dma_wait3A_876] : memref<8x128x32xf32, #tpu.memory_space<vmem>> -> memref<1x128x32xf32, #tpu.memory_space<vmem>>
    %dma_wait3A_878 = tpu.memref_squeeze %dma_wait3A_877 : memref<1x128x32xf32, #tpu.memory_space<vmem>> -> memref<128x32xf32, #tpu.memory_space<vmem>>
    %dma_wait3A_879 = arith.constant 0 : i32
    %dma_wait3A_880 = tpu.memref_slice %arg4[%add3A_872, %dma_wait3A_879] : memref<819200x32xf32, #tpu.memory_space<hbm>> -> memref<128x32xf32, #tpu.memory_space<hbm>>
    %dma_wait3A_881 = tpu.memref_slice %arg8[%dma_wait3A_874] : memref<8x!tpu.dma_semaphore, #tpu.memory_space<semaphore_mem>> -> memref<1x!tpu.dma_semaphore, #tpu.memory_space<semaphore_mem>>
    %dma_wait3A_882 = tpu.memref_squeeze %dma_wait3A_881 : memref<1x!tpu.dma_semaphore, #tpu.memory_space<semaphore_mem>> -> memref<!tpu.dma_semaphore, #tpu.memory_space<semaphore_mem>>
    %dma_wait3A_883 = arith.constant 0 : i32
    %dma_wait3A_884 = tpu.memref_slice %arg4[%add3A_872, %dma_wait3A_883] : memref<819200x32xf32, #tpu.memory_space<hbm>> -> memref<128x32xf32, #tpu.memory_space<hbm>>
    %dma_wait3A_885 = arith.constant 0 : i32
    %dma_wait3A_886 = arith.constant 0 : i32
    %dma_wait3A_887 = tpu.memref_slice %arg6[%dma_wait3A_873, %dma_wait3A_885, %dma_wait3A_886] : memref<8x128x32xf32, #tpu.memory_space<vmem>> -> memref<1x128x32xf32, #tpu.memory_space<vmem>>
    %dma_wait3A_888 = tpu.memref_squeeze %dma_wait3A_887 : memref<1x128x32xf32, #tpu.memory_space<vmem>> -> memref<128x32xf32, #tpu.memory_space<vmem>>
    tpu.wait_dma2 semaphore(%dma_wait3A_882 : memref<!tpu.dma_semaphore, #tpu.memory_space<semaphore_mem>>) src(%dma_wait3A_888 : memref<128x32xf32, #tpu.memory_space<vmem>>) dst(%dma_wait3A_884 : memref<128x32xf32, #tpu.memory_space<hbm>>)
    %add3A_889 = arith.constant 24832 : i32
    %add3A_890 = arith.addi %mul3A_2, %add3A_889 : i32
    %dma_wait3A_891 = arith.constant 2 : i32
    %dma_wait3A_892 = arith.constant 2 : i32
    %dma_wait3A_893 = arith.constant 0 : i32
    %dma_wait3A_894 = arith.constant 0 : i32
    %dma_wait3A_895 = tpu.memref_slice %arg6[%dma_wait3A_891, %dma_wait3A_893, %dma_wait3A_894] : memref<8x128x32xf32, #tpu.memory_space<vmem>> -> memref<1x128x32xf32, #tpu.memory_space<vmem>>
    %dma_wait3A_896 = tpu.memref_squeeze %dma_wait3A_895 : memref<1x128x32xf32, #tpu.memory_space<vmem>> -> memref<128x32xf32, #tpu.memory_space<vmem>>
    %dma_wait3A_897 = arith.constant 0 : i32
    %dma_wait3A_898 = tpu.memref_slice %arg4[%add3A_890, %dma_wait3A_897] : memref<819200x32xf32, #tpu.memory_space<hbm>> -> memref<128x32xf32, #tpu.memory_space<hbm>>
    %dma_wait3A_899 = tpu.memref_slice %arg8[%dma_wait3A_892] : memref<8x!tpu.dma_semaphore, #tpu.memory_space<semaphore_mem>> -> memref<1x!tpu.dma_semaphore, #tpu.memory_space<semaphore_mem>>
    %dma_wait3A_900 = tpu.memref_squeeze %dma_wait3A_899 : memref<1x!tpu.dma_semaphore, #tpu.memory_space<semaphore_mem>> -> memref<!tpu.dma_semaphore, #tpu.memory_space<semaphore_mem>>
    %dma_wait3A_901 = arith.constant 0 : i32
    %dma_wait3A_902 = tpu.memref_slice %arg4[%add3A_890, %dma_wait3A_901] : memref<819200x32xf32, #tpu.memory_space<hbm>> -> memref<128x32xf32, #tpu.memory_space<hbm>>
    %dma_wait3A_903 = arith.constant 0 : i32
    %dma_wait3A_904 = arith.constant 0 : i32
    %dma_wait3A_905 = tpu.memref_slice %arg6[%dma_wait3A_891, %dma_wait3A_903, %dma_wait3A_904] : memref<8x128x32xf32, #tpu.memory_space<vmem>> -> memref<1x128x32xf32, #tpu.memory_space<vmem>>
    %dma_wait3A_906 = tpu.memref_squeeze %dma_wait3A_905 : memref<1x128x32xf32, #tpu.memory_space<vmem>> -> memref<128x32xf32, #tpu.memory_space<vmem>>
    tpu.wait_dma2 semaphore(%dma_wait3A_900 : memref<!tpu.dma_semaphore, #tpu.memory_space<semaphore_mem>>) src(%dma_wait3A_906 : memref<128x32xf32, #tpu.memory_space<vmem>>) dst(%dma_wait3A_902 : memref<128x32xf32, #tpu.memory_space<hbm>>)
    %add3A_907 = arith.constant 24960 : i32
    %add3A_908 = arith.addi %mul3A_2, %add3A_907 : i32
    %dma_wait3A_909 = arith.constant 3 : i32
    %dma_wait3A_910 = arith.constant 3 : i32
    %dma_wait3A_911 = arith.constant 0 : i32
    %dma_wait3A_912 = arith.constant 0 : i32
    %dma_wait3A_913 = tpu.memref_slice %arg6[%dma_wait3A_909, %dma_wait3A_911, %dma_wait3A_912] : memref<8x128x32xf32, #tpu.memory_space<vmem>> -> memref<1x128x32xf32, #tpu.memory_space<vmem>>
    %dma_wait3A_914 = tpu.memref_squeeze %dma_wait3A_913 : memref<1x128x32xf32, #tpu.memory_space<vmem>> -> memref<128x32xf32, #tpu.memory_space<vmem>>
    %dma_wait3A_915 = arith.constant 0 : i32
    %dma_wait3A_916 = tpu.memref_slice %arg4[%add3A_908, %dma_wait3A_915] : memref<819200x32xf32, #tpu.memory_space<hbm>> -> memref<128x32xf32, #tpu.memory_space<hbm>>
    %dma_wait3A_917 = tpu.memref_slice %arg8[%dma_wait3A_910] : memref<8x!tpu.dma_semaphore, #tpu.memory_space<semaphore_mem>> -> memref<1x!tpu.dma_semaphore, #tpu.memory_space<semaphore_mem>>
    %dma_wait3A_918 = tpu.memref_squeeze %dma_wait3A_917 : memref<1x!tpu.dma_semaphore, #tpu.memory_space<semaphore_mem>> -> memref<!tpu.dma_semaphore, #tpu.memory_space<semaphore_mem>>
    %dma_wait3A_919 = arith.constant 0 : i32
    %dma_wait3A_920 = tpu.memref_slice %arg4[%add3A_908, %dma_wait3A_919] : memref<819200x32xf32, #tpu.memory_space<hbm>> -> memref<128x32xf32, #tpu.memory_space<hbm>>
    %dma_wait3A_921 = arith.constant 0 : i32
    %dma_wait3A_922 = arith.constant 0 : i32
    %dma_wait3A_923 = tpu.memref_slice %arg6[%dma_wait3A_909, %dma_wait3A_921, %dma_wait3A_922] : memref<8x128x32xf32, #tpu.memory_space<vmem>> -> memref<1x128x32xf32, #tpu.memory_space<vmem>>
    %dma_wait3A_924 = tpu.memref_squeeze %dma_wait3A_923 : memref<1x128x32xf32, #tpu.memory_space<vmem>> -> memref<128x32xf32, #tpu.memory_space<vmem>>
    tpu.wait_dma2 semaphore(%dma_wait3A_918 : memref<!tpu.dma_semaphore, #tpu.memory_space<semaphore_mem>>) src(%dma_wait3A_924 : memref<128x32xf32, #tpu.memory_space<vmem>>) dst(%dma_wait3A_920 : memref<128x32xf32, #tpu.memory_space<hbm>>)
    %add3A_925 = arith.constant 25088 : i32
    %add3A_926 = arith.addi %mul3A_2, %add3A_925 : i32
    %dma_wait3A_927 = arith.constant 4 : i32
    %dma_wait3A_928 = arith.constant 4 : i32
    %dma_wait3A_929 = arith.constant 0 : i32
    %dma_wait3A_930 = arith.constant 0 : i32
    %dma_wait3A_931 = tpu.memref_slice %arg6[%dma_wait3A_927, %dma_wait3A_929, %dma_wait3A_930] : memref<8x128x32xf32, #tpu.memory_space<vmem>> -> memref<1x128x32xf32, #tpu.memory_space<vmem>>
    %dma_wait3A_932 = tpu.memref_squeeze %dma_wait3A_931 : memref<1x128x32xf32, #tpu.memory_space<vmem>> -> memref<128x32xf32, #tpu.memory_space<vmem>>
    %dma_wait3A_933 = arith.constant 0 : i32
    %dma_wait3A_934 = tpu.memref_slice %arg4[%add3A_926, %dma_wait3A_933] : memref<819200x32xf32, #tpu.memory_space<hbm>> -> memref<128x32xf32, #tpu.memory_space<hbm>>
    %dma_wait3A_935 = tpu.memref_slice %arg8[%dma_wait3A_928] : memref<8x!tpu.dma_semaphore, #tpu.memory_space<semaphore_mem>> -> memref<1x!tpu.dma_semaphore, #tpu.memory_space<semaphore_mem>>
    %dma_wait3A_936 = tpu.memref_squeeze %dma_wait3A_935 : memref<1x!tpu.dma_semaphore, #tpu.memory_space<semaphore_mem>> -> memref<!tpu.dma_semaphore, #tpu.memory_space<semaphore_mem>>
    %dma_wait3A_937 = arith.constant 0 : i32
    %dma_wait3A_938 = tpu.memref_slice %arg4[%add3A_926, %dma_wait3A_937] : memref<819200x32xf32, #tpu.memory_space<hbm>> -> memref<128x32xf32, #tpu.memory_space<hbm>>
    %dma_wait3A_939 = arith.constant 0 : i32
    %dma_wait3A_940 = arith.constant 0 : i32
    %dma_wait3A_941 = tpu.memref_slice %arg6[%dma_wait3A_927, %dma_wait3A_939, %dma_wait3A_940] : memref<8x128x32xf32, #tpu.memory_space<vmem>> -> memref<1x128x32xf32, #tpu.memory_space<vmem>>
    %dma_wait3A_942 = tpu.memref_squeeze %dma_wait3A_941 : memref<1x128x32xf32, #tpu.memory_space<vmem>> -> memref<128x32xf32, #tpu.memory_space<vmem>>
    tpu.wait_dma2 semaphore(%dma_wait3A_936 : memref<!tpu.dma_semaphore, #tpu.memory_space<semaphore_mem>>) src(%dma_wait3A_942 : memref<128x32xf32, #tpu.memory_space<vmem>>) dst(%dma_wait3A_938 : memref<128x32xf32, #tpu.memory_space<hbm>>)
    %add3A_943 = arith.constant 25216 : i32
    %add3A_944 = arith.addi %mul3A_2, %add3A_943 : i32
    %dma_wait3A_945 = arith.constant 5 : i32
    %dma_wait3A_946 = arith.constant 5 : i32
    %dma_wait3A_947 = arith.constant 0 : i32
    %dma_wait3A_948 = arith.constant 0 : i32
    %dma_wait3A_949 = tpu.memref_slice %arg6[%dma_wait3A_945, %dma_wait3A_947, %dma_wait3A_948] : memref<8x128x32xf32, #tpu.memory_space<vmem>> -> memref<1x128x32xf32, #tpu.memory_space<vmem>>
    %dma_wait3A_950 = tpu.memref_squeeze %dma_wait3A_949 : memref<1x128x32xf32, #tpu.memory_space<vmem>> -> memref<128x32xf32, #tpu.memory_space<vmem>>
    %dma_wait3A_951 = arith.constant 0 : i32
    %dma_wait3A_952 = tpu.memref_slice %arg4[%add3A_944, %dma_wait3A_951] : memref<819200x32xf32, #tpu.memory_space<hbm>> -> memref<128x32xf32, #tpu.memory_space<hbm>>
    %dma_wait3A_953 = tpu.memref_slice %arg8[%dma_wait3A_946] : memref<8x!tpu.dma_semaphore, #tpu.memory_space<semaphore_mem>> -> memref<1x!tpu.dma_semaphore, #tpu.memory_space<semaphore_mem>>
    %dma_wait3A_954 = tpu.memref_squeeze %dma_wait3A_953 : memref<1x!tpu.dma_semaphore, #tpu.memory_space<semaphore_mem>> -> memref<!tpu.dma_semaphore, #tpu.memory_space<semaphore_mem>>
    %dma_wait3A_955 = arith.constant 0 : i32
    %dma_wait3A_956 = tpu.memref_slice %arg4[%add3A_944, %dma_wait3A_955] : memref<819200x32xf32, #tpu.memory_space<hbm>> -> memref<128x32xf32, #tpu.memory_space<hbm>>
    %dma_wait3A_957 = arith.constant 0 : i32
    %dma_wait3A_958 = arith.constant 0 : i32
    %dma_wait3A_959 = tpu.memref_slice %arg6[%dma_wait3A_945, %dma_wait3A_957, %dma_wait3A_958] : memref<8x128x32xf32, #tpu.memory_space<vmem>> -> memref<1x128x32xf32, #tpu.memory_space<vmem>>
    %dma_wait3A_960 = tpu.memref_squeeze %dma_wait3A_959 : memref<1x128x32xf32, #tpu.memory_space<vmem>> -> memref<128x32xf32, #tpu.memory_space<vmem>>
    tpu.wait_dma2 semaphore(%dma_wait3A_954 : memref<!tpu.dma_semaphore, #tpu.memory_space<semaphore_mem>>) src(%dma_wait3A_960 : memref<128x32xf32, #tpu.memory_space<vmem>>) dst(%dma_wait3A_956 : memref<128x32xf32, #tpu.memory_space<hbm>>)
    %add3A_961 = arith.constant 25344 : i32
    %add3A_962 = arith.addi %mul3A_2, %add3A_961 : i32
    %dma_wait3A_963 = arith.constant 6 : i32
    %dma_wait3A_964 = arith.constant 6 : i32
    %dma_wait3A_965 = arith.constant 0 : i32
    %dma_wait3A_966 = arith.constant 0 : i32
    %dma_wait3A_967 = tpu.memref_slice %arg6[%dma_wait3A_963, %dma_wait3A_965, %dma_wait3A_966] : memref<8x128x32xf32, #tpu.memory_space<vmem>> -> memref<1x128x32xf32, #tpu.memory_space<vmem>>
    %dma_wait3A_968 = tpu.memref_squeeze %dma_wait3A_967 : memref<1x128x32xf32, #tpu.memory_space<vmem>> -> memref<128x32xf32, #tpu.memory_space<vmem>>
    %dma_wait3A_969 = arith.constant 0 : i32
    %dma_wait3A_970 = tpu.memref_slice %arg4[%add3A_962, %dma_wait3A_969] : memref<819200x32xf32, #tpu.memory_space<hbm>> -> memref<128x32xf32, #tpu.memory_space<hbm>>
    %dma_wait3A_971 = tpu.memref_slice %arg8[%dma_wait3A_964] : memref<8x!tpu.dma_semaphore, #tpu.memory_space<semaphore_mem>> -> memref<1x!tpu.dma_semaphore, #tpu.memory_space<semaphore_mem>>
    %dma_wait3A_972 = tpu.memref_squeeze %dma_wait3A_971 : memref<1x!tpu.dma_semaphore, #tpu.memory_space<semaphore_mem>> -> memref<!tpu.dma_semaphore, #tpu.memory_space<semaphore_mem>>
    %dma_wait3A_973 = arith.constant 0 : i32
    %dma_wait3A_974 = tpu.memref_slice %arg4[%add3A_962, %dma_wait3A_973] : memref<819200x32xf32, #tpu.memory_space<hbm>> -> memref<128x32xf32, #tpu.memory_space<hbm>>
    %dma_wait3A_975 = arith.constant 0 : i32
    %dma_wait3A_976 = arith.constant 0 : i32
    %dma_wait3A_977 = tpu.memref_slice %arg6[%dma_wait3A_963, %dma_wait3A_975, %dma_wait3A_976] : memref<8x128x32xf32, #tpu.memory_space<vmem>> -> memref<1x128x32xf32, #tpu.memory_space<vmem>>
    %dma_wait3A_978 = tpu.memref_squeeze %dma_wait3A_977 : memref<1x128x32xf32, #tpu.memory_space<vmem>> -> memref<128x32xf32, #tpu.memory_space<vmem>>
    tpu.wait_dma2 semaphore(%dma_wait3A_972 : memref<!tpu.dma_semaphore, #tpu.memory_space<semaphore_mem>>) src(%dma_wait3A_978 : memref<128x32xf32, #tpu.memory_space<vmem>>) dst(%dma_wait3A_974 : memref<128x32xf32, #tpu.memory_space<hbm>>)
    %add3A_979 = arith.constant 25472 : i32
    %add3A_980 = arith.addi %mul3A_2, %add3A_979 : i32
    %dma_wait3A_981 = arith.constant 7 : i32
    %dma_wait3A_982 = arith.constant 7 : i32
    %dma_wait3A_983 = arith.constant 0 : i32
    %dma_wait3A_984 = arith.constant 0 : i32
    %dma_wait3A_985 = tpu.memref_slice %arg6[%dma_wait3A_981, %dma_wait3A_983, %dma_wait3A_984] : memref<8x128x32xf32, #tpu.memory_space<vmem>> -> memref<1x128x32xf32, #tpu.memory_space<vmem>>
    %dma_wait3A_986 = tpu.memref_squeeze %dma_wait3A_985 : memref<1x128x32xf32, #tpu.memory_space<vmem>> -> memref<128x32xf32, #tpu.memory_space<vmem>>
    %dma_wait3A_987 = arith.constant 0 : i32
    %dma_wait3A_988 = tpu.memref_slice %arg4[%add3A_980, %dma_wait3A_987] : memref<819200x32xf32, #tpu.memory_space<hbm>> -> memref<128x32xf32, #tpu.memory_space<hbm>>
    %dma_wait3A_989 = tpu.memref_slice %arg8[%dma_wait3A_982] : memref<8x!tpu.dma_semaphore, #tpu.memory_space<semaphore_mem>> -> memref<1x!tpu.dma_semaphore, #tpu.memory_space<semaphore_mem>>
    %dma_wait3A_990 = tpu.memref_squeeze %dma_wait3A_989 : memref<1x!tpu.dma_semaphore, #tpu.memory_space<semaphore_mem>> -> memref<!tpu.dma_semaphore, #tpu.memory_space<semaphore_mem>>
    %dma_wait3A_991 = arith.constant 0 : i32
    %dma_wait3A_992 = tpu.memref_slice %arg4[%add3A_980, %dma_wait3A_991] : memref<819200x32xf32, #tpu.memory_space<hbm>> -> memref<128x32xf32, #tpu.memory_space<hbm>>
    %dma_wait3A_993 = arith.constant 0 : i32
    %dma_wait3A_994 = arith.constant 0 : i32
    %dma_wait3A_995 = tpu.memref_slice %arg6[%dma_wait3A_981, %dma_wait3A_993, %dma_wait3A_994] : memref<8x128x32xf32, #tpu.memory_space<vmem>> -> memref<1x128x32xf32, #tpu.memory_space<vmem>>
    %dma_wait3A_996 = tpu.memref_squeeze %dma_wait3A_995 : memref<1x128x32xf32, #tpu.memory_space<vmem>> -> memref<128x32xf32, #tpu.memory_space<vmem>>
    tpu.wait_dma2 semaphore(%dma_wait3A_990 : memref<!tpu.dma_semaphore, #tpu.memory_space<semaphore_mem>>) src(%dma_wait3A_996 : memref<128x32xf32, #tpu.memory_space<vmem>>) dst(%dma_wait3A_992 : memref<128x32xf32, #tpu.memory_space<hbm>>)
    return
  }
}

</mosaic_0001>

<sc_bundles>
// kernel: kernel.4.cloned.1.call-start
scs
__scs_entry_jumppad:
0x0: {  	(pc) =	sbr.rel $0x88, $3  }
0x1: {  	(tag) =	ssettag $0x0;
	lr =	simm.s32 $0x1  }
0x2: {  	[smem:$0x3F9D] =	sst lr;
	_ =	strace $0xD0000000  }
0x3: {  	_ = 	snop  }
0x4: {  	_ = 	snop  }
0x5: {  	_ = 	snop  }
0x6: {  	_ = 	snop  }
0x7: {  	_ = 	snop  }
__scs_overlays_trampoline_lowered:
0x8: {  	[smem:$0x3FAC] =	sst s0  }
0x9: {  	[smem:$0x3FAD] =	sst s1  }
0xa: {  	[smem:$0x3FAE] =	sst s2  }
0xb: {  	[smem:$0x3FAF] =	sst s3  }
0xc: {  	[smem:$0x3FB0] =	sst s4  }
0xd: {  	[smem:$0x3FB1] =	sst s5  }
0xe: {  	[smem:$0x3FB2] =	sst s6  }
0xf: {  	[smem:$0x3FB3] =	sst s7  }
0x10: {  	[smem:$0x3FB4] =	sst s8  }
0x11: {  	[smem:$0x3FB5] =	sst s9;
	s0 =	simm.s32 @!p0 $0x0  }
0x12: {  	s1 =	sld [smem:$0x3F9B];
	s0 =	simm.s32 @p0 $0x1  }
0x13: {  	[smem:$0x3FB6] =	sst s0;
	s0 =	simm.s32 @!p1 $0x0  }
0x14: {  	s2 =	sld [smem:$0x3F9A];
	s0 =	simm.s32 @p1 $0x1  }
0x15: {  	[smem:$0x3FB7] =	sst s0;
	s0 =	simm.s32 @!p2 $0x0  }
0x16: {  	s3 =	sld [smem:$0x3FDB];
	s0 =	simm.s32 @p2 $0x1  }
0x17: {  	s4 =	simm.s32 $0x1BF5;
	[smem:$0x3FB9] =	sst s0  }
0x18: {  	s0 =	sld [smem:$0x3F9C];
	_ =	swait.ge [sflag:s4], $0x0  }
0x19: {  	s7 =	sld [smem:$0x3F9D]  }
0x1a: {  	s8 =	sadd.s32 $0xFFFFE003, lr  }
0x1b: {  	s9 =	sadd.s32 $0xFFFFFEF7, lr;
	s5 =	simm.s32 $0xFFFFFFFF;
	p2 =	slt.u32 s8, $0xFFFFF086  }
0x1c: {  	p1 =	slt.u32 s9, $0xF7A;
	s5 =	simm.s32 @!p2 $0x0  }
0x1d: {  	s5 =	simm.s32 @p1 $0x1;
	p0 =	seq.s32 s7, s2  }
0x1e: {  	s7 =	smul.u32 @!p0 $0xF7A, s2;
	p2 =	seq.s32 @!p0 s5, $0x0  }
0x1f: {  	s9 =	smul.u32 $0xF7A, s1;
	s8 =	simm.s32 @!p0 $0x1BF5;
	p2 =	por !p2, p0  }
0x20: {  	[sflag:s8] =	ssyncset.s32 @!p0 $0xFFFFF086;
	s6 =	sadd.s32 @!p0 s3, s7;
	s7 =	simm.s32 @!p0 $0x108  }
0x21: {  	s3 =	sadd.s32 s3, s9;
	s6 =	sadd.s32 @!p0 $0x88, s6;
	s7 =	simm.s32 @p2 $0x1082  }
0x22: {  	[simem:s7], [sflag:s8] =	dma.local @!p0 [hbm:s6], $0xF7A  }
0x23: {  	s9 =	sor.u32 $0xD0000000, s2;
	s6 =	simm.s32 $0x108;
	_ =	swait.ge @!p0 [sflag:s8], $0x0  }
0x24: {  	s3 =	sadd.s32 $0x88, s3;
	s6 =	simm.s32 @!p1 $0x1082;
	[sflag:s4] =	ssyncset.s32 $0xFFFFF086  }
0x25: {  	[simem:s6], [sflag:s4] =	dma.local [hbm:s3], $0xF7A  }
0x26: {  	[smem:$0x3F9D] =	sst s1;
	(tag) =	ssettag s2;
	_ =	strace s9  }
0x27: {  	s1 =	sld [smem:$0x3FAD]  }
0x28: {  	s2 =	sld [smem:$0x3FAE]  }
0x29: {  	s4 =	sld [smem:$0x3FB0]  }
0x2a: {  	p0 =	seq.s32 s5, $0x0;
	s5 =	sld [smem:$0x3FB1]  }
0x2b: {  	s6 =	sld [smem:$0x3FB2]  }
0x2c: {  	s7 =	sld [smem:$0x3FB3]  }
0x2d: {  	s3 =	simm.s32 $0x108;
	s8 =	sld [smem:$0x3FB4]  }
0x2e: {  	s3 =	simm.s32 @!p0 $0x1082;
	s9 =	sld [smem:$0x3FB5]  }
0x2f: {  	lr =	sadd.s32 s0, s3;
	s0 =	sld [smem:$0x3FAC]  }
0x30: {  	s3 =	sld [smem:$0x3FAF]  }
0x31: {  	[smem:$0x3FB8] =	sst s10  }
0x32: {  	s10 =	sld [smem:$0x3FB6];
	_ =	sdelay $0x3  }
0x33: {  	p0 =	seq.s32 s10, $0x1;
	s10 =	sld [smem:$0x3FB8];
	_ =	sdelay $0x3  }
0x34: {  	[smem:$0x3FB8] =	sst s10  }
0x35: {  	s10 =	sld [smem:$0x3FB7];
	_ =	sdelay $0x3  }
0x36: {  	p1 =	seq.s32 s10, $0x1;
	s10 =	sld [smem:$0x3FB8];
	_ =	sdelay $0x3  }
0x37: {  	[smem:$0x3FB8] =	sst s10  }
0x38: {  	s10 =	sld [smem:$0x3FB9]  }
0x39: {  	_ = 	snop;
	(pc) =	sbr.ind lr, $3  }
0x3a: {  	_ = 	snop  }
0x3b: {  	_ = 	snop  }
0x3c: {  	p2 =	seq.s32 s10, $0x1;
	s10 =	sld [smem:$0x3FB8]  }
0x3d: {  	_ =	shalt  }
0x3e: {  	_ =	shalt  }
0x3f: {  	_ =	shalt  }
0x40: {  	_ =	shalt  }
0x41: {  	_ =	shalt  }
0x42: {  	_ =	shalt  }
0x43: {  	_ =	shalt  }
0x44: {  	_ =	shalt  }
0x45: {  	_ =	shalt  }
0x46: {  	_ =	shalt  }
0x47: {  	_ =	shalt  }
0x48: {  	_ =	shalt  }
0x49: {  	_ =	shalt  }
0x4a: {  	_ =	shalt  }
0x4b: {  	_ =	shalt  }
0x4c: {  	_ =	shalt  }
0x4d: {  	_ =	shalt  }
0x4e: {  	_ =	shalt  }
0x4f: {  	_ =	shalt  }
0x50: {  	_ =	shalt  }
0x51: {  	_ =	shalt  }
0x52: {  	_ =	shalt  }
0x53: {  	_ =	shalt  }
0x54: {  	_ =	shalt  }
0x55: {  	_ =	shalt  }
0x56: {  	_ =	shalt  }
0x57: {  	_ =	shalt  }
0x58: {  	_ =	shalt  }
0x59: {  	_ =	shalt  }
0x5a: {  	_ =	shalt  }
0x5b: {  	_ =	shalt  }
0x5c: {  	_ =	shalt  }
0x5d: {  	_ =	shalt  }
0x5e: {  	_ =	shalt  }
0x5f: {  	_ =	shalt  }
0x60: {  	_ =	shalt  }
0x61: {  	_ =	shalt  }
0x62: {  	_ =	shalt  }
0x63: {  	_ =	shalt  }
0x64: {  	_ =	shalt  }
0x65: {  	_ =	shalt  }
0x66: {  	_ =	shalt  }
0x67: {  	_ =	shalt  }
0x68: {  	_ =	shalt  }
0x69: {  	_ =	shalt  }
0x6a: {  	_ =	shalt  }
0x6b: {  	_ =	shalt  }
0x6c: {  	_ =	shalt  }
0x6d: {  	_ =	shalt  }
0x6e: {  	_ =	shalt  }
0x6f: {  	_ =	shalt  }
0x70: {  	_ =	shalt  }
0x71: {  	_ =	shalt  }
0x72: {  	_ =	shalt  }
0x73: {  	_ =	shalt  }
0x74: {  	_ =	shalt  }
0x75: {  	_ =	shalt  }
0x76: {  	_ =	shalt  }
0x77: {  	_ =	shalt  }
0x78: {  	_ =	shalt  }
0x79: {  	_ =	shalt  }
0x7a: {  	_ =	shalt  }
0x7b: {  	_ =	shalt  }
0x7c: {  	_ =	shalt  }
0x7d: {  	_ =	shalt  }
0x7e: {  	_ =	shalt  }
0x7f: {  	_ =	shalt  }
0x80: {  	_ =	shalt  }
0x81: {  	_ =	shalt  }
0x82: {  	_ =	shalt  }
0x83: {  	_ =	shalt  }
0x84: {  	_ =	shalt  }
0x85: {  	_ =	shalt  }
0x86: {  	_ =	shalt  }
0x87: {  	_ =	shalt  }
.Lfunc_end0:
.L_simem_size_0:
called_computation.2_lowered:
.L_overlay_start_0:
0x88: {  	s2 =	sld [smem:$0x3FD9]  }
0x89: {  	s3 =	sld [smem:$0x3FFE];
	_ =	sdelay $0x1  }
0x8a: {  	s1 =	srdreg.scid  }
0x8b: {  	s0 =	sand.u32 $0x1, s1  }
0x8c: {  	s14 =	sshll.u32 s0, $0xA;
	s2 =	sadd.s32 s3, s2  }
0x8d: {  	s2 =	sadd.s32 s2, s14  }
0x8e: {  	[smem:$0x3FC4] =	sst s2  }
0x8f: {  	_ = 	snop  }
0x90: {  	s2 =	sld [smem:$0x3FD0];
	_ =	sdelay $0x2  }
0x91: {  	s15 =	simm.s32 $0xB;
	s4 =	simm.s32 $0x10  }
0x92: {  	[smem:s4], [sflag:s15] =	dma.local [hbm:s2], $0x1  }
0x93: {  	_ =	swait.eq [sflag:s15], $0x1  }
0x94: {  	[sflag:s15] =	ssyncset.done $0x0  }
0x95: {  	[sflag:s15] =	ssyncadd.s32 $0xFFFFFFFF  }
0x96: {  	s16 =	sld [smem:$0x10];
	(tm) =	ssettm $0x1  }
0x97: {  	s17 =	sld [smem:$0x3FFB];
	_ =	sdelay $0x3  }
0x98: {  	_ =	strace s17  }
0x99: {  	s3 =	sld [smem:$0x3FFC];
	_ =	sdelay $0x3  }
0x9a: {  	_ =	strace s3  }
0x9b: {  	s3 =	sld [smem:$0x3FFD];
	_ =	sdelay $0x3  }
0x9c: {  	_ =	strace s3  }
0x9d: {  	_ =	strace $0x8FFFFFFF  }
0x9e: {  	s18 =	sld [smem:$0x3FDB];
	_ =	sdelay $0x1  }
0x9f: {  	s19 =	simm.s32 $_scs_section_size  }
0xa0: {  	s5 =	simm.s32 $_size__tile_overlayer_lowered;
	s6 =	simm.s32 $_tile_overlayer_lowered  }
0xa1: {  	s22 =	simm.s32 $0x1BFF;
	s21 =	sshll.u32 s6, $0x1;
	s3 =	sadd.s32 s19, s18  }
0xa2: {  	s7 =	simm.s32 $0x0;
	s20 =	sshll.u32 s5, $0x1;
	s5 =	sadd.s32 s21, s3  }
0xa3: {  	[timem:s7], [sflag:s22] =	dma.local [hbm:s5], s20  }
0xa4: {  	_ =	swait.ge [sflag:s22], s20  }
0xa5: {  	s4 =	ssub.s32 $0x0, s20;
	[sflag:s22] =	ssyncset.done $0x0  }
0xa6: {  	[sflag:s22] =	ssyncadd.s32 s4;
	_ =	sdelay $0x1  }
0xa7: {  	s23 =	simm.s32 $0x1B8B  }
0xa8: {  	_ =	swait.ge [sflag:s23], $0x1  }
0xa9: {  	[sflag:s23] =	ssyncset.done $0x0  }
0xaa: {  	s25 =	simm.s32 $0x1B8E;
	s24 =	sld [smem:$0x3FFE];
	[sflag:s23] =	ssyncadd.s32 $0xFFFFFFFF  }
0xab: {  	s26 =	simm.s32 $execute0_lowered;
	[smem:$0x3FD2] =	sst s25  }
0xac: {  	s5 =	sshll.u32 s26, $0x1;
	_ =	strace $0x80000046;
	[dreg:$0x1] =	wrdreg $0xFFFFFFFF  }
0xad: {  	s28 =	simm.s32 $_size_execute0_lowered;
	s3 =	sadd.s32 s3, s5;
	[dreg:$0x0] =	wrdreg $0x0  }
0xae: {  	s5 =	sshll.u32 s28, $0x1;
	[dreg:$0x2] =	wrdreg s3  }
0xaf: {  	[dreg:$0x3] =	wrdreg s5  }
0xb0: {  	[dreg:$0x4] =	wrdreg $0xC0  }
0xb1: {  	_ =	task [dreg:s7], $0x5FFFF  }
0xb2: {  	[dreg:$0x1] =	wrdreg $0xFFFFFFFF  }
0xb3: {  	[dreg:$0x0] =	wrdreg $0x60  }
0xb4: {  	[dreg:$0x2] =	wrdreg s24  }
0xb5: {  	[dreg:$0x3] =	wrdreg s16  }
0xb6: {  	[dreg:$0x4] =	wrdreg $0x9  }
0xb7: {  	_ =	task.clear_ibuf [dreg:s7], $0x5FFFF;
	_ =	strace $0x90000046  }
0xb8: {  	s29 =	simm.s32 $0x9;
	_ =	strace $0x80000048  }
0xb9: {  	_ =	swait.ge [sflag:s29], $0x1  }
0xba: {  	[sflag:s29] =	ssyncadd.s32 $0xFFFFFFFF  }
0xbb: {  	_ =	strace $0x90000048  }
0xbc: {  	_ =	sfence  }
0xbd: {  	s30 =	sld [smem:$0x0];
	_ =	sdelay $0x2  }
0xbe: {  	s31 =	sshll.u32 s1, $0xD;
	s1 =	sshrl.u32 s1, $0x2  }
0xbf: {  	s3 =	sand.u32 $0x4000, s31;
	s1 =	sadd.s32 s1, s30  }
0xc0: {  	s0 =	sor.u32 s3, s0;
	s1 =	sshll.u32 s1, $0x11  }
0xc1: {  	s0 =	sor.u32 s1, s0  }
0xc2: {  	s0 =	sadd.s32 $0x8F2B, s0  }
0xc3: {  	[sflag:s0] =	ssyncadd.remote.s32 $0x1  }
0xc4: {  	_ =	sfence.sel $0xFFFF  }
0xc5: {  	[dreg:$0x0] =	wrdreg $0xFFFFFFFF;
	(pc) =	sbr.abs _section_cstart, $3  }
0xc6: {  	[dreg:$0x1] =	wrdreg $0xFFFFFFFF  }
0xc7: {  	_ =	task.clear_ibuf [dreg:s7], $0x2FFFF;
	_ =	strace $0x9FFFFFFF  }
0xc8: {  	(tm) =	ssettm $0x7FFFFFFF  }
0xc9: {  	_ =	shalt  }
tec
execute0_lowered:
.L_overlay_start_1:
0x0: {  	(tag) =	ssettag $0x1  }
0x1: {  	s0 =	srdreg.scid;
	s9 =	stileid.u32  }
0x2: {  	s0 =	sand.u32 $0x1, s0;
	s18 =	smul.u32 $0x190000, s9  }
0x3: {  	s2 =	sshll.u32 s9, $0x1;
	s10 =	smul.u32 $0x6400, s0  }
0x4: {  	s2 =	sor.u32 s0, s2;
	s5 =	ssub.s32 $0x2, s0;
	s0 =	smul.u32 $0xC8000, s0  }
0x5: {  	s1 =	rddreg [dreg:$0x0];
	s6 =	smul.u32 $0x19000, s2  }
0x6: {  	s26 =	rddreg [dreg:$0x1];
	s3 =	simm.s32 $0x0  }
0x7: {  	[smem:$0x7FF] =	sst s3;
	s0 =	sadd.s32 s0, s18;
	s23 =	sadd.s32 s26, s6  }
0x8: {  	_ =	strace $0x80000047;
	s0 =	sadd.s32 $0x8000, s0;
	[dreg:$0xa] =	wrdreg s23  }
0x9: {  	s31 =	simm.s32 $0xB400;
	s25 =	sadd.s32 $0x200, s23;
	[dreg:$0x1c] =	wrdreg s0  }
0xa: {  	s30 =	smul.u32 $0xC800, s9;
	s28 =	sadd.s32 $0x400, s23;
	[dreg:$0xc] =	wrdreg s25  }
0xb: {  	s4 =	smul.u32 $0x6400, s2;
	s29 =	sadd.s32 $0x600, s23;
	[dreg:$0xd] =	wrdreg s28  }
0xc: {  	s2 =	smul.u32 $0xC8000, s2;
	s6 =	sadd.s32 $0x800, s23;
	[dreg:$0xe] =	wrdreg s29  }
0xd: {  	s4 =	sshrl.u32 s4, $0x3;
	s11 =	sadd.s32 $0xA00, s23;
	[dreg:$0xf] =	wrdreg s6  }
0xe: {  	s2 =	sshrl.u32 s2, $0x3;
	s12 =	sadd.s32 $0xC00, s23;
	[dreg:$0x10] =	wrdreg s11  }
0xf: {  	s7 =	sadd.s32 s4, s1;
	s13 =	sadd.s32 $0xE00, s23;
	[dreg:$0x11] =	wrdreg s12  }
0x10: {  	s2 =	sadd.s32 s26, s2;
	s24 =	sadd.s32 $0x63000, s7;
	[dreg:$0x12] =	wrdreg s13  }
0x11: {  	s8 =	sshrl.u32 s5, $0x1;
	s14 =	sadd.s32 $0x18000, s2;
	[dreg:$0xb] =	wrdreg s24  }
0x12: {  	s18 =	simm.s32 $0xD;
	s15 =	sadd.s32 $0x18200, s2;
	[dreg:$0x13] =	wrdreg s14  }
0x13: {  	s4 =	sadd.s32 $0x1400, s1;
	s16 =	sadd.s32 $0x18400, s2;
	[dreg:$0x14] =	wrdreg s15  }
0x14: {  	s1 =	ssub.s32 s5, s8;
	s17 =	sadd.s32 $0x18600, s2;
	[dreg:$0x15] =	wrdreg s16  }
0x15: {  	s5 =	sadd.s32 s10, s30;
	s19 =	sadd.s32 $0x18800, s2;
	[dreg:$0x16] =	wrdreg s17  }
0x16: {  	s10 =	simm.s32 $0x9;
	s21 =	sadd.s32 $0x18A00, s2;
	[dreg:$0x17] =	wrdreg s19  }
0x17: {  	s0 =	simm.s32 $0x0;
	s1 =	smax.u32 s1, $0x1;
	[dreg:$0x18] =	wrdreg s21  }
0x18: {  	s5 =	sshll.u32 s5, $0x2;
	s24 =	sadd.s32 $0x18C00, s2;
	[dreg:$0x1b] =	wrdreg s1  }
0x19: {  	s5 =	sadd.s32 s26, s5;
	s2 =	sadd.s32 $0x18E00, s2;
	[dreg:$0x19] =	wrdreg s24  }
0x1a: {  	s11 =	simm.s32 $0x4;
	s20 =	sadd.s32 $0x1A00, s5;
	[dreg:$0x1a] =	wrdreg s2  }
0x1b: {  	s12 =	simm.s32 $0xA;
	s22 =	sadd.s32 $0x1800, s5;
	[dreg:$0x3] =	wrdreg s20  }
0x1c: {  	s13 =	simm.s32 $0x5;
	s23 =	sadd.s32 $0x1600, s5;
	[dreg:$0x4] =	wrdreg s22  }
0x1d: {  	s14 =	simm.s32 $0xB;
	s25 =	sadd.s32 $0x1400, s5;
	[dreg:$0x5] =	wrdreg s23  }
0x1e: {  	s15 =	simm.s32 $0x6;
	s28 =	sadd.s32 $0x1200, s5;
	[dreg:$0x6] =	wrdreg s25  }
0x1f: {  	s16 =	simm.s32 $0xC;
	s29 =	sadd.s32 $0x1E00, s5;
	[dreg:$0x7] =	wrdreg s28  }
0x20: {  	s17 =	simm.s32 $0x7;
	s30 =	sadd.s32 $0x1C00, s5;
	[dreg:$0x8] =	wrdreg s29  }
0x21: {  	s19 =	simm.s32 $0x8;
	s21 =	simm.s32 $0xF;
	[dreg:$0x9] =	wrdreg s30  }
0x22: {  	s25 =	simm.s32 $0x80;
	s20 =	simm.s32 $0xE;
	s22 =	simm.s32 $0x10  }
.LBB2_1:
0x23: {  	[dreg:$0x1d] =	wrdreg s0  }
0x24: {  	s2 =	rddreg [dreg:$0xb];
	s5 =	simm.s32 $0x11  }
0x25: {  	[tilespmem:s3], [sflag:$0x11] =	stream.linear.gather [hbm4b:s2+s3], $0x6400, $0x38;
	[tilespmem:$0xE400] =	vst v63  }
0x26: {  	_ =	swait.ge [sflag:s5], $0x6400  }
0x27: {  	[sflag:s5] =	ssyncset.done $0x0  }
0x28: {  	s23 =	simm.s32 $0x6400;
	[sflag:s5] =	ssyncadd.s32 $0xFFFF9C00  }
0x29: {  	[tilespmem:s23], [sflag:$0x1] =	stream.indirect.gather [hbm4b:s4+s25], $0x20, s3, s25, $0xb8;
	[tilespmem:$0xE400] =	vst v63  }
0x2a: {  	s1 =	simm.s32 $0x7400  }
0x2b: {  	[tilespmem:s1], [sflag:$0x2] =	stream.indirect.gather [hbm4b:s4+s25], $0x20, s25, s25, $0xb8;
	[tilespmem:$0xE400] =	vst v63  }
0x2c: {  	s6 =	simm.s32 $0x100;
	s24 =	simm.s32 $0x8400  }
0x2d: {  	[tilespmem:s24], [sflag:$0x3] =	stream.indirect.gather [hbm4b:s4+s25], $0x20, s6, s25, $0xb8;
	[tilespmem:$0xE400] =	vst v63  }
0x2e: {  	s7 =	simm.s32 $0x180;
	s28 =	simm.s32 $0x9400  }
0x2f: {  	[tilespmem:s28], [sflag:$0x4] =	stream.indirect.gather [hbm4b:s4+s25], $0x20, s7, s25, $0xb8;
	[tilespmem:$0xE400] =	vst v63  }
0x30: {  	s8 =	simm.s32 $0x200;
	s6 =	simm.s32 $0xA400  }
0x31: {  	[tilespmem:s6], [sflag:$0x5] =	stream.indirect.gather [hbm4b:s4+s25], $0x20, s8, s25, $0xb8;
	[tilespmem:$0xE400] =	vst v63  }
0x32: {  	s9 =	simm.s32 $0x280;
	s0 =	simm.s32 $0x1;
	s8 =	simm.s32 $0xB400  }
0x33: {  	[tilespmem:s8], [sflag:$0x6] =	stream.indirect.gather [hbm4b:s4+s25], $0x20, s9, s25, $0xb8;
	[tilespmem:$0xE400] =	vst v63  }
0x34: {  	_ =	swait.ge [sflag:s0], $0x1000  }
0x35: {  	[sflag:s0] =	ssyncset.done $0x0  }
0x36: {  	s29 =	rddreg [dreg:$0xa];
	[sflag:s0] =	ssyncadd.s32 $0xFFFFF000  }
0x37: {  	[hbm4b:s29+s3] =	stream.linear.scatter [tilespmem:s23], [sflag:$0x9], $0x1000, $0x38;
	[tilespmem:$0xE400] =	vst v63  }
0x38: {  	s30 =	simm.s32 $0x300;
	s7 =	simm.s32 $0x2;
	s29 =	simm.s32 $0xC400  }
0x39: {  	[tilespmem:s29], [sflag:$0x7] =	stream.indirect.gather [hbm4b:s4+s25], $0x20, s30, s25, $0xb8;
	[tilespmem:$0xE400] =	vst v63  }
0x3a: {  	_ =	swait.ge [sflag:s7], $0x1000  }
0x3b: {  	[sflag:s7] =	ssyncset.done $0x0  }
0x3c: {  	s5 =	rddreg [dreg:$0xc];
	[sflag:s7] =	ssyncadd.s32 $0xFFFFF000  }
0x3d: {  	[hbm4b:s5+s3] =	stream.linear.scatter [tilespmem:s1], [sflag:$0xA], $0x1000, $0x38;
	[tilespmem:$0xE400] =	vst v63  }
0x3e: {  	s9 =	simm.s32 $0x380;
	s30 =	simm.s32 $0xD400  }
0x3f: {  	[tilespmem:s30], [sflag:$0x8] =	stream.indirect.gather [hbm4b:s4+s25], $0x20, s9, s25, $0xb8;
	[tilespmem:$0xE400] =	vst v63  }
0x40: {  	s9 =	simm.s32 $0x3  }
0x41: {  	_ =	swait.ge [sflag:s9], $0x1000  }
0x42: {  	[sflag:s9] =	ssyncset.done $0x0  }
0x43: {  	s5 =	rddreg [dreg:$0xd];
	[sflag:s9] =	ssyncadd.s32 $0xFFFFF000  }
0x44: {  	[hbm4b:s5+s3] =	stream.linear.scatter [tilespmem:s24], [sflag:$0xB], $0x1000, $0x38;
	[tilespmem:$0xE400] =	vst v63  }
0x45: {  	_ =	swait.ge [sflag:s10], $0x1000  }
0x46: {  	[sflag:s10] =	ssyncset.done $0x0  }
0x47: {  	s5 =	simm.s32 $0x400;
	[sflag:s10] =	ssyncadd.s32 $0xFFFFF000  }
0x48: {  	[tilespmem:s23], [sflag:$0x1] =	stream.indirect.gather [hbm4b:s4+s25], $0x20, s5, s25, $0xb8;
	[tilespmem:$0xE400] =	vst v63  }
0x49: {  	_ =	swait.ge [sflag:s11], $0x1000  }
0x4a: {  	[sflag:s11] =	ssyncset.done $0x0  }
0x4b: {  	s5 =	rddreg [dreg:$0xe];
	[sflag:s11] =	ssyncadd.s32 $0xFFFFF000  }
0x4c: {  	[hbm4b:s5+s3] =	stream.linear.scatter [tilespmem:s28], [sflag:$0xC], $0x1000, $0x38;
	[tilespmem:$0xE400] =	vst v63  }
0x4d: {  	_ =	swait.ge [sflag:s12], $0x1000  }
0x4e: {  	[sflag:s12] =	ssyncset.done $0x0  }
0x4f: {  	s5 =	simm.s32 $0x480;
	[sflag:s12] =	ssyncadd.s32 $0xFFFFF000  }
0x50: {  	[tilespmem:s1], [sflag:$0x2] =	stream.indirect.gather [hbm4b:s4+s25], $0x20, s5, s25, $0xb8;
	[tilespmem:$0xE400] =	vst v63  }
0x51: {  	_ =	swait.ge [sflag:s13], $0x1000  }
0x52: {  	[sflag:s13] =	ssyncset.done $0x0  }
0x53: {  	s5 =	rddreg [dreg:$0xf];
	[sflag:s13] =	ssyncadd.s32 $0xFFFFF000  }
0x54: {  	[hbm4b:s5+s3] =	stream.linear.scatter [tilespmem:s6], [sflag:$0xD], $0x1000, $0x38;
	[tilespmem:$0xE400] =	vst v63  }
0x55: {  	_ =	swait.ge [sflag:s14], $0x1000  }
0x56: {  	[sflag:s14] =	ssyncset.done $0x0  }
0x57: {  	s5 =	simm.s32 $0x500;
	[sflag:s14] =	ssyncadd.s32 $0xFFFFF000  }
0x58: {  	[tilespmem:s24], [sflag:$0x3] =	stream.indirect.gather [hbm4b:s4+s25], $0x20, s5, s25, $0xb8;
	[tilespmem:$0xE400] =	vst v63  }
0x59: {  	_ =	swait.ge [sflag:s15], $0x1000  }
0x5a: {  	[sflag:s15] =	ssyncset.done $0x0  }
0x5b: {  	s5 =	rddreg [dreg:$0x10];
	[sflag:s15] =	ssyncadd.s32 $0xFFFFF000  }
0x5c: {  	[hbm4b:s5+s3] =	stream.linear.scatter [tilespmem:s8], [sflag:$0xE], $0x1000, $0x38;
	[tilespmem:$0xE400] =	vst v63  }
0x5d: {  	_ =	swait.ge [sflag:s16], $0x1000  }
0x5e: {  	[sflag:s16] =	ssyncset.done $0x0  }
0x5f: {  	s5 =	simm.s32 $0x580;
	[sflag:s16] =	ssyncadd.s32 $0xFFFFF000  }
0x60: {  	[tilespmem:s28], [sflag:$0x4] =	stream.indirect.gather [hbm4b:s4+s25], $0x20, s5, s25, $0xb8;
	[tilespmem:$0xE400] =	vst v63  }
0x61: {  	_ =	swait.ge [sflag:s17], $0x1000  }
0x62: {  	[sflag:s17] =	ssyncset.done $0x0  }
0x63: {  	s5 =	rddreg [dreg:$0x11];
	[sflag:s17] =	ssyncadd.s32 $0xFFFFF000  }
0x64: {  	[hbm4b:s5+s3] =	stream.linear.scatter [tilespmem:s29], [sflag:$0xF], $0x1000, $0x38;
	[tilespmem:$0xE400] =	vst v63  }
0x65: {  	_ =	swait.ge [sflag:s18], $0x1000  }
0x66: {  	[sflag:s18] =	ssyncset.done $0x0  }
0x67: {  	s5 =	simm.s32 $0x600;
	[sflag:s18] =	ssyncadd.s32 $0xFFFFF000  }
0x68: {  	[tilespmem:s6], [sflag:$0x5] =	stream.indirect.gather [hbm4b:s4+s25], $0x20, s5, s25, $0xb8;
	[tilespmem:$0xE400] =	vst v63  }
0x69: {  	_ =	swait.ge [sflag:s19], $0x1000  }
0x6a: {  	[sflag:s19] =	ssyncset.done $0x0  }
0x6b: {  	s5 =	rddreg [dreg:$0x12];
	[sflag:s19] =	ssyncadd.s32 $0xFFFFF000  }
0x6c: {  	[hbm4b:s5+s3] =	stream.linear.scatter [tilespmem:s30], [sflag:$0x10], $0x1000, $0x38;
	[tilespmem:$0xE400] =	vst v63  }
0x6d: {  	_ =	swait.ge [sflag:s20], $0x1000  }
0x6e: {  	[sflag:s20] =	ssyncset.done $0x0  }
0x6f: {  	s5 =	simm.s32 $0x680;
	[sflag:s20] =	ssyncadd.s32 $0xFFFFF000  }
0x70: {  	[tilespmem:s8], [sflag:$0x6] =	stream.indirect.gather [hbm4b:s4+s25], $0x20, s5, s25, $0xb8;
	[tilespmem:$0xE400] =	vst v63  }
0x71: {  	_ =	swait.ge [sflag:s0], $0x1000  }
0x72: {  	s5 =	rddreg [dreg:$0x1c]  }
0x73: {  	[sflag:s0] =	ssyncset.done $0x0;
	s2 =	sshrl.u32 s5, $0x3  }
0x74: {  	[sflag:s0] =	ssyncadd.s32 $0xFFFFF000;
	s2 =	sadd.s32 s26, s2  }
0x75: {  	[hbm4b:s2+s3] =	stream.linear.scatter [tilespmem:s23], [sflag:$0x9], $0x1000, $0x38;
	[tilespmem:$0xE400] =	vst v63  }
0x76: {  	_ =	swait.ge [sflag:s21], $0x1000  }
0x77: {  	[sflag:s21] =	ssyncset.done $0x0  }
0x78: {  	s0 =	simm.s32 $0x700;
	[sflag:s21] =	ssyncadd.s32 $0xFFFFF000  }
0x79: {  	[tilespmem:s29], [sflag:$0x7] =	stream.indirect.gather [hbm4b:s4+s25], $0x20, s0, s25, $0xb8;
	[tilespmem:$0xE400] =	vst v63  }
0x7a: {  	_ =	swait.ge [sflag:s7], $0x1000  }
0x7b: {  	s0 =	rddreg [dreg:$0x7];
	[sflag:s7] =	ssyncset.done $0x0  }
0x7c: {  	[sflag:s7] =	ssyncadd.s32 $0xFFFFF000;
	s2 =	sadd.s32 $0x0, s0  }
0x7d: {  	[hbm4b:s2+s3] =	stream.linear.scatter [tilespmem:s1], [sflag:$0xA], $0x1000, $0x38;
	[tilespmem:$0xE400] =	vst v63  }
0x7e: {  	_ =	swait.ge [sflag:s22], $0x1000  }
0x7f: {  	[sflag:s22] =	ssyncset.done $0x0  }
0x80: {  	s0 =	simm.s32 $0x780;
	[sflag:s22] =	ssyncadd.s32 $0xFFFFF000  }
0x81: {  	[tilespmem:s30], [sflag:$0x8] =	stream.indirect.gather [hbm4b:s4+s25], $0x20, s0, s25, $0xb8;
	[tilespmem:$0xE400] =	vst v63  }
0x82: {  	_ =	swait.ge [sflag:s9], $0x1000  }
0x83: {  	s7 =	rddreg [dreg:$0x6];
	[sflag:s9] =	ssyncset.done $0x0  }
0x84: {  	[sflag:s9] =	ssyncadd.s32 $0xFFFFF000;
	s2 =	sadd.s32 $0x0, s7  }
0x85: {  	[hbm4b:s2+s3] =	stream.linear.scatter [tilespmem:s24], [sflag:$0xB], $0x1000, $0x38;
	[tilespmem:$0xE400] =	vst v63  }
0x86: {  	_ =	swait.ge [sflag:s10], $0x1000  }
0x87: {  	[sflag:s10] =	ssyncset.done $0x0  }
0x88: {  	s9 =	simm.s32 $0x800;
	[sflag:s10] =	ssyncadd.s32 $0xFFFFF000  }
0x89: {  	[tilespmem:s23], [sflag:$0x1] =	stream.indirect.gather [hbm4b:s4+s25], $0x20, s9, s25, $0xb8;
	[tilespmem:$0xE400] =	vst v63  }
0x8a: {  	_ =	swait.ge [sflag:s11], $0x1000  }
0x8b: {  	s23 =	rddreg [dreg:$0x5];
	[sflag:s11] =	ssyncset.done $0x0  }
0x8c: {  	[sflag:s11] =	ssyncadd.s32 $0xFFFFF000;
	s2 =	sadd.s32 $0x0, s23  }
0x8d: {  	[hbm4b:s2+s3] =	stream.linear.scatter [tilespmem:s28], [sflag:$0xC], $0x1000, $0x38;
	[tilespmem:$0xE400] =	vst v63  }
0x8e: {  	_ =	swait.ge [sflag:s12], $0x1000  }
0x8f: {  	[sflag:s12] =	ssyncset.done $0x0  }
0x90: {  	s0 =	simm.s32 $0x880;
	[sflag:s12] =	ssyncadd.s32 $0xFFFFF000  }
0x91: {  	[tilespmem:s1], [sflag:$0x2] =	stream.indirect.gather [hbm4b:s4+s25], $0x20, s0, s25, $0xb8;
	[tilespmem:$0xE400] =	vst v63  }
0x92: {  	_ =	swait.ge [sflag:s13], $0x1000  }
0x93: {  	s1 =	rddreg [dreg:$0x4];
	[sflag:s13] =	ssyncset.done $0x0  }
0x94: {  	[sflag:s13] =	ssyncadd.s32 $0xFFFFF000;
	s2 =	sadd.s32 $0x0, s1  }
0x95: {  	[hbm4b:s2+s3] =	stream.linear.scatter [tilespmem:s6], [sflag:$0xD], $0x1000, $0x38;
	[tilespmem:$0xE400] =	vst v63  }
0x96: {  	_ =	swait.ge [sflag:s14], $0x1000  }
0x97: {  	[sflag:s14] =	ssyncset.done $0x0  }
0x98: {  	s7 =	simm.s32 $0x900;
	[sflag:s14] =	ssyncadd.s32 $0xFFFFF000  }
0x99: {  	[tilespmem:s24], [sflag:$0x3] =	stream.indirect.gather [hbm4b:s4+s25], $0x20, s7, s25, $0xb8;
	[tilespmem:$0xE400] =	vst v63  }
0x9a: {  	_ =	swait.ge [sflag:s15], $0x1000  }
0x9b: {  	s9 =	rddreg [dreg:$0x3];
	[sflag:s15] =	ssyncset.done $0x0  }
0x9c: {  	[sflag:s15] =	ssyncadd.s32 $0xFFFFF000;
	s2 =	sadd.s32 $0x0, s9  }
0x9d: {  	[hbm4b:s2+s3] =	stream.linear.scatter [tilespmem:s8], [sflag:$0xE], $0x1000, $0x38;
	[tilespmem:$0xE400] =	vst v63  }
0x9e: {  	_ =	swait.ge [sflag:s16], $0x1000  }
0x9f: {  	[sflag:s16] =	ssyncset.done $0x0  }
0xa0: {  	s23 =	simm.s32 $0x980;
	[sflag:s16] =	ssyncadd.s32 $0xFFFFF000  }
0xa1: {  	[tilespmem:s28], [sflag:$0x4] =	stream.indirect.gather [hbm4b:s4+s25], $0x20, s23, s25, $0xb8;
	[tilespmem:$0xE400] =	vst v63  }
0xa2: {  	_ =	swait.ge [sflag:s17], $0x1000  }
0xa3: {  	s24 =	rddreg [dreg:$0x9];
	[sflag:s17] =	ssyncset.done $0x0  }
0xa4: {  	[sflag:s17] =	ssyncadd.s32 $0xFFFFF000;
	s2 =	sadd.s32 $0x0, s24  }
0xa5: {  	[hbm4b:s2+s3] =	stream.linear.scatter [tilespmem:s29], [sflag:$0xF], $0x1000, $0x38;
	[tilespmem:$0xE400] =	vst v63  }
0xa6: {  	_ =	swait.ge [sflag:s18], $0x1000  }
0xa7: {  	[sflag:s18] =	ssyncset.done $0x0  }
0xa8: {  	s28 =	simm.s32 $0xA00;
	[sflag:s18] =	ssyncadd.s32 $0xFFFFF000  }
0xa9: {  	[tilespmem:s6], [sflag:$0x5] =	stream.indirect.gather [hbm4b:s4+s25], $0x20, s28, s25, $0xb8;
	[tilespmem:$0xE400] =	vst v63  }
0xaa: {  	_ =	swait.ge [sflag:s19], $0x1000  }
0xab: {  	s29 =	rddreg [dreg:$0x8];
	[sflag:s19] =	ssyncset.done $0x0  }
0xac: {  	[sflag:s19] =	ssyncadd.s32 $0xFFFFF000;
	s2 =	sadd.s32 $0x0, s29  }
0xad: {  	[hbm4b:s2+s3] =	stream.linear.scatter [tilespmem:s30], [sflag:$0x10], $0x1000, $0x38;
	[tilespmem:$0xE400] =	vst v63  }
0xae: {  	_ =	swait.ge [sflag:s20], $0x1000  }
0xaf: {  	s23 =	sadd.s32 $0x8000, s5;
	[sflag:s20] =	ssyncset.done $0x0  }
0xb0: {  	s24 =	simm.s32 $0x1000;
	s2 =	simm.s32 $0xA80;
	[sflag:s20] =	ssyncadd.s32 $0xFFFFF000  }
.LBB2_2:
0xb1: {  	[tilespmem:s31], [sflag:$0x6] =	stream.indirect.gather [hbm4b:s4+s25], $0x20, s2, s25, $0xb8;
	[tilespmem:$0xE400] =	vst v63  }
0xb2: {  	s0 =	simm.s32 $0x1  }
0xb3: {  	_ =	swait.ge [sflag:s0], $0x1000  }
0xb4: {  	s8 =	sshrl.u32 s23, $0x3;
	[sflag:s0] =	ssyncset.done $0x0  }
0xb5: {  	s1 =	simm.s32 $0x6400;
	s2 =	sadd.s32 s26, s8;
	[sflag:s0] =	ssyncadd.s32 $0xFFFFF000  }
0xb6: {  	[hbm4b:s2+s3] =	stream.linear.scatter [tilespmem:s1], [sflag:$0x9], $0x1000, $0x38;
	[tilespmem:$0xE400] =	vst v63  }
0xb7: {  	s5 =	smov.u32 s24;
	s28 =	smov.u32 s26;
	_ =	swait.ge [sflag:s21], $0x1000  }
0xb8: {  	s7 =	simm.s32 $0xC400;
	s2 =	sshra.s32 s5, $0x2;
	[sflag:s21] =	ssyncset.done $0x0  }
0xb9: {  	s26 =	simm.s32 $0x2;
	s9 =	sadd.s32 $0x700, s2;
	[sflag:s21] =	ssyncadd.s32 $0xFFFFF000  }
0xba: {  	[tilespmem:s7], [sflag:$0x7] =	stream.indirect.gather [hbm4b:s4+s25], $0x20, s9, s25, $0xb8;
	[tilespmem:$0xE400] =	vst v63  }
0xbb: {  	_ =	swait.ge [sflag:s26], $0x1000  }
0xbc: {  	s6 =	rddreg [dreg:$0x7];
	[sflag:s26] =	ssyncset.done $0x0  }
0xbd: {  	s29 =	simm.s32 $0x7400;
	[sflag:s26] =	ssyncadd.s32 $0xFFFFF000;
	s26 =	sadd.s32 s5, s6  }
0xbe: {  	[hbm4b:s26+s3] =	stream.linear.scatter [tilespmem:s29], [sflag:$0xA], $0x1000, $0x38;
	[tilespmem:$0xE400] =	vst v63  }
0xbf: {  	_ =	swait.ge [sflag:s22], $0x1000  }
0xc0: {  	s8 =	sadd.s32 $0x780, s2;
	[sflag:s22] =	ssyncset.done $0x0  }
0xc1: {  	s9 =	simm.s32 $0xD400;
	s26 =	simm.s32 $0x3;
	[sflag:s22] =	ssyncadd.s32 $0xFFFFF000  }
0xc2: {  	[tilespmem:s9], [sflag:$0x8] =	stream.indirect.gather [hbm4b:s4+s25], $0x20, s8, s25, $0xb8;
	[tilespmem:$0xE400] =	vst v63  }
0xc3: {  	_ =	swait.ge [sflag:s26], $0x1000  }
0xc4: {  	s6 =	rddreg [dreg:$0x6];
	[sflag:s26] =	ssyncset.done $0x0  }
0xc5: {  	s0 =	simm.s32 $0x8400;
	[sflag:s26] =	ssyncadd.s32 $0xFFFFF000;
	s26 =	sadd.s32 s5, s6  }
0xc6: {  	[hbm4b:s26+s3] =	stream.linear.scatter [tilespmem:s0], [sflag:$0xB], $0x1000, $0x38;
	[tilespmem:$0xE400] =	vst v63  }
0xc7: {  	_ =	swait.ge [sflag:s10], $0x1000  }
0xc8: {  	[sflag:s10] =	ssyncset.done $0x0  }
0xc9: {  	s8 =	sadd.s32 $0x800, s2;
	[sflag:s10] =	ssyncadd.s32 $0xFFFFF000  }
0xca: {  	[tilespmem:s1], [sflag:$0x1] =	stream.indirect.gather [hbm4b:s4+s25], $0x20, s8, s25, $0xb8;
	[tilespmem:$0xE400] =	vst v63  }
0xcb: {  	_ =	swait.ge [sflag:s11], $0x1000  }
0xcc: {  	s6 =	rddreg [dreg:$0x5];
	[sflag:s11] =	ssyncset.done $0x0  }
0xcd: {  	[sflag:s11] =	ssyncadd.s32 $0xFFFFF000;
	s26 =	sadd.s32 s5, s6;
	s6 =	simm.s32 $0x9400  }
0xce: {  	[hbm4b:s26+s3] =	stream.linear.scatter [tilespmem:s6], [sflag:$0xC], $0x1000, $0x38;
	[tilespmem:$0xE400] =	vst v63  }
0xcf: {  	_ =	swait.ge [sflag:s12], $0x1000  }
0xd0: {  	[sflag:s12] =	ssyncset.done $0x0  }
0xd1: {  	s8 =	sadd.s32 $0x880, s2;
	[sflag:s12] =	ssyncadd.s32 $0xFFFFF000  }
0xd2: {  	[tilespmem:s29], [sflag:$0x2] =	stream.indirect.gather [hbm4b:s4+s25], $0x20, s8, s25, $0xb8;
	[tilespmem:$0xE400] =	vst v63  }
0xd3: {  	_ =	swait.ge [sflag:s13], $0x1000  }
0xd4: {  	s8 =	rddreg [dreg:$0x4];
	[sflag:s13] =	ssyncset.done $0x0  }
0xd5: {  	[sflag:s13] =	ssyncadd.s32 $0xFFFFF000;
	s26 =	sadd.s32 s5, s8;
	s8 =	simm.s32 $0xA400  }
0xd6: {  	[hbm4b:s26+s3] =	stream.linear.scatter [tilespmem:s8], [sflag:$0xD], $0x1000, $0x38;
	[tilespmem:$0xE400] =	vst v63  }
0xd7: {  	_ =	swait.ge [sflag:s14], $0x1000  }
0xd8: {  	[sflag:s14] =	ssyncset.done $0x0  }
0xd9: {  	s26 =	sadd.s32 $0x900, s2;
	[sflag:s14] =	ssyncadd.s32 $0xFFFFF000  }
0xda: {  	[tilespmem:s0], [sflag:$0x3] =	stream.indirect.gather [hbm4b:s4+s25], $0x20, s26, s25, $0xb8;
	[tilespmem:$0xE400] =	vst v63  }
0xdb: {  	_ =	swait.ge [sflag:s15], $0x1000  }
0xdc: {  	s0 =	rddreg [dreg:$0x3];
	[sflag:s15] =	ssyncset.done $0x0  }
0xdd: {  	[sflag:s15] =	ssyncadd.s32 $0xFFFFF000;
	s26 =	sadd.s32 s5, s0  }
0xde: {  	[hbm4b:s26+s3] =	stream.linear.scatter [tilespmem:s31], [sflag:$0xE], $0x1000, $0x38;
	[tilespmem:$0xE400] =	vst v63  }
0xdf: {  	_ =	swait.ge [sflag:s16], $0x1000  }
0xe0: {  	[sflag:s16] =	ssyncset.done $0x0  }
0xe1: {  	s26 =	sadd.s32 $0x980, s2;
	[sflag:s16] =	ssyncadd.s32 $0xFFFFF000  }
0xe2: {  	[tilespmem:s6], [sflag:$0x4] =	stream.indirect.gather [hbm4b:s4+s25], $0x20, s26, s25, $0xb8;
	[tilespmem:$0xE400] =	vst v63  }
0xe3: {  	_ =	swait.ge [sflag:s17], $0x1000  }
0xe4: {  	s6 =	rddreg [dreg:$0x9];
	[sflag:s17] =	ssyncset.done $0x0  }
0xe5: {  	[sflag:s17] =	ssyncadd.s32 $0xFFFFF000;
	s26 =	sadd.s32 s5, s6  }
0xe6: {  	[hbm4b:s26+s3] =	stream.linear.scatter [tilespmem:s7], [sflag:$0xF], $0x1000, $0x38;
	[tilespmem:$0xE400] =	vst v63  }
0xe7: {  	_ =	swait.ge [sflag:s18], $0x1000  }
0xe8: {  	[sflag:s18] =	ssyncset.done $0x0  }
0xe9: {  	p0 =	sne.s32 s24, $0x16000;
	s7 =	sadd.s32 $0xA00, s2;
	[sflag:s18] =	ssyncadd.s32 $0xFFFFF000  }
0xea: {  	[tilespmem:s8], [sflag:$0x5] =	stream.indirect.gather [hbm4b:s4+s25], $0x20, s7, s25, $0xb8;
	[tilespmem:$0xE400] =	vst v63  }
0xeb: {  	s24 =	sadd.s32 $0x1000, s24;
	s30 =	simm.s32 $0x6400;
	_ =	swait.ge [sflag:s19], $0x1000  }
0xec: {  	s23 =	sadd.s32 $0x8000, s23;
	s8 =	rddreg [dreg:$0x8];
	[sflag:s19] =	ssyncset.done $0x0  }
.Ltmp0:
0xed: {  	[sflag:s19] =	ssyncadd.s32 $0xFFFFF000;
	s5 =	sadd.s32 s5, s8;
	(pc) =	sbr.rel @p0 .LBB2_2-.Ltmp0, $4  }
0xee: {  	[hbm4b:s5+s3] =	stream.linear.scatter [tilespmem:s9], [sflag:$0x10], $0x1000, $0x38;
	[tilespmem:$0xE400] =	vst v63  }
0xef: {  	s1 =	simm.s32 $0x7400;
	s29 =	simm.s32 $0x8400;
	_ =	swait.ge [sflag:s20], $0x1000  }
0xf0: {  	s0 =	simm.s32 $0x9400;
	s6 =	simm.s32 $0xA400;
	[sflag:s20] =	ssyncset.done $0x0  }
0xf1: {  	s26 =	smov.u32 s28;
	s2 =	sadd.s32 $0xA80, s2;
	[sflag:s20] =	ssyncadd.s32 $0xFFFFF000  }
0xf2: {  	s5 =	simm.s32 $0xB400;
	s28 =	simm.s32 $0x1  }
0xf3: {  	[tilespmem:s5], [sflag:$0x6] =	stream.indirect.gather [hbm4b:s4+s25], $0x20, s2, s25, $0xb8;
	[tilespmem:$0xE400] =	vst v63  }
0xf4: {  	_ =	swait.ge [sflag:s28], $0x1000  }
0xf5: {  	[sflag:s28] =	ssyncset.done $0x0  }
0xf6: {  	s7 =	rddreg [dreg:$0x13];
	[sflag:s28] =	ssyncadd.s32 $0xFFFFF000  }
0xf7: {  	[hbm4b:s7+s3] =	stream.linear.scatter [tilespmem:s30], [sflag:$0x9], $0x1000, $0x38;
	[tilespmem:$0xE400] =	vst v63  }
0xf8: {  	_ =	swait.ge [sflag:s21], $0x1000  }
0xf9: {  	s8 =	simm.s32 $0x6300;
	[sflag:s21] =	ssyncset.done $0x0  }
0xfa: {  	s9 =	simm.s32 $0x2;
	s7 =	simm.s32 $0xC400;
	[sflag:s21] =	ssyncadd.s32 $0xFFFFF000  }
0xfb: {  	[tilespmem:s7], [sflag:$0x7] =	stream.indirect.gather [hbm4b:s4+s25], $0x20, s8, s25, $0xb8;
	[tilespmem:$0xE400] =	vst v63  }
0xfc: {  	_ =	swait.ge [sflag:s9], $0x1000  }
0xfd: {  	[sflag:s9] =	ssyncset.done $0x0  }
0xfe: {  	s23 =	rddreg [dreg:$0x14];
	[sflag:s9] =	ssyncadd.s32 $0xFFFFF000  }
0xff: {  	[hbm4b:s23+s3] =	stream.linear.scatter [tilespmem:s1], [sflag:$0xA], $0x1000, $0x38;
	[tilespmem:$0xE400] =	vst v63  }
0x100: {  	_ =	swait.ge [sflag:s22], $0x1000  }
0x101: {  	s24 =	simm.s32 $0x6380;
	[sflag:s22] =	ssyncset.done $0x0  }
0x102: {  	s28 =	simm.s32 $0x3;
	s1 =	simm.s32 $0xD400;
	[sflag:s22] =	ssyncadd.s32 $0xFFFFF000  }
0x103: {  	[tilespmem:s1], [sflag:$0x8] =	stream.indirect.gather [hbm4b:s4+s25], $0x20, s24, s25, $0xb8;
	[tilespmem:$0xE400] =	vst v63  }
0x104: {  	_ =	swait.ge [sflag:s28], $0x1000  }
0x105: {  	[sflag:s28] =	ssyncset.done $0x0  }
0x106: {  	s30 =	rddreg [dreg:$0x15];
	[sflag:s28] =	ssyncadd.s32 $0xFFFFF000  }
0x107: {  	[hbm4b:s30+s3] =	stream.linear.scatter [tilespmem:s29], [sflag:$0xB], $0x1000, $0x38;
	[tilespmem:$0xE400] =	vst v63  }
0x108: {  	_ =	swait.ge [sflag:s11], $0x1000  }
0x109: {  	[sflag:s11] =	ssyncset.done $0x0  }
0x10a: {  	s8 =	rddreg [dreg:$0x16];
	[sflag:s11] =	ssyncadd.s32 $0xFFFFF000  }
0x10b: {  	[hbm4b:s8+s3] =	stream.linear.scatter [tilespmem:s0], [sflag:$0xC], $0x1000, $0x38;
	[tilespmem:$0xE400] =	vst v63  }
0x10c: {  	_ =	swait.ge [sflag:s13], $0x1000  }
0x10d: {  	[sflag:s13] =	ssyncset.done $0x0  }
0x10e: {  	s9 =	rddreg [dreg:$0x17];
	[sflag:s13] =	ssyncadd.s32 $0xFFFFF000  }
0x10f: {  	[hbm4b:s9+s3] =	stream.linear.scatter [tilespmem:s6], [sflag:$0xD], $0x1000, $0x38;
	[tilespmem:$0xE400] =	vst v63  }
0x110: {  	_ =	swait.ge [sflag:s15], $0x1000  }
0x111: {  	[sflag:s15] =	ssyncset.done $0x0  }
0x112: {  	s23 =	rddreg [dreg:$0x18];
	[sflag:s15] =	ssyncadd.s32 $0xFFFFF000  }
0x113: {  	[hbm4b:s23+s3] =	stream.linear.scatter [tilespmem:s5], [sflag:$0xE], $0x1000, $0x38;
	[tilespmem:$0xE400] =	vst v63  }
0x114: {  	_ =	swait.ge [sflag:s17], $0x1000  }
0x115: {  	[sflag:s17] =	ssyncset.done $0x0  }
0x116: {  	s24 =	rddreg [dreg:$0x19];
	[sflag:s17] =	ssyncadd.s32 $0xFFFFF000  }
0x117: {  	[hbm4b:s24+s3] =	stream.linear.scatter [tilespmem:s7], [sflag:$0xF], $0x1000, $0x38;
	[tilespmem:$0xE400] =	vst v63  }
0x118: {  	_ =	swait.ge [sflag:s19], $0x1000  }
0x119: {  	[sflag:s19] =	ssyncset.done $0x0  }
0x11a: {  	s28 =	rddreg [dreg:$0x1a];
	[sflag:s19] =	ssyncadd.s32 $0xFFFFF000  }
0x11b: {  	[hbm4b:s28+s3] =	stream.linear.scatter [tilespmem:s1], [sflag:$0x10], $0x1000, $0x38;
	[tilespmem:$0xE400] =	vst v63  }
0x11c: {  	_ =	swait.ge [sflag:s10], $0x1000  }
0x11d: {  	[sflag:s10] =	ssyncset.done $0x0  }
0x11e: {  	[sflag:s10] =	ssyncadd.s32 $0xFFFFF000  }
0x11f: {  	_ =	swait.ge [sflag:s12], $0x1000  }
0x120: {  	[sflag:s12] =	ssyncset.done $0x0  }
0x121: {  	[sflag:s12] =	ssyncadd.s32 $0xFFFFF000  }
0x122: {  	_ =	swait.ge [sflag:s14], $0x1000  }
0x123: {  	[sflag:s14] =	ssyncset.done $0x0  }
0x124: {  	[sflag:s14] =	ssyncadd.s32 $0xFFFFF000  }
0x125: {  	_ =	swait.ge [sflag:s16], $0x1000  }
0x126: {  	[sflag:s16] =	ssyncset.done $0x0  }
0x127: {  	[sflag:s16] =	ssyncadd.s32 $0xFFFFF000  }
0x128: {  	_ =	swait.ge [sflag:s18], $0x1000  }
0x129: {  	[sflag:s18] =	ssyncset.done $0x0  }
0x12a: {  	[sflag:s18] =	ssyncadd.s32 $0xFFFFF000  }
0x12b: {  	_ =	swait.ge [sflag:s20], $0x1000  }
0x12c: {  	[sflag:s20] =	ssyncset.done $0x0  }
0x12d: {  	[sflag:s20] =	ssyncadd.s32 $0xFFFFF000  }
0x12e: {  	_ =	swait.ge [sflag:s21], $0x1000  }
0x12f: {  	[sflag:s21] =	ssyncset.done $0x0  }
0x130: {  	[sflag:s21] =	ssyncadd.s32 $0xFFFFF000  }
0x131: {  	_ =	swait.ge [sflag:s22], $0x1000  }
0x132: {  	s29 =	rddreg [dreg:$0x1d]  }
0x133: {  	s30 =	rddreg [dreg:$0x1b];
	s0 =	sadd.s32 $0x1, s29  }
0x134: {  	p0 =	sne.s32 s0, s30  }
.Ltmp1:
0x135: {  	_ = 	snop;
	(pc) =	sbr.rel @p0 .LBB2_1-.Ltmp1, $3  }
0x136: {  	_ =	sdelay $0x1  }
0x137: {  	[sflag:s22] =	ssyncset.done $0x0  }
0x138: {  	[sflag:s22] =	ssyncadd.s32 $0xFFFFF000  }
0x139: {  	_ =	sfence.sel $0x180000  }
0x13a: {  	[bflag:$0x0] =	sbarrier.arrive $0xFFFF  }
0x13b: {  	_ =	strace $0x90000047  }
0x13c: {  	s0 =	stileid.u32;
	[bflag:$0x2] =	sbarrier.arrive $0xFFFF  }
0x13d: {  	p0 =	sne.s32 s0, $0x0;
	s0 =	rddreg [dreg:$0x2]  }
0x13e: {  	s0 =	sadd.s32 @!p0 $0x100000, s0  }
0x13f: {  	[sflag:s0] =	ssyncadd.tile.s32 @!p0 $0x1;
	_ =	shalt  }
.Lfunc_end2:
_tile_overlayer_lowered:
.L_overlay_start_2:
0x140: {  	(tag) =	ssettag $0x2  }
0x141: {  	s0 =	rddreg [dreg:$0x0];
	s2 =	stileid.u32  }
0x142: {  	s1 =	rddreg [dreg:$0x1];
	p0 =	sne.s32 s2, $0x0  }
0x143: {  	s3 =	rddreg [dreg:$0x2];
	[bflag:$0x3] =	sbarrier.arrive $0xFFFF;
	s2 =	simm.s32 @!p0 $0x1C11  }
0x144: {  	[timem:s3], [sflag:s2] =	dma.local @!p0 [hbm:s0], s1  }
0x145: {  	s0 =	simm.s32 @!p0 $0x11  }
0x146: {  	_ =	swait.ge @!p0 [sflag:s0], s1  }
0x147: {  	s1 =	ssub.s32 @!p0 $0x0, s1;
	[sflag:s0] =	ssyncset.done @!p0 $0x0  }
0x148: {  	[sflag:s0] =	ssyncadd.s32 @!p0 s1  }
0x149: {  	[bflag:$0x3] =	sbarrier.arrive $0xFFFF  }
0x14a: {  	_ =	shalt  }

// kernel: kernel.7.cloned.1.call-start
scs
__scs_entry_jumppad:
0x0: {  	(pc) =	sbr.rel $0x88, $3  }
0x1: {  	(tag) =	ssettag $0x0;
	lr =	simm.s32 $0x1  }
0x2: {  	[smem:$0x3F9D] =	sst lr;
	_ =	strace $0xD0000000  }
0x3: {  	_ = 	snop  }
0x4: {  	_ = 	snop  }
0x5: {  	_ = 	snop  }
0x6: {  	_ = 	snop  }
0x7: {  	_ = 	snop  }
__scs_overlays_trampoline_lowered:
0x8: {  	[smem:$0x3FAC] =	sst s0  }
0x9: {  	[smem:$0x3FAD] =	sst s1  }
0xa: {  	[smem:$0x3FAE] =	sst s2  }
0xb: {  	[smem:$0x3FAF] =	sst s3  }
0xc: {  	[smem:$0x3FB0] =	sst s4  }
0xd: {  	[smem:$0x3FB1] =	sst s5  }
0xe: {  	[smem:$0x3FB2] =	sst s6  }
0xf: {  	[smem:$0x3FB3] =	sst s7  }
0x10: {  	[smem:$0x3FB4] =	sst s8  }
0x11: {  	[smem:$0x3FB5] =	sst s9;
	s0 =	simm.s32 @!p0 $0x0  }
0x12: {  	s1 =	sld [smem:$0x3F9B];
	s0 =	simm.s32 @p0 $0x1  }
0x13: {  	[smem:$0x3FB6] =	sst s0;
	s0 =	simm.s32 @!p1 $0x0  }
0x14: {  	s2 =	sld [smem:$0x3F9A];
	s0 =	simm.s32 @p1 $0x1  }
0x15: {  	[smem:$0x3FB7] =	sst s0;
	s0 =	simm.s32 @!p2 $0x0  }
0x16: {  	s3 =	sld [smem:$0x3FDB];
	s0 =	simm.s32 @p2 $0x1  }
0x17: {  	s4 =	simm.s32 $0x1BF5;
	[smem:$0x3FB9] =	sst s0  }
0x18: {  	s0 =	sld [smem:$0x3F9C];
	_ =	swait.ge [sflag:s4], $0x0  }
0x19: {  	s7 =	sld [smem:$0x3F9D]  }
0x1a: {  	s8 =	sadd.s32 $0xFFFFE003, lr  }
0x1b: {  	s9 =	sadd.s32 $0xFFFFFEF7, lr;
	s5 =	simm.s32 $0xFFFFFFFF;
	p2 =	slt.u32 s8, $0xFFFFF086  }
0x1c: {  	p1 =	slt.u32 s9, $0xF7A;
	s5 =	simm.s32 @!p2 $0x0  }
0x1d: {  	s5 =	simm.s32 @p1 $0x1;
	p0 =	seq.s32 s7, s2  }
0x1e: {  	s7 =	smul.u32 @!p0 $0xF7A, s2;
	p2 =	seq.s32 @!p0 s5, $0x0  }
0x1f: {  	s9 =	smul.u32 $0xF7A, s1;
	s8 =	simm.s32 @!p0 $0x1BF5;
	p2 =	por !p2, p0  }
0x20: {  	[sflag:s8] =	ssyncset.s32 @!p0 $0xFFFFF086;
	s6 =	sadd.s32 @!p0 s3, s7;
	s7 =	simm.s32 @!p0 $0x108  }
0x21: {  	s3 =	sadd.s32 s3, s9;
	s6 =	sadd.s32 @!p0 $0x88, s6;
	s7 =	simm.s32 @p2 $0x1082  }
0x22: {  	[simem:s7], [sflag:s8] =	dma.local @!p0 [hbm:s6], $0xF7A  }
0x23: {  	s9 =	sor.u32 $0xD0000000, s2;
	s6 =	simm.s32 $0x108;
	_ =	swait.ge @!p0 [sflag:s8], $0x0  }
0x24: {  	s3 =	sadd.s32 $0x88, s3;
	s6 =	simm.s32 @!p1 $0x1082;
	[sflag:s4] =	ssyncset.s32 $0xFFFFF086  }
0x25: {  	[simem:s6], [sflag:s4] =	dma.local [hbm:s3], $0xF7A  }
0x26: {  	[smem:$0x3F9D] =	sst s1;
	(tag) =	ssettag s2;
	_ =	strace s9  }
0x27: {  	s1 =	sld [smem:$0x3FAD]  }
0x28: {  	s2 =	sld [smem:$0x3FAE]  }
0x29: {  	s4 =	sld [smem:$0x3FB0]  }
0x2a: {  	p0 =	seq.s32 s5, $0x0;
	s5 =	sld [smem:$0x3FB1]  }
0x2b: {  	s6 =	sld [smem:$0x3FB2]  }
0x2c: {  	s7 =	sld [smem:$0x3FB3]  }
0x2d: {  	s3 =	simm.s32 $0x108;
	s8 =	sld [smem:$0x3FB4]  }
0x2e: {  	s3 =	simm.s32 @!p0 $0x1082;
	s9 =	sld [smem:$0x3FB5]  }
0x2f: {  	lr =	sadd.s32 s0, s3;
	s0 =	sld [smem:$0x3FAC]  }
0x30: {  	s3 =	sld [smem:$0x3FAF]  }
0x31: {  	[smem:$0x3FB8] =	sst s10  }
0x32: {  	s10 =	sld [smem:$0x3FB6];
	_ =	sdelay $0x3  }
0x33: {  	p0 =	seq.s32 s10, $0x1;
	s10 =	sld [smem:$0x3FB8];
	_ =	sdelay $0x3  }
0x34: {  	[smem:$0x3FB8] =	sst s10  }
0x35: {  	s10 =	sld [smem:$0x3FB7];
	_ =	sdelay $0x3  }
0x36: {  	p1 =	seq.s32 s10, $0x1;
	s10 =	sld [smem:$0x3FB8];
	_ =	sdelay $0x3  }
0x37: {  	[smem:$0x3FB8] =	sst s10  }
0x38: {  	s10 =	sld [smem:$0x3FB9]  }
0x39: {  	_ = 	snop;
	(pc) =	sbr.ind lr, $3  }
0x3a: {  	_ = 	snop  }
0x3b: {  	_ = 	snop  }
0x3c: {  	p2 =	seq.s32 s10, $0x1;
	s10 =	sld [smem:$0x3FB8]  }
0x3d: {  	_ =	shalt  }
0x3e: {  	_ =	shalt  }
0x3f: {  	_ =	shalt  }
0x40: {  	_ =	shalt  }
0x41: {  	_ =	shalt  }
0x42: {  	_ =	shalt  }
0x43: {  	_ =	shalt  }
0x44: {  	_ =	shalt  }
0x45: {  	_ =	shalt  }
0x46: {  	_ =	shalt  }
0x47: {  	_ =	shalt  }
0x48: {  	_ =	shalt  }
0x49: {  	_ =	shalt  }
0x4a: {  	_ =	shalt  }
0x4b: {  	_ =	shalt  }
0x4c: {  	_ =	shalt  }
0x4d: {  	_ =	shalt  }
0x4e: {  	_ =	shalt  }
0x4f: {  	_ =	shalt  }
0x50: {  	_ =	shalt  }
0x51: {  	_ =	shalt  }
0x52: {  	_ =	shalt  }
0x53: {  	_ =	shalt  }
0x54: {  	_ =	shalt  }
0x55: {  	_ =	shalt  }
0x56: {  	_ =	shalt  }
0x57: {  	_ =	shalt  }
0x58: {  	_ =	shalt  }
0x59: {  	_ =	shalt  }
0x5a: {  	_ =	shalt  }
0x5b: {  	_ =	shalt  }
0x5c: {  	_ =	shalt  }
0x5d: {  	_ =	shalt  }
0x5e: {  	_ =	shalt  }
0x5f: {  	_ =	shalt  }
0x60: {  	_ =	shalt  }
0x61: {  	_ =	shalt  }
0x62: {  	_ =	shalt  }
0x63: {  	_ =	shalt  }
0x64: {  	_ =	shalt  }
0x65: {  	_ =	shalt  }
0x66: {  	_ =	shalt  }
0x67: {  	_ =	shalt  }
0x68: {  	_ =	shalt  }
0x69: {  	_ =	shalt  }
0x6a: {  	_ =	shalt  }
0x6b: {  	_ =	shalt  }
0x6c: {  	_ =	shalt  }
0x6d: {  	_ =	shalt  }
0x6e: {  	_ =	shalt  }
0x6f: {  	_ =	shalt  }
0x70: {  	_ =	shalt  }
0x71: {  	_ =	shalt  }
0x72: {  	_ =	shalt  }
0x73: {  	_ =	shalt  }
0x74: {  	_ =	shalt  }
0x75: {  	_ =	shalt  }
0x76: {  	_ =	shalt  }
0x77: {  	_ =	shalt  }
0x78: {  	_ =	shalt  }
0x79: {  	_ =	shalt  }
0x7a: {  	_ =	shalt  }
0x7b: {  	_ =	shalt  }
0x7c: {  	_ =	shalt  }
0x7d: {  	_ =	shalt  }
0x7e: {  	_ =	shalt  }
0x7f: {  	_ =	shalt  }
0x80: {  	_ =	shalt  }
0x81: {  	_ =	shalt  }
0x82: {  	_ =	shalt  }
0x83: {  	_ =	shalt  }
0x84: {  	_ =	shalt  }
0x85: {  	_ =	shalt  }
0x86: {  	_ =	shalt  }
0x87: {  	_ =	shalt  }
.Lfunc_end0:
.L_simem_size_0:
called_computation.3_lowered:
.L_overlay_start_0:
0x88: {  	s2 =	sld [smem:$0x3FD9]  }
0x89: {  	s3 =	sld [smem:$0x3FFE];
	_ =	sdelay $0x1  }
0x8a: {  	s1 =	srdreg.scid  }
0x8b: {  	s0 =	sand.u32 $0x1, s1  }
0x8c: {  	s15 =	sshll.u32 s0, $0xA;
	s2 =	sadd.s32 s3, s2  }
0x8d: {  	s2 =	sadd.s32 s2, s15  }
0x8e: {  	[smem:$0x3FC4] =	sst s2  }
0x8f: {  	_ = 	snop  }
0x90: {  	s2 =	sld [smem:$0x3FD0];
	_ =	sdelay $0x2  }
0x91: {  	s16 =	simm.s32 $0xB;
	s4 =	simm.s32 $0x10  }
0x92: {  	[smem:s4], [sflag:s16] =	dma.local [hbm:s2], $0x1  }
0x93: {  	_ =	swait.eq [sflag:s16], $0x1  }
0x94: {  	[sflag:s16] =	ssyncset.done $0x0  }
0x95: {  	[sflag:s16] =	ssyncadd.s32 $0xFFFFFFFF  }
0x96: {  	s17 =	sld [smem:$0x11];
	(tm) =	ssettm $0x1  }
0x97: {  	s18 =	sld [smem:$0x3FFB];
	_ =	sdelay $0x3  }
0x98: {  	_ =	strace s18  }
0x99: {  	s2 =	sld [smem:$0x3FFC];
	_ =	sdelay $0x3  }
0x9a: {  	_ =	strace s2  }
0x9b: {  	s2 =	sld [smem:$0x3FFD];
	_ =	sdelay $0x3  }
0x9c: {  	_ =	strace s2  }
0x9d: {  	_ =	strace $0x8FFFFFFF  }
0x9e: {  	s19 =	sld [smem:$0x3FDB];
	_ =	sdelay $0x1  }
0x9f: {  	s20 =	simm.s32 $_scs_section_size  }
0xa0: {  	s5 =	simm.s32 $_size__tile_overlayer_lowered;
	s6 =	simm.s32 $_tile_overlayer_lowered  }
0xa1: {  	s7 =	simm.s32 $0x1BFF;
	s21 =	sshll.u32 s6, $0x1;
	s4 =	sadd.s32 s20, s19  }
0xa2: {  	s22 =	simm.s32 $0x0;
	s5 =	sshll.u32 s5, $0x1;
	s6 =	sadd.s32 s21, s4  }
0xa3: {  	[timem:s22], [sflag:s7] =	dma.local [hbm:s6], s5  }
0xa4: {  	_ =	swait.ge [sflag:s7], s5  }
0xa5: {  	s5 =	ssub.s32 $0x0, s5;
	[sflag:s7] =	ssyncset.done $0x0  }
0xa6: {  	[sflag:s7] =	ssyncadd.s32 s5;
	_ =	sdelay $0x1  }
0xa7: {  	s23 =	simm.s32 $0x1B8B  }
0xa8: {  	_ =	swait.ge [sflag:s23], $0x1  }
0xa9: {  	[sflag:s23] =	ssyncset.done $0x0  }
0xaa: {  	[sflag:s23] =	ssyncadd.s32 $0xFFFFFFFF  }
0xab: {  	s5 =	sld [smem:$0x0]  }
0xac: {  	s6 =	sand.u32 $0xFFFFFFFE, s1  }
0xad: {  	p0 =	sne.s32 s1, s6  }
0xae: {  	s6 =	sshll.u32 @p0 s6, $0xE  }
0xaf: {  	s6 =	sadd.s32 @p0 $0x11B8D, s6;
	s7 =	sshll.u32 @p0 s5, $0x11  }
0xb0: {  	s6 =	sor.u32 @p0 s7, s6  }
0xb1: {  	[sflag:s6] =	ssyncadd.remote.s32 @p0 $0x1;
	_ =	sdelay $0x1  }
0xb2: {  	s6 =	simm.s32 @p0 $0x1B8D  }
0xb3: {  	_ =	swait.eq @p0 [sflag:s6], $0x1  }
0xb4: {  	[sflag:s6] =	ssyncadd.s32 @p0 $0xFFFFFFFF  }
0xb5: {  	s7 =	sshll.u32 @!p0 s1, $0xE  }
0xb6: {  	s7 =	sor.u32 @!p0 $0x4000, s7;
	s6 =	simm.s32 @!p0 $0x1B8D  }
0xb7: {  	s5 =	sshll.u32 @!p0 s5, $0x11;
	s7 =	sadd.s32 @!p0 $0x11B8D, s7;
	_ =	swait.eq @!p0 [sflag:s6], $0x1  }
0xb8: {  	s5 =	sor.u32 @!p0 s5, s7;
	[sflag:s6] =	ssyncadd.s32 @!p0 $0xFFFFFFFF  }
0xb9: {  	s25 =	simm.s32 $0x1B8E;
	s24 =	sld [smem:$0x3FFE];
	[sflag:s5] =	ssyncadd.remote.s32 @!p0 $0x1  }
0xba: {  	s26 =	simm.s32 $execute0_lowered;
	[smem:$0x3FD2] =	sst s25  }
0xbb: {  	s6 =	sshll.u32 s26, $0x1;
	_ =	strace $0x80000049;
	[dreg:$0x1] =	wrdreg $0xFFFFFFFF  }
0xbc: {  	s28 =	simm.s32 $_size_execute0_lowered;
	s4 =	sadd.s32 s4, s6;
	[dreg:$0x0] =	wrdreg $0x0  }
0xbd: {  	s6 =	sshll.u32 s28, $0x1;
	[dreg:$0x2] =	wrdreg s4  }
0xbe: {  	[dreg:$0x3] =	wrdreg s6  }
0xbf: {  	[dreg:$0x4] =	wrdreg $0xC0  }
0xc0: {  	_ =	task [dreg:s22], $0x5FFFF  }
0xc1: {  	[dreg:$0x1] =	wrdreg $0xFFFFFFFF  }
0xc2: {  	[dreg:$0x0] =	wrdreg $0x60  }
0xc3: {  	[dreg:$0x2] =	wrdreg s24  }
0xc4: {  	[dreg:$0x3] =	wrdreg s17  }
0xc5: {  	[dreg:$0x4] =	wrdreg $0xA  }
0xc6: {  	_ =	task.clear_ibuf [dreg:s22], $0x5FFFF;
	_ =	strace $0x90000049  }
0xc7: {  	s29 =	simm.s32 $0xA;
	_ =	strace $0x8000004B  }
0xc8: {  	_ =	swait.ge [sflag:s29], $0x1  }
0xc9: {  	[sflag:s29] =	ssyncadd.s32 $0xFFFFFFFF  }
0xca: {  	_ =	strace $0x9000004B  }
0xcb: {  	_ =	sfence  }
0xcc: {  	s30 =	sld [smem:$0x0];
	_ =	sdelay $0x2  }
0xcd: {  	s31 =	sshll.u32 s1, $0xD;
	s1 =	sshrl.u32 s1, $0x2  }
0xce: {  	s4 =	sand.u32 $0x4000, s31;
	s1 =	sadd.s32 s1, s30  }
0xcf: {  	s0 =	sor.u32 s4, s0;
	s1 =	sshll.u32 s1, $0x11  }
0xd0: {  	s0 =	sor.u32 s1, s0  }
0xd1: {  	s0 =	sadd.s32 $0x8F2B, s0  }
0xd2: {  	[sflag:s0] =	ssyncadd.remote.s32 $0x1  }
0xd3: {  	_ =	sfence.sel $0xFFFF  }
0xd4: {  	[dreg:$0x0] =	wrdreg $0xFFFFFFFF;
	(pc) =	sbr.abs _section_cstart, $3  }
0xd5: {  	[dreg:$0x1] =	wrdreg $0xFFFFFFFF  }
0xd6: {  	_ =	task.clear_ibuf [dreg:s22], $0x2FFFF;
	_ =	strace $0x9FFFFFFF  }
0xd7: {  	(tm) =	ssettm $0x7FFFFFFF  }
tec
execute0_lowered:
.L_overlay_start_1:
0x0: {  	(tag) =	ssettag $0x1  }
0x1: {  	s1 =	srdreg.scid;
	s9 =	stileid.u32  }
0x2: {  	s0 =	rddreg [dreg:$0x0];
	s1 =	sand.u32 $0x1, s1;
	s18 =	smul.u32 $0x320000, s9  }
0x3: {  	s3 =	simm.s32 $0x0;
	s2 =	sshll.u32 s9, $0x1;
	s12 =	smul.u32 $0x6400, s1  }
0x4: {  	s2 =	sor.u32 s1, s2;
	s5 =	ssub.s32 $0x2, s1;
	s1 =	smul.u32 $0x190000, s1  }
0x5: {  	[smem:$0x7FF] =	sst s3;
	s7 =	smul.u32 $0x32000, s2  }
0x6: {  	s23 =	rddreg [dreg:$0x1];
	_ =	strace $0x8000004A;
	s4 =	smul.u32 $0x6400, s2  }
0x7: {  	s6 =	sshrl.u32 s5, $0x1;
	s1 =	sadd.s32 s1, s18;
	s7 =	sadd.s32 s23, s7  }
0x8: {  	s4 =	sshrl.u32 s4, $0x3;
	s1 =	sadd.s32 $0x10000, s1;
	[dreg:$0xb] =	wrdreg s7  }
0x9: {  	s8 =	sadd.s32 s4, s0;
	s29 =	sadd.s32 $0x400, s7;
	[dreg:$0x1c] =	wrdreg s1  }
0xa: {  	s4 =	sadd.s32 $0xFBE600, s0;
	s30 =	sadd.s32 $0x800, s7;
	[dreg:$0xc] =	wrdreg s29  }
0xb: {  	s0 =	ssub.s32 s5, s6;
	s6 =	sadd.s32 $0xC00, s7;
	[dreg:$0xd] =	wrdreg s30  }
0xc: {  	s11 =	sadd.s32 $0x1400, s7;
	[dreg:$0xe] =	wrdreg s6  }
0xd: {  	s2 =	smul.u32 $0x190000, s2;
	s13 =	sadd.s32 $0x1800, s7;
	[dreg:$0x10] =	wrdreg s11  }
0xe: {  	s31 =	simm.s32 $0x10400;
	s28 =	sadd.s32 $0x7C000, s8;
	[dreg:$0x11] =	wrdreg s13  }
0xf: {  	s2 =	sshrl.u32 s2, $0x3;
	s8 =	sadd.s32 $0x1000, s7;
	[dreg:$0xa] =	wrdreg s28  }
0x10: {  	s2 =	sadd.s32 s23, s2;
	s7 =	sadd.s32 $0x1C00, s7;
	[dreg:$0xf] =	wrdreg s8  }
0x11: {  	s10 =	smul.u32 $0xC800, s9;
	s14 =	sadd.s32 $0x30000, s2;
	[dreg:$0x12] =	wrdreg s7  }
0x12: {  	s18 =	simm.s32 $0xD;
	s15 =	sadd.s32 $0x30400, s2;
	[dreg:$0x13] =	wrdreg s14  }
0x13: {  	s5 =	sadd.s32 s12, s10;
	s16 =	sadd.s32 $0x30800, s2;
	[dreg:$0x14] =	wrdreg s15  }
0x14: {  	s10 =	simm.s32 $0x9;
	s17 =	sadd.s32 $0x30C00, s2;
	[dreg:$0x15] =	wrdreg s16  }
0x15: {  	s12 =	simm.s32 $0xA;
	s19 =	sadd.s32 $0x31000, s2;
	[dreg:$0x16] =	wrdreg s17  }
0x16: {  	s5 =	sshll.u32 s5, $0x3;
	s21 =	sadd.s32 $0x31400, s2;
	[dreg:$0x17] =	wrdreg s19  }
0x17: {  	s25 =	sadd.s32 $0x31800, s2;
	s2 =	sadd.s32 $0x31C00, s2;
	[dreg:$0x18] =	wrdreg s21  }
0x18: {  	s0 =	smax.u32 s0, $0x1;
	s11 =	simm.s32 $0x4;
	[dreg:$0x19] =	wrdreg s25  }
0x19: {  	s13 =	simm.s32 $0x5;
	s20 =	sadd.s32 $0x3400, s5;
	[dreg:$0x1a] =	wrdreg s2  }
0x1a: {  	s22 =	sadd.s32 $0x3000, s5;
	s24 =	sadd.s32 $0x2C00, s5;
	[dreg:$0x1b] =	wrdreg s0  }
0x1b: {  	s26 =	sadd.s32 $0x2800, s5;
	s28 =	sadd.s32 $0x2400, s5;
	[dreg:$0x3] =	wrdreg s20  }
0x1c: {  	s29 =	sadd.s32 $0x3C00, s5;
	s30 =	sadd.s32 $0x3800, s5;
	[dreg:$0x4] =	wrdreg s22  }
0x1d: {  	s25 =	simm.s32 $0x80;
	s14 =	simm.s32 $0xB;
	[dreg:$0x5] =	wrdreg s24  }
0x1e: {  	s15 =	simm.s32 $0x6;
	s16 =	simm.s32 $0xC;
	[dreg:$0x6] =	wrdreg s26  }
0x1f: {  	s17 =	simm.s32 $0x7;
	s19 =	simm.s32 $0x8;
	[dreg:$0x7] =	wrdreg s28  }
0x20: {  	s21 =	simm.s32 $0xF;
	s0 =	simm.s32 $0x0;
	[dreg:$0x8] =	wrdreg s29  }
0x21: {  	[dreg:$0x9] =	wrdreg s30;
	s20 =	simm.s32 $0xE;
	s22 =	simm.s32 $0x10  }
.LBB2_1:
0x22: {  	[dreg:$0x1d] =	wrdreg s0  }
0x23: {  	s2 =	rddreg [dreg:$0xa];
	s5 =	simm.s32 $0x11  }
0x24: {  	[tilespmem:s3], [sflag:$0x11] =	stream.linear.gather [hbm4b:s2+s3], $0x6400, $0x38;
	[tilespmem:$0x16400] =	vst v63  }
0x25: {  	_ =	swait.ge [sflag:s5], $0x6400  }
0x26: {  	[sflag:s5] =	ssyncset.done $0x0  }
0x27: {  	s24 =	simm.s32 $0x6400;
	[sflag:s5] =	ssyncadd.s32 $0xFFFF9C00  }
0x28: {  	[tilespmem:s24], [sflag:$0x1] =	stream.indirect.gather [hbm4b:s4+s25], $0x40, s3, s25, $0xb8;
	[tilespmem:$0x16400] =	vst v63  }
0x29: {  	s1 =	simm.s32 $0x8400  }
0x2a: {  	[tilespmem:s1], [sflag:$0x2] =	stream.indirect.gather [hbm4b:s4+s25], $0x40, s25, s25, $0xb8;
	[tilespmem:$0x16400] =	vst v63  }
0x2b: {  	s6 =	simm.s32 $0x100;
	s26 =	simm.s32 $0xA400  }
0x2c: {  	[tilespmem:s26], [sflag:$0x3] =	stream.indirect.gather [hbm4b:s4+s25], $0x40, s6, s25, $0xb8;
	[tilespmem:$0x16400] =	vst v63  }
0x2d: {  	s7 =	simm.s32 $0x180;
	s28 =	simm.s32 $0xC400  }
0x2e: {  	[tilespmem:s28], [sflag:$0x4] =	stream.indirect.gather [hbm4b:s4+s25], $0x40, s7, s25, $0xb8;
	[tilespmem:$0x16400] =	vst v63  }
0x2f: {  	s8 =	simm.s32 $0x200;
	s5 =	simm.s32 $0xE400  }
0x30: {  	[tilespmem:s5], [sflag:$0x5] =	stream.indirect.gather [hbm4b:s4+s25], $0x40, s8, s25, $0xb8;
	[tilespmem:$0x16400] =	vst v63  }
0x31: {  	s9 =	simm.s32 $0x280;
	s0 =	simm.s32 $0x1;
	s8 =	simm.s32 $0x10400  }
0x32: {  	[tilespmem:s8], [sflag:$0x6] =	stream.indirect.gather [hbm4b:s4+s25], $0x40, s9, s25, $0xb8;
	[tilespmem:$0x16400] =	vst v63  }
0x33: {  	_ =	swait.ge [sflag:s0], $0x2000  }
0x34: {  	[sflag:s0] =	ssyncset.done $0x0  }
0x35: {  	s29 =	rddreg [dreg:$0xb];
	[sflag:s0] =	ssyncadd.s32 $0xFFFFE000  }
0x36: {  	[hbm4b:s29+s3] =	stream.linear.scatter [tilespmem:s24], [sflag:$0x9], $0x2000, $0x38;
	[tilespmem:$0x16400] =	vst v63  }
0x37: {  	s30 =	simm.s32 $0x300;
	s7 =	simm.s32 $0x2;
	s29 =	simm.s32 $0x12400  }
0x38: {  	[tilespmem:s29], [sflag:$0x7] =	stream.indirect.gather [hbm4b:s4+s25], $0x40, s30, s25, $0xb8;
	[tilespmem:$0x16400] =	vst v63  }
0x39: {  	_ =	swait.ge [sflag:s7], $0x2000  }
0x3a: {  	[sflag:s7] =	ssyncset.done $0x0  }
0x3b: {  	s6 =	rddreg [dreg:$0xc];
	[sflag:s7] =	ssyncadd.s32 $0xFFFFE000  }
0x3c: {  	[hbm4b:s6+s3] =	stream.linear.scatter [tilespmem:s1], [sflag:$0xA], $0x2000, $0x38;
	[tilespmem:$0x16400] =	vst v63  }
0x3d: {  	s9 =	simm.s32 $0x380;
	s30 =	simm.s32 $0x14400  }
0x3e: {  	[tilespmem:s30], [sflag:$0x8] =	stream.indirect.gather [hbm4b:s4+s25], $0x40, s9, s25, $0xb8;
	[tilespmem:$0x16400] =	vst v63  }
0x3f: {  	s9 =	simm.s32 $0x3  }
0x40: {  	_ =	swait.ge [sflag:s9], $0x2000  }
0x41: {  	[sflag:s9] =	ssyncset.done $0x0  }
0x42: {  	s6 =	rddreg [dreg:$0xd];
	[sflag:s9] =	ssyncadd.s32 $0xFFFFE000  }
0x43: {  	[hbm4b:s6+s3] =	stream.linear.scatter [tilespmem:s26], [sflag:$0xB], $0x2000, $0x38;
	[tilespmem:$0x16400] =	vst v63  }
0x44: {  	_ =	swait.ge [sflag:s10], $0x2000  }
0x45: {  	[sflag:s10] =	ssyncset.done $0x0  }
0x46: {  	s6 =	simm.s32 $0x400;
	[sflag:s10] =	ssyncadd.s32 $0xFFFFE000  }
0x47: {  	[tilespmem:s24], [sflag:$0x1] =	stream.indirect.gather [hbm4b:s4+s25], $0x40, s6, s25, $0xb8;
	[tilespmem:$0x16400] =	vst v63  }
0x48: {  	_ =	swait.ge [sflag:s11], $0x2000  }
0x49: {  	[sflag:s11] =	ssyncset.done $0x0  }
0x4a: {  	s6 =	rddreg [dreg:$0xe];
	[sflag:s11] =	ssyncadd.s32 $0xFFFFE000  }
0x4b: {  	[hbm4b:s6+s3] =	stream.linear.scatter [tilespmem:s28], [sflag:$0xC], $0x2000, $0x38;
	[tilespmem:$0x16400] =	vst v63  }
0x4c: {  	_ =	swait.ge [sflag:s12], $0x2000  }
0x4d: {  	[sflag:s12] =	ssyncset.done $0x0  }
0x4e: {  	s6 =	simm.s32 $0x480;
	[sflag:s12] =	ssyncadd.s32 $0xFFFFE000  }
0x4f: {  	[tilespmem:s1], [sflag:$0x2] =	stream.indirect.gather [hbm4b:s4+s25], $0x40, s6, s25, $0xb8;
	[tilespmem:$0x16400] =	vst v63  }
0x50: {  	_ =	swait.ge [sflag:s13], $0x2000  }
0x51: {  	[sflag:s13] =	ssyncset.done $0x0  }
0x52: {  	s6 =	rddreg [dreg:$0xf];
	[sflag:s13] =	ssyncadd.s32 $0xFFFFE000  }
0x53: {  	[hbm4b:s6+s3] =	stream.linear.scatter [tilespmem:s5], [sflag:$0xD], $0x2000, $0x38;
	[tilespmem:$0x16400] =	vst v63  }
0x54: {  	_ =	swait.ge [sflag:s14], $0x2000  }
0x55: {  	[sflag:s14] =	ssyncset.done $0x0  }
0x56: {  	s6 =	simm.s32 $0x500;
	[sflag:s14] =	ssyncadd.s32 $0xFFFFE000  }
0x57: {  	[tilespmem:s26], [sflag:$0x3] =	stream.indirect.gather [hbm4b:s4+s25], $0x40, s6, s25, $0xb8;
	[tilespmem:$0x16400] =	vst v63  }
0x58: {  	_ =	swait.ge [sflag:s15], $0x2000  }
0x59: {  	[sflag:s15] =	ssyncset.done $0x0  }
0x5a: {  	s6 =	rddreg [dreg:$0x10];
	[sflag:s15] =	ssyncadd.s32 $0xFFFFE000  }
0x5b: {  	[hbm4b:s6+s3] =	stream.linear.scatter [tilespmem:s8], [sflag:$0xE], $0x2000, $0x38;
	[tilespmem:$0x16400] =	vst v63  }
0x5c: {  	_ =	swait.ge [sflag:s16], $0x2000  }
0x5d: {  	[sflag:s16] =	ssyncset.done $0x0  }
0x5e: {  	s6 =	simm.s32 $0x580;
	[sflag:s16] =	ssyncadd.s32 $0xFFFFE000  }
0x5f: {  	[tilespmem:s28], [sflag:$0x4] =	stream.indirect.gather [hbm4b:s4+s25], $0x40, s6, s25, $0xb8;
	[tilespmem:$0x16400] =	vst v63  }
0x60: {  	_ =	swait.ge [sflag:s17], $0x2000  }
0x61: {  	[sflag:s17] =	ssyncset.done $0x0  }
0x62: {  	s6 =	rddreg [dreg:$0x11];
	[sflag:s17] =	ssyncadd.s32 $0xFFFFE000  }
0x63: {  	[hbm4b:s6+s3] =	stream.linear.scatter [tilespmem:s29], [sflag:$0xF], $0x2000, $0x38;
	[tilespmem:$0x16400] =	vst v63  }
0x64: {  	_ =	swait.ge [sflag:s18], $0x2000  }
0x65: {  	[sflag:s18] =	ssyncset.done $0x0  }
0x66: {  	s6 =	simm.s32 $0x600;
	[sflag:s18] =	ssyncadd.s32 $0xFFFFE000  }
0x67: {  	[tilespmem:s5], [sflag:$0x5] =	stream.indirect.gather [hbm4b:s4+s25], $0x40, s6, s25, $0xb8;
	[tilespmem:$0x16400] =	vst v63  }
0x68: {  	_ =	swait.ge [sflag:s19], $0x2000  }
0x69: {  	[sflag:s19] =	ssyncset.done $0x0  }
0x6a: {  	s6 =	rddreg [dreg:$0x12];
	[sflag:s19] =	ssyncadd.s32 $0xFFFFE000  }
0x6b: {  	[hbm4b:s6+s3] =	stream.linear.scatter [tilespmem:s30], [sflag:$0x10], $0x2000, $0x38;
	[tilespmem:$0x16400] =	vst v63  }
0x6c: {  	_ =	swait.ge [sflag:s20], $0x2000  }
0x6d: {  	[sflag:s20] =	ssyncset.done $0x0  }
0x6e: {  	s6 =	simm.s32 $0x680;
	[sflag:s20] =	ssyncadd.s32 $0xFFFFE000  }
0x6f: {  	[tilespmem:s8], [sflag:$0x6] =	stream.indirect.gather [hbm4b:s4+s25], $0x40, s6, s25, $0xb8;
	[tilespmem:$0x16400] =	vst v63  }
0x70: {  	_ =	swait.ge [sflag:s0], $0x2000  }
0x71: {  	s6 =	rddreg [dreg:$0x1c]  }
0x72: {  	[sflag:s0] =	ssyncset.done $0x0;
	s2 =	sshrl.u32 s6, $0x3  }
0x73: {  	[sflag:s0] =	ssyncadd.s32 $0xFFFFE000;
	s2 =	sadd.s32 s23, s2  }
0x74: {  	[hbm4b:s2+s3] =	stream.linear.scatter [tilespmem:s24], [sflag:$0x9], $0x2000, $0x38;
	[tilespmem:$0x16400] =	vst v63  }
0x75: {  	_ =	swait.ge [sflag:s21], $0x2000  }
0x76: {  	[sflag:s21] =	ssyncset.done $0x0  }
0x77: {  	s0 =	simm.s32 $0x700;
	[sflag:s21] =	ssyncadd.s32 $0xFFFFE000  }
0x78: {  	[tilespmem:s29], [sflag:$0x7] =	stream.indirect.gather [hbm4b:s4+s25], $0x40, s0, s25, $0xb8;
	[tilespmem:$0x16400] =	vst v63  }
0x79: {  	_ =	swait.ge [sflag:s7], $0x2000  }
0x7a: {  	s0 =	rddreg [dreg:$0x7];
	[sflag:s7] =	ssyncset.done $0x0  }
0x7b: {  	[sflag:s7] =	ssyncadd.s32 $0xFFFFE000;
	s2 =	sadd.s32 s23, s0  }
0x7c: {  	[hbm4b:s2+s3] =	stream.linear.scatter [tilespmem:s1], [sflag:$0xA], $0x2000, $0x38;
	[tilespmem:$0x16400] =	vst v63  }
0x7d: {  	_ =	swait.ge [sflag:s22], $0x2000  }
0x7e: {  	[sflag:s22] =	ssyncset.done $0x0  }
0x7f: {  	s7 =	simm.s32 $0x780;
	[sflag:s22] =	ssyncadd.s32 $0xFFFFE000  }
0x80: {  	[tilespmem:s30], [sflag:$0x8] =	stream.indirect.gather [hbm4b:s4+s25], $0x40, s7, s25, $0xb8;
	[tilespmem:$0x16400] =	vst v63  }
0x81: {  	_ =	swait.ge [sflag:s9], $0x2000  }
0x82: {  	s0 =	rddreg [dreg:$0x6];
	[sflag:s9] =	ssyncset.done $0x0  }
0x83: {  	[sflag:s9] =	ssyncadd.s32 $0xFFFFE000;
	s2 =	sadd.s32 s23, s0  }
0x84: {  	[hbm4b:s2+s3] =	stream.linear.scatter [tilespmem:s26], [sflag:$0xB], $0x2000, $0x38;
	[tilespmem:$0x16400] =	vst v63  }
0x85: {  	_ =	swait.ge [sflag:s10], $0x2000  }
0x86: {  	[sflag:s10] =	ssyncset.done $0x0  }
0x87: {  	s7 =	simm.s32 $0x800;
	[sflag:s10] =	ssyncadd.s32 $0xFFFFE000  }
0x88: {  	[tilespmem:s24], [sflag:$0x1] =	stream.indirect.gather [hbm4b:s4+s25], $0x40, s7, s25, $0xb8;
	[tilespmem:$0x16400] =	vst v63  }
0x89: {  	_ =	swait.ge [sflag:s11], $0x2000  }
0x8a: {  	s9 =	rddreg [dreg:$0x5];
	[sflag:s11] =	ssyncset.done $0x0  }
0x8b: {  	[sflag:s11] =	ssyncadd.s32 $0xFFFFE000;
	s2 =	sadd.s32 s23, s9  }
0x8c: {  	[hbm4b:s2+s3] =	stream.linear.scatter [tilespmem:s28], [sflag:$0xC], $0x2000, $0x38;
	[tilespmem:$0x16400] =	vst v63  }
0x8d: {  	_ =	swait.ge [sflag:s12], $0x2000  }
0x8e: {  	[sflag:s12] =	ssyncset.done $0x0  }
0x8f: {  	s24 =	simm.s32 $0x880;
	[sflag:s12] =	ssyncadd.s32 $0xFFFFE000  }
0x90: {  	[tilespmem:s1], [sflag:$0x2] =	stream.indirect.gather [hbm4b:s4+s25], $0x40, s24, s25, $0xb8;
	[tilespmem:$0x16400] =	vst v63  }
0x91: {  	_ =	swait.ge [sflag:s13], $0x2000  }
0x92: {  	s0 =	rddreg [dreg:$0x4];
	[sflag:s13] =	ssyncset.done $0x0  }
0x93: {  	[sflag:s13] =	ssyncadd.s32 $0xFFFFE000;
	s2 =	sadd.s32 s23, s0  }
0x94: {  	[hbm4b:s2+s3] =	stream.linear.scatter [tilespmem:s5], [sflag:$0xD], $0x2000, $0x38;
	[tilespmem:$0x16400] =	vst v63  }
0x95: {  	_ =	swait.ge [sflag:s14], $0x2000  }
0x96: {  	[sflag:s14] =	ssyncset.done $0x0  }
0x97: {  	s1 =	simm.s32 $0x900;
	[sflag:s14] =	ssyncadd.s32 $0xFFFFE000  }
0x98: {  	[tilespmem:s26], [sflag:$0x3] =	stream.indirect.gather [hbm4b:s4+s25], $0x40, s1, s25, $0xb8;
	[tilespmem:$0x16400] =	vst v63  }
0x99: {  	_ =	swait.ge [sflag:s15], $0x2000  }
0x9a: {  	s7 =	rddreg [dreg:$0x3];
	[sflag:s15] =	ssyncset.done $0x0  }
0x9b: {  	[sflag:s15] =	ssyncadd.s32 $0xFFFFE000;
	s2 =	sadd.s32 s23, s7  }
0x9c: {  	[hbm4b:s2+s3] =	stream.linear.scatter [tilespmem:s8], [sflag:$0xE], $0x2000, $0x38;
	[tilespmem:$0x16400] =	vst v63  }
0x9d: {  	_ =	swait.ge [sflag:s16], $0x2000  }
0x9e: {  	[sflag:s16] =	ssyncset.done $0x0  }
0x9f: {  	s9 =	simm.s32 $0x980;
	[sflag:s16] =	ssyncadd.s32 $0xFFFFE000  }
0xa0: {  	[tilespmem:s28], [sflag:$0x4] =	stream.indirect.gather [hbm4b:s4+s25], $0x40, s9, s25, $0xb8;
	[tilespmem:$0x16400] =	vst v63  }
0xa1: {  	_ =	swait.ge [sflag:s17], $0x2000  }
0xa2: {  	s24 =	rddreg [dreg:$0x9];
	[sflag:s17] =	ssyncset.done $0x0  }
0xa3: {  	[sflag:s17] =	ssyncadd.s32 $0xFFFFE000;
	s2 =	sadd.s32 s23, s24  }
0xa4: {  	[hbm4b:s2+s3] =	stream.linear.scatter [tilespmem:s29], [sflag:$0xF], $0x2000, $0x38;
	[tilespmem:$0x16400] =	vst v63  }
0xa5: {  	_ =	swait.ge [sflag:s18], $0x2000  }
0xa6: {  	[sflag:s18] =	ssyncset.done $0x0  }
0xa7: {  	s26 =	simm.s32 $0xA00;
	[sflag:s18] =	ssyncadd.s32 $0xFFFFE000  }
0xa8: {  	[tilespmem:s5], [sflag:$0x5] =	stream.indirect.gather [hbm4b:s4+s25], $0x40, s26, s25, $0xb8;
	[tilespmem:$0x16400] =	vst v63  }
0xa9: {  	_ =	swait.ge [sflag:s19], $0x2000  }
0xaa: {  	s29 =	rddreg [dreg:$0x8];
	[sflag:s19] =	ssyncset.done $0x0  }
0xab: {  	[sflag:s19] =	ssyncadd.s32 $0xFFFFE000;
	s2 =	sadd.s32 s23, s29  }
0xac: {  	[hbm4b:s2+s3] =	stream.linear.scatter [tilespmem:s30], [sflag:$0x10], $0x2000, $0x38;
	[tilespmem:$0x16400] =	vst v63  }
0xad: {  	s6 =	sadd.s32 $0x10000, s6;
	_ =	swait.ge [sflag:s20], $0x2000  }
0xae: {  	s28 =	smov.u32 s23;
	s24 =	simm.s32 $0x1000;
	[sflag:s20] =	ssyncset.done $0x0  }
0xaf: {  	s23 =	sadd.s32 $0x2000, s23;
	s2 =	simm.s32 $0xA80;
	[sflag:s20] =	ssyncadd.s32 $0xFFFFE000  }
.LBB2_2:
0xb0: {  	[tilespmem:s31], [sflag:$0x6] =	stream.indirect.gather [hbm4b:s4+s25], $0x40, s2, s25, $0xb8;
	[tilespmem:$0x16400] =	vst v63  }
0xb1: {  	s0 =	simm.s32 $0x1  }
0xb2: {  	_ =	swait.ge [sflag:s0], $0x2000  }
0xb3: {  	s26 =	sshrl.u32 s6, $0x3;
	[sflag:s0] =	ssyncset.done $0x0  }
0xb4: {  	s1 =	simm.s32 $0x6400;
	s26 =	sadd.s32 s28, s26;
	[sflag:s0] =	ssyncadd.s32 $0xFFFFE000  }
0xb5: {  	[hbm4b:s26+s3] =	stream.linear.scatter [tilespmem:s1], [sflag:$0x9], $0x2000, $0x38;
	[tilespmem:$0x16400] =	vst v63  }
0xb6: {  	s8 =	smov.u32 s24;
	_ =	swait.ge [sflag:s21], $0x2000  }
0xb7: {  	s7 =	simm.s32 $0x12400;
	s2 =	sshra.s32 s8, $0x2;
	[sflag:s21] =	ssyncset.done $0x0  }
0xb8: {  	s9 =	sadd.s32 $0x700, s2;
	s26 =	simm.s32 $0x2;
	[sflag:s21] =	ssyncadd.s32 $0xFFFFE000  }
0xb9: {  	[tilespmem:s7], [sflag:$0x7] =	stream.indirect.gather [hbm4b:s4+s25], $0x40, s9, s25, $0xb8;
	[tilespmem:$0x16400] =	vst v63  }
0xba: {  	_ =	swait.ge [sflag:s26], $0x2000  }
0xbb: {  	s5 =	rddreg [dreg:$0x7];
	[sflag:s26] =	ssyncset.done $0x0  }
0xbc: {  	s29 =	simm.s32 $0x8400;
	[sflag:s26] =	ssyncadd.s32 $0xFFFFE000;
	s26 =	sadd.s32 s23, s5  }
0xbd: {  	[hbm4b:s26+s3] =	stream.linear.scatter [tilespmem:s29], [sflag:$0xA], $0x2000, $0x38;
	[tilespmem:$0x16400] =	vst v63  }
0xbe: {  	_ =	swait.ge [sflag:s22], $0x2000  }
0xbf: {  	s8 =	sadd.s32 $0x780, s2;
	[sflag:s22] =	ssyncset.done $0x0  }
0xc0: {  	s9 =	simm.s32 $0x14400;
	s26 =	simm.s32 $0x3;
	[sflag:s22] =	ssyncadd.s32 $0xFFFFE000  }
0xc1: {  	[tilespmem:s9], [sflag:$0x8] =	stream.indirect.gather [hbm4b:s4+s25], $0x40, s8, s25, $0xb8;
	[tilespmem:$0x16400] =	vst v63  }
0xc2: {  	_ =	swait.ge [sflag:s26], $0x2000  }
0xc3: {  	s5 =	rddreg [dreg:$0x6];
	[sflag:s26] =	ssyncset.done $0x0  }
0xc4: {  	s0 =	simm.s32 $0xA400;
	[sflag:s26] =	ssyncadd.s32 $0xFFFFE000;
	s26 =	sadd.s32 s23, s5  }
0xc5: {  	[hbm4b:s26+s3] =	stream.linear.scatter [tilespmem:s0], [sflag:$0xB], $0x2000, $0x38;
	[tilespmem:$0x16400] =	vst v63  }
0xc6: {  	_ =	swait.ge [sflag:s10], $0x2000  }
0xc7: {  	[sflag:s10] =	ssyncset.done $0x0  }
0xc8: {  	s8 =	sadd.s32 $0x800, s2;
	[sflag:s10] =	ssyncadd.s32 $0xFFFFE000  }
0xc9: {  	[tilespmem:s1], [sflag:$0x1] =	stream.indirect.gather [hbm4b:s4+s25], $0x40, s8, s25, $0xb8;
	[tilespmem:$0x16400] =	vst v63  }
0xca: {  	_ =	swait.ge [sflag:s11], $0x2000  }
0xcb: {  	s5 =	rddreg [dreg:$0x5];
	[sflag:s11] =	ssyncset.done $0x0  }
0xcc: {  	[sflag:s11] =	ssyncadd.s32 $0xFFFFE000;
	s26 =	sadd.s32 s23, s5;
	s5 =	simm.s32 $0xC400  }
0xcd: {  	[hbm4b:s26+s3] =	stream.linear.scatter [tilespmem:s5], [sflag:$0xC], $0x2000, $0x38;
	[tilespmem:$0x16400] =	vst v63  }
0xce: {  	_ =	swait.ge [sflag:s12], $0x2000  }
0xcf: {  	[sflag:s12] =	ssyncset.done $0x0  }
0xd0: {  	s8 =	sadd.s32 $0x880, s2;
	[sflag:s12] =	ssyncadd.s32 $0xFFFFE000  }
0xd1: {  	[tilespmem:s29], [sflag:$0x2] =	stream.indirect.gather [hbm4b:s4+s25], $0x40, s8, s25, $0xb8;
	[tilespmem:$0x16400] =	vst v63  }
0xd2: {  	_ =	swait.ge [sflag:s13], $0x2000  }
0xd3: {  	s8 =	rddreg [dreg:$0x4];
	[sflag:s13] =	ssyncset.done $0x0  }
0xd4: {  	[sflag:s13] =	ssyncadd.s32 $0xFFFFE000;
	s26 =	sadd.s32 s23, s8;
	s8 =	simm.s32 $0xE400  }
0xd5: {  	[hbm4b:s26+s3] =	stream.linear.scatter [tilespmem:s8], [sflag:$0xD], $0x2000, $0x38;
	[tilespmem:$0x16400] =	vst v63  }
0xd6: {  	_ =	swait.ge [sflag:s14], $0x2000  }
0xd7: {  	[sflag:s14] =	ssyncset.done $0x0  }
0xd8: {  	s26 =	sadd.s32 $0x900, s2;
	[sflag:s14] =	ssyncadd.s32 $0xFFFFE000  }
0xd9: {  	[tilespmem:s0], [sflag:$0x3] =	stream.indirect.gather [hbm4b:s4+s25], $0x40, s26, s25, $0xb8;
	[tilespmem:$0x16400] =	vst v63  }
0xda: {  	_ =	swait.ge [sflag:s15], $0x2000  }
0xdb: {  	s0 =	rddreg [dreg:$0x3];
	[sflag:s15] =	ssyncset.done $0x0  }
0xdc: {  	[sflag:s15] =	ssyncadd.s32 $0xFFFFE000;
	s26 =	sadd.s32 s23, s0  }
0xdd: {  	[hbm4b:s26+s3] =	stream.linear.scatter [tilespmem:s31], [sflag:$0xE], $0x2000, $0x38;
	[tilespmem:$0x16400] =	vst v63  }
0xde: {  	_ =	swait.ge [sflag:s16], $0x2000  }
0xdf: {  	[sflag:s16] =	ssyncset.done $0x0  }
0xe0: {  	s26 =	sadd.s32 $0x980, s2;
	[sflag:s16] =	ssyncadd.s32 $0xFFFFE000  }
0xe1: {  	[tilespmem:s5], [sflag:$0x4] =	stream.indirect.gather [hbm4b:s4+s25], $0x40, s26, s25, $0xb8;
	[tilespmem:$0x16400] =	vst v63  }
0xe2: {  	_ =	swait.ge [sflag:s17], $0x2000  }
0xe3: {  	s5 =	rddreg [dreg:$0x9];
	[sflag:s17] =	ssyncset.done $0x0  }
0xe4: {  	[sflag:s17] =	ssyncadd.s32 $0xFFFFE000;
	s26 =	sadd.s32 s23, s5  }
0xe5: {  	[hbm4b:s26+s3] =	stream.linear.scatter [tilespmem:s7], [sflag:$0xF], $0x2000, $0x38;
	[tilespmem:$0x16400] =	vst v63  }
0xe6: {  	_ =	swait.ge [sflag:s18], $0x2000  }
0xe7: {  	[sflag:s18] =	ssyncset.done $0x0  }
0xe8: {  	p0 =	sne.s32 s24, $0x16000;
	s7 =	sadd.s32 $0xA00, s2;
	[sflag:s18] =	ssyncadd.s32 $0xFFFFE000  }
0xe9: {  	[tilespmem:s8], [sflag:$0x5] =	stream.indirect.gather [hbm4b:s4+s25], $0x40, s7, s25, $0xb8;
	[tilespmem:$0x16400] =	vst v63  }
0xea: {  	s24 =	sadd.s32 $0x1000, s24;
	s30 =	simm.s32 $0x6400;
	_ =	swait.ge [sflag:s19], $0x2000  }
0xeb: {  	s6 =	sadd.s32 $0x10000, s6;
	s8 =	rddreg [dreg:$0x8];
	[sflag:s19] =	ssyncset.done $0x0  }
.Ltmp0:
0xec: {  	[sflag:s19] =	ssyncadd.s32 $0xFFFFE000;
	s26 =	sadd.s32 s23, s8;
	(pc) =	sbr.rel @p0 .LBB2_2-.Ltmp0, $4  }
0xed: {  	[hbm4b:s26+s3] =	stream.linear.scatter [tilespmem:s9], [sflag:$0x10], $0x2000, $0x38;
	[tilespmem:$0x16400] =	vst v63  }
0xee: {  	s1 =	simm.s32 $0x8400;
	s29 =	simm.s32 $0xA400;
	_ =	swait.ge [sflag:s20], $0x2000  }
0xef: {  	s0 =	simm.s32 $0xC400;
	s5 =	simm.s32 $0xE400;
	[sflag:s20] =	ssyncset.done $0x0  }
0xf0: {  	s2 =	sadd.s32 $0xA80, s2;
	s23 =	sadd.s32 $0x2000, s23;
	[sflag:s20] =	ssyncadd.s32 $0xFFFFE000  }
0xf1: {  	s6 =	simm.s32 $0x10400;
	s26 =	simm.s32 $0x1  }
0xf2: {  	[tilespmem:s6], [sflag:$0x6] =	stream.indirect.gather [hbm4b:s4+s25], $0x40, s2, s25, $0xb8;
	[tilespmem:$0x16400] =	vst v63  }
0xf3: {  	_ =	swait.ge [sflag:s26], $0x2000  }
0xf4: {  	[sflag:s26] =	ssyncset.done $0x0  }
0xf5: {  	s7 =	rddreg [dreg:$0x13];
	[sflag:s26] =	ssyncadd.s32 $0xFFFFE000  }
0xf6: {  	[hbm4b:s7+s3] =	stream.linear.scatter [tilespmem:s30], [sflag:$0x9], $0x2000, $0x38;
	[tilespmem:$0x16400] =	vst v63  }
0xf7: {  	_ =	swait.ge [sflag:s21], $0x2000  }
0xf8: {  	s8 =	simm.s32 $0x6300;
	[sflag:s21] =	ssyncset.done $0x0  }
0xf9: {  	s9 =	simm.s32 $0x2;
	s7 =	simm.s32 $0x12400;
	[sflag:s21] =	ssyncadd.s32 $0xFFFFE000  }
0xfa: {  	[tilespmem:s7], [sflag:$0x7] =	stream.indirect.gather [hbm4b:s4+s25], $0x40, s8, s25, $0xb8;
	[tilespmem:$0x16400] =	vst v63  }
0xfb: {  	_ =	swait.ge [sflag:s9], $0x2000  }
0xfc: {  	[sflag:s9] =	ssyncset.done $0x0  }
0xfd: {  	s23 =	rddreg [dreg:$0x14];
	[sflag:s9] =	ssyncadd.s32 $0xFFFFE000  }
0xfe: {  	[hbm4b:s23+s3] =	stream.linear.scatter [tilespmem:s1], [sflag:$0xA], $0x2000, $0x38;
	[tilespmem:$0x16400] =	vst v63  }
0xff: {  	_ =	swait.ge [sflag:s22], $0x2000  }
0x100: {  	s24 =	simm.s32 $0x6380;
	[sflag:s22] =	ssyncset.done $0x0  }
0x101: {  	s26 =	simm.s32 $0x3;
	s1 =	simm.s32 $0x14400;
	[sflag:s22] =	ssyncadd.s32 $0xFFFFE000  }
0x102: {  	[tilespmem:s1], [sflag:$0x8] =	stream.indirect.gather [hbm4b:s4+s25], $0x40, s24, s25, $0xb8;
	[tilespmem:$0x16400] =	vst v63  }
0x103: {  	_ =	swait.ge [sflag:s26], $0x2000  }
0x104: {  	[sflag:s26] =	ssyncset.done $0x0  }
0x105: {  	s30 =	rddreg [dreg:$0x15];
	[sflag:s26] =	ssyncadd.s32 $0xFFFFE000  }
0x106: {  	[hbm4b:s30+s3] =	stream.linear.scatter [tilespmem:s29], [sflag:$0xB], $0x2000, $0x38;
	[tilespmem:$0x16400] =	vst v63  }
0x107: {  	_ =	swait.ge [sflag:s11], $0x2000  }
0x108: {  	[sflag:s11] =	ssyncset.done $0x0  }
0x109: {  	s8 =	rddreg [dreg:$0x16];
	[sflag:s11] =	ssyncadd.s32 $0xFFFFE000  }
0x10a: {  	[hbm4b:s8+s3] =	stream.linear.scatter [tilespmem:s0], [sflag:$0xC], $0x2000, $0x38;
	[tilespmem:$0x16400] =	vst v63  }
0x10b: {  	_ =	swait.ge [sflag:s13], $0x2000  }
0x10c: {  	[sflag:s13] =	ssyncset.done $0x0  }
0x10d: {  	s9 =	rddreg [dreg:$0x17];
	[sflag:s13] =	ssyncadd.s32 $0xFFFFE000  }
0x10e: {  	[hbm4b:s9+s3] =	stream.linear.scatter [tilespmem:s5], [sflag:$0xD], $0x2000, $0x38;
	[tilespmem:$0x16400] =	vst v63  }
0x10f: {  	_ =	swait.ge [sflag:s15], $0x2000  }
0x110: {  	[sflag:s15] =	ssyncset.done $0x0  }
0x111: {  	s23 =	rddreg [dreg:$0x18];
	[sflag:s15] =	ssyncadd.s32 $0xFFFFE000  }
0x112: {  	[hbm4b:s23+s3] =	stream.linear.scatter [tilespmem:s6], [sflag:$0xE], $0x2000, $0x38;
	[tilespmem:$0x16400] =	vst v63  }
0x113: {  	_ =	swait.ge [sflag:s17], $0x2000  }
0x114: {  	[sflag:s17] =	ssyncset.done $0x0  }
0x115: {  	s24 =	rddreg [dreg:$0x19];
	[sflag:s17] =	ssyncadd.s32 $0xFFFFE000  }
0x116: {  	[hbm4b:s24+s3] =	stream.linear.scatter [tilespmem:s7], [sflag:$0xF], $0x2000, $0x38;
	[tilespmem:$0x16400] =	vst v63  }
0x117: {  	_ =	swait.ge [sflag:s19], $0x2000  }
0x118: {  	[sflag:s19] =	ssyncset.done $0x0  }
0x119: {  	s26 =	rddreg [dreg:$0x1a];
	[sflag:s19] =	ssyncadd.s32 $0xFFFFE000  }
0x11a: {  	[hbm4b:s26+s3] =	stream.linear.scatter [tilespmem:s1], [sflag:$0x10], $0x2000, $0x38;
	[tilespmem:$0x16400] =	vst v63  }
0x11b: {  	_ =	swait.ge [sflag:s10], $0x2000  }
0x11c: {  	[sflag:s10] =	ssyncset.done $0x0  }
0x11d: {  	[sflag:s10] =	ssyncadd.s32 $0xFFFFE000  }
0x11e: {  	_ =	swait.ge [sflag:s12], $0x2000  }
0x11f: {  	[sflag:s12] =	ssyncset.done $0x0  }
0x120: {  	[sflag:s12] =	ssyncadd.s32 $0xFFFFE000  }
0x121: {  	_ =	swait.ge [sflag:s14], $0x2000  }
0x122: {  	[sflag:s14] =	ssyncset.done $0x0  }
0x123: {  	[sflag:s14] =	ssyncadd.s32 $0xFFFFE000  }
0x124: {  	_ =	swait.ge [sflag:s16], $0x2000  }
0x125: {  	[sflag:s16] =	ssyncset.done $0x0  }
0x126: {  	[sflag:s16] =	ssyncadd.s32 $0xFFFFE000  }
0x127: {  	_ =	swait.ge [sflag:s18], $0x2000  }
0x128: {  	[sflag:s18] =	ssyncset.done $0x0  }
0x129: {  	[sflag:s18] =	ssyncadd.s32 $0xFFFFE000  }
0x12a: {  	_ =	swait.ge [sflag:s20], $0x2000  }
0x12b: {  	[sflag:s20] =	ssyncset.done $0x0  }
0x12c: {  	[sflag:s20] =	ssyncadd.s32 $0xFFFFE000  }
0x12d: {  	_ =	swait.ge [sflag:s21], $0x2000  }
0x12e: {  	[sflag:s21] =	ssyncset.done $0x0  }
0x12f: {  	[sflag:s21] =	ssyncadd.s32 $0xFFFFE000  }
0x130: {  	_ =	swait.ge [sflag:s22], $0x2000  }
0x131: {  	s29 =	rddreg [dreg:$0x1d]  }
0x132: {  	s30 =	rddreg [dreg:$0x1b];
	s0 =	sadd.s32 $0x1, s29  }
0x133: {  	p0 =	sne.s32 s0, s30  }
.Ltmp1:
0x134: {  	_ = 	snop;
	(pc) =	sbr.rel @p0 .LBB2_1-.Ltmp1, $3  }
0x135: {  	_ =	sdelay $0x1  }
0x136: {  	[sflag:s22] =	ssyncset.done $0x0  }
0x137: {  	s23 =	smov.u32 s28;
	[sflag:s22] =	ssyncadd.s32 $0xFFFFE000  }
0x138: {  	_ =	sfence.sel $0x180000  }
0x139: {  	[bflag:$0x0] =	sbarrier.arrive $0xFFFF  }
0x13a: {  	_ =	strace $0x9000004A  }
0x13b: {  	s0 =	stileid.u32;
	[bflag:$0x2] =	sbarrier.arrive $0xFFFF  }
0x13c: {  	p0 =	sne.s32 s0, $0x0;
	s0 =	rddreg [dreg:$0x2]  }
0x13d: {  	s0 =	sadd.s32 @!p0 $0x100000, s0  }
0x13e: {  	[sflag:s0] =	ssyncadd.tile.s32 @!p0 $0x1;
	_ =	shalt  }
.Lfunc_end2:
_tile_overlayer_lowered:
.L_overlay_start_2:
0x13f: {  	(tag) =	ssettag $0x2  }
0x140: {  	s0 =	rddreg [dreg:$0x0];
	s2 =	stileid.u32  }
0x141: {  	s1 =	rddreg [dreg:$0x1];
	p0 =	sne.s32 s2, $0x0  }
0x142: {  	s3 =	rddreg [dreg:$0x2];
	[bflag:$0x3] =	sbarrier.arrive $0xFFFF;
	s2 =	simm.s32 @!p0 $0x1C11  }
0x143: {  	[timem:s3], [sflag:s2] =	dma.local @!p0 [hbm:s0], s1  }
0x144: {  	s0 =	simm.s32 @!p0 $0x11  }
0x145: {  	_ =	swait.ge @!p0 [sflag:s0], s1  }
0x146: {  	s1 =	ssub.s32 @!p0 $0x0, s1;
	[sflag:s0] =	ssyncset.done @!p0 $0x0  }
0x147: {  	[sflag:s0] =	ssyncadd.s32 @!p0 s1  }
0x148: {  	[bflag:$0x3] =	sbarrier.arrive $0xFFFF  }
0x149: {  	_ =	shalt  }

// kernel: sparse-core-data-format-call.1.cloned.1.call-start
scs
called_computation.1_lowered:
.L_overlay_start_0:
0x0: {  	s2 =	sld [smem:$0x3FD9]  }
0x1: {  	s3 =	sld [smem:$0x3FFE];
	_ =	sdelay $0x1  }
0x2: {  	s1 =	srdreg.scid  }
0x3: {  	s0 =	sand.u32 $0x1, s1  }
0x4: {  	s16 =	sshll.u32 s0, $0xA;
	s2 =	sadd.s32 s3, s2  }
0x5: {  	s2 =	sadd.s32 s2, s16  }
0x6: {  	[smem:$0x3FC4] =	sst s2  }
0x7: {  	_ = 	snop  }
0x8: {  	s2 =	sld [smem:$0x3FD0];
	_ =	sdelay $0x2  }
0x9: {  	s17 =	simm.s32 $0xB;
	s4 =	simm.s32 $0x10  }
0xa: {  	[smem:s4], [sflag:s17] =	dma.local [hbm:s2], $0x1  }
0xb: {  	_ =	swait.eq [sflag:s17], $0x1  }
0xc: {  	[sflag:s17] =	ssyncset.done $0x0  }
0xd: {  	[sflag:s17] =	ssyncadd.s32 $0xFFFFFFFF  }
0xe: {  	s18 =	sld [smem:$0x10];
	(tm) =	ssettm $0x1  }
0xf: {  	s19 =	sld [smem:$0x3FFB];
	_ =	sdelay $0x3  }
0x10: {  	_ =	strace s19  }
0x11: {  	s2 =	sld [smem:$0x3FFC];
	_ =	sdelay $0x3  }
0x12: {  	_ =	strace s2  }
0x13: {  	s2 =	sld [smem:$0x3FFD];
	_ =	sdelay $0x3  }
0x14: {  	_ =	strace s2  }
0x15: {  	_ =	strace $0x8FFFFFFF  }
0x16: {  	s20 =	sld [smem:$0x3FDB];
	_ =	sdelay $0x1  }
0x17: {  	s21 =	simm.s32 $_scs_section_size  }
0x18: {  	s5 =	simm.s32 $_size__tile_overlayer_lowered;
	s6 =	simm.s32 $_tile_overlayer_lowered  }
0x19: {  	s7 =	simm.s32 $0x1BFF;
	s22 =	sshll.u32 s6, $0x1;
	s4 =	sadd.s32 s21, s20  }
0x1a: {  	s23 =	simm.s32 $0x0;
	s5 =	sshll.u32 s5, $0x1;
	s6 =	sadd.s32 s22, s4  }
0x1b: {  	[timem:s23], [sflag:s7] =	dma.local [hbm:s6], s5  }
0x1c: {  	_ =	swait.ge [sflag:s7], s5  }
0x1d: {  	s5 =	ssub.s32 $0x0, s5;
	[sflag:s7] =	ssyncset.done $0x0  }
0x1e: {  	[sflag:s7] =	ssyncadd.s32 s5;
	_ =	sdelay $0x1  }
0x1f: {  	s24 =	simm.s32 $0x1B8B  }
0x20: {  	_ =	swait.ge [sflag:s24], $0x1  }
0x21: {  	[sflag:s24] =	ssyncset.done $0x0  }
0x22: {  	[sflag:s24] =	ssyncadd.s32 $0xFFFFFFFF  }
0x23: {  	s5 =	sld [smem:$0x0]  }
0x24: {  	s6 =	sand.u32 $0xFFFFFFFE, s1  }
0x25: {  	p0 =	sne.s32 s1, s6  }
0x26: {  	s6 =	sshll.u32 @p0 s6, $0xE  }
0x27: {  	s6 =	sadd.s32 @p0 $0x11B8D, s6;
	s7 =	sshll.u32 @p0 s5, $0x11  }
0x28: {  	s6 =	sor.u32 @p0 s7, s6  }
0x29: {  	[sflag:s6] =	ssyncadd.remote.s32 @p0 $0x1;
	_ =	sdelay $0x1  }
0x2a: {  	s6 =	simm.s32 @p0 $0x1B8D  }
0x2b: {  	_ =	swait.eq @p0 [sflag:s6], $0x1  }
0x2c: {  	[sflag:s6] =	ssyncadd.s32 @p0 $0xFFFFFFFF  }
0x2d: {  	s7 =	sshll.u32 @!p0 s1, $0xE  }
0x2e: {  	s7 =	sor.u32 @!p0 $0x4000, s7;
	s6 =	simm.s32 @!p0 $0x1B8D  }
0x2f: {  	s5 =	sshll.u32 @!p0 s5, $0x11;
	s7 =	sadd.s32 @!p0 $0x11B8D, s7;
	_ =	swait.eq @!p0 [sflag:s6], $0x1  }
0x30: {  	s5 =	sor.u32 @!p0 s5, s7;
	[sflag:s6] =	ssyncadd.s32 @!p0 $0xFFFFFFFF  }
0x31: {  	s26 =	simm.s32 $0x1B8E;
	s25 =	sld [smem:$0x3FFE];
	[sflag:s5] =	ssyncadd.remote.s32 @!p0 $0x1  }
0x32: {  	s27 =	simm.s32 $execute0_lowered;
	[smem:$0x3FD2] =	sst s26  }
0x33: {  	s6 =	sshll.u32 s27, $0x1;
	_ =	strace $0x8000004C;
	[dreg:$0x1] =	wrdreg $0xFFFFFFFF  }
0x34: {  	s28 =	simm.s32 $_size_execute0_lowered;
	s4 =	sadd.s32 s4, s6;
	[dreg:$0x0] =	wrdreg $0x0  }
0x35: {  	s6 =	sshll.u32 s28, $0x1;
	[dreg:$0x2] =	wrdreg s4  }
0x36: {  	[dreg:$0x3] =	wrdreg s6  }
0x37: {  	[dreg:$0x4] =	wrdreg $0xC0  }
0x38: {  	_ =	task [dreg:s23], $0x5FFFF  }
0x39: {  	[dreg:$0x1] =	wrdreg $0xFFFFFFFF  }
0x3a: {  	[dreg:$0x0] =	wrdreg $0x60  }
0x3b: {  	[dreg:$0x2] =	wrdreg s25  }
0x3c: {  	[dreg:$0x3] =	wrdreg s18  }
0x3d: {  	[dreg:$0x4] =	wrdreg $0x9  }
0x3e: {  	_ =	task.clear_ibuf [dreg:s23], $0x5FFFF;
	_ =	strace $0x9000004C  }
0x3f: {  	s29 =	simm.s32 $0x9;
	_ =	strace $0x8000004E  }
0x40: {  	_ =	swait.ge [sflag:s29], $0x1  }
0x41: {  	[sflag:s29] =	ssyncadd.s32 $0xFFFFFFFF  }
0x42: {  	_ =	strace $0x9000004E  }
0x43: {  	_ =	sfence  }
0x44: {  	s30 =	sld [smem:$0x0];
	_ =	sdelay $0x2  }
0x45: {  	s31 =	sshll.u32 s1, $0xD;
	s1 =	sshrl.u32 s1, $0x2  }
0x46: {  	s4 =	sand.u32 $0x4000, s31;
	s1 =	sadd.s32 s1, s30  }
0x47: {  	s0 =	sor.u32 s4, s0;
	s1 =	sshll.u32 s1, $0x11  }
0x48: {  	s0 =	sor.u32 s1, s0  }
0x49: {  	s0 =	sadd.s32 $0x8F2B, s0  }
0x4a: {  	[sflag:s0] =	ssyncadd.remote.s32 $0x1  }
0x4b: {  	_ =	sfence.sel $0xFFFF  }
0x4c: {  	[dreg:$0x0] =	wrdreg $0xFFFFFFFF;
	(pc) =	sbr.abs _section_cstart, $3  }
0x4d: {  	[dreg:$0x1] =	wrdreg $0xFFFFFFFF  }
0x4e: {  	_ =	task.clear_ibuf [dreg:s23], $0x2FFFF;
	_ =	strace $0x9FFFFFFF  }
0x4f: {  	(tm) =	ssettm $0x7FFFFFFF  }
tec
execute0_lowered:
.L_overlay_start_1:
0x0: {  	(tag) =	ssettag $0x1  }
0x1: {  	s0 =	srdreg.scid  }
0x2: {  	s1 =	sshll.u32 s0, $0x4  }
0x3: {  	s0 =	stileid.u32;
	s1 =	sand.u32 $0x10, s1  }
0x4: {  	s7 =	rddreg [dreg:$0x0];
	s1 =	sor.u32 s0, s1  }
0x5: {  	s4 =	simm.s32 $0x1;
	s8 =	simm.s32 $0x2;
	s2 =	sshll.u32 s1, $0x7  }
0x6: {  	s13 =	simm.s32 $0x0;
	s9 =	simm.s32 $0x20000;
	s1 =	ssub.s32 $0x4000, s2  }
0x7: {  	s14 =	simm.s32 $0x0;
	s11 =	simm.s32 $0x0;
	s3 =	sand.u32 $0xF80, s1  }
0x8: {  	s12 =	simm.s32 $0x0;
	s5 =	sshrl.u32 s1, $0xC;
	p0 =	sne.s32 s3, $0x0  }
.Ltmp0:
0x9: {  	s1 =	rddreg [dreg:$0x2];
	s4 =	simm.s32 @!p0 $0x0;
	(pc) =	sbr.rel .LBB1_1-.Ltmp0, $4  }
0xa: {  	s6 =	sadd.s32 $0x95000, s7;
	s3 =	rddreg [dreg:$0x1];
	s5 =	sadd.s32 s4, s5  }
0xb: {  	_ =	strace $0x8000004D;
	s4 =	simm.s32 $0x1;
	s5 =	smul.u32 $0x19, s5  }
0xc: {  	s7 =	sadd.s32 $0xD5000, s7;
	s10 =	smov.u32 s2;
	[sflag:s4] =	ssyncpa.u1 $0x0  }
0xd: {  	p0 =	por $0x0, $0x0;
	[sflag:s8] =	ssyncpa.u1 $0x0;
	s8 =	sadd.s32 $0x1, s5  }
.LBB1_7:
0xe: {  	s15 =	sadd.s32 $0x1000, s10  }
0xf: {  	s13 =	sadd.s32 $0x2, s11;
	s17 =	smov.u32 s11;
	p2 =	sgt.s32 s15, $0x3FFF  }
0x10: {  	s17 =	smov.u32 @p2 s13  }
0x11: {  	s15 =	smov.u32 @p2 s2;
	p2 =	sgt.s32 s17, $0x31  }
0x12: {  	s17 =	simm.s32 @p2 $0x0;
	p2 =	sne.s32 s12, s8  }
.Ltmp1:
0x13: {  	p1 =	slt.u32 s12, $0x2;
	(pc) =	sbr.rel @!p2 .LBB1_8-.Ltmp1, $4  }
0x14: {  	s16 =	simm.s32 @!p1 $0x2  }
0x15: {  	s14 =	smov.u32 s11;
	p0 =	por !p0, !p0;
	_ =	swait.ge @!p1 [sflag:s16], $0x2000  }
0x16: {  	s13 =	smov.u32 s10;
	[sflag:s16] =	ssyncset.done @!p1 $0x0;
	s10 =	smov.u32 s15  }
0x17: {  	s12 =	sadd.s32 $0x1, s12;
	[sflag:s16] =	ssyncadd.s32 @!p1 $0xFFFFE000;
	s11 =	smov.u32 s17  }
.LBB1_1:
0x18: {  	p1 =	sge.u32 s12, s5  }
0x19: {  	s15 =	sxor.u32 @!p1 $0xFFFFFFFF, s12;
	s16 =	sshll.u32 @!p1 s11, $0x12  }
0x1a: {  	s17 =	sshll.u32 @!p1 s10, $0x4;
	s19 =	simm.s32 @!p1 $0x20;
	s20 =	simm.s32 @!p1 $0x80  }
0x1b: {  	s15 =	sshll.u32 @!p1 s15, $0xD;
	s17 =	sand.u32 @!p1 $0x3FFF0, s17;
	s18 =	sadd.s32 @!p1 s6, s16  }
0x1c: {  	s16 =	sadd.s32 @!p1 s16, s7;
	s15 =	sand.u32 @!p1 $0x2000, s15;
	s18 =	sadd.s32 @!p1 s17, s18  }
0x1d: {  	[tilespmem:s15], [sflag:$0x1] =	stream.strided.gather @!p1 [hbm4b:s18+s19], $0x1000, s20, s19, $0x38;
	[tilespmem:$0x8080] =	vst v63  }
0x1e: {  	s31 =	sadd.s32 $0xFFFFFFFF, s12;
	s16 =	sadd.s32 @!p1 s17, s16;
	s15 =	sor.u32 @!p1 $0x1000, s15  }
0x1f: {  	[tilespmem:s15], [sflag:$0x1] =	stream.strided.gather @!p1 [hbm4b:s16+s19], $0x1000, s20, s19, $0x38;
	[tilespmem:$0x8080] =	vst v63  }
0x20: {  	p1 =	sge.u32 s31, s5  }
.Ltmp2:
0x21: {  	_ = 	snop;
	(pc) =	sbr.rel @p1 .LBB1_7-.Ltmp2, $1  }
0x22: {  	_ =	sdelay $0x3  }
0x23: {  	s15 =	simm.s32 $0x1;
	s17 =	sand.u32 $0x1, s12  }
0x24: {  	_ =	swait.ge [sflag:s4], $0x2000;
	s15 =	simm.s32 @!p0 $0x0;
	s17 =	smul.u32 $0x8100, s17  }
0x25: {  	p2 =	por $0x1, $0x1;
	[sflag:s4] =	ssyncset.done $0x0;
	s16 =	smul.u32 $0x8100, s15  }
0x26: {  	s18 =	sshll.u32 s15, $0xF;
	[sflag:s4] =	ssyncadd.s32 $0xFFFFE000;
	s30 =	sshrl.u32 s17, $0x2  }
0x27: {  	s31 =	sshrl.u32 s18, $0x2;
	s18 =	simm.s32 $0x0;
	s16 =	sshrl.u32 s16, $0x2  }
0x28: {  	s15 =	sor.u32 $0x4000, s30;
	s17 =	sadd.s32 $0x10, s31;
	s16 =	sor.u32 $0x4000, s16  }
.LBB1_3:
0x29: {  	s19 =	sshll.u32 s18, $0xC  }
0x2a: {  	s19 =	sand.u32 $0x3FFFF000, s19  }
0x2b: {  	s20 =	sadd.s32 s19, s17  }
0x2c: {  	s31 =	smul.u32 $0x4080, s18;
	v1 =	vld [tilespmem:s20+$0x0]  }
0x2d: {  	v0 =	vld [tilespmem:s20+$0xFFFFFFF0]  }
0x2e: {  	s18 =	sshra.s32 s31, $0x2  }
0x2f: {  	s18 =	sadd.s32 s18, s16  }
0x30: {  	s21 =	sadd.s32 $0x0, s18  }
0x31: {  	p1 =	por p2, p2;
	s19 =	simm.s32 $0x4;
	s20 =	sadd.s32 $0x20, s20;
	[tilespmem:s21+$0x810 ss:$0x81] =	vst.msk $0xffff, v1  }
.LBB1_4:
0x32: {  	v1 =	vld [tilespmem:s20+$0x0];
	p2 =	sne.s32 s19, $0x1FC;
	[tilespmem:s21+$0x0 ss:$0x81] =	vst.msk $0xffff, v0;
	s21 =	smov.u32 s19;
	s19 =	sadd.s32 $0x4, s19  }
.Ltmp3:
0x33: {  	v0 =	vld [tilespmem:s20+$0xFFFFFFF0];
	(pc) =	sbr.rel @p2 .LBB1_4-.Ltmp3, $4  }
0x34: {  	_ = 	snop  }
0x35: {  	s21 =	sshra.s32 s21, $0x2  }
0x36: {  	s21 =	sadd.s32 s21, s18  }
0x37: {  	s20 =	sadd.s32 $0x20, s20;
	[tilespmem:s21+$0x810 ss:$0x81] =	vst.msk $0xffff, v1  }
.Ltmp4:
0x38: {  	(pc) =	sbr.rel @p1 .LBB1_3-.Ltmp4, $2  }
0x39: {  	_ =	sdelay $0x2  }
0x3a: {  	[tilespmem:s21+$0x0 ss:$0x81] =	vst.msk $0xffff, v0;
	s18 =	simm.s32 $0x1;
	p2 =	por $0x0, $0x0  }
0x3b: {  	s16 =	sshll.u32 s13, $0x3;
	s17 =	sand.u32 $0x78, s13;
	s14 =	sshll.u32 s14, $0x10  }
.Ltmp5:
0x3c: {  	s30 =	sand.u32 $0xF800, s13;
	s16 =	sand.u32 $0x3C00, s16;
	(pc) =	sbr.rel .LBB1_7-.Ltmp5, $4  }
0x3d: {  	s31 =	sand.u32 $0x7, s13;
	s14 =	sadd.s32 s3, s14;
	s16 =	sor.u32 s17, s16  }
0x3e: {  	s13 =	sshll.u32 s31, $0x12;
	s14 =	sadd.s32 s30, s14;
	s16 =	sshrl.u32 s16, $0x3  }
0x3f: {  	s13 =	sor.u32 $0x400, s13;
	s14 =	sadd.s32 s16, s14  }
0x40: {  	[hbm4b:s14+s13] =	stream.strided.scatter [tilespmem:s15], [sflag:$0x2], $0x2000, s9, s13, $0x20;
	[tilespmem:$0x8080] =	vst v63  }
.LBB1_8:
0x41: {  	_ =	sfence.sel $0x180000  }
0x42: {  	s2 =	simm.s32 $0x1;
	[bflag:$0x0] =	sbarrier.arrive $0xFFFF  }
0x43: {  	s31 =	simm.s32 $0x2;
	[sflag:s2] =	ssyncpa.u1 $0x1  }
0x44: {  	[sflag:s31] =	ssyncpa.u1 $0x1  }
0x45: {  	p0 =	sne.s32 s0, $0x0;
	_ =	strace $0x9000004D  }
0x46: {  	s0 =	sadd.s32 @!p0 $0x100000, s1;
	[bflag:$0x2] =	sbarrier.arrive $0xFFFF  }
0x47: {  	[sflag:s0] =	ssyncadd.tile.s32 @!p0 $0x1;
	_ =	shalt  }
.Lfunc_end1:
_tile_overlayer_lowered:
.L_overlay_start_2:
0x48: {  	(tag) =	ssettag $0x2  }
0x49: {  	s0 =	rddreg [dreg:$0x0];
	s2 =	stileid.u32  }
0x4a: {  	s1 =	rddreg [dreg:$0x1];
	p0 =	sne.s32 s2, $0x0  }
0x4b: {  	s3 =	rddreg [dreg:$0x2];
	[bflag:$0x3] =	sbarrier.arrive $0xFFFF;
	s2 =	simm.s32 @!p0 $0x1C01  }
0x4c: {  	[timem:s3], [sflag:s2] =	dma.local @!p0 [hbm:s0], s1  }
0x4d: {  	s0 =	simm.s32 @!p0 $0x1  }
0x4e: {  	_ =	swait.ge @!p0 [sflag:s0], s1  }
0x4f: {  	s1 =	ssub.s32 @!p0 $0x0, s1;
	[sflag:s0] =	ssyncset.done @!p0 $0x0  }
0x50: {  	[sflag:s0] =	ssyncadd.s32 @!p0 s1  }
0x51: {  	[bflag:$0x3] =	sbarrier.arrive $0xFFFF  }
0x52: {  	_ =	shalt  }

// kernel: sparse-core-data-format-call.cloned.1.call-start
scs
called_computation_lowered:
.L_overlay_start_0:
0x0: {  	s2 =	sld [smem:$0x3FD9]  }
0x1: {  	s3 =	sld [smem:$0x3FFE];
	_ =	sdelay $0x1  }
0x2: {  	s1 =	srdreg.scid  }
0x3: {  	s0 =	sand.u32 $0x1, s1  }
0x4: {  	s16 =	sshll.u32 s0, $0xA;
	s2 =	sadd.s32 s3, s2  }
0x5: {  	s2 =	sadd.s32 s2, s16  }
0x6: {  	[smem:$0x3FC4] =	sst s2  }
0x7: {  	_ = 	snop  }
0x8: {  	s2 =	sld [smem:$0x3FD0];
	_ =	sdelay $0x2  }
0x9: {  	s17 =	simm.s32 $0xB;
	s4 =	simm.s32 $0x10  }
0xa: {  	[smem:s4], [sflag:s17] =	dma.local [hbm:s2], $0x1  }
0xb: {  	_ =	swait.eq [sflag:s17], $0x1  }
0xc: {  	[sflag:s17] =	ssyncset.done $0x0  }
0xd: {  	[sflag:s17] =	ssyncadd.s32 $0xFFFFFFFF  }
0xe: {  	s18 =	sld [smem:$0x11];
	(tm) =	ssettm $0x1  }
0xf: {  	s19 =	sld [smem:$0x3FFB];
	_ =	sdelay $0x3  }
0x10: {  	_ =	strace s19  }
0x11: {  	s2 =	sld [smem:$0x3FFC];
	_ =	sdelay $0x3  }
0x12: {  	_ =	strace s2  }
0x13: {  	s2 =	sld [smem:$0x3FFD];
	_ =	sdelay $0x3  }
0x14: {  	_ =	strace s2  }
0x15: {  	_ =	strace $0x8FFFFFFF  }
0x16: {  	s20 =	sld [smem:$0x3FDB];
	_ =	sdelay $0x1  }
0x17: {  	s21 =	simm.s32 $_scs_section_size  }
0x18: {  	s5 =	simm.s32 $_size__tile_overlayer_lowered;
	s6 =	simm.s32 $_tile_overlayer_lowered  }
0x19: {  	s7 =	simm.s32 $0x1BFF;
	s22 =	sshll.u32 s6, $0x1;
	s4 =	sadd.s32 s21, s20  }
0x1a: {  	s23 =	simm.s32 $0x0;
	s5 =	sshll.u32 s5, $0x1;
	s6 =	sadd.s32 s22, s4  }
0x1b: {  	[timem:s23], [sflag:s7] =	dma.local [hbm:s6], s5  }
0x1c: {  	_ =	swait.ge [sflag:s7], s5  }
0x1d: {  	s5 =	ssub.s32 $0x0, s5;
	[sflag:s7] =	ssyncset.done $0x0  }
0x1e: {  	[sflag:s7] =	ssyncadd.s32 s5;
	_ =	sdelay $0x1  }
0x1f: {  	s24 =	simm.s32 $0x1B8B  }
0x20: {  	_ =	swait.ge [sflag:s24], $0x1  }
0x21: {  	[sflag:s24] =	ssyncset.done $0x0  }
0x22: {  	[sflag:s24] =	ssyncadd.s32 $0xFFFFFFFF  }
0x23: {  	s5 =	sld [smem:$0x0]  }
0x24: {  	s6 =	sand.u32 $0xFFFFFFFE, s1  }
0x25: {  	p0 =	sne.s32 s1, s6  }
0x26: {  	s6 =	sshll.u32 @p0 s6, $0xE  }
0x27: {  	s6 =	sadd.s32 @p0 $0x11B8D, s6;
	s7 =	sshll.u32 @p0 s5, $0x11  }
0x28: {  	s6 =	sor.u32 @p0 s7, s6  }
0x29: {  	[sflag:s6] =	ssyncadd.remote.s32 @p0 $0x1;
	_ =	sdelay $0x1  }
0x2a: {  	s6 =	simm.s32 @p0 $0x1B8D  }
0x2b: {  	_ =	swait.eq @p0 [sflag:s6], $0x1  }
0x2c: {  	[sflag:s6] =	ssyncadd.s32 @p0 $0xFFFFFFFF  }
0x2d: {  	s7 =	sshll.u32 @!p0 s1, $0xE  }
0x2e: {  	s7 =	sor.u32 @!p0 $0x4000, s7;
	s6 =	simm.s32 @!p0 $0x1B8D  }
0x2f: {  	s5 =	sshll.u32 @!p0 s5, $0x11;
	s7 =	sadd.s32 @!p0 $0x11B8D, s7;
	_ =	swait.eq @!p0 [sflag:s6], $0x1  }
0x30: {  	s5 =	sor.u32 @!p0 s5, s7;
	[sflag:s6] =	ssyncadd.s32 @!p0 $0xFFFFFFFF  }
0x31: {  	s26 =	simm.s32 $0x1B8E;
	s25 =	sld [smem:$0x3FFE];
	[sflag:s5] =	ssyncadd.remote.s32 @!p0 $0x1  }
0x32: {  	s27 =	simm.s32 $execute0_lowered;
	[smem:$0x3FD2] =	sst s26  }
0x33: {  	s6 =	sshll.u32 s27, $0x1;
	_ =	strace $0x8000004F;
	[dreg:$0x1] =	wrdreg $0xFFFFFFFF  }
0x34: {  	s28 =	simm.s32 $_size_execute0_lowered;
	s4 =	sadd.s32 s4, s6;
	[dreg:$0x0] =	wrdreg $0x0  }
0x35: {  	s6 =	sshll.u32 s28, $0x1;
	[dreg:$0x2] =	wrdreg s4  }
0x36: {  	[dreg:$0x3] =	wrdreg s6  }
0x37: {  	[dreg:$0x4] =	wrdreg $0xC0  }
0x38: {  	_ =	task [dreg:s23], $0x5FFFF  }
0x39: {  	[dreg:$0x1] =	wrdreg $0xFFFFFFFF  }
0x3a: {  	[dreg:$0x0] =	wrdreg $0x60  }
0x3b: {  	[dreg:$0x2] =	wrdreg s25  }
0x3c: {  	[dreg:$0x3] =	wrdreg s18  }
0x3d: {  	[dreg:$0x4] =	wrdreg $0xA  }
0x3e: {  	_ =	task.clear_ibuf [dreg:s23], $0x5FFFF;
	_ =	strace $0x9000004F  }
0x3f: {  	s29 =	simm.s32 $0xA;
	_ =	strace $0x80000051  }
0x40: {  	_ =	swait.ge [sflag:s29], $0x1  }
0x41: {  	[sflag:s29] =	ssyncadd.s32 $0xFFFFFFFF  }
0x42: {  	_ =	strace $0x90000051  }
0x43: {  	_ =	sfence  }
0x44: {  	s30 =	sld [smem:$0x0];
	_ =	sdelay $0x2  }
0x45: {  	s31 =	sshll.u32 s1, $0xD;
	s1 =	sshrl.u32 s1, $0x2  }
0x46: {  	s4 =	sand.u32 $0x4000, s31;
	s1 =	sadd.s32 s1, s30  }
0x47: {  	s0 =	sor.u32 s4, s0;
	s1 =	sshll.u32 s1, $0x11  }
0x48: {  	s0 =	sor.u32 s1, s0  }
0x49: {  	s0 =	sadd.s32 $0x8F2B, s0  }
0x4a: {  	[sflag:s0] =	ssyncadd.remote.s32 $0x1  }
0x4b: {  	_ =	sfence.sel $0xFFFF  }
0x4c: {  	[dreg:$0x0] =	wrdreg $0xFFFFFFFF;
	(pc) =	sbr.abs _section_cstart, $3  }
0x4d: {  	[dreg:$0x1] =	wrdreg $0xFFFFFFFF  }
0x4e: {  	_ =	task.clear_ibuf [dreg:s23], $0x2FFFF;
	_ =	strace $0x9FFFFFFF  }
0x4f: {  	(tm) =	ssettm $0x7FFFFFFF  }
tec
execute0_lowered:
.L_overlay_start_1:
0x0: {  	(tag) =	ssettag $0x1  }
0x1: {  	s0 =	srdreg.scid  }
0x2: {  	s1 =	sshll.u32 s0, $0x4  }
0x3: {  	s0 =	stileid.u32;
	s1 =	sand.u32 $0x10, s1  }
0x4: {  	s7 =	rddreg [dreg:$0x0];
	s1 =	sor.u32 s0, s1  }
0x5: {  	s4 =	simm.s32 $0x1;
	s8 =	simm.s32 $0x2;
	s2 =	sshll.u32 s1, $0x7  }
0x6: {  	s13 =	simm.s32 $0x0;
	s9 =	simm.s32 $0x20000;
	s1 =	ssub.s32 $0x4000, s2  }
0x7: {  	s14 =	simm.s32 $0x0;
	s11 =	simm.s32 $0x0;
	s3 =	sand.u32 $0xF80, s1  }
0x8: {  	s12 =	simm.s32 $0x0;
	s5 =	sshrl.u32 s1, $0xC;
	p0 =	sne.s32 s3, $0x0  }
.Ltmp0:
0x9: {  	s1 =	rddreg [dreg:$0x2];
	s4 =	simm.s32 @!p0 $0x0;
	(pc) =	sbr.rel .LBB1_1-.Ltmp0, $4  }
0xa: {  	s6 =	sadd.s32 $0xD15000, s7;
	s3 =	rddreg [dreg:$0x1];
	s5 =	sadd.s32 s4, s5  }
0xb: {  	_ =	strace $0x80000050;
	s4 =	simm.s32 $0x1;
	s5 =	smul.u32 $0x19, s5  }
0xc: {  	s7 =	sadd.s32 $0xD55000, s7;
	s10 =	smov.u32 s2;
	[sflag:s4] =	ssyncpa.u1 $0x0  }
0xd: {  	p0 =	por $0x0, $0x0;
	[sflag:s8] =	ssyncpa.u1 $0x0;
	s8 =	sadd.s32 $0x1, s5  }
.LBB1_7:
0xe: {  	s15 =	sadd.s32 $0x1000, s10  }
0xf: {  	s13 =	sadd.s32 $0x2, s11;
	s17 =	smov.u32 s11;
	p2 =	sgt.s32 s15, $0x3FFF  }
0x10: {  	s17 =	smov.u32 @p2 s13  }
0x11: {  	s15 =	smov.u32 @p2 s2;
	p2 =	sgt.s32 s17, $0x31  }
0x12: {  	s17 =	simm.s32 @p2 $0x0;
	p2 =	sne.s32 s12, s8  }
.Ltmp1:
0x13: {  	p1 =	slt.u32 s12, $0x2;
	(pc) =	sbr.rel @!p2 .LBB1_8-.Ltmp1, $4  }
0x14: {  	s16 =	simm.s32 @!p1 $0x2  }
0x15: {  	s14 =	smov.u32 s11;
	p0 =	por !p0, !p0;
	_ =	swait.ge @!p1 [sflag:s16], $0x4000  }
0x16: {  	s13 =	smov.u32 s10;
	[sflag:s16] =	ssyncset.done @!p1 $0x0;
	s10 =	smov.u32 s15  }
0x17: {  	s12 =	sadd.s32 $0x1, s12;
	[sflag:s16] =	ssyncadd.s32 @!p1 $0xFFFFC000;
	s11 =	smov.u32 s17  }
.LBB1_1:
0x18: {  	p1 =	sge.u32 s12, s5  }
0x19: {  	s15 =	sxor.u32 @!p1 $0xFFFFFFFF, s12;
	s16 =	sshll.u32 @!p1 s11, $0x12  }
0x1a: {  	s17 =	sshll.u32 @!p1 s10, $0x4;
	s19 =	simm.s32 @!p1 $0x40;
	s20 =	simm.s32 @!p1 $0x80  }
0x1b: {  	s15 =	sshll.u32 @!p1 s15, $0xE;
	s17 =	sand.u32 @!p1 $0x3FFF0, s17;
	s18 =	sadd.s32 @!p1 s6, s16  }
0x1c: {  	s16 =	sadd.s32 @!p1 s16, s7;
	s15 =	sand.u32 @!p1 $0x4000, s15;
	s18 =	sadd.s32 @!p1 s17, s18  }
0x1d: {  	[tilespmem:s15], [sflag:$0x1] =	stream.strided.gather @!p1 [hbm4b:s18+s19], $0x2000, s20, s19, $0x38;
	[tilespmem:$0x10100] =	vst v63  }
0x1e: {  	s31 =	sadd.s32 $0xFFFFFFFF, s12;
	s16 =	sadd.s32 @!p1 s17, s16;
	s15 =	sor.u32 @!p1 $0x2000, s15  }
0x1f: {  	[tilespmem:s15], [sflag:$0x1] =	stream.strided.gather @!p1 [hbm4b:s16+s19], $0x2000, s20, s19, $0x38;
	[tilespmem:$0x10100] =	vst v63  }
0x20: {  	p1 =	sge.u32 s31, s5  }
.Ltmp2:
0x21: {  	_ = 	snop;
	(pc) =	sbr.rel @p1 .LBB1_7-.Ltmp2, $1  }
0x22: {  	_ =	sdelay $0x3  }
0x23: {  	s15 =	simm.s32 $0x1;
	s17 =	sand.u32 $0x1, s12  }
0x24: {  	_ =	swait.ge [sflag:s4], $0x4000;
	s15 =	simm.s32 @!p0 $0x0;
	s17 =	smul.u32 $0x10200, s17  }
0x25: {  	p2 =	por $0x1, $0x1;
	[sflag:s4] =	ssyncset.done $0x0;
	s16 =	smul.u32 $0x10200, s15  }
0x26: {  	s18 =	sshll.u32 s15, $0x10;
	[sflag:s4] =	ssyncadd.s32 $0xFFFFC000;
	s30 =	sshrl.u32 s17, $0x2  }
0x27: {  	s31 =	sshrl.u32 s18, $0x2;
	s18 =	simm.s32 $0x0;
	s16 =	sshrl.u32 s16, $0x2  }
0x28: {  	s15 =	sor.u32 $0x8000, s30;
	s17 =	sadd.s32 $0x20, s31;
	s16 =	sor.u32 $0x8000, s16  }
.LBB1_3:
0x29: {  	s19 =	sshll.u32 s18, $0xD  }
0x2a: {  	s19 =	sand.u32 $0x3FFFE000, s19  }
0x2b: {  	s21 =	sadd.s32 s19, s17  }
0x2c: {  	s31 =	smul.u32 $0x8100, s18;
	v3 =	vld [tilespmem:s21+$0x10]  }
0x2d: {  	v1 =	vld [tilespmem:s21+$0xFFFFFFF0]  }
0x2e: {  	s18 =	sshra.s32 s31, $0x2;
	v0 =	vld [tilespmem:s21+$0x0]  }
0x2f: {  	s18 =	sadd.s32 s18, s16;
	v2 =	vld [tilespmem:s21+$0xFFFFFFE0]  }
0x30: {  	s19 =	sadd.s32 $0x0, s18  }
0x31: {  	p1 =	por p2, p2;
	s20 =	simm.s32 $0x4;
	s21 =	sadd.s32 $0x40, s21;
	[tilespmem:s19+$0x1830 ss:$0x81] =	vst.msk $0xffff, v3  }
.LBB1_4:
0x32: {  	v3 =	vld [tilespmem:s21+$0x10];
	p2 =	sne.s32 s20, $0x1FC;
	[tilespmem:s19+$0x810 ss:$0x81] =	vst.msk $0xffff, v1;
	s22 =	smov.u32 s20;
	s20 =	sadd.s32 $0x4, s20  }
.Ltmp3:
0x33: {  	v1 =	vld [tilespmem:s21+$0xFFFFFFF0];
	[tilespmem:s19+$0x1020 ss:$0x81] =	vst.msk $0xffff, v0;
	(pc) =	sbr.rel @p2 .LBB1_4-.Ltmp3, $4  }
0x34: {  	v0 =	vld [tilespmem:s21+$0x0];
	[tilespmem:s19+$0x0 ss:$0x81] =	vst.msk $0xffff, v2  }
0x35: {  	s19 =	sshra.s32 s22, $0x2;
	v2 =	vld [tilespmem:s21+$0xFFFFFFE0]  }
0x36: {  	s19 =	sadd.s32 s19, s18  }
0x37: {  	s21 =	sadd.s32 $0x40, s21;
	[tilespmem:s19+$0x1830 ss:$0x81] =	vst.msk $0xffff, v3  }
.Ltmp4:
0x38: {  	(pc) =	sbr.rel @p1 .LBB1_3-.Ltmp4, $4  }
0x39: {  	_ = 	snop  }
0x3a: {  	[tilespmem:s19+$0x810 ss:$0x81] =	vst.msk $0xffff, v1  }
0x3b: {  	[tilespmem:s19+$0x1020 ss:$0x81] =	vst.msk $0xffff, v0  }
0x3c: {  	s18 =	simm.s32 $0x1;
	p2 =	por $0x0, $0x0;
	[tilespmem:s19+$0x0 ss:$0x81] =	vst.msk $0xffff, v2  }
0x3d: {  	s16 =	sshll.u32 s13, $0x3;
	s17 =	sand.u32 $0x78, s13;
	s14 =	sshll.u32 s14, $0x11  }
.Ltmp5:
0x3e: {  	s30 =	sand.u32 $0x1F800, s13;
	s16 =	sand.u32 $0x3C00, s16;
	(pc) =	sbr.rel .LBB1_7-.Ltmp5, $4  }
0x3f: {  	s31 =	sand.u32 $0x7, s13;
	s14 =	sadd.s32 s3, s14;
	s16 =	sor.u32 s17, s16  }
0x40: {  	s13 =	sshll.u32 s31, $0x12;
	s14 =	sadd.s32 s30, s14;
	s16 =	sshrl.u32 s16, $0x3  }
0x41: {  	s13 =	sor.u32 $0x400, s13;
	s14 =	sadd.s32 s16, s14  }
0x42: {  	[hbm4b:s14+s13] =	stream.strided.scatter [tilespmem:s15], [sflag:$0x2], $0x4000, s9, s13, $0x20;
	[tilespmem:$0x10100] =	vst v63  }
.LBB1_8:
0x43: {  	_ =	sfence.sel $0x180000  }
0x44: {  	s2 =	simm.s32 $0x1;
	[bflag:$0x0] =	sbarrier.arrive $0xFFFF  }
0x45: {  	s31 =	simm.s32 $0x2;
	[sflag:s2] =	ssyncpa.u1 $0x1  }
0x46: {  	[sflag:s31] =	ssyncpa.u1 $0x1  }
0x47: {  	p0 =	sne.s32 s0, $0x0;
	_ =	strace $0x90000050  }
0x48: {  	s0 =	sadd.s32 @!p0 $0x100000, s1;
	[bflag:$0x2] =	sbarrier.arrive $0xFFFF  }
0x49: {  	[sflag:s0] =	ssyncadd.tile.s32 @!p0 $0x1;
	_ =	shalt  }
.Lfunc_end1:
_tile_overlayer_lowered:
.L_overlay_start_2:
0x4a: {  	(tag) =	ssettag $0x2  }
0x4b: {  	s0 =	rddreg [dreg:$0x0];
	s2 =	stileid.u32  }
0x4c: {  	s1 =	rddreg [dreg:$0x1];
	p0 =	sne.s32 s2, $0x0  }
0x4d: {  	s3 =	rddreg [dreg:$0x2];
	[bflag:$0x3] =	sbarrier.arrive $0xFFFF;
	s2 =	simm.s32 @!p0 $0x1C01  }
0x4e: {  	[timem:s3], [sflag:s2] =	dma.local @!p0 [hbm:s0], s1  }
0x4f: {  	s0 =	simm.s32 @!p0 $0x1  }
0x50: {  	_ =	swait.ge @!p0 [sflag:s0], s1  }
0x51: {  	s1 =	ssub.s32 @!p0 $0x0, s1;
	[sflag:s0] =	ssyncset.done @!p0 $0x0  }
0x52: {  	[sflag:s0] =	ssyncadd.s32 @!p0 s1  }
0x53: {  	[bflag:$0x3] =	sbarrier.arrive $0xFFFF  }
0x54: {  	_ =	shalt  }

</sc_bundles>
